<compile_context>
chip_gen: v7x
topology: tpu7x:2x2x1
jax: 0.10.2.dev20260603
libtpu: 0.0.44.dev20260713+nightly
codegen_flags: <defaults>
</compile_context>

<pallas_src>
import functools

import jax
import jax.numpy as jnp
from jax import lax
from jax.experimental import pallas as pl
from jax.experimental.pallas import tpu as pltpu
from jax.experimental.pallas import tpu_sc as plsc

N, E, D, H, L = 10000, 160000, 256, 512, 3
NC, NS = 2, 16
CH = 128
TCHUNKS = 1280
EPAD = TCHUNKS * CH
CHS = 256
SCHUNKS = EPAD // CHS
GARBAGE = N
ACC_ROWS = N + 16
ZPT = ACC_ROWS // NS
RPT = N // NS
HD = D // 2
BN = 1000
GRID = N // BN



@functools.cache
def _sc_kernels():
    mesh = plsc.VectorSubcoreMesh(
        core_axis_name="c", subcore_axis_name="s", num_cores=NC, num_subcores=NS
    )

    params = pltpu.CompilerParams(use_tc_tiling_on_sc=False)

    cpt = SCHUNKS // NS
    pf = 2
    nbuf = 4

    @functools.partial(
        pl.kernel,
        out_type=(jax.ShapeDtypeStruct((N, HD), jnp.bfloat16),
                  jax.ShapeDtypeStruct((N, HD), jnp.bfloat16)),
        mesh=mesh,
        compiler_params=params,
        scratch_types=[
            pltpu.VMEM_SHARED((ACC_ROWS, HD), jnp.bfloat16),
            pltpu.VMEM((cpt, CHS), jnp.int32),
            pltpu.VMEM((cpt, CHS), jnp.int32),
            [pltpu.VMEM((CHS, HD), jnp.bfloat16)] * nbuf,
            [pltpu.SemaphoreType.DMA] * nbuf,
            [pltpu.SemaphoreType.DMA] * nbuf,
        ],
    )
    def _seg_sum(rp_lo, rp_hi, sidx_hbm, didx_hbm, zeros_hbm,
                 out_lo, out_hi, acc, sidx_buf, didx_buf, rows, gsems, ssems):
        c = lax.axis_index("c")
        s = lax.axis_index("s")

        pltpu.sync_copy(zeros_hbm.at[pl.ds(s * ZPT, ZPT)],
                        acc.at[pl.ds(s * ZPT, ZPT)])
        pltpu.sync_copy(sidx_hbm.at[pl.ds(s * cpt, cpt)], sidx_buf)
        pltpu.sync_copy(didx_hbm.at[pl.ds(s * cpt, cpt)], didx_buf)
        plsc.subcore_barrier()

        def run(rp_hbm, out_hbm):
            def gather(j, b):
                pltpu.async_copy(rp_hbm.at[sidx_buf.at[j]], rows[b], gsems[b])

            def gather_wait(b):
                pltpu.make_async_copy(rp_hbm.at[sidx_buf.at[0]], rows[b],
                                      gsems[b]).wait()

            def scatter(j, b):
                pltpu.async_copy(rows[b], acc.at[didx_buf.at[j]], ssems[b],
                                 add=True)

            def scatter_wait(b):
                pltpu.make_async_copy(rows[b], acc.at[didx_buf.at[0]],
                                      ssems[b]).wait()

            slack = nbuf - pf
            for b in range(pf):
                gather(b, b)

            @pl.loop(0, cpt, step=nbuf)
            def _group(g):
                for b in range(nbuf):
                    j = g + b
                    pb = (b + pf) % nbuf
                    @pl.when(j + pf < cpt)
                    def _():
                        @pl.when(j >= slack)
                        def _():
                            scatter_wait(pb)

                        gather(j + pf, pb)

                    gather_wait(b)
                    scatter(j, b)

            for b in range(nbuf):
                scatter_wait(b)
            plsc.subcore_barrier()
            pltpu.sync_copy(acc.at[pl.ds(s * RPT, RPT)],
                            out_hbm.at[pl.ds(s * RPT, RPT)])

        @pl.when(c == 0)
        def _():
            run(rp_lo, out_lo)

        @pl.when(c == 1)
        def _():
            run(rp_hi, out_hi)

    @functools.partial(
        pl.kernel,
        out_type=(jax.ShapeDtypeStruct((N, 16), jnp.float32),
                  jax.ShapeDtypeStruct((N, 16), jnp.float32)),
        mesh=mesh,
        compiler_params=params,
        scratch_types=[
            pltpu.VMEM_SHARED((ACC_ROWS, 16), jnp.float32),
            pltpu.VMEM((CH,), jnp.int32),
            pltpu.VMEM((CH, 16), jnp.float32),
        ],
    )
    def _deg_count(didx_hbm, zeros_hbm, ones_hbm, out_lo, out_hi,
                   acc, idx_v, ones_v):
        c = lax.axis_index("c")
        s = lax.axis_index("s")
        pltpu.sync_copy(zeros_hbm.at[pl.ds(s * ZPT, ZPT)],
                        acc.at[pl.ds(s * ZPT, ZPT)])
        pltpu.sync_copy(ones_hbm, ones_v)
        plsc.subcore_barrier()
        dpt = TCHUNKS // (NC * NS)

        def body(j, carry):
            t = (c * NS + s) * dpt + j
            pltpu.sync_copy(didx_hbm.at[t], idx_v)
            pltpu.sync_copy(ones_v, acc.at[idx_v], add=True)
            return carry

        lax.fori_loop(0, dpt, body, 0)
        plsc.subcore_barrier()

        @pl.when(c == 0)
        def _():
            pltpu.sync_copy(acc.at[pl.ds(s * RPT, RPT)],
                            out_lo.at[pl.ds(s * RPT, RPT)])

        @pl.when(c == 1)
        def _():
            pltpu.sync_copy(acc.at[pl.ds(s * RPT, RPT)],
                            out_hi.at[pl.ds(s * RPT, RPT)])

    return _seg_sum, _deg_count



_SQRT_HALF = 0.7071067811865476


def _gelu(x):
    return 0.5 * x * (1.0 + lax.erf(x * _SQRT_HALF))


def _ln(x, g, b):
    mu = jnp.mean(x, axis=-1, keepdims=True)
    var = jnp.mean((x - mu) ** 2, axis=-1, keepdims=True)
    return (x - mu) * lax.rsqrt(var + 1e-5) * g + b


def _dotT(a, w):
    return lax.dot_general(a, w, (((1,), (1,)), ((), ())),
                           preferred_element_type=jnp.float32)


def _dinv_from(dlo_ref, dhi_ref):
    deg = dlo_ref[:, 0:1] + dhi_ref[:, 0:1]
    return lax.rsqrt(jnp.maximum(deg, 1.0))


def _agg_from(alo_ref, ahi_ref):
    return jnp.concatenate([alo_ref[...], ahi_ref[...]], axis=-1)


def _store_rp(r, rlo_ref, rhi_ref):
    rb = r.astype(jnp.bfloat16)
    rlo_ref[...] = rb[:, :HD]
    rhi_ref[...] = rb[:, HD:]


def _tc_h_body(x_ref, win_ref, bin_ref, h_ref):
    h_ref[...] = _gelu(_dotT(x_ref[...], win_ref[...]) + bin_ref[...])


def _tc_rp_body(h_ref, dlo_ref, dhi_ref, g_ref, b_ref, rlo_ref, rhi_ref):
    r = _ln(h_ref[...], g_ref[...], b_ref[...]) * _dinv_from(dlo_ref, dhi_ref)
    _store_rp(r, rlo_ref, rhi_ref)


def _tc_mid_body(h_ref, alo_ref, ahi_ref, dlo_ref, dhi_ref,
                 w1b_ref, b1_ref, w2_ref, b2_ref, g_ref, b_ref,
                 hn_ref, rlo_ref, rhi_ref):
    dinv = _dinv_from(dlo_ref, dhi_ref)
    t = _dotT(_agg_from(alo_ref, ahi_ref), w1b_ref[...])
    f = _gelu(t * dinv + b1_ref[...])
    hn = h_ref[...] + _dotT(f, w2_ref[...]) + b2_ref[...]
    hn_ref[...] = hn
    r = _ln(hn, g_ref[...], b_ref[...]) * dinv
    _store_rp(r, rlo_ref, rhi_ref)


def _tc_out_body(h_ref, alo_ref, ahi_ref, dlo_ref, dhi_ref,
                 w1b_ref, b1_ref, w2_ref, b2_ref, g_ref, b_ref,
                 wout_ref, bout_ref, o_ref):
    dinv = _dinv_from(dlo_ref, dhi_ref)
    t = _dotT(_agg_from(alo_ref, ahi_ref), w1b_ref[...])
    f = _gelu(t * dinv + b1_ref[...])
    hn = h_ref[...] + _dotT(f, w2_ref[...]) + b2_ref[...]
    r = _ln(hn, g_ref[...], b_ref[...])
    o_ref[...] = _dotT(r, wout_ref[...]) + bout_ref[...]


def _vec_spec(n):
    return pl.BlockSpec((n,), lambda i: (0,))


_ROW_SPEC = pl.BlockSpec((BN, D), lambda i: (i, 0))
_HALF_SPEC = pl.BlockSpec((BN, HD), lambda i: (i, 0))
_D16_SPEC = pl.BlockSpec((BN, 16), lambda i: (i, 0))
_RP_SHAPE = jax.ShapeDtypeStruct((N, HD), jnp.bfloat16)

_tc_h = pl.pallas_call(
    _tc_h_body,
    grid=(GRID,),
    in_specs=[
        _ROW_SPEC,
        pl.BlockSpec((D, D), lambda i: (0, 0)),
        _vec_spec(D),
    ],
    out_specs=_ROW_SPEC,
    out_shape=jax.ShapeDtypeStruct((N, D), jnp.float32),
)

_tc_rp = pl.pallas_call(
    _tc_rp_body,
    grid=(GRID,),
    in_specs=[
        _ROW_SPEC,
        _D16_SPEC,
        _D16_SPEC,
        _vec_spec(D),
        _vec_spec(D),
    ],
    out_specs=[_HALF_SPEC, _HALF_SPEC],
    out_shape=[_RP_SHAPE, _RP_SHAPE],
)

_tc_mid = pl.pallas_call(
    _tc_mid_body,
    grid=(GRID,),
    in_specs=[
        _ROW_SPEC,
        _HALF_SPEC,
        _HALF_SPEC,
        _D16_SPEC,
        _D16_SPEC,
        pl.BlockSpec((H, D), lambda i: (0, 0)),
        _vec_spec(H),
        pl.BlockSpec((D, H), lambda i: (0, 0)),
        _vec_spec(D),
        _vec_spec(D),
        _vec_spec(D),
    ],
    out_specs=[_ROW_SPEC, _HALF_SPEC, _HALF_SPEC],
    out_shape=[
        jax.ShapeDtypeStruct((N, D), jnp.float32),
        _RP_SHAPE,
        _RP_SHAPE,
    ],
)

_tc_out = pl.pallas_call(
    _tc_out_body,
    grid=(GRID,),
    in_specs=[
        _ROW_SPEC,
        _HALF_SPEC,
        _HALF_SPEC,
        _D16_SPEC,
        _D16_SPEC,
        pl.BlockSpec((H, D), lambda i: (0, 0)),
        _vec_spec(H),
        pl.BlockSpec((D, H), lambda i: (0, 0)),
        _vec_spec(D),
        _vec_spec(D),
        _vec_spec(D),
        pl.BlockSpec((D, D), lambda i: (0, 0)),
        _vec_spec(D),
    ],
    out_specs=_ROW_SPEC,
    out_shape=jax.ShapeDtypeStruct((N, D), jnp.float32),
)



def kernel(x, edge_index, Win, b_in, ln_g, ln_b, W1, b1, W2, b2,
           out_g, out_b, Wout, b_out):
    seg_sum, deg_count = _sc_kernels()
    src = edge_index[0]
    dst = edge_index[1]
    pad = EPAD - E
    sidx = jnp.concatenate(
        [src, jnp.zeros((pad,), jnp.int32)]).reshape(SCHUNKS, CHS)
    didx = jnp.concatenate(
        [dst, jnp.full((pad,), GARBAGE, jnp.int32)]).reshape(SCHUNKS, CHS)
    degidx = jnp.concatenate(
        [src, jnp.full((pad,), GARBAGE, jnp.int32)]).reshape(TCHUNKS, CH)
    zeros_hd = jnp.zeros((ACC_ROWS, HD), jnp.bfloat16)
    zeros_16 = jnp.zeros((ACC_ROWS, 16), jnp.float32)
    ones_16 = jnp.ones((CH, 16), jnp.float32)

    dlo, dhi = deg_count(degidx, zeros_16, ones_16)
    h = _tc_h(x, Win, b_in)
    rlo, rhi = _tc_rp(h, dlo, dhi, ln_g[0], ln_b[0])
    W1b = W1.astype(jnp.bfloat16)
    out = None
    for l in range(L):
        alo, ahi = seg_sum(rlo, rhi, sidx, didx, zeros_hd)
        if l < L - 1:
            h, rlo, rhi = _tc_mid(h, alo, ahi, dlo, dhi, W1b[l], b1[l],
                                  W2[l], b2[l], ln_g[l + 1], ln_b[l + 1])
        else:
            out = _tc_out(h, alo, ahi, dlo, dhi, W1b[l], b1[l], W2[l], b2[l],
                          out_g, out_b, Wout, b_out)
    return out

# --- scband reference (transcript-rebuilt; emitter-appended) ---
"""Pipeline reference for scband-model-46024869544087 (READ-ONLY COPY).

The authoritative reference and input builder live on the scoring server;
editing this copy changes nothing except your own understanding.
"""

import jax, jax.numpy as jnp
import numpy as np

N, E, D, H, L = 10000, 160000, 256, 512, 3

def setup_inputs(seed: int = 0):
    key = jax.random.key(seed)
    ks = jax.random.split(key, 16)
    inp = {}
    inp["x"] = jax.random.normal(ks[0], (N, D), dtype=jnp.float32)
    inp["edge_index"] = jax.random.randint(ks[1], (2, E), 0, N, dtype=jnp.int32)
    s = 0.02
    inp["Win"] = jax.random.normal(ks[2], (D, D), dtype=jnp.float32) * s
    inp["b_in"] = jnp.zeros((D,), dtype=jnp.float32)
    inp["ln_g"] = jnp.ones((L, D), dtype=jnp.float32)
    inp["ln_b"] = jnp.zeros((L, D), dtype=jnp.float32)
    inp["W1"] = jax.random.normal(ks[3], (L, H, D), dtype=jnp.float32) * s
    inp["b1"] = jnp.zeros((L, H), dtype=jnp.float32)
    inp["W2"] = jax.random.normal(ks[4], (L, D, H), dtype=jnp.float32) * s
    inp["b2"] = jnp.zeros((L, D), dtype=jnp.float32)
    inp["out_g"] = jnp.ones((D,), dtype=jnp.float32)
    inp["out_b"] = jnp.zeros((D,), dtype=jnp.float32)
    inp["Wout"] = jax.random.normal(ks[5], (D, D), dtype=jnp.float32) * s
    inp["b_out"] = jnp.zeros((D,), dtype=jnp.float32)
    return inp

def _layer_norm(x, g, b, eps=1e-5):
    mu = jnp.mean(x, axis=-1, keepdims=True)
    var = jnp.mean((x - mu) ** 2, axis=-1, keepdims=True)
    return (x - mu) / jnp.sqrt(var + eps) * g + b

def reference(x, edge_index, Win, b_in, ln_g, ln_b, W1, b1, W2, b2, out_g, out_b, Wout, b_out):
    # input_linear -> dropout(identity, eval) -> GELU
    src, dst = edge_index[0], edge_index[1]
    n = x.shape[0]
    # GCN symmetric normalization: out-degree based coefficients per edge
    deg = jnp.maximum(jnp.zeros((n,), jnp.float32).at[src].add(1.0), 1.0)
    coef = 1.0 / jnp.sqrt(deg[src] * deg[dst])
    h = x @ Win.T + b_in
    h = jax.nn.gelu(h, approximate=False)
    for l in range(L):
        # ResidualModuleWrapper: norm -> GCNModule -> add
        r = _layer_norm(h, ln_g[l], ln_b[l])
        # u_mul_e_sum: gather src features, scale by edge coef, scatter-add to dst
        agg = jnp.zeros_like(r).at[dst].add(r[src] * coef[:, None])
        # FeedForwardModule inside GCNModule
        f = jax.nn.gelu(agg @ W1[l].T + b1[l], approximate=False)
        f = f @ W2[l].T + b2[l]
        h = h + f
    h = _layer_norm(h, out_g, out_b)
    out = h @ Wout.T + b_out
    # .squeeze(1) is a no-op since output_dim=256 != 1
    return out

if __name__ == "__main__":
    import jax
    _d = setup_inputs()
    print(jax.jit(kernel)(*tuple(_d.values())))

</pallas_src>

<mosaic_0001>
#map = affine_map<(d0, d1) -> (0, 0)>
module attributes {stable_mosaic.version = 14 : i64} {
  func.func @_deg_count(%arg0: i32, %arg1: i32, %arg2: memref<1280x128xi32, #tpu.memory_space<hbm>>, %arg3: memref<10016x16xf32, #tpu.memory_space<hbm>>, %arg4: memref<128x16xf32, #tpu.memory_space<hbm>>, %arg5: memref<10000x16xf32, #tpu.memory_space<hbm>>, %arg6: memref<10000x16xf32, #tpu.memory_space<hbm>>, %arg7: memref<10016x16xf32, #tpu.memory_space<vmem_shared>>, %arg8: memref<128xi32, #tpu.memory_space<vmem>>, %arg9: memref<128x16xf32, #tpu.memory_space<vmem>>) attributes {dimension_semantics = [#tpu.dimension_semantics<core_parallel>, #tpu.dimension_semantics<subcore_parallel>], iteration_bounds = array<i64: 2, 16>, scalar_prefetch = 0 : i64, scratch_operands = 3 : i64, tpu.core_type = #tpu.core_type<sc_vector_subcore>, window_params = [{transform_indices = #map}, {transform_indices = #map}, {transform_indices = #map}, {transform_indices = #map}, {transform_indices = #map}]} {
    %mul3A = arith.constant 626 : i32
    %mul3A_0 = arith.muli %arg1, %mul3A : i32
    %mul3A_1 = arith.constant 626 : i32
    %mul3A_2 = arith.muli %arg1, %mul3A_1 : i32
    "tpu.region"() ({
      %run_scoped3A = tpu.sem_alloc : memref<!tpu.dma_semaphore, #tpu.memory_space<semaphore_mem>>
      %dma_start3A = arith.constant 0 : i32
      %dma_start3A_16 = tpu.memref_slice %arg7[%mul3A_2, %dma_start3A] : memref<10016x16xf32, #tpu.memory_space<vmem_shared>> -> memref<626x16xf32, #tpu.memory_space<vmem_shared>>
      %dma_start3A_17 = arith.constant 0 : i32
      %dma_start3A_18 = tpu.memref_slice %arg3[%mul3A_0, %dma_start3A_17] : memref<10016x16xf32, #tpu.memory_space<hbm>> -> memref<626x16xf32, #tpu.memory_space<hbm>>
      tpu.enqueue_dma source(%dma_start3A_18 : memref<626x16xf32, #tpu.memory_space<hbm>>) target(%dma_start3A_16 : memref<626x16xf32, #tpu.memory_space<vmem_shared>>) target_semaphore(%run_scoped3A : memref<!tpu.dma_semaphore, #tpu.memory_space<semaphore_mem>>)
      %dma_wait3A = arith.constant 0 : i32
      %dma_wait3A_19 = tpu.memref_slice %arg7[%mul3A_2, %dma_wait3A] : memref<10016x16xf32, #tpu.memory_space<vmem_shared>> -> memref<626x16xf32, #tpu.memory_space<vmem_shared>>
      %dma_wait3A_20 = arith.constant 0 : i32
      %dma_wait3A_21 = tpu.memref_slice %arg3[%mul3A_0, %dma_wait3A_20] : memref<10016x16xf32, #tpu.memory_space<hbm>> -> memref<626x16xf32, #tpu.memory_space<hbm>>
      tpu.wait_dma2 semaphore(%run_scoped3A : memref<!tpu.dma_semaphore, #tpu.memory_space<semaphore_mem>>) src(%dma_wait3A_21 : memref<626x16xf32, #tpu.memory_space<hbm>>) dst(%dma_wait3A_19 : memref<626x16xf32, #tpu.memory_space<vmem_shared>>)
      tpu.yield
    }) : () -> ()
    "tpu.region"() ({
      %run_scoped3A = tpu.sem_alloc : memref<!tpu.dma_semaphore, #tpu.memory_space<semaphore_mem>>
      tpu.enqueue_dma source(%arg4 : memref<128x16xf32, #tpu.memory_space<hbm>>) target(%arg9 : memref<128x16xf32, #tpu.memory_space<vmem>>) target_semaphore(%run_scoped3A : memref<!tpu.dma_semaphore, #tpu.memory_space<semaphore_mem>>)
      tpu.wait_dma2 semaphore(%run_scoped3A : memref<!tpu.dma_semaphore, #tpu.memory_space<semaphore_mem>>) src(%arg4 : memref<128x16xf32, #tpu.memory_space<hbm>>) dst(%arg9 : memref<128x16xf32, #tpu.memory_space<vmem>>)
      tpu.yield
    }) : () -> ()
    %barrier3A = arith.constant 0 : index
    tpu.barrier barrier_id(%barrier3A)
    %scan3A = arith.constant 0 : i32
    %scan3A_3 = arith.constant 0 : i32
    %scan3A_4 = arith.constant 40 : i32
    %scan3A_5 = arith.addi %scan3A_3, %scan3A_4 : i32
    %scan3A_6 = arith.constant 1 : i32
    scf.for %scan3A_16 = %scan3A_3 to %scan3A_5 step %scan3A_6  : i32 {
      %mul3A_17 = arith.constant 16 : i32
      %mul3A_18 = arith.muli %arg0, %mul3A_17 : i32
      %add3A = arith.addi %mul3A_18, %arg1 : i32
      %mul3A_19 = arith.constant 40 : i32
      %mul3A_20 = arith.muli %add3A, %mul3A_19 : i32
      %add3A_21 = arith.addi %mul3A_20, %scan3A_16 : i32
      "tpu.region"() ({
        %run_scoped3A = tpu.sem_alloc : memref<!tpu.dma_semaphore, #tpu.memory_space<semaphore_mem>>
        %dma_start3A = arith.constant 0 : i32
        %dma_start3A_22 = tpu.memref_slice %arg2[%add3A_21, %dma_start3A] : memref<1280x128xi32, #tpu.memory_space<hbm>> -> memref<1x128xi32, #tpu.memory_space<hbm>>
        %dma_start3A_23 = tpu.memref_squeeze %dma_start3A_22 : memref<1x128xi32, #tpu.memory_space<hbm>> -> memref<128xi32, #tpu.memory_space<hbm>>
        %dma_start3A_24 = arith.constant 0 : i32
        %dma_start3A_25 = tpu.memref_slice %arg2[%add3A_21, %dma_start3A_24] : memref<1280x128xi32, #tpu.memory_space<hbm>> -> memref<1x128xi32, #tpu.memory_space<hbm>>
        %dma_start3A_26 = tpu.memref_squeeze %dma_start3A_25 : memref<1x128xi32, #tpu.memory_space<hbm>> -> memref<128xi32, #tpu.memory_space<hbm>>
        tpu.enqueue_dma source(%dma_start3A_26 : memref<128xi32, #tpu.memory_space<hbm>>) target(%arg8 : memref<128xi32, #tpu.memory_space<vmem>>) target_semaphore(%run_scoped3A : memref<!tpu.dma_semaphore, #tpu.memory_space<semaphore_mem>>)
        %dma_wait3A = arith.constant 0 : i32
        %dma_wait3A_27 = tpu.memref_slice %arg2[%add3A_21, %dma_wait3A] : memref<1280x128xi32, #tpu.memory_space<hbm>> -> memref<1x128xi32, #tpu.memory_space<hbm>>
        %dma_wait3A_28 = tpu.memref_squeeze %dma_wait3A_27 : memref<1x128xi32, #tpu.memory_space<hbm>> -> memref<128xi32, #tpu.memory_space<hbm>>
        %dma_wait3A_29 = arith.constant 0 : i32
        %dma_wait3A_30 = tpu.memref_slice %arg2[%add3A_21, %dma_wait3A_29] : memref<1280x128xi32, #tpu.memory_space<hbm>> -> memref<1x128xi32, #tpu.memory_space<hbm>>
        %dma_wait3A_31 = tpu.memref_squeeze %dma_wait3A_30 : memref<1x128xi32, #tpu.memory_space<hbm>> -> memref<128xi32, #tpu.memory_space<hbm>>
        tpu.wait_dma2 semaphore(%run_scoped3A : memref<!tpu.dma_semaphore, #tpu.memory_space<semaphore_mem>>) src(%dma_wait3A_31 : memref<128xi32, #tpu.memory_space<hbm>>) dst(%arg8 : memref<128xi32, #tpu.memory_space<vmem>>)
        tpu.yield
      }) : () -> ()
      "tpu.region"() ({
        %run_scoped3A = tpu.sem_alloc : memref<!tpu.dma_semaphore, #tpu.memory_space<semaphore_mem>>
        %dma_start3A = arith.constant 0 : i32
        %dma_start3A_22 = arith.constant 0 : i32
        %dma_start3A_23 = tpu.memref_slice %arg7[%dma_start3A, %dma_start3A_22] : memref<10016x16xf32, #tpu.memory_space<vmem_shared>> -> memref<10016x16xf32, #tpu.memory_space<vmem_shared>>
        tpu.enqueue_indirect_dma source(%arg9 : memref<128x16xf32, #tpu.memory_space<vmem>>) target(%dma_start3A_23 : memref<10016x16xf32, #tpu.memory_space<vmem_shared>>) offsets(%arg8 : memref<128xi32, #tpu.memory_space<vmem>>) semaphore(%run_scoped3A : memref<!tpu.dma_semaphore, #tpu.memory_space<semaphore_mem>>) {add = true}
        %dma_wait3A = arith.constant 0 : i32
        %dma_wait3A_24 = arith.constant 0 : i32
        %dma_wait3A_25 = tpu.memref_slice %arg7[%dma_wait3A, %dma_wait3A_24] : memref<10016x16xf32, #tpu.memory_space<vmem_shared>> -> memref<10016x16xf32, #tpu.memory_space<vmem_shared>>
        tpu.wait_indirect_dma semaphore(%run_scoped3A : memref<!tpu.dma_semaphore, #tpu.memory_space<semaphore_mem>>) src(%arg9 : memref<128x16xf32, #tpu.memory_space<vmem>>) dst(%dma_wait3A_25 : memref<10016x16xf32, #tpu.memory_space<vmem_shared>>)
        tpu.yield
      }) : () -> ()
    }
    %scan3A_7 = arith.constant 40 : i32
    %barrier3A_8 = arith.constant 0 : index
    tpu.barrier barrier_id(%barrier3A_8)
    %eq3A = arith.constant 0 : i32
    %eq3A_9 = arith.cmpi eq, %arg0, %eq3A : i32
    %convert_element_type3A = arith.extui %eq3A_9 : i1 to i32
    %cond3A = arith.constant 0 : i32
    %cond3A_10 = arith.cmpi ne, %convert_element_type3A, %cond3A : i32
    scf.if %cond3A_10 {
      %mul3A_16 = arith.constant 625 : i32
      %mul3A_17 = arith.muli %arg1, %mul3A_16 : i32
      %mul3A_18 = arith.constant 625 : i32
      %mul3A_19 = arith.muli %arg1, %mul3A_18 : i32
      "tpu.region"() ({
        %run_scoped3A = tpu.sem_alloc : memref<!tpu.dma_semaphore, #tpu.memory_space<semaphore_mem>>
        %dma_start3A = arith.constant 0 : i32
        %dma_start3A_20 = tpu.memref_slice %arg5[%mul3A_19, %dma_start3A] : memref<10000x16xf32, #tpu.memory_space<hbm>> -> memref<625x16xf32, #tpu.memory_space<hbm>>
        %dma_start3A_21 = arith.constant 0 : i32
        %dma_start3A_22 = tpu.memref_slice %arg7[%mul3A_17, %dma_start3A_21] : memref<10016x16xf32, #tpu.memory_space<vmem_shared>> -> memref<625x16xf32, #tpu.memory_space<vmem_shared>>
        tpu.enqueue_dma source(%dma_start3A_22 : memref<625x16xf32, #tpu.memory_space<vmem_shared>>) target(%dma_start3A_20 : memref<625x16xf32, #tpu.memory_space<hbm>>) target_semaphore(%run_scoped3A : memref<!tpu.dma_semaphore, #tpu.memory_space<semaphore_mem>>)
        %dma_wait3A = arith.constant 0 : i32
        %dma_wait3A_23 = tpu.memref_slice %arg5[%mul3A_19, %dma_wait3A] : memref<10000x16xf32, #tpu.memory_space<hbm>> -> memref<625x16xf32, #tpu.memory_space<hbm>>
        %dma_wait3A_24 = arith.constant 0 : i32
        %dma_wait3A_25 = tpu.memref_slice %arg7[%mul3A_17, %dma_wait3A_24] : memref<10016x16xf32, #tpu.memory_space<vmem_shared>> -> memref<625x16xf32, #tpu.memory_space<vmem_shared>>
        tpu.wait_dma2 semaphore(%run_scoped3A : memref<!tpu.dma_semaphore, #tpu.memory_space<semaphore_mem>>) src(%dma_wait3A_25 : memref<625x16xf32, #tpu.memory_space<vmem_shared>>) dst(%dma_wait3A_23 : memref<625x16xf32, #tpu.memory_space<hbm>>)
        tpu.yield
      }) : () -> ()
    } else {
    }
    %eq3A_11 = arith.constant 1 : i32
    %eq3A_12 = arith.cmpi eq, %arg0, %eq3A_11 : i32
    %convert_element_type3A_13 = arith.extui %eq3A_12 : i1 to i32
    %cond3A_14 = arith.constant 0 : i32
    %cond3A_15 = arith.cmpi ne, %convert_element_type3A_13, %cond3A_14 : i32
    scf.if %cond3A_15 {
      %mul3A_16 = arith.constant 625 : i32
      %mul3A_17 = arith.muli %arg1, %mul3A_16 : i32
      %mul3A_18 = arith.constant 625 : i32
      %mul3A_19 = arith.muli %arg1, %mul3A_18 : i32
      "tpu.region"() ({
        %run_scoped3A = tpu.sem_alloc : memref<!tpu.dma_semaphore, #tpu.memory_space<semaphore_mem>>
        %dma_start3A = arith.constant 0 : i32
        %dma_start3A_20 = tpu.memref_slice %arg6[%mul3A_19, %dma_start3A] : memref<10000x16xf32, #tpu.memory_space<hbm>> -> memref<625x16xf32, #tpu.memory_space<hbm>>
        %dma_start3A_21 = arith.constant 0 : i32
        %dma_start3A_22 = tpu.memref_slice %arg7[%mul3A_17, %dma_start3A_21] : memref<10016x16xf32, #tpu.memory_space<vmem_shared>> -> memref<625x16xf32, #tpu.memory_space<vmem_shared>>
        tpu.enqueue_dma source(%dma_start3A_22 : memref<625x16xf32, #tpu.memory_space<vmem_shared>>) target(%dma_start3A_20 : memref<625x16xf32, #tpu.memory_space<hbm>>) target_semaphore(%run_scoped3A : memref<!tpu.dma_semaphore, #tpu.memory_space<semaphore_mem>>)
        %dma_wait3A = arith.constant 0 : i32
        %dma_wait3A_23 = tpu.memref_slice %arg6[%mul3A_19, %dma_wait3A] : memref<10000x16xf32, #tpu.memory_space<hbm>> -> memref<625x16xf32, #tpu.memory_space<hbm>>
        %dma_wait3A_24 = arith.constant 0 : i32
        %dma_wait3A_25 = tpu.memref_slice %arg7[%mul3A_17, %dma_wait3A_24] : memref<10016x16xf32, #tpu.memory_space<vmem_shared>> -> memref<625x16xf32, #tpu.memory_space<vmem_shared>>
        tpu.wait_dma2 semaphore(%run_scoped3A : memref<!tpu.dma_semaphore, #tpu.memory_space<semaphore_mem>>) src(%dma_wait3A_25 : memref<625x16xf32, #tpu.memory_space<vmem_shared>>) dst(%dma_wait3A_23 : memref<625x16xf32, #tpu.memory_space<hbm>>)
        tpu.yield
      }) : () -> ()
    } else {
    }
    return
  }
}

#map = affine_map<(d0, d1) -> (0, 0)>
module attributes {stable_mosaic.version = 14 : i64} {
  func.func @_seg_sum(%arg0: i32, %arg1: i32, %arg2: memref<10000x128xbf16, #tpu.memory_space<hbm>>, %arg3: memref<10000x128xbf16, #tpu.memory_space<hbm>>, %arg4: memref<640x256xi32, #tpu.memory_space<hbm>>, %arg5: memref<640x256xi32, #tpu.memory_space<hbm>>, %arg6: memref<10016x128xbf16, #tpu.memory_space<hbm>>, %arg7: memref<10000x128xbf16, #tpu.memory_space<hbm>>, %arg8: memref<10000x128xbf16, #tpu.memory_space<hbm>>, %arg9: memref<10016x128xbf16, #tpu.memory_space<vmem_shared>>, %arg10: memref<40x256xi32, #tpu.memory_space<vmem>>, %arg11: memref<40x256xi32, #tpu.memory_space<vmem>>, %arg12: memref<256x128xbf16, #tpu.memory_space<vmem>>, %arg13: memref<256x128xbf16, #tpu.memory_space<vmem>>, %arg14: memref<256x128xbf16, #tpu.memory_space<vmem>>, %arg15: memref<256x128xbf16, #tpu.memory_space<vmem>>, %arg16: memref<!tpu.dma_semaphore, #tpu.memory_space<semaphore_mem>>, %arg17: memref<!tpu.dma_semaphore, #tpu.memory_space<semaphore_mem>>, %arg18: memref<!tpu.dma_semaphore, #tpu.memory_space<semaphore_mem>>, %arg19: memref<!tpu.dma_semaphore, #tpu.memory_space<semaphore_mem>>, %arg20: memref<!tpu.dma_semaphore, #tpu.memory_space<semaphore_mem>>, %arg21: memref<!tpu.dma_semaphore, #tpu.memory_space<semaphore_mem>>, %arg22: memref<!tpu.dma_semaphore, #tpu.memory_space<semaphore_mem>>, %arg23: memref<!tpu.dma_semaphore, #tpu.memory_space<semaphore_mem>>) attributes {dimension_semantics = [#tpu.dimension_semantics<core_parallel>, #tpu.dimension_semantics<subcore_parallel>], iteration_bounds = array<i64: 2, 16>, scalar_prefetch = 0 : i64, scratch_operands = 15 : i64, tpu.core_type = #tpu.core_type<sc_vector_subcore>, window_params = [{transform_indices = #map}, {transform_indices = #map}, {transform_indices = #map}, {transform_indices = #map}, {transform_indices = #map}, {transform_indices = #map}, {transform_indices = #map}]} {
    %mul3A = arith.constant 626 : i32
    %mul3A_0 = arith.muli %arg1, %mul3A : i32
    %mul3A_1 = arith.constant 626 : i32
    %mul3A_2 = arith.muli %arg1, %mul3A_1 : i32
    "tpu.region"() ({
      %run_scoped3A = tpu.sem_alloc : memref<!tpu.dma_semaphore, #tpu.memory_space<semaphore_mem>>
      %dma_start3A = arith.constant 0 : i32
      %dma_start3A_14 = tpu.memref_slice %arg9[%mul3A_2, %dma_start3A] : memref<10016x128xbf16, #tpu.memory_space<vmem_shared>> -> memref<626x128xbf16, #tpu.memory_space<vmem_shared>>
      %dma_start3A_15 = arith.constant 0 : i32
      %dma_start3A_16 = tpu.memref_slice %arg6[%mul3A_0, %dma_start3A_15] : memref<10016x128xbf16, #tpu.memory_space<hbm>> -> memref<626x128xbf16, #tpu.memory_space<hbm>>
      tpu.enqueue_dma source(%dma_start3A_16 : memref<626x128xbf16, #tpu.memory_space<hbm>>) target(%dma_start3A_14 : memref<626x128xbf16, #tpu.memory_space<vmem_shared>>) target_semaphore(%run_scoped3A : memref<!tpu.dma_semaphore, #tpu.memory_space<semaphore_mem>>)
      %dma_wait3A = arith.constant 0 : i32
      %dma_wait3A_17 = tpu.memref_slice %arg9[%mul3A_2, %dma_wait3A] : memref<10016x128xbf16, #tpu.memory_space<vmem_shared>> -> memref<626x128xbf16, #tpu.memory_space<vmem_shared>>
      %dma_wait3A_18 = arith.constant 0 : i32
      %dma_wait3A_19 = tpu.memref_slice %arg6[%mul3A_0, %dma_wait3A_18] : memref<10016x128xbf16, #tpu.memory_space<hbm>> -> memref<626x128xbf16, #tpu.memory_space<hbm>>
      tpu.wait_dma2 semaphore(%run_scoped3A : memref<!tpu.dma_semaphore, #tpu.memory_space<semaphore_mem>>) src(%dma_wait3A_19 : memref<626x128xbf16, #tpu.memory_space<hbm>>) dst(%dma_wait3A_17 : memref<626x128xbf16, #tpu.memory_space<vmem_shared>>)
      tpu.yield
    }) : () -> ()
    %mul3A_3 = arith.constant 40 : i32
    %mul3A_4 = arith.muli %arg1, %mul3A_3 : i32
    "tpu.region"() ({
      %run_scoped3A = tpu.sem_alloc : memref<!tpu.dma_semaphore, #tpu.memory_space<semaphore_mem>>
      %dma_start3A = arith.constant 0 : i32
      %dma_start3A_14 = tpu.memref_slice %arg4[%mul3A_4, %dma_start3A] : memref<640x256xi32, #tpu.memory_space<hbm>> -> memref<40x256xi32, #tpu.memory_space<hbm>>
      %dma_start3A_15 = arith.constant 0 : i32
      %dma_start3A_16 = tpu.memref_slice %arg4[%mul3A_4, %dma_start3A_15] : memref<640x256xi32, #tpu.memory_space<hbm>> -> memref<40x256xi32, #tpu.memory_space<hbm>>
      tpu.enqueue_dma source(%dma_start3A_16 : memref<40x256xi32, #tpu.memory_space<hbm>>) target(%arg10 : memref<40x256xi32, #tpu.memory_space<vmem>>) target_semaphore(%run_scoped3A : memref<!tpu.dma_semaphore, #tpu.memory_space<semaphore_mem>>)
      %dma_wait3A = arith.constant 0 : i32
      %dma_wait3A_17 = tpu.memref_slice %arg4[%mul3A_4, %dma_wait3A] : memref<640x256xi32, #tpu.memory_space<hbm>> -> memref<40x256xi32, #tpu.memory_space<hbm>>
      %dma_wait3A_18 = arith.constant 0 : i32
      %dma_wait3A_19 = tpu.memref_slice %arg4[%mul3A_4, %dma_wait3A_18] : memref<640x256xi32, #tpu.memory_space<hbm>> -> memref<40x256xi32, #tpu.memory_space<hbm>>
      tpu.wait_dma2 semaphore(%run_scoped3A : memref<!tpu.dma_semaphore, #tpu.memory_space<semaphore_mem>>) src(%dma_wait3A_19 : memref<40x256xi32, #tpu.memory_space<hbm>>) dst(%arg10 : memref<40x256xi32, #tpu.memory_space<vmem>>)
      tpu.yield
    }) : () -> ()
    %mul3A_5 = arith.constant 40 : i32
    %mul3A_6 = arith.muli %arg1, %mul3A_5 : i32
    "tpu.region"() ({
      %run_scoped3A = tpu.sem_alloc : memref<!tpu.dma_semaphore, #tpu.memory_space<semaphore_mem>>
      %dma_start3A = arith.constant 0 : i32
      %dma_start3A_14 = tpu.memref_slice %arg5[%mul3A_6, %dma_start3A] : memref<640x256xi32, #tpu.memory_space<hbm>> -> memref<40x256xi32, #tpu.memory_space<hbm>>
      %dma_start3A_15 = arith.constant 0 : i32
      %dma_start3A_16 = tpu.memref_slice %arg5[%mul3A_6, %dma_start3A_15] : memref<640x256xi32, #tpu.memory_space<hbm>> -> memref<40x256xi32, #tpu.memory_space<hbm>>
      tpu.enqueue_dma source(%dma_start3A_16 : memref<40x256xi32, #tpu.memory_space<hbm>>) target(%arg11 : memref<40x256xi32, #tpu.memory_space<vmem>>) target_semaphore(%run_scoped3A : memref<!tpu.dma_semaphore, #tpu.memory_space<semaphore_mem>>)
      %dma_wait3A = arith.constant 0 : i32
      %dma_wait3A_17 = tpu.memref_slice %arg5[%mul3A_6, %dma_wait3A] : memref<640x256xi32, #tpu.memory_space<hbm>> -> memref<40x256xi32, #tpu.memory_space<hbm>>
      %dma_wait3A_18 = arith.constant 0 : i32
      %dma_wait3A_19 = tpu.memref_slice %arg5[%mul3A_6, %dma_wait3A_18] : memref<640x256xi32, #tpu.memory_space<hbm>> -> memref<40x256xi32, #tpu.memory_space<hbm>>
      tpu.wait_dma2 semaphore(%run_scoped3A : memref<!tpu.dma_semaphore, #tpu.memory_space<semaphore_mem>>) src(%dma_wait3A_19 : memref<40x256xi32, #tpu.memory_space<hbm>>) dst(%arg11 : memref<40x256xi32, #tpu.memory_space<vmem>>)
      tpu.yield
    }) : () -> ()
    %barrier3A = arith.constant 0 : index
    tpu.barrier barrier_id(%barrier3A)
    %eq3A = arith.constant 0 : i32
    %eq3A_7 = arith.cmpi eq, %arg0, %eq3A : i32
    %convert_element_type3A = arith.extui %eq3A_7 : i1 to i32
    %cond3A = arith.constant 0 : i32
    %cond3A_8 = arith.cmpi ne, %convert_element_type3A, %cond3A : i32
    scf.if %cond3A_8 {
      %dma_start3A = arith.constant 0 : i32
      %dma_start3A_14 = arith.constant 0 : i32
      %dma_start3A_15 = tpu.memref_slice %arg10[%dma_start3A, %dma_start3A_14] : memref<40x256xi32, #tpu.memory_space<vmem>> -> memref<1x256xi32, #tpu.memory_space<vmem>>
      %dma_start3A_16 = tpu.memref_squeeze %dma_start3A_15 : memref<1x256xi32, #tpu.memory_space<vmem>> -> memref<256xi32, #tpu.memory_space<vmem>>
      %dma_start3A_17 = arith.constant 0 : i32
      %dma_start3A_18 = arith.constant 0 : i32
      %dma_start3A_19 = tpu.memref_slice %arg2[%dma_start3A_17, %dma_start3A_18] : memref<10000x128xbf16, #tpu.memory_space<hbm>> -> memref<10000x128xbf16, #tpu.memory_space<hbm>>
      tpu.enqueue_indirect_dma source(%dma_start3A_19 : memref<10000x128xbf16, #tpu.memory_space<hbm>>) target(%arg12 : memref<256x128xbf16, #tpu.memory_space<vmem>>) offsets(%dma_start3A_16 : memref<256xi32, #tpu.memory_space<vmem>>) semaphore(%arg16 : memref<!tpu.dma_semaphore, #tpu.memory_space<semaphore_mem>>)
      %dma_start3A_20 = arith.constant 1 : i32
      %dma_start3A_21 = arith.constant 0 : i32
      %dma_start3A_22 = tpu.memref_slice %arg10[%dma_start3A_20, %dma_start3A_21] : memref<40x256xi32, #tpu.memory_space<vmem>> -> memref<1x256xi32, #tpu.memory_space<vmem>>
      %dma_start3A_23 = tpu.memref_squeeze %dma_start3A_22 : memref<1x256xi32, #tpu.memory_space<vmem>> -> memref<256xi32, #tpu.memory_space<vmem>>
      %dma_start3A_24 = arith.constant 0 : i32
      %dma_start3A_25 = arith.constant 0 : i32
      %dma_start3A_26 = tpu.memref_slice %arg2[%dma_start3A_24, %dma_start3A_25] : memref<10000x128xbf16, #tpu.memory_space<hbm>> -> memref<10000x128xbf16, #tpu.memory_space<hbm>>
      tpu.enqueue_indirect_dma source(%dma_start3A_26 : memref<10000x128xbf16, #tpu.memory_space<hbm>>) target(%arg13 : memref<256x128xbf16, #tpu.memory_space<vmem>>) offsets(%dma_start3A_23 : memref<256xi32, #tpu.memory_space<vmem>>) semaphore(%arg17 : memref<!tpu.dma_semaphore, #tpu.memory_space<semaphore_mem>>)
      %scan3A = arith.constant 0 : i32
      %scan3A_27 = arith.constant 10 : i32
      %scan3A_28 = arith.addi %scan3A, %scan3A_27 : i32
      %scan3A_29 = arith.constant 1 : i32
      scf.for %scan3A_63 = %scan3A to %scan3A_28 step %scan3A_29  : i32 {
        %mul3A_64 = arith.constant 4 : i32
        %mul3A_65 = arith.muli %scan3A_63, %mul3A_64 : i32
        %add3A = arith.constant 0 : i32
        %add3A_66 = arith.addi %add3A, %mul3A_65 : i32
        %add3A_67 = arith.constant 0 : i32
        %add3A_68 = arith.addi %add3A_66, %add3A_67 : i32
        %add3A_69 = arith.constant 2 : i32
        %add3A_70 = arith.addi %add3A_68, %add3A_69 : i32
        %lt3A = arith.constant 40 : i32
        %lt3A_71 = arith.cmpi slt, %add3A_70, %lt3A : i32
        %convert_element_type3A_72 = arith.extui %lt3A_71 : i1 to i32
        %cond3A_73 = arith.constant 0 : i32
        %cond3A_74 = arith.cmpi ne, %convert_element_type3A_72, %cond3A_73 : i32
        scf.if %cond3A_74 {
          %ge3A = arith.constant 2 : i32
          %ge3A_154 = arith.cmpi sge, %add3A_68, %ge3A : i32
          %convert_element_type3A_155 = arith.extui %ge3A_154 : i1 to i32
          %cond3A_156 = arith.constant 0 : i32
          %cond3A_157 = arith.cmpi ne, %convert_element_type3A_155, %cond3A_156 : i32
          scf.if %cond3A_157 {
            %dma_wait3A_166 = arith.constant 0 : i32
            %dma_wait3A_167 = arith.constant 0 : i32
            %dma_wait3A_168 = tpu.memref_slice %arg11[%dma_wait3A_166, %dma_wait3A_167] : memref<40x256xi32, #tpu.memory_space<vmem>> -> memref<1x256xi32, #tpu.memory_space<vmem>>
            %dma_wait3A_169 = tpu.memref_squeeze %dma_wait3A_168 : memref<1x256xi32, #tpu.memory_space<vmem>> -> memref<256xi32, #tpu.memory_space<vmem>>
            %dma_wait3A_170 = arith.constant 0 : i32
            %dma_wait3A_171 = arith.constant 0 : i32
            %dma_wait3A_172 = tpu.memref_slice %arg9[%dma_wait3A_170, %dma_wait3A_171] : memref<10016x128xbf16, #tpu.memory_space<vmem_shared>> -> memref<10016x128xbf16, #tpu.memory_space<vmem_shared>>
            tpu.wait_indirect_dma semaphore(%arg22 : memref<!tpu.dma_semaphore, #tpu.memory_space<semaphore_mem>>) src(%arg14 : memref<256x128xbf16, #tpu.memory_space<vmem>>) dst(%dma_wait3A_172 : memref<10016x128xbf16, #tpu.memory_space<vmem_shared>>)
          } else {
          }
          %add3A_158 = arith.constant 2 : i32
          %add3A_159 = arith.addi %add3A_68, %add3A_158 : i32
          %dma_start3A_160 = arith.constant 0 : i32
          %dma_start3A_161 = tpu.memref_slice %arg10[%add3A_159, %dma_start3A_160] : memref<40x256xi32, #tpu.memory_space<vmem>> -> memref<1x256xi32, #tpu.memory_space<vmem>>
          %dma_start3A_162 = tpu.memref_squeeze %dma_start3A_161 : memref<1x256xi32, #tpu.memory_space<vmem>> -> memref<256xi32, #tpu.memory_space<vmem>>
          %dma_start3A_163 = arith.constant 0 : i32
          %dma_start3A_164 = arith.constant 0 : i32
          %dma_start3A_165 = tpu.memref_slice %arg2[%dma_start3A_163, %dma_start3A_164] : memref<10000x128xbf16, #tpu.memory_space<hbm>> -> memref<10000x128xbf16, #tpu.memory_space<hbm>>
          tpu.enqueue_indirect_dma source(%dma_start3A_165 : memref<10000x128xbf16, #tpu.memory_space<hbm>>) target(%arg14 : memref<256x128xbf16, #tpu.memory_space<vmem>>) offsets(%dma_start3A_162 : memref<256xi32, #tpu.memory_space<vmem>>) semaphore(%arg18 : memref<!tpu.dma_semaphore, #tpu.memory_space<semaphore_mem>>)
        } else {
        }
        %dma_wait3A_75 = arith.constant 0 : i32
        %dma_wait3A_76 = arith.constant 0 : i32
        %dma_wait3A_77 = tpu.memref_slice %arg10[%dma_wait3A_75, %dma_wait3A_76] : memref<40x256xi32, #tpu.memory_space<vmem>> -> memref<1x256xi32, #tpu.memory_space<vmem>>
        %dma_wait3A_78 = tpu.memref_squeeze %dma_wait3A_77 : memref<1x256xi32, #tpu.memory_space<vmem>> -> memref<256xi32, #tpu.memory_space<vmem>>
        %dma_wait3A_79 = arith.constant 0 : i32
        %dma_wait3A_80 = arith.constant 0 : i32
        %dma_wait3A_81 = tpu.memref_slice %arg2[%dma_wait3A_79, %dma_wait3A_80] : memref<10000x128xbf16, #tpu.memory_space<hbm>> -> memref<10000x128xbf16, #tpu.memory_space<hbm>>
        tpu.wait_indirect_dma semaphore(%arg16 : memref<!tpu.dma_semaphore, #tpu.memory_space<semaphore_mem>>) src(%dma_wait3A_81 : memref<10000x128xbf16, #tpu.memory_space<hbm>>) dst(%arg12 : memref<256x128xbf16, #tpu.memory_space<vmem>>)
        %dma_start3A_82 = arith.constant 0 : i32
        %dma_start3A_83 = tpu.memref_slice %arg11[%add3A_68, %dma_start3A_82] : memref<40x256xi32, #tpu.memory_space<vmem>> -> memref<1x256xi32, #tpu.memory_space<vmem>>
        %dma_start3A_84 = tpu.memref_squeeze %dma_start3A_83 : memref<1x256xi32, #tpu.memory_space<vmem>> -> memref<256xi32, #tpu.memory_space<vmem>>
        %dma_start3A_85 = arith.constant 0 : i32
        %dma_start3A_86 = arith.constant 0 : i32
        %dma_start3A_87 = tpu.memref_slice %arg9[%dma_start3A_85, %dma_start3A_86] : memref<10016x128xbf16, #tpu.memory_space<vmem_shared>> -> memref<10016x128xbf16, #tpu.memory_space<vmem_shared>>
        tpu.enqueue_indirect_dma source(%arg12 : memref<256x128xbf16, #tpu.memory_space<vmem>>) target(%dma_start3A_87 : memref<10016x128xbf16, #tpu.memory_space<vmem_shared>>) offsets(%dma_start3A_84 : memref<256xi32, #tpu.memory_space<vmem>>) semaphore(%arg20 : memref<!tpu.dma_semaphore, #tpu.memory_space<semaphore_mem>>) {add = true}
        %add3A_88 = arith.constant 1 : i32
        %add3A_89 = arith.addi %add3A_66, %add3A_88 : i32
        %add3A_90 = arith.constant 2 : i32
        %add3A_91 = arith.addi %add3A_89, %add3A_90 : i32
        %lt3A_92 = arith.constant 40 : i32
        %lt3A_93 = arith.cmpi slt, %add3A_91, %lt3A_92 : i32
        %convert_element_type3A_94 = arith.extui %lt3A_93 : i1 to i32
        %cond3A_95 = arith.constant 0 : i32
        %cond3A_96 = arith.cmpi ne, %convert_element_type3A_94, %cond3A_95 : i32
        scf.if %cond3A_96 {
          %ge3A = arith.constant 2 : i32
          %ge3A_154 = arith.cmpi sge, %add3A_89, %ge3A : i32
          %convert_element_type3A_155 = arith.extui %ge3A_154 : i1 to i32
          %cond3A_156 = arith.constant 0 : i32
          %cond3A_157 = arith.cmpi ne, %convert_element_type3A_155, %cond3A_156 : i32
          scf.if %cond3A_157 {
            %dma_wait3A_166 = arith.constant 0 : i32
            %dma_wait3A_167 = arith.constant 0 : i32
            %dma_wait3A_168 = tpu.memref_slice %arg11[%dma_wait3A_166, %dma_wait3A_167] : memref<40x256xi32, #tpu.memory_space<vmem>> -> memref<1x256xi32, #tpu.memory_space<vmem>>
            %dma_wait3A_169 = tpu.memref_squeeze %dma_wait3A_168 : memref<1x256xi32, #tpu.memory_space<vmem>> -> memref<256xi32, #tpu.memory_space<vmem>>
            %dma_wait3A_170 = arith.constant 0 : i32
            %dma_wait3A_171 = arith.constant 0 : i32
            %dma_wait3A_172 = tpu.memref_slice %arg9[%dma_wait3A_170, %dma_wait3A_171] : memref<10016x128xbf16, #tpu.memory_space<vmem_shared>> -> memref<10016x128xbf16, #tpu.memory_space<vmem_shared>>
            tpu.wait_indirect_dma semaphore(%arg23 : memref<!tpu.dma_semaphore, #tpu.memory_space<semaphore_mem>>) src(%arg15 : memref<256x128xbf16, #tpu.memory_space<vmem>>) dst(%dma_wait3A_172 : memref<10016x128xbf16, #tpu.memory_space<vmem_shared>>)
          } else {
          }
          %add3A_158 = arith.constant 2 : i32
          %add3A_159 = arith.addi %add3A_89, %add3A_158 : i32
          %dma_start3A_160 = arith.constant 0 : i32
          %dma_start3A_161 = tpu.memref_slice %arg10[%add3A_159, %dma_start3A_160] : memref<40x256xi32, #tpu.memory_space<vmem>> -> memref<1x256xi32, #tpu.memory_space<vmem>>
          %dma_start3A_162 = tpu.memref_squeeze %dma_start3A_161 : memref<1x256xi32, #tpu.memory_space<vmem>> -> memref<256xi32, #tpu.memory_space<vmem>>
          %dma_start3A_163 = arith.constant 0 : i32
          %dma_start3A_164 = arith.constant 0 : i32
          %dma_start3A_165 = tpu.memref_slice %arg2[%dma_start3A_163, %dma_start3A_164] : memref<10000x128xbf16, #tpu.memory_space<hbm>> -> memref<10000x128xbf16, #tpu.memory_space<hbm>>
          tpu.enqueue_indirect_dma source(%dma_start3A_165 : memref<10000x128xbf16, #tpu.memory_space<hbm>>) target(%arg15 : memref<256x128xbf16, #tpu.memory_space<vmem>>) offsets(%dma_start3A_162 : memref<256xi32, #tpu.memory_space<vmem>>) semaphore(%arg19 : memref<!tpu.dma_semaphore, #tpu.memory_space<semaphore_mem>>)
        } else {
        }
        %dma_wait3A_97 = arith.constant 0 : i32
        %dma_wait3A_98 = arith.constant 0 : i32
        %dma_wait3A_99 = tpu.memref_slice %arg10[%dma_wait3A_97, %dma_wait3A_98] : memref<40x256xi32, #tpu.memory_space<vmem>> -> memref<1x256xi32, #tpu.memory_space<vmem>>
        %dma_wait3A_100 = tpu.memref_squeeze %dma_wait3A_99 : memref<1x256xi32, #tpu.memory_space<vmem>> -> memref<256xi32, #tpu.memory_space<vmem>>
        %dma_wait3A_101 = arith.constant 0 : i32
        %dma_wait3A_102 = arith.constant 0 : i32
        %dma_wait3A_103 = tpu.memref_slice %arg2[%dma_wait3A_101, %dma_wait3A_102] : memref<10000x128xbf16, #tpu.memory_space<hbm>> -> memref<10000x128xbf16, #tpu.memory_space<hbm>>
        tpu.wait_indirect_dma semaphore(%arg17 : memref<!tpu.dma_semaphore, #tpu.memory_space<semaphore_mem>>) src(%dma_wait3A_103 : memref<10000x128xbf16, #tpu.memory_space<hbm>>) dst(%arg13 : memref<256x128xbf16, #tpu.memory_space<vmem>>)
        %dma_start3A_104 = arith.constant 0 : i32
        %dma_start3A_105 = tpu.memref_slice %arg11[%add3A_89, %dma_start3A_104] : memref<40x256xi32, #tpu.memory_space<vmem>> -> memref<1x256xi32, #tpu.memory_space<vmem>>
        %dma_start3A_106 = tpu.memref_squeeze %dma_start3A_105 : memref<1x256xi32, #tpu.memory_space<vmem>> -> memref<256xi32, #tpu.memory_space<vmem>>
        %dma_start3A_107 = arith.constant 0 : i32
        %dma_start3A_108 = arith.constant 0 : i32
        %dma_start3A_109 = tpu.memref_slice %arg9[%dma_start3A_107, %dma_start3A_108] : memref<10016x128xbf16, #tpu.memory_space<vmem_shared>> -> memref<10016x128xbf16, #tpu.memory_space<vmem_shared>>
        tpu.enqueue_indirect_dma source(%arg13 : memref<256x128xbf16, #tpu.memory_space<vmem>>) target(%dma_start3A_109 : memref<10016x128xbf16, #tpu.memory_space<vmem_shared>>) offsets(%dma_start3A_106 : memref<256xi32, #tpu.memory_space<vmem>>) semaphore(%arg21 : memref<!tpu.dma_semaphore, #tpu.memory_space<semaphore_mem>>) {add = true}
        %add3A_110 = arith.constant 2 : i32
        %add3A_111 = arith.addi %add3A_66, %add3A_110 : i32
        %add3A_112 = arith.constant 2 : i32
        %add3A_113 = arith.addi %add3A_111, %add3A_112 : i32
        %lt3A_114 = arith.constant 40 : i32
        %lt3A_115 = arith.cmpi slt, %add3A_113, %lt3A_114 : i32
        %convert_element_type3A_116 = arith.extui %lt3A_115 : i1 to i32
        %cond3A_117 = arith.constant 0 : i32
        %cond3A_118 = arith.cmpi ne, %convert_element_type3A_116, %cond3A_117 : i32
        scf.if %cond3A_118 {
          %ge3A = arith.constant 2 : i32
          %ge3A_154 = arith.cmpi sge, %add3A_111, %ge3A : i32
          %convert_element_type3A_155 = arith.extui %ge3A_154 : i1 to i32
          %cond3A_156 = arith.constant 0 : i32
          %cond3A_157 = arith.cmpi ne, %convert_element_type3A_155, %cond3A_156 : i32
          scf.if %cond3A_157 {
            %dma_wait3A_166 = arith.constant 0 : i32
            %dma_wait3A_167 = arith.constant 0 : i32
            %dma_wait3A_168 = tpu.memref_slice %arg11[%dma_wait3A_166, %dma_wait3A_167] : memref<40x256xi32, #tpu.memory_space<vmem>> -> memref<1x256xi32, #tpu.memory_space<vmem>>
            %dma_wait3A_169 = tpu.memref_squeeze %dma_wait3A_168 : memref<1x256xi32, #tpu.memory_space<vmem>> -> memref<256xi32, #tpu.memory_space<vmem>>
            %dma_wait3A_170 = arith.constant 0 : i32
            %dma_wait3A_171 = arith.constant 0 : i32
            %dma_wait3A_172 = tpu.memref_slice %arg9[%dma_wait3A_170, %dma_wait3A_171] : memref<10016x128xbf16, #tpu.memory_space<vmem_shared>> -> memref<10016x128xbf16, #tpu.memory_space<vmem_shared>>
            tpu.wait_indirect_dma semaphore(%arg20 : memref<!tpu.dma_semaphore, #tpu.memory_space<semaphore_mem>>) src(%arg12 : memref<256x128xbf16, #tpu.memory_space<vmem>>) dst(%dma_wait3A_172 : memref<10016x128xbf16, #tpu.memory_space<vmem_shared>>)
          } else {
          }
          %add3A_158 = arith.constant 2 : i32
          %add3A_159 = arith.addi %add3A_111, %add3A_158 : i32
          %dma_start3A_160 = arith.constant 0 : i32
          %dma_start3A_161 = tpu.memref_slice %arg10[%add3A_159, %dma_start3A_160] : memref<40x256xi32, #tpu.memory_space<vmem>> -> memref<1x256xi32, #tpu.memory_space<vmem>>
          %dma_start3A_162 = tpu.memref_squeeze %dma_start3A_161 : memref<1x256xi32, #tpu.memory_space<vmem>> -> memref<256xi32, #tpu.memory_space<vmem>>
          %dma_start3A_163 = arith.constant 0 : i32
          %dma_start3A_164 = arith.constant 0 : i32
          %dma_start3A_165 = tpu.memref_slice %arg2[%dma_start3A_163, %dma_start3A_164] : memref<10000x128xbf16, #tpu.memory_space<hbm>> -> memref<10000x128xbf16, #tpu.memory_space<hbm>>
          tpu.enqueue_indirect_dma source(%dma_start3A_165 : memref<10000x128xbf16, #tpu.memory_space<hbm>>) target(%arg12 : memref<256x128xbf16, #tpu.memory_space<vmem>>) offsets(%dma_start3A_162 : memref<256xi32, #tpu.memory_space<vmem>>) semaphore(%arg16 : memref<!tpu.dma_semaphore, #tpu.memory_space<semaphore_mem>>)
        } else {
        }
        %dma_wait3A_119 = arith.constant 0 : i32
        %dma_wait3A_120 = arith.constant 0 : i32
        %dma_wait3A_121 = tpu.memref_slice %arg10[%dma_wait3A_119, %dma_wait3A_120] : memref<40x256xi32, #tpu.memory_space<vmem>> -> memref<1x256xi32, #tpu.memory_space<vmem>>
        %dma_wait3A_122 = tpu.memref_squeeze %dma_wait3A_121 : memref<1x256xi32, #tpu.memory_space<vmem>> -> memref<256xi32, #tpu.memory_space<vmem>>
        %dma_wait3A_123 = arith.constant 0 : i32
        %dma_wait3A_124 = arith.constant 0 : i32
        %dma_wait3A_125 = tpu.memref_slice %arg2[%dma_wait3A_123, %dma_wait3A_124] : memref<10000x128xbf16, #tpu.memory_space<hbm>> -> memref<10000x128xbf16, #tpu.memory_space<hbm>>
        tpu.wait_indirect_dma semaphore(%arg18 : memref<!tpu.dma_semaphore, #tpu.memory_space<semaphore_mem>>) src(%dma_wait3A_125 : memref<10000x128xbf16, #tpu.memory_space<hbm>>) dst(%arg14 : memref<256x128xbf16, #tpu.memory_space<vmem>>)
        %dma_start3A_126 = arith.constant 0 : i32
        %dma_start3A_127 = tpu.memref_slice %arg11[%add3A_111, %dma_start3A_126] : memref<40x256xi32, #tpu.memory_space<vmem>> -> memref<1x256xi32, #tpu.memory_space<vmem>>
        %dma_start3A_128 = tpu.memref_squeeze %dma_start3A_127 : memref<1x256xi32, #tpu.memory_space<vmem>> -> memref<256xi32, #tpu.memory_space<vmem>>
        %dma_start3A_129 = arith.constant 0 : i32
        %dma_start3A_130 = arith.constant 0 : i32
        %dma_start3A_131 = tpu.memref_slice %arg9[%dma_start3A_129, %dma_start3A_130] : memref<10016x128xbf16, #tpu.memory_space<vmem_shared>> -> memref<10016x128xbf16, #tpu.memory_space<vmem_shared>>
        tpu.enqueue_indirect_dma source(%arg14 : memref<256x128xbf16, #tpu.memory_space<vmem>>) target(%dma_start3A_131 : memref<10016x128xbf16, #tpu.memory_space<vmem_shared>>) offsets(%dma_start3A_128 : memref<256xi32, #tpu.memory_space<vmem>>) semaphore(%arg22 : memref<!tpu.dma_semaphore, #tpu.memory_space<semaphore_mem>>) {add = true}
        %add3A_132 = arith.constant 3 : i32
        %add3A_133 = arith.addi %add3A_66, %add3A_132 : i32
        %add3A_134 = arith.constant 2 : i32
        %add3A_135 = arith.addi %add3A_133, %add3A_134 : i32
        %lt3A_136 = arith.constant 40 : i32
        %lt3A_137 = arith.cmpi slt, %add3A_135, %lt3A_136 : i32
        %convert_element_type3A_138 = arith.extui %lt3A_137 : i1 to i32
        %cond3A_139 = arith.constant 0 : i32
        %cond3A_140 = arith.cmpi ne, %convert_element_type3A_138, %cond3A_139 : i32
        scf.if %cond3A_140 {
          %ge3A = arith.constant 2 : i32
          %ge3A_154 = arith.cmpi sge, %add3A_133, %ge3A : i32
          %convert_element_type3A_155 = arith.extui %ge3A_154 : i1 to i32
          %cond3A_156 = arith.constant 0 : i32
          %cond3A_157 = arith.cmpi ne, %convert_element_type3A_155, %cond3A_156 : i32
          scf.if %cond3A_157 {
            %dma_wait3A_166 = arith.constant 0 : i32
            %dma_wait3A_167 = arith.constant 0 : i32
            %dma_wait3A_168 = tpu.memref_slice %arg11[%dma_wait3A_166, %dma_wait3A_167] : memref<40x256xi32, #tpu.memory_space<vmem>> -> memref<1x256xi32, #tpu.memory_space<vmem>>
            %dma_wait3A_169 = tpu.memref_squeeze %dma_wait3A_168 : memref<1x256xi32, #tpu.memory_space<vmem>> -> memref<256xi32, #tpu.memory_space<vmem>>
            %dma_wait3A_170 = arith.constant 0 : i32
            %dma_wait3A_171 = arith.constant 0 : i32
            %dma_wait3A_172 = tpu.memref_slice %arg9[%dma_wait3A_170, %dma_wait3A_171] : memref<10016x128xbf16, #tpu.memory_space<vmem_shared>> -> memref<10016x128xbf16, #tpu.memory_space<vmem_shared>>
            tpu.wait_indirect_dma semaphore(%arg21 : memref<!tpu.dma_semaphore, #tpu.memory_space<semaphore_mem>>) src(%arg13 : memref<256x128xbf16, #tpu.memory_space<vmem>>) dst(%dma_wait3A_172 : memref<10016x128xbf16, #tpu.memory_space<vmem_shared>>)
          } else {
          }
          %add3A_158 = arith.constant 2 : i32
          %add3A_159 = arith.addi %add3A_133, %add3A_158 : i32
          %dma_start3A_160 = arith.constant 0 : i32
          %dma_start3A_161 = tpu.memref_slice %arg10[%add3A_159, %dma_start3A_160] : memref<40x256xi32, #tpu.memory_space<vmem>> -> memref<1x256xi32, #tpu.memory_space<vmem>>
          %dma_start3A_162 = tpu.memref_squeeze %dma_start3A_161 : memref<1x256xi32, #tpu.memory_space<vmem>> -> memref<256xi32, #tpu.memory_space<vmem>>
          %dma_start3A_163 = arith.constant 0 : i32
          %dma_start3A_164 = arith.constant 0 : i32
          %dma_start3A_165 = tpu.memref_slice %arg2[%dma_start3A_163, %dma_start3A_164] : memref<10000x128xbf16, #tpu.memory_space<hbm>> -> memref<10000x128xbf16, #tpu.memory_space<hbm>>
          tpu.enqueue_indirect_dma source(%dma_start3A_165 : memref<10000x128xbf16, #tpu.memory_space<hbm>>) target(%arg13 : memref<256x128xbf16, #tpu.memory_space<vmem>>) offsets(%dma_start3A_162 : memref<256xi32, #tpu.memory_space<vmem>>) semaphore(%arg17 : memref<!tpu.dma_semaphore, #tpu.memory_space<semaphore_mem>>)
        } else {
        }
        %dma_wait3A_141 = arith.constant 0 : i32
        %dma_wait3A_142 = arith.constant 0 : i32
        %dma_wait3A_143 = tpu.memref_slice %arg10[%dma_wait3A_141, %dma_wait3A_142] : memref<40x256xi32, #tpu.memory_space<vmem>> -> memref<1x256xi32, #tpu.memory_space<vmem>>
        %dma_wait3A_144 = tpu.memref_squeeze %dma_wait3A_143 : memref<1x256xi32, #tpu.memory_space<vmem>> -> memref<256xi32, #tpu.memory_space<vmem>>
        %dma_wait3A_145 = arith.constant 0 : i32
        %dma_wait3A_146 = arith.constant 0 : i32
        %dma_wait3A_147 = tpu.memref_slice %arg2[%dma_wait3A_145, %dma_wait3A_146] : memref<10000x128xbf16, #tpu.memory_space<hbm>> -> memref<10000x128xbf16, #tpu.memory_space<hbm>>
        tpu.wait_indirect_dma semaphore(%arg19 : memref<!tpu.dma_semaphore, #tpu.memory_space<semaphore_mem>>) src(%dma_wait3A_147 : memref<10000x128xbf16, #tpu.memory_space<hbm>>) dst(%arg15 : memref<256x128xbf16, #tpu.memory_space<vmem>>)
        %dma_start3A_148 = arith.constant 0 : i32
        %dma_start3A_149 = tpu.memref_slice %arg11[%add3A_133, %dma_start3A_148] : memref<40x256xi32, #tpu.memory_space<vmem>> -> memref<1x256xi32, #tpu.memory_space<vmem>>
        %dma_start3A_150 = tpu.memref_squeeze %dma_start3A_149 : memref<1x256xi32, #tpu.memory_space<vmem>> -> memref<256xi32, #tpu.memory_space<vmem>>
        %dma_start3A_151 = arith.constant 0 : i32
        %dma_start3A_152 = arith.constant 0 : i32
        %dma_start3A_153 = tpu.memref_slice %arg9[%dma_start3A_151, %dma_start3A_152] : memref<10016x128xbf16, #tpu.memory_space<vmem_shared>> -> memref<10016x128xbf16, #tpu.memory_space<vmem_shared>>
        tpu.enqueue_indirect_dma source(%arg15 : memref<256x128xbf16, #tpu.memory_space<vmem>>) target(%dma_start3A_153 : memref<10016x128xbf16, #tpu.memory_space<vmem_shared>>) offsets(%dma_start3A_150 : memref<256xi32, #tpu.memory_space<vmem>>) semaphore(%arg23 : memref<!tpu.dma_semaphore, #tpu.memory_space<semaphore_mem>>) {add = true}
      }
      %scan3A_30 = arith.constant 10 : i32
      %dma_wait3A = arith.constant 0 : i32
      %dma_wait3A_31 = arith.constant 0 : i32
      %dma_wait3A_32 = tpu.memref_slice %arg11[%dma_wait3A, %dma_wait3A_31] : memref<40x256xi32, #tpu.memory_space<vmem>> -> memref<1x256xi32, #tpu.memory_space<vmem>>
      %dma_wait3A_33 = tpu.memref_squeeze %dma_wait3A_32 : memref<1x256xi32, #tpu.memory_space<vmem>> -> memref<256xi32, #tpu.memory_space<vmem>>
      %dma_wait3A_34 = arith.constant 0 : i32
      %dma_wait3A_35 = arith.constant 0 : i32
      %dma_wait3A_36 = tpu.memref_slice %arg9[%dma_wait3A_34, %dma_wait3A_35] : memref<10016x128xbf16, #tpu.memory_space<vmem_shared>> -> memref<10016x128xbf16, #tpu.memory_space<vmem_shared>>
      tpu.wait_indirect_dma semaphore(%arg20 : memref<!tpu.dma_semaphore, #tpu.memory_space<semaphore_mem>>) src(%arg12 : memref<256x128xbf16, #tpu.memory_space<vmem>>) dst(%dma_wait3A_36 : memref<10016x128xbf16, #tpu.memory_space<vmem_shared>>)
      %dma_wait3A_37 = arith.constant 0 : i32
      %dma_wait3A_38 = arith.constant 0 : i32
      %dma_wait3A_39 = tpu.memref_slice %arg11[%dma_wait3A_37, %dma_wait3A_38] : memref<40x256xi32, #tpu.memory_space<vmem>> -> memref<1x256xi32, #tpu.memory_space<vmem>>
      %dma_wait3A_40 = tpu.memref_squeeze %dma_wait3A_39 : memref<1x256xi32, #tpu.memory_space<vmem>> -> memref<256xi32, #tpu.memory_space<vmem>>
      %dma_wait3A_41 = arith.constant 0 : i32
      %dma_wait3A_42 = arith.constant 0 : i32
      %dma_wait3A_43 = tpu.memref_slice %arg9[%dma_wait3A_41, %dma_wait3A_42] : memref<10016x128xbf16, #tpu.memory_space<vmem_shared>> -> memref<10016x128xbf16, #tpu.memory_space<vmem_shared>>
      tpu.wait_indirect_dma semaphore(%arg21 : memref<!tpu.dma_semaphore, #tpu.memory_space<semaphore_mem>>) src(%arg13 : memref<256x128xbf16, #tpu.memory_space<vmem>>) dst(%dma_wait3A_43 : memref<10016x128xbf16, #tpu.memory_space<vmem_shared>>)
      %dma_wait3A_44 = arith.constant 0 : i32
      %dma_wait3A_45 = arith.constant 0 : i32
      %dma_wait3A_46 = tpu.memref_slice %arg11[%dma_wait3A_44, %dma_wait3A_45] : memref<40x256xi32, #tpu.memory_space<vmem>> -> memref<1x256xi32, #tpu.memory_space<vmem>>
      %dma_wait3A_47 = tpu.memref_squeeze %dma_wait3A_46 : memref<1x256xi32, #tpu.memory_space<vmem>> -> memref<256xi32, #tpu.memory_space<vmem>>
      %dma_wait3A_48 = arith.constant 0 : i32
      %dma_wait3A_49 = arith.constant 0 : i32
      %dma_wait3A_50 = tpu.memref_slice %arg9[%dma_wait3A_48, %dma_wait3A_49] : memref<10016x128xbf16, #tpu.memory_space<vmem_shared>> -> memref<10016x128xbf16, #tpu.memory_space<vmem_shared>>
      tpu.wait_indirect_dma semaphore(%arg22 : memref<!tpu.dma_semaphore, #tpu.memory_space<semaphore_mem>>) src(%arg14 : memref<256x128xbf16, #tpu.memory_space<vmem>>) dst(%dma_wait3A_50 : memref<10016x128xbf16, #tpu.memory_space<vmem_shared>>)
      %dma_wait3A_51 = arith.constant 0 : i32
      %dma_wait3A_52 = arith.constant 0 : i32
      %dma_wait3A_53 = tpu.memref_slice %arg11[%dma_wait3A_51, %dma_wait3A_52] : memref<40x256xi32, #tpu.memory_space<vmem>> -> memref<1x256xi32, #tpu.memory_space<vmem>>
      %dma_wait3A_54 = tpu.memref_squeeze %dma_wait3A_53 : memref<1x256xi32, #tpu.memory_space<vmem>> -> memref<256xi32, #tpu.memory_space<vmem>>
      %dma_wait3A_55 = arith.constant 0 : i32
      %dma_wait3A_56 = arith.constant 0 : i32
      %dma_wait3A_57 = tpu.memref_slice %arg9[%dma_wait3A_55, %dma_wait3A_56] : memref<10016x128xbf16, #tpu.memory_space<vmem_shared>> -> memref<10016x128xbf16, #tpu.memory_space<vmem_shared>>
      tpu.wait_indirect_dma semaphore(%arg23 : memref<!tpu.dma_semaphore, #tpu.memory_space<semaphore_mem>>) src(%arg15 : memref<256x128xbf16, #tpu.memory_space<vmem>>) dst(%dma_wait3A_57 : memref<10016x128xbf16, #tpu.memory_space<vmem_shared>>)
      %barrier3A_58 = arith.constant 0 : index
      tpu.barrier barrier_id(%barrier3A_58)
      %mul3A_59 = arith.constant 625 : i32
      %mul3A_60 = arith.muli %arg1, %mul3A_59 : i32
      %mul3A_61 = arith.constant 625 : i32
      %mul3A_62 = arith.muli %arg1, %mul3A_61 : i32
      "tpu.region"() ({
        %run_scoped3A = tpu.sem_alloc : memref<!tpu.dma_semaphore, #tpu.memory_space<semaphore_mem>>
        %dma_start3A_63 = arith.constant 0 : i32
        %dma_start3A_64 = tpu.memref_slice %arg7[%mul3A_62, %dma_start3A_63] : memref<10000x128xbf16, #tpu.memory_space<hbm>> -> memref<625x128xbf16, #tpu.memory_space<hbm>>
        %dma_start3A_65 = arith.constant 0 : i32
        %dma_start3A_66 = tpu.memref_slice %arg9[%mul3A_60, %dma_start3A_65] : memref<10016x128xbf16, #tpu.memory_space<vmem_shared>> -> memref<625x128xbf16, #tpu.memory_space<vmem_shared>>
        tpu.enqueue_dma source(%dma_start3A_66 : memref<625x128xbf16, #tpu.memory_space<vmem_shared>>) target(%dma_start3A_64 : memref<625x128xbf16, #tpu.memory_space<hbm>>) target_semaphore(%run_scoped3A : memref<!tpu.dma_semaphore, #tpu.memory_space<semaphore_mem>>)
        %dma_wait3A_67 = arith.constant 0 : i32
        %dma_wait3A_68 = tpu.memref_slice %arg7[%mul3A_62, %dma_wait3A_67] : memref<10000x128xbf16, #tpu.memory_space<hbm>> -> memref<625x128xbf16, #tpu.memory_space<hbm>>
        %dma_wait3A_69 = arith.constant 0 : i32
        %dma_wait3A_70 = tpu.memref_slice %arg9[%mul3A_60, %dma_wait3A_69] : memref<10016x128xbf16, #tpu.memory_space<vmem_shared>> -> memref<625x128xbf16, #tpu.memory_space<vmem_shared>>
        tpu.wait_dma2 semaphore(%run_scoped3A : memref<!tpu.dma_semaphore, #tpu.memory_space<semaphore_mem>>) src(%dma_wait3A_70 : memref<625x128xbf16, #tpu.memory_space<vmem_shared>>) dst(%dma_wait3A_68 : memref<625x128xbf16, #tpu.memory_space<hbm>>)
        tpu.yield
      }) : () -> ()
    } else {
    }
    %eq3A_9 = arith.constant 1 : i32
    %eq3A_10 = arith.cmpi eq, %arg0, %eq3A_9 : i32
    %convert_element_type3A_11 = arith.extui %eq3A_10 : i1 to i32
    %cond3A_12 = arith.constant 0 : i32
    %cond3A_13 = arith.cmpi ne, %convert_element_type3A_11, %cond3A_12 : i32
    scf.if %cond3A_13 {
      %dma_start3A = arith.constant 0 : i32
      %dma_start3A_14 = arith.constant 0 : i32
      %dma_start3A_15 = tpu.memref_slice %arg10[%dma_start3A, %dma_start3A_14] : memref<40x256xi32, #tpu.memory_space<vmem>> -> memref<1x256xi32, #tpu.memory_space<vmem>>
      %dma_start3A_16 = tpu.memref_squeeze %dma_start3A_15 : memref<1x256xi32, #tpu.memory_space<vmem>> -> memref<256xi32, #tpu.memory_space<vmem>>
      %dma_start3A_17 = arith.constant 0 : i32
      %dma_start3A_18 = arith.constant 0 : i32
      %dma_start3A_19 = tpu.memref_slice %arg3[%dma_start3A_17, %dma_start3A_18] : memref<10000x128xbf16, #tpu.memory_space<hbm>> -> memref<10000x128xbf16, #tpu.memory_space<hbm>>
      tpu.enqueue_indirect_dma source(%dma_start3A_19 : memref<10000x128xbf16, #tpu.memory_space<hbm>>) target(%arg12 : memref<256x128xbf16, #tpu.memory_space<vmem>>) offsets(%dma_start3A_16 : memref<256xi32, #tpu.memory_space<vmem>>) semaphore(%arg16 : memref<!tpu.dma_semaphore, #tpu.memory_space<semaphore_mem>>)
      %dma_start3A_20 = arith.constant 1 : i32
      %dma_start3A_21 = arith.constant 0 : i32
      %dma_start3A_22 = tpu.memref_slice %arg10[%dma_start3A_20, %dma_start3A_21] : memref<40x256xi32, #tpu.memory_space<vmem>> -> memref<1x256xi32, #tpu.memory_space<vmem>>
      %dma_start3A_23 = tpu.memref_squeeze %dma_start3A_22 : memref<1x256xi32, #tpu.memory_space<vmem>> -> memref<256xi32, #tpu.memory_space<vmem>>
      %dma_start3A_24 = arith.constant 0 : i32
      %dma_start3A_25 = arith.constant 0 : i32
      %dma_start3A_26 = tpu.memref_slice %arg3[%dma_start3A_24, %dma_start3A_25] : memref<10000x128xbf16, #tpu.memory_space<hbm>> -> memref<10000x128xbf16, #tpu.memory_space<hbm>>
      tpu.enqueue_indirect_dma source(%dma_start3A_26 : memref<10000x128xbf16, #tpu.memory_space<hbm>>) target(%arg13 : memref<256x128xbf16, #tpu.memory_space<vmem>>) offsets(%dma_start3A_23 : memref<256xi32, #tpu.memory_space<vmem>>) semaphore(%arg17 : memref<!tpu.dma_semaphore, #tpu.memory_space<semaphore_mem>>)
      %scan3A = arith.constant 0 : i32
      %scan3A_27 = arith.constant 10 : i32
      %scan3A_28 = arith.addi %scan3A, %scan3A_27 : i32
      %scan3A_29 = arith.constant 1 : i32
      scf.for %scan3A_63 = %scan3A to %scan3A_28 step %scan3A_29  : i32 {
        %mul3A_64 = arith.constant 4 : i32
        %mul3A_65 = arith.muli %scan3A_63, %mul3A_64 : i32
        %add3A = arith.constant 0 : i32
        %add3A_66 = arith.addi %add3A, %mul3A_65 : i32
        %add3A_67 = arith.constant 0 : i32
        %add3A_68 = arith.addi %add3A_66, %add3A_67 : i32
        %add3A_69 = arith.constant 2 : i32
        %add3A_70 = arith.addi %add3A_68, %add3A_69 : i32
        %lt3A = arith.constant 40 : i32
        %lt3A_71 = arith.cmpi slt, %add3A_70, %lt3A : i32
        %convert_element_type3A_72 = arith.extui %lt3A_71 : i1 to i32
        %cond3A_73 = arith.constant 0 : i32
        %cond3A_74 = arith.cmpi ne, %convert_element_type3A_72, %cond3A_73 : i32
        scf.if %cond3A_74 {
          %ge3A = arith.constant 2 : i32
          %ge3A_154 = arith.cmpi sge, %add3A_68, %ge3A : i32
          %convert_element_type3A_155 = arith.extui %ge3A_154 : i1 to i32
          %cond3A_156 = arith.constant 0 : i32
          %cond3A_157 = arith.cmpi ne, %convert_element_type3A_155, %cond3A_156 : i32
          scf.if %cond3A_157 {
            %dma_wait3A_166 = arith.constant 0 : i32
            %dma_wait3A_167 = arith.constant 0 : i32
            %dma_wait3A_168 = tpu.memref_slice %arg11[%dma_wait3A_166, %dma_wait3A_167] : memref<40x256xi32, #tpu.memory_space<vmem>> -> memref<1x256xi32, #tpu.memory_space<vmem>>
            %dma_wait3A_169 = tpu.memref_squeeze %dma_wait3A_168 : memref<1x256xi32, #tpu.memory_space<vmem>> -> memref<256xi32, #tpu.memory_space<vmem>>
            %dma_wait3A_170 = arith.constant 0 : i32
            %dma_wait3A_171 = arith.constant 0 : i32
            %dma_wait3A_172 = tpu.memref_slice %arg9[%dma_wait3A_170, %dma_wait3A_171] : memref<10016x128xbf16, #tpu.memory_space<vmem_shared>> -> memref<10016x128xbf16, #tpu.memory_space<vmem_shared>>
            tpu.wait_indirect_dma semaphore(%arg22 : memref<!tpu.dma_semaphore, #tpu.memory_space<semaphore_mem>>) src(%arg14 : memref<256x128xbf16, #tpu.memory_space<vmem>>) dst(%dma_wait3A_172 : memref<10016x128xbf16, #tpu.memory_space<vmem_shared>>)
          } else {
          }
          %add3A_158 = arith.constant 2 : i32
          %add3A_159 = arith.addi %add3A_68, %add3A_158 : i32
          %dma_start3A_160 = arith.constant 0 : i32
          %dma_start3A_161 = tpu.memref_slice %arg10[%add3A_159, %dma_start3A_160] : memref<40x256xi32, #tpu.memory_space<vmem>> -> memref<1x256xi32, #tpu.memory_space<vmem>>
          %dma_start3A_162 = tpu.memref_squeeze %dma_start3A_161 : memref<1x256xi32, #tpu.memory_space<vmem>> -> memref<256xi32, #tpu.memory_space<vmem>>
          %dma_start3A_163 = arith.constant 0 : i32
          %dma_start3A_164 = arith.constant 0 : i32
          %dma_start3A_165 = tpu.memref_slice %arg3[%dma_start3A_163, %dma_start3A_164] : memref<10000x128xbf16, #tpu.memory_space<hbm>> -> memref<10000x128xbf16, #tpu.memory_space<hbm>>
          tpu.enqueue_indirect_dma source(%dma_start3A_165 : memref<10000x128xbf16, #tpu.memory_space<hbm>>) target(%arg14 : memref<256x128xbf16, #tpu.memory_space<vmem>>) offsets(%dma_start3A_162 : memref<256xi32, #tpu.memory_space<vmem>>) semaphore(%arg18 : memref<!tpu.dma_semaphore, #tpu.memory_space<semaphore_mem>>)
        } else {
        }
        %dma_wait3A_75 = arith.constant 0 : i32
        %dma_wait3A_76 = arith.constant 0 : i32
        %dma_wait3A_77 = tpu.memref_slice %arg10[%dma_wait3A_75, %dma_wait3A_76] : memref<40x256xi32, #tpu.memory_space<vmem>> -> memref<1x256xi32, #tpu.memory_space<vmem>>
        %dma_wait3A_78 = tpu.memref_squeeze %dma_wait3A_77 : memref<1x256xi32, #tpu.memory_space<vmem>> -> memref<256xi32, #tpu.memory_space<vmem>>
        %dma_wait3A_79 = arith.constant 0 : i32
        %dma_wait3A_80 = arith.constant 0 : i32
        %dma_wait3A_81 = tpu.memref_slice %arg3[%dma_wait3A_79, %dma_wait3A_80] : memref<10000x128xbf16, #tpu.memory_space<hbm>> -> memref<10000x128xbf16, #tpu.memory_space<hbm>>
        tpu.wait_indirect_dma semaphore(%arg16 : memref<!tpu.dma_semaphore, #tpu.memory_space<semaphore_mem>>) src(%dma_wait3A_81 : memref<10000x128xbf16, #tpu.memory_space<hbm>>) dst(%arg12 : memref<256x128xbf16, #tpu.memory_space<vmem>>)
        %dma_start3A_82 = arith.constant 0 : i32
        %dma_start3A_83 = tpu.memref_slice %arg11[%add3A_68, %dma_start3A_82] : memref<40x256xi32, #tpu.memory_space<vmem>> -> memref<1x256xi32, #tpu.memory_space<vmem>>
        %dma_start3A_84 = tpu.memref_squeeze %dma_start3A_83 : memref<1x256xi32, #tpu.memory_space<vmem>> -> memref<256xi32, #tpu.memory_space<vmem>>
        %dma_start3A_85 = arith.constant 0 : i32
        %dma_start3A_86 = arith.constant 0 : i32
        %dma_start3A_87 = tpu.memref_slice %arg9[%dma_start3A_85, %dma_start3A_86] : memref<10016x128xbf16, #tpu.memory_space<vmem_shared>> -> memref<10016x128xbf16, #tpu.memory_space<vmem_shared>>
        tpu.enqueue_indirect_dma source(%arg12 : memref<256x128xbf16, #tpu.memory_space<vmem>>) target(%dma_start3A_87 : memref<10016x128xbf16, #tpu.memory_space<vmem_shared>>) offsets(%dma_start3A_84 : memref<256xi32, #tpu.memory_space<vmem>>) semaphore(%arg20 : memref<!tpu.dma_semaphore, #tpu.memory_space<semaphore_mem>>) {add = true}
        %add3A_88 = arith.constant 1 : i32
        %add3A_89 = arith.addi %add3A_66, %add3A_88 : i32
        %add3A_90 = arith.constant 2 : i32
        %add3A_91 = arith.addi %add3A_89, %add3A_90 : i32
        %lt3A_92 = arith.constant 40 : i32
        %lt3A_93 = arith.cmpi slt, %add3A_91, %lt3A_92 : i32
        %convert_element_type3A_94 = arith.extui %lt3A_93 : i1 to i32
        %cond3A_95 = arith.constant 0 : i32
        %cond3A_96 = arith.cmpi ne, %convert_element_type3A_94, %cond3A_95 : i32
        scf.if %cond3A_96 {
          %ge3A = arith.constant 2 : i32
          %ge3A_154 = arith.cmpi sge, %add3A_89, %ge3A : i32
          %convert_element_type3A_155 = arith.extui %ge3A_154 : i1 to i32
          %cond3A_156 = arith.constant 0 : i32
          %cond3A_157 = arith.cmpi ne, %convert_element_type3A_155, %cond3A_156 : i32
          scf.if %cond3A_157 {
            %dma_wait3A_166 = arith.constant 0 : i32
            %dma_wait3A_167 = arith.constant 0 : i32
            %dma_wait3A_168 = tpu.memref_slice %arg11[%dma_wait3A_166, %dma_wait3A_167] : memref<40x256xi32, #tpu.memory_space<vmem>> -> memref<1x256xi32, #tpu.memory_space<vmem>>
            %dma_wait3A_169 = tpu.memref_squeeze %dma_wait3A_168 : memref<1x256xi32, #tpu.memory_space<vmem>> -> memref<256xi32, #tpu.memory_space<vmem>>
            %dma_wait3A_170 = arith.constant 0 : i32
            %dma_wait3A_171 = arith.constant 0 : i32
            %dma_wait3A_172 = tpu.memref_slice %arg9[%dma_wait3A_170, %dma_wait3A_171] : memref<10016x128xbf16, #tpu.memory_space<vmem_shared>> -> memref<10016x128xbf16, #tpu.memory_space<vmem_shared>>
            tpu.wait_indirect_dma semaphore(%arg23 : memref<!tpu.dma_semaphore, #tpu.memory_space<semaphore_mem>>) src(%arg15 : memref<256x128xbf16, #tpu.memory_space<vmem>>) dst(%dma_wait3A_172 : memref<10016x128xbf16, #tpu.memory_space<vmem_shared>>)
          } else {
          }
          %add3A_158 = arith.constant 2 : i32
          %add3A_159 = arith.addi %add3A_89, %add3A_158 : i32
          %dma_start3A_160 = arith.constant 0 : i32
          %dma_start3A_161 = tpu.memref_slice %arg10[%add3A_159, %dma_start3A_160] : memref<40x256xi32, #tpu.memory_space<vmem>> -> memref<1x256xi32, #tpu.memory_space<vmem>>
          %dma_start3A_162 = tpu.memref_squeeze %dma_start3A_161 : memref<1x256xi32, #tpu.memory_space<vmem>> -> memref<256xi32, #tpu.memory_space<vmem>>
          %dma_start3A_163 = arith.constant 0 : i32
          %dma_start3A_164 = arith.constant 0 : i32
          %dma_start3A_165 = tpu.memref_slice %arg3[%dma_start3A_163, %dma_start3A_164] : memref<10000x128xbf16, #tpu.memory_space<hbm>> -> memref<10000x128xbf16, #tpu.memory_space<hbm>>
          tpu.enqueue_indirect_dma source(%dma_start3A_165 : memref<10000x128xbf16, #tpu.memory_space<hbm>>) target(%arg15 : memref<256x128xbf16, #tpu.memory_space<vmem>>) offsets(%dma_start3A_162 : memref<256xi32, #tpu.memory_space<vmem>>) semaphore(%arg19 : memref<!tpu.dma_semaphore, #tpu.memory_space<semaphore_mem>>)
        } else {
        }
        %dma_wait3A_97 = arith.constant 0 : i32
        %dma_wait3A_98 = arith.constant 0 : i32
        %dma_wait3A_99 = tpu.memref_slice %arg10[%dma_wait3A_97, %dma_wait3A_98] : memref<40x256xi32, #tpu.memory_space<vmem>> -> memref<1x256xi32, #tpu.memory_space<vmem>>
        %dma_wait3A_100 = tpu.memref_squeeze %dma_wait3A_99 : memref<1x256xi32, #tpu.memory_space<vmem>> -> memref<256xi32, #tpu.memory_space<vmem>>
        %dma_wait3A_101 = arith.constant 0 : i32
        %dma_wait3A_102 = arith.constant 0 : i32
        %dma_wait3A_103 = tpu.memref_slice %arg3[%dma_wait3A_101, %dma_wait3A_102] : memref<10000x128xbf16, #tpu.memory_space<hbm>> -> memref<10000x128xbf16, #tpu.memory_space<hbm>>
        tpu.wait_indirect_dma semaphore(%arg17 : memref<!tpu.dma_semaphore, #tpu.memory_space<semaphore_mem>>) src(%dma_wait3A_103 : memref<10000x128xbf16, #tpu.memory_space<hbm>>) dst(%arg13 : memref<256x128xbf16, #tpu.memory_space<vmem>>)
        %dma_start3A_104 = arith.constant 0 : i32
        %dma_start3A_105 = tpu.memref_slice %arg11[%add3A_89, %dma_start3A_104] : memref<40x256xi32, #tpu.memory_space<vmem>> -> memref<1x256xi32, #tpu.memory_space<vmem>>
        %dma_start3A_106 = tpu.memref_squeeze %dma_start3A_105 : memref<1x256xi32, #tpu.memory_space<vmem>> -> memref<256xi32, #tpu.memory_space<vmem>>
        %dma_start3A_107 = arith.constant 0 : i32
        %dma_start3A_108 = arith.constant 0 : i32
        %dma_start3A_109 = tpu.memref_slice %arg9[%dma_start3A_107, %dma_start3A_108] : memref<10016x128xbf16, #tpu.memory_space<vmem_shared>> -> memref<10016x128xbf16, #tpu.memory_space<vmem_shared>>
        tpu.enqueue_indirect_dma source(%arg13 : memref<256x128xbf16, #tpu.memory_space<vmem>>) target(%dma_start3A_109 : memref<10016x128xbf16, #tpu.memory_space<vmem_shared>>) offsets(%dma_start3A_106 : memref<256xi32, #tpu.memory_space<vmem>>) semaphore(%arg21 : memref<!tpu.dma_semaphore, #tpu.memory_space<semaphore_mem>>) {add = true}
        %add3A_110 = arith.constant 2 : i32
        %add3A_111 = arith.addi %add3A_66, %add3A_110 : i32
        %add3A_112 = arith.constant 2 : i32
        %add3A_113 = arith.addi %add3A_111, %add3A_112 : i32
        %lt3A_114 = arith.constant 40 : i32
        %lt3A_115 = arith.cmpi slt, %add3A_113, %lt3A_114 : i32
        %convert_element_type3A_116 = arith.extui %lt3A_115 : i1 to i32
        %cond3A_117 = arith.constant 0 : i32
        %cond3A_118 = arith.cmpi ne, %convert_element_type3A_116, %cond3A_117 : i32
        scf.if %cond3A_118 {
          %ge3A = arith.constant 2 : i32
          %ge3A_154 = arith.cmpi sge, %add3A_111, %ge3A : i32
          %convert_element_type3A_155 = arith.extui %ge3A_154 : i1 to i32
          %cond3A_156 = arith.constant 0 : i32
          %cond3A_157 = arith.cmpi ne, %convert_element_type3A_155, %cond3A_156 : i32
          scf.if %cond3A_157 {
            %dma_wait3A_166 = arith.constant 0 : i32
            %dma_wait3A_167 = arith.constant 0 : i32
            %dma_wait3A_168 = tpu.memref_slice %arg11[%dma_wait3A_166, %dma_wait3A_167] : memref<40x256xi32, #tpu.memory_space<vmem>> -> memref<1x256xi32, #tpu.memory_space<vmem>>
            %dma_wait3A_169 = tpu.memref_squeeze %dma_wait3A_168 : memref<1x256xi32, #tpu.memory_space<vmem>> -> memref<256xi32, #tpu.memory_space<vmem>>
            %dma_wait3A_170 = arith.constant 0 : i32
            %dma_wait3A_171 = arith.constant 0 : i32
            %dma_wait3A_172 = tpu.memref_slice %arg9[%dma_wait3A_170, %dma_wait3A_171] : memref<10016x128xbf16, #tpu.memory_space<vmem_shared>> -> memref<10016x128xbf16, #tpu.memory_space<vmem_shared>>
            tpu.wait_indirect_dma semaphore(%arg20 : memref<!tpu.dma_semaphore, #tpu.memory_space<semaphore_mem>>) src(%arg12 : memref<256x128xbf16, #tpu.memory_space<vmem>>) dst(%dma_wait3A_172 : memref<10016x128xbf16, #tpu.memory_space<vmem_shared>>)
          } else {
          }
          %add3A_158 = arith.constant 2 : i32
          %add3A_159 = arith.addi %add3A_111, %add3A_158 : i32
          %dma_start3A_160 = arith.constant 0 : i32
          %dma_start3A_161 = tpu.memref_slice %arg10[%add3A_159, %dma_start3A_160] : memref<40x256xi32, #tpu.memory_space<vmem>> -> memref<1x256xi32, #tpu.memory_space<vmem>>
          %dma_start3A_162 = tpu.memref_squeeze %dma_start3A_161 : memref<1x256xi32, #tpu.memory_space<vmem>> -> memref<256xi32, #tpu.memory_space<vmem>>
          %dma_start3A_163 = arith.constant 0 : i32
          %dma_start3A_164 = arith.constant 0 : i32
          %dma_start3A_165 = tpu.memref_slice %arg3[%dma_start3A_163, %dma_start3A_164] : memref<10000x128xbf16, #tpu.memory_space<hbm>> -> memref<10000x128xbf16, #tpu.memory_space<hbm>>
          tpu.enqueue_indirect_dma source(%dma_start3A_165 : memref<10000x128xbf16, #tpu.memory_space<hbm>>) target(%arg12 : memref<256x128xbf16, #tpu.memory_space<vmem>>) offsets(%dma_start3A_162 : memref<256xi32, #tpu.memory_space<vmem>>) semaphore(%arg16 : memref<!tpu.dma_semaphore, #tpu.memory_space<semaphore_mem>>)
        } else {
        }
        %dma_wait3A_119 = arith.constant 0 : i32
        %dma_wait3A_120 = arith.constant 0 : i32
        %dma_wait3A_121 = tpu.memref_slice %arg10[%dma_wait3A_119, %dma_wait3A_120] : memref<40x256xi32, #tpu.memory_space<vmem>> -> memref<1x256xi32, #tpu.memory_space<vmem>>
        %dma_wait3A_122 = tpu.memref_squeeze %dma_wait3A_121 : memref<1x256xi32, #tpu.memory_space<vmem>> -> memref<256xi32, #tpu.memory_space<vmem>>
        %dma_wait3A_123 = arith.constant 0 : i32
        %dma_wait3A_124 = arith.constant 0 : i32
        %dma_wait3A_125 = tpu.memref_slice %arg3[%dma_wait3A_123, %dma_wait3A_124] : memref<10000x128xbf16, #tpu.memory_space<hbm>> -> memref<10000x128xbf16, #tpu.memory_space<hbm>>
        tpu.wait_indirect_dma semaphore(%arg18 : memref<!tpu.dma_semaphore, #tpu.memory_space<semaphore_mem>>) src(%dma_wait3A_125 : memref<10000x128xbf16, #tpu.memory_space<hbm>>) dst(%arg14 : memref<256x128xbf16, #tpu.memory_space<vmem>>)
        %dma_start3A_126 = arith.constant 0 : i32
        %dma_start3A_127 = tpu.memref_slice %arg11[%add3A_111, %dma_start3A_126] : memref<40x256xi32, #tpu.memory_space<vmem>> -> memref<1x256xi32, #tpu.memory_space<vmem>>
        %dma_start3A_128 = tpu.memref_squeeze %dma_start3A_127 : memref<1x256xi32, #tpu.memory_space<vmem>> -> memref<256xi32, #tpu.memory_space<vmem>>
        %dma_start3A_129 = arith.constant 0 : i32
        %dma_start3A_130 = arith.constant 0 : i32
        %dma_start3A_131 = tpu.memref_slice %arg9[%dma_start3A_129, %dma_start3A_130] : memref<10016x128xbf16, #tpu.memory_space<vmem_shared>> -> memref<10016x128xbf16, #tpu.memory_space<vmem_shared>>
        tpu.enqueue_indirect_dma source(%arg14 : memref<256x128xbf16, #tpu.memory_space<vmem>>) target(%dma_start3A_131 : memref<10016x128xbf16, #tpu.memory_space<vmem_shared>>) offsets(%dma_start3A_128 : memref<256xi32, #tpu.memory_space<vmem>>) semaphore(%arg22 : memref<!tpu.dma_semaphore, #tpu.memory_space<semaphore_mem>>) {add = true}
        %add3A_132 = arith.constant 3 : i32
        %add3A_133 = arith.addi %add3A_66, %add3A_132 : i32
        %add3A_134 = arith.constant 2 : i32
        %add3A_135 = arith.addi %add3A_133, %add3A_134 : i32
        %lt3A_136 = arith.constant 40 : i32
        %lt3A_137 = arith.cmpi slt, %add3A_135, %lt3A_136 : i32
        %convert_element_type3A_138 = arith.extui %lt3A_137 : i1 to i32
        %cond3A_139 = arith.constant 0 : i32
        %cond3A_140 = arith.cmpi ne, %convert_element_type3A_138, %cond3A_139 : i32
        scf.if %cond3A_140 {
          %ge3A = arith.constant 2 : i32
          %ge3A_154 = arith.cmpi sge, %add3A_133, %ge3A : i32
          %convert_element_type3A_155 = arith.extui %ge3A_154 : i1 to i32
          %cond3A_156 = arith.constant 0 : i32
          %cond3A_157 = arith.cmpi ne, %convert_element_type3A_155, %cond3A_156 : i32
          scf.if %cond3A_157 {
            %dma_wait3A_166 = arith.constant 0 : i32
            %dma_wait3A_167 = arith.constant 0 : i32
            %dma_wait3A_168 = tpu.memref_slice %arg11[%dma_wait3A_166, %dma_wait3A_167] : memref<40x256xi32, #tpu.memory_space<vmem>> -> memref<1x256xi32, #tpu.memory_space<vmem>>
            %dma_wait3A_169 = tpu.memref_squeeze %dma_wait3A_168 : memref<1x256xi32, #tpu.memory_space<vmem>> -> memref<256xi32, #tpu.memory_space<vmem>>
            %dma_wait3A_170 = arith.constant 0 : i32
            %dma_wait3A_171 = arith.constant 0 : i32
            %dma_wait3A_172 = tpu.memref_slice %arg9[%dma_wait3A_170, %dma_wait3A_171] : memref<10016x128xbf16, #tpu.memory_space<vmem_shared>> -> memref<10016x128xbf16, #tpu.memory_space<vmem_shared>>
            tpu.wait_indirect_dma semaphore(%arg21 : memref<!tpu.dma_semaphore, #tpu.memory_space<semaphore_mem>>) src(%arg13 : memref<256x128xbf16, #tpu.memory_space<vmem>>) dst(%dma_wait3A_172 : memref<10016x128xbf16, #tpu.memory_space<vmem_shared>>)
          } else {
          }
          %add3A_158 = arith.constant 2 : i32
          %add3A_159 = arith.addi %add3A_133, %add3A_158 : i32
          %dma_start3A_160 = arith.constant 0 : i32
          %dma_start3A_161 = tpu.memref_slice %arg10[%add3A_159, %dma_start3A_160] : memref<40x256xi32, #tpu.memory_space<vmem>> -> memref<1x256xi32, #tpu.memory_space<vmem>>
          %dma_start3A_162 = tpu.memref_squeeze %dma_start3A_161 : memref<1x256xi32, #tpu.memory_space<vmem>> -> memref<256xi32, #tpu.memory_space<vmem>>
          %dma_start3A_163 = arith.constant 0 : i32
          %dma_start3A_164 = arith.constant 0 : i32
          %dma_start3A_165 = tpu.memref_slice %arg3[%dma_start3A_163, %dma_start3A_164] : memref<10000x128xbf16, #tpu.memory_space<hbm>> -> memref<10000x128xbf16, #tpu.memory_space<hbm>>
          tpu.enqueue_indirect_dma source(%dma_start3A_165 : memref<10000x128xbf16, #tpu.memory_space<hbm>>) target(%arg13 : memref<256x128xbf16, #tpu.memory_space<vmem>>) offsets(%dma_start3A_162 : memref<256xi32, #tpu.memory_space<vmem>>) semaphore(%arg17 : memref<!tpu.dma_semaphore, #tpu.memory_space<semaphore_mem>>)
        } else {
        }
        %dma_wait3A_141 = arith.constant 0 : i32
        %dma_wait3A_142 = arith.constant 0 : i32
        %dma_wait3A_143 = tpu.memref_slice %arg10[%dma_wait3A_141, %dma_wait3A_142] : memref<40x256xi32, #tpu.memory_space<vmem>> -> memref<1x256xi32, #tpu.memory_space<vmem>>
        %dma_wait3A_144 = tpu.memref_squeeze %dma_wait3A_143 : memref<1x256xi32, #tpu.memory_space<vmem>> -> memref<256xi32, #tpu.memory_space<vmem>>
        %dma_wait3A_145 = arith.constant 0 : i32
        %dma_wait3A_146 = arith.constant 0 : i32
        %dma_wait3A_147 = tpu.memref_slice %arg3[%dma_wait3A_145, %dma_wait3A_146] : memref<10000x128xbf16, #tpu.memory_space<hbm>> -> memref<10000x128xbf16, #tpu.memory_space<hbm>>
        tpu.wait_indirect_dma semaphore(%arg19 : memref<!tpu.dma_semaphore, #tpu.memory_space<semaphore_mem>>) src(%dma_wait3A_147 : memref<10000x128xbf16, #tpu.memory_space<hbm>>) dst(%arg15 : memref<256x128xbf16, #tpu.memory_space<vmem>>)
        %dma_start3A_148 = arith.constant 0 : i32
        %dma_start3A_149 = tpu.memref_slice %arg11[%add3A_133, %dma_start3A_148] : memref<40x256xi32, #tpu.memory_space<vmem>> -> memref<1x256xi32, #tpu.memory_space<vmem>>
        %dma_start3A_150 = tpu.memref_squeeze %dma_start3A_149 : memref<1x256xi32, #tpu.memory_space<vmem>> -> memref<256xi32, #tpu.memory_space<vmem>>
        %dma_start3A_151 = arith.constant 0 : i32
        %dma_start3A_152 = arith.constant 0 : i32
        %dma_start3A_153 = tpu.memref_slice %arg9[%dma_start3A_151, %dma_start3A_152] : memref<10016x128xbf16, #tpu.memory_space<vmem_shared>> -> memref<10016x128xbf16, #tpu.memory_space<vmem_shared>>
        tpu.enqueue_indirect_dma source(%arg15 : memref<256x128xbf16, #tpu.memory_space<vmem>>) target(%dma_start3A_153 : memref<10016x128xbf16, #tpu.memory_space<vmem_shared>>) offsets(%dma_start3A_150 : memref<256xi32, #tpu.memory_space<vmem>>) semaphore(%arg23 : memref<!tpu.dma_semaphore, #tpu.memory_space<semaphore_mem>>) {add = true}
      }
      %scan3A_30 = arith.constant 10 : i32
      %dma_wait3A = arith.constant 0 : i32
      %dma_wait3A_31 = arith.constant 0 : i32
      %dma_wait3A_32 = tpu.memref_slice %arg11[%dma_wait3A, %dma_wait3A_31] : memref<40x256xi32, #tpu.memory_space<vmem>> -> memref<1x256xi32, #tpu.memory_space<vmem>>
      %dma_wait3A_33 = tpu.memref_squeeze %dma_wait3A_32 : memref<1x256xi32, #tpu.memory_space<vmem>> -> memref<256xi32, #tpu.memory_space<vmem>>
      %dma_wait3A_34 = arith.constant 0 : i32
      %dma_wait3A_35 = arith.constant 0 : i32
      %dma_wait3A_36 = tpu.memref_slice %arg9[%dma_wait3A_34, %dma_wait3A_35] : memref<10016x128xbf16, #tpu.memory_space<vmem_shared>> -> memref<10016x128xbf16, #tpu.memory_space<vmem_shared>>
      tpu.wait_indirect_dma semaphore(%arg20 : memref<!tpu.dma_semaphore, #tpu.memory_space<semaphore_mem>>) src(%arg12 : memref<256x128xbf16, #tpu.memory_space<vmem>>) dst(%dma_wait3A_36 : memref<10016x128xbf16, #tpu.memory_space<vmem_shared>>)
      %dma_wait3A_37 = arith.constant 0 : i32
      %dma_wait3A_38 = arith.constant 0 : i32
      %dma_wait3A_39 = tpu.memref_slice %arg11[%dma_wait3A_37, %dma_wait3A_38] : memref<40x256xi32, #tpu.memory_space<vmem>> -> memref<1x256xi32, #tpu.memory_space<vmem>>
      %dma_wait3A_40 = tpu.memref_squeeze %dma_wait3A_39 : memref<1x256xi32, #tpu.memory_space<vmem>> -> memref<256xi32, #tpu.memory_space<vmem>>
      %dma_wait3A_41 = arith.constant 0 : i32
      %dma_wait3A_42 = arith.constant 0 : i32
      %dma_wait3A_43 = tpu.memref_slice %arg9[%dma_wait3A_41, %dma_wait3A_42] : memref<10016x128xbf16, #tpu.memory_space<vmem_shared>> -> memref<10016x128xbf16, #tpu.memory_space<vmem_shared>>
      tpu.wait_indirect_dma semaphore(%arg21 : memref<!tpu.dma_semaphore, #tpu.memory_space<semaphore_mem>>) src(%arg13 : memref<256x128xbf16, #tpu.memory_space<vmem>>) dst(%dma_wait3A_43 : memref<10016x128xbf16, #tpu.memory_space<vmem_shared>>)
      %dma_wait3A_44 = arith.constant 0 : i32
      %dma_wait3A_45 = arith.constant 0 : i32
      %dma_wait3A_46 = tpu.memref_slice %arg11[%dma_wait3A_44, %dma_wait3A_45] : memref<40x256xi32, #tpu.memory_space<vmem>> -> memref<1x256xi32, #tpu.memory_space<vmem>>
      %dma_wait3A_47 = tpu.memref_squeeze %dma_wait3A_46 : memref<1x256xi32, #tpu.memory_space<vmem>> -> memref<256xi32, #tpu.memory_space<vmem>>
      %dma_wait3A_48 = arith.constant 0 : i32
      %dma_wait3A_49 = arith.constant 0 : i32
      %dma_wait3A_50 = tpu.memref_slice %arg9[%dma_wait3A_48, %dma_wait3A_49] : memref<10016x128xbf16, #tpu.memory_space<vmem_shared>> -> memref<10016x128xbf16, #tpu.memory_space<vmem_shared>>
      tpu.wait_indirect_dma semaphore(%arg22 : memref<!tpu.dma_semaphore, #tpu.memory_space<semaphore_mem>>) src(%arg14 : memref<256x128xbf16, #tpu.memory_space<vmem>>) dst(%dma_wait3A_50 : memref<10016x128xbf16, #tpu.memory_space<vmem_shared>>)
      %dma_wait3A_51 = arith.constant 0 : i32
      %dma_wait3A_52 = arith.constant 0 : i32
      %dma_wait3A_53 = tpu.memref_slice %arg11[%dma_wait3A_51, %dma_wait3A_52] : memref<40x256xi32, #tpu.memory_space<vmem>> -> memref<1x256xi32, #tpu.memory_space<vmem>>
      %dma_wait3A_54 = tpu.memref_squeeze %dma_wait3A_53 : memref<1x256xi32, #tpu.memory_space<vmem>> -> memref<256xi32, #tpu.memory_space<vmem>>
      %dma_wait3A_55 = arith.constant 0 : i32
      %dma_wait3A_56 = arith.constant 0 : i32
      %dma_wait3A_57 = tpu.memref_slice %arg9[%dma_wait3A_55, %dma_wait3A_56] : memref<10016x128xbf16, #tpu.memory_space<vmem_shared>> -> memref<10016x128xbf16, #tpu.memory_space<vmem_shared>>
      tpu.wait_indirect_dma semaphore(%arg23 : memref<!tpu.dma_semaphore, #tpu.memory_space<semaphore_mem>>) src(%arg15 : memref<256x128xbf16, #tpu.memory_space<vmem>>) dst(%dma_wait3A_57 : memref<10016x128xbf16, #tpu.memory_space<vmem_shared>>)
      %barrier3A_58 = arith.constant 0 : index
      tpu.barrier barrier_id(%barrier3A_58)
      %mul3A_59 = arith.constant 625 : i32
      %mul3A_60 = arith.muli %arg1, %mul3A_59 : i32
      %mul3A_61 = arith.constant 625 : i32
      %mul3A_62 = arith.muli %arg1, %mul3A_61 : i32
      "tpu.region"() ({
        %run_scoped3A = tpu.sem_alloc : memref<!tpu.dma_semaphore, #tpu.memory_space<semaphore_mem>>
        %dma_start3A_63 = arith.constant 0 : i32
        %dma_start3A_64 = tpu.memref_slice %arg8[%mul3A_62, %dma_start3A_63] : memref<10000x128xbf16, #tpu.memory_space<hbm>> -> memref<625x128xbf16, #tpu.memory_space<hbm>>
        %dma_start3A_65 = arith.constant 0 : i32
        %dma_start3A_66 = tpu.memref_slice %arg9[%mul3A_60, %dma_start3A_65] : memref<10016x128xbf16, #tpu.memory_space<vmem_shared>> -> memref<625x128xbf16, #tpu.memory_space<vmem_shared>>
        tpu.enqueue_dma source(%dma_start3A_66 : memref<625x128xbf16, #tpu.memory_space<vmem_shared>>) target(%dma_start3A_64 : memref<625x128xbf16, #tpu.memory_space<hbm>>) target_semaphore(%run_scoped3A : memref<!tpu.dma_semaphore, #tpu.memory_space<semaphore_mem>>)
        %dma_wait3A_67 = arith.constant 0 : i32
        %dma_wait3A_68 = tpu.memref_slice %arg8[%mul3A_62, %dma_wait3A_67] : memref<10000x128xbf16, #tpu.memory_space<hbm>> -> memref<625x128xbf16, #tpu.memory_space<hbm>>
        %dma_wait3A_69 = arith.constant 0 : i32
        %dma_wait3A_70 = tpu.memref_slice %arg9[%mul3A_60, %dma_wait3A_69] : memref<10016x128xbf16, #tpu.memory_space<vmem_shared>> -> memref<625x128xbf16, #tpu.memory_space<vmem_shared>>
        tpu.wait_dma2 semaphore(%run_scoped3A : memref<!tpu.dma_semaphore, #tpu.memory_space<semaphore_mem>>) src(%dma_wait3A_70 : memref<625x128xbf16, #tpu.memory_space<vmem_shared>>) dst(%dma_wait3A_68 : memref<625x128xbf16, #tpu.memory_space<hbm>>)
        tpu.yield
      }) : () -> ()
    } else {
    }
    return
  }
}

#map = affine_map<(d0, d1) -> (0, 0)>
module attributes {stable_mosaic.version = 14 : i64} {
  func.func @_seg_sum(%arg0: i32, %arg1: i32, %arg2: memref<10000x128xbf16, #tpu.memory_space<hbm>>, %arg3: memref<10000x128xbf16, #tpu.memory_space<hbm>>, %arg4: memref<640x256xi32, #tpu.memory_space<hbm>>, %arg5: memref<640x256xi32, #tpu.memory_space<hbm>>, %arg6: memref<10016x128xbf16, #tpu.memory_space<hbm>>, %arg7: memref<10000x128xbf16, #tpu.memory_space<hbm>>, %arg8: memref<10000x128xbf16, #tpu.memory_space<hbm>>, %arg9: memref<10016x128xbf16, #tpu.memory_space<vmem_shared>>, %arg10: memref<40x256xi32, #tpu.memory_space<vmem>>, %arg11: memref<40x256xi32, #tpu.memory_space<vmem>>, %arg12: memref<256x128xbf16, #tpu.memory_space<vmem>>, %arg13: memref<256x128xbf16, #tpu.memory_space<vmem>>, %arg14: memref<256x128xbf16, #tpu.memory_space<vmem>>, %arg15: memref<256x128xbf16, #tpu.memory_space<vmem>>, %arg16: memref<!tpu.dma_semaphore, #tpu.memory_space<semaphore_mem>>, %arg17: memref<!tpu.dma_semaphore, #tpu.memory_space<semaphore_mem>>, %arg18: memref<!tpu.dma_semaphore, #tpu.memory_space<semaphore_mem>>, %arg19: memref<!tpu.dma_semaphore, #tpu.memory_space<semaphore_mem>>, %arg20: memref<!tpu.dma_semaphore, #tpu.memory_space<semaphore_mem>>, %arg21: memref<!tpu.dma_semaphore, #tpu.memory_space<semaphore_mem>>, %arg22: memref<!tpu.dma_semaphore, #tpu.memory_space<semaphore_mem>>, %arg23: memref<!tpu.dma_semaphore, #tpu.memory_space<semaphore_mem>>) attributes {dimension_semantics = [#tpu.dimension_semantics<core_parallel>, #tpu.dimension_semantics<subcore_parallel>], iteration_bounds = array<i64: 2, 16>, scalar_prefetch = 0 : i64, scratch_operands = 15 : i64, tpu.core_type = #tpu.core_type<sc_vector_subcore>, window_params = [{transform_indices = #map}, {transform_indices = #map}, {transform_indices = #map}, {transform_indices = #map}, {transform_indices = #map}, {transform_indices = #map}, {transform_indices = #map}]} {
    %mul3A = arith.constant 626 : i32
    %mul3A_0 = arith.muli %arg1, %mul3A : i32
    %mul3A_1 = arith.constant 626 : i32
    %mul3A_2 = arith.muli %arg1, %mul3A_1 : i32
    "tpu.region"() ({
      %run_scoped3A = tpu.sem_alloc : memref<!tpu.dma_semaphore, #tpu.memory_space<semaphore_mem>>
      %dma_start3A = arith.constant 0 : i32
      %dma_start3A_14 = tpu.memref_slice %arg9[%mul3A_2, %dma_start3A] : memref<10016x128xbf16, #tpu.memory_space<vmem_shared>> -> memref<626x128xbf16, #tpu.memory_space<vmem_shared>>
      %dma_start3A_15 = arith.constant 0 : i32
      %dma_start3A_16 = tpu.memref_slice %arg6[%mul3A_0, %dma_start3A_15] : memref<10016x128xbf16, #tpu.memory_space<hbm>> -> memref<626x128xbf16, #tpu.memory_space<hbm>>
      tpu.enqueue_dma source(%dma_start3A_16 : memref<626x128xbf16, #tpu.memory_space<hbm>>) target(%dma_start3A_14 : memref<626x128xbf16, #tpu.memory_space<vmem_shared>>) target_semaphore(%run_scoped3A : memref<!tpu.dma_semaphore, #tpu.memory_space<semaphore_mem>>)
      %dma_wait3A = arith.constant 0 : i32
      %dma_wait3A_17 = tpu.memref_slice %arg9[%mul3A_2, %dma_wait3A] : memref<10016x128xbf16, #tpu.memory_space<vmem_shared>> -> memref<626x128xbf16, #tpu.memory_space<vmem_shared>>
      %dma_wait3A_18 = arith.constant 0 : i32
      %dma_wait3A_19 = tpu.memref_slice %arg6[%mul3A_0, %dma_wait3A_18] : memref<10016x128xbf16, #tpu.memory_space<hbm>> -> memref<626x128xbf16, #tpu.memory_space<hbm>>
      tpu.wait_dma2 semaphore(%run_scoped3A : memref<!tpu.dma_semaphore, #tpu.memory_space<semaphore_mem>>) src(%dma_wait3A_19 : memref<626x128xbf16, #tpu.memory_space<hbm>>) dst(%dma_wait3A_17 : memref<626x128xbf16, #tpu.memory_space<vmem_shared>>)
      tpu.yield
    }) : () -> ()
    %mul3A_3 = arith.constant 40 : i32
    %mul3A_4 = arith.muli %arg1, %mul3A_3 : i32
    "tpu.region"() ({
      %run_scoped3A = tpu.sem_alloc : memref<!tpu.dma_semaphore, #tpu.memory_space<semaphore_mem>>
      %dma_start3A = arith.constant 0 : i32
      %dma_start3A_14 = tpu.memref_slice %arg4[%mul3A_4, %dma_start3A] : memref<640x256xi32, #tpu.memory_space<hbm>> -> memref<40x256xi32, #tpu.memory_space<hbm>>
      %dma_start3A_15 = arith.constant 0 : i32
      %dma_start3A_16 = tpu.memref_slice %arg4[%mul3A_4, %dma_start3A_15] : memref<640x256xi32, #tpu.memory_space<hbm>> -> memref<40x256xi32, #tpu.memory_space<hbm>>
      tpu.enqueue_dma source(%dma_start3A_16 : memref<40x256xi32, #tpu.memory_space<hbm>>) target(%arg10 : memref<40x256xi32, #tpu.memory_space<vmem>>) target_semaphore(%run_scoped3A : memref<!tpu.dma_semaphore, #tpu.memory_space<semaphore_mem>>)
      %dma_wait3A = arith.constant 0 : i32
      %dma_wait3A_17 = tpu.memref_slice %arg4[%mul3A_4, %dma_wait3A] : memref<640x256xi32, #tpu.memory_space<hbm>> -> memref<40x256xi32, #tpu.memory_space<hbm>>
      %dma_wait3A_18 = arith.constant 0 : i32
      %dma_wait3A_19 = tpu.memref_slice %arg4[%mul3A_4, %dma_wait3A_18] : memref<640x256xi32, #tpu.memory_space<hbm>> -> memref<40x256xi32, #tpu.memory_space<hbm>>
      tpu.wait_dma2 semaphore(%run_scoped3A : memref<!tpu.dma_semaphore, #tpu.memory_space<semaphore_mem>>) src(%dma_wait3A_19 : memref<40x256xi32, #tpu.memory_space<hbm>>) dst(%arg10 : memref<40x256xi32, #tpu.memory_space<vmem>>)
      tpu.yield
    }) : () -> ()
    %mul3A_5 = arith.constant 40 : i32
    %mul3A_6 = arith.muli %arg1, %mul3A_5 : i32
    "tpu.region"() ({
      %run_scoped3A = tpu.sem_alloc : memref<!tpu.dma_semaphore, #tpu.memory_space<semaphore_mem>>
      %dma_start3A = arith.constant 0 : i32
      %dma_start3A_14 = tpu.memref_slice %arg5[%mul3A_6, %dma_start3A] : memref<640x256xi32, #tpu.memory_space<hbm>> -> memref<40x256xi32, #tpu.memory_space<hbm>>
      %dma_start3A_15 = arith.constant 0 : i32
      %dma_start3A_16 = tpu.memref_slice %arg5[%mul3A_6, %dma_start3A_15] : memref<640x256xi32, #tpu.memory_space<hbm>> -> memref<40x256xi32, #tpu.memory_space<hbm>>
      tpu.enqueue_dma source(%dma_start3A_16 : memref<40x256xi32, #tpu.memory_space<hbm>>) target(%arg11 : memref<40x256xi32, #tpu.memory_space<vmem>>) target_semaphore(%run_scoped3A : memref<!tpu.dma_semaphore, #tpu.memory_space<semaphore_mem>>)
      %dma_wait3A = arith.constant 0 : i32
      %dma_wait3A_17 = tpu.memref_slice %arg5[%mul3A_6, %dma_wait3A] : memref<640x256xi32, #tpu.memory_space<hbm>> -> memref<40x256xi32, #tpu.memory_space<hbm>>
      %dma_wait3A_18 = arith.constant 0 : i32
      %dma_wait3A_19 = tpu.memref_slice %arg5[%mul3A_6, %dma_wait3A_18] : memref<640x256xi32, #tpu.memory_space<hbm>> -> memref<40x256xi32, #tpu.memory_space<hbm>>
      tpu.wait_dma2 semaphore(%run_scoped3A : memref<!tpu.dma_semaphore, #tpu.memory_space<semaphore_mem>>) src(%dma_wait3A_19 : memref<40x256xi32, #tpu.memory_space<hbm>>) dst(%arg11 : memref<40x256xi32, #tpu.memory_space<vmem>>)
      tpu.yield
    }) : () -> ()
    %barrier3A = arith.constant 0 : index
    tpu.barrier barrier_id(%barrier3A)
    %eq3A = arith.constant 0 : i32
    %eq3A_7 = arith.cmpi eq, %arg0, %eq3A : i32
    %convert_element_type3A = arith.extui %eq3A_7 : i1 to i32
    %cond3A = arith.constant 0 : i32
    %cond3A_8 = arith.cmpi ne, %convert_element_type3A, %cond3A : i32
    scf.if %cond3A_8 {
      %dma_start3A = arith.constant 0 : i32
      %dma_start3A_14 = arith.constant 0 : i32
      %dma_start3A_15 = tpu.memref_slice %arg10[%dma_start3A, %dma_start3A_14] : memref<40x256xi32, #tpu.memory_space<vmem>> -> memref<1x256xi32, #tpu.memory_space<vmem>>
      %dma_start3A_16 = tpu.memref_squeeze %dma_start3A_15 : memref<1x256xi32, #tpu.memory_space<vmem>> -> memref<256xi32, #tpu.memory_space<vmem>>
      %dma_start3A_17 = arith.constant 0 : i32
      %dma_start3A_18 = arith.constant 0 : i32
      %dma_start3A_19 = tpu.memref_slice %arg2[%dma_start3A_17, %dma_start3A_18] : memref<10000x128xbf16, #tpu.memory_space<hbm>> -> memref<10000x128xbf16, #tpu.memory_space<hbm>>
      tpu.enqueue_indirect_dma source(%dma_start3A_19 : memref<10000x128xbf16, #tpu.memory_space<hbm>>) target(%arg12 : memref<256x128xbf16, #tpu.memory_space<vmem>>) offsets(%dma_start3A_16 : memref<256xi32, #tpu.memory_space<vmem>>) semaphore(%arg16 : memref<!tpu.dma_semaphore, #tpu.memory_space<semaphore_mem>>)
      %dma_start3A_20 = arith.constant 1 : i32
      %dma_start3A_21 = arith.constant 0 : i32
      %dma_start3A_22 = tpu.memref_slice %arg10[%dma_start3A_20, %dma_start3A_21] : memref<40x256xi32, #tpu.memory_space<vmem>> -> memref<1x256xi32, #tpu.memory_space<vmem>>
      %dma_start3A_23 = tpu.memref_squeeze %dma_start3A_22 : memref<1x256xi32, #tpu.memory_space<vmem>> -> memref<256xi32, #tpu.memory_space<vmem>>
      %dma_start3A_24 = arith.constant 0 : i32
      %dma_start3A_25 = arith.constant 0 : i32
      %dma_start3A_26 = tpu.memref_slice %arg2[%dma_start3A_24, %dma_start3A_25] : memref<10000x128xbf16, #tpu.memory_space<hbm>> -> memref<10000x128xbf16, #tpu.memory_space<hbm>>
      tpu.enqueue_indirect_dma source(%dma_start3A_26 : memref<10000x128xbf16, #tpu.memory_space<hbm>>) target(%arg13 : memref<256x128xbf16, #tpu.memory_space<vmem>>) offsets(%dma_start3A_23 : memref<256xi32, #tpu.memory_space<vmem>>) semaphore(%arg17 : memref<!tpu.dma_semaphore, #tpu.memory_space<semaphore_mem>>)
      %scan3A = arith.constant 0 : i32
      %scan3A_27 = arith.constant 10 : i32
      %scan3A_28 = arith.addi %scan3A, %scan3A_27 : i32
      %scan3A_29 = arith.constant 1 : i32
      scf.for %scan3A_63 = %scan3A to %scan3A_28 step %scan3A_29  : i32 {
        %mul3A_64 = arith.constant 4 : i32
        %mul3A_65 = arith.muli %scan3A_63, %mul3A_64 : i32
        %add3A = arith.constant 0 : i32
        %add3A_66 = arith.addi %add3A, %mul3A_65 : i32
        %add3A_67 = arith.constant 0 : i32
        %add3A_68 = arith.addi %add3A_66, %add3A_67 : i32
        %add3A_69 = arith.constant 2 : i32
        %add3A_70 = arith.addi %add3A_68, %add3A_69 : i32
        %lt3A = arith.constant 40 : i32
        %lt3A_71 = arith.cmpi slt, %add3A_70, %lt3A : i32
        %convert_element_type3A_72 = arith.extui %lt3A_71 : i1 to i32
        %cond3A_73 = arith.constant 0 : i32
        %cond3A_74 = arith.cmpi ne, %convert_element_type3A_72, %cond3A_73 : i32
        scf.if %cond3A_74 {
          %ge3A = arith.constant 2 : i32
          %ge3A_154 = arith.cmpi sge, %add3A_68, %ge3A : i32
          %convert_element_type3A_155 = arith.extui %ge3A_154 : i1 to i32
          %cond3A_156 = arith.constant 0 : i32
          %cond3A_157 = arith.cmpi ne, %convert_element_type3A_155, %cond3A_156 : i32
          scf.if %cond3A_157 {
            %dma_wait3A_166 = arith.constant 0 : i32
            %dma_wait3A_167 = arith.constant 0 : i32
            %dma_wait3A_168 = tpu.memref_slice %arg11[%dma_wait3A_166, %dma_wait3A_167] : memref<40x256xi32, #tpu.memory_space<vmem>> -> memref<1x256xi32, #tpu.memory_space<vmem>>
            %dma_wait3A_169 = tpu.memref_squeeze %dma_wait3A_168 : memref<1x256xi32, #tpu.memory_space<vmem>> -> memref<256xi32, #tpu.memory_space<vmem>>
            %dma_wait3A_170 = arith.constant 0 : i32
            %dma_wait3A_171 = arith.constant 0 : i32
            %dma_wait3A_172 = tpu.memref_slice %arg9[%dma_wait3A_170, %dma_wait3A_171] : memref<10016x128xbf16, #tpu.memory_space<vmem_shared>> -> memref<10016x128xbf16, #tpu.memory_space<vmem_shared>>
            tpu.wait_indirect_dma semaphore(%arg22 : memref<!tpu.dma_semaphore, #tpu.memory_space<semaphore_mem>>) src(%arg14 : memref<256x128xbf16, #tpu.memory_space<vmem>>) dst(%dma_wait3A_172 : memref<10016x128xbf16, #tpu.memory_space<vmem_shared>>)
          } else {
          }
          %add3A_158 = arith.constant 2 : i32
          %add3A_159 = arith.addi %add3A_68, %add3A_158 : i32
          %dma_start3A_160 = arith.constant 0 : i32
          %dma_start3A_161 = tpu.memref_slice %arg10[%add3A_159, %dma_start3A_160] : memref<40x256xi32, #tpu.memory_space<vmem>> -> memref<1x256xi32, #tpu.memory_space<vmem>>
          %dma_start3A_162 = tpu.memref_squeeze %dma_start3A_161 : memref<1x256xi32, #tpu.memory_space<vmem>> -> memref<256xi32, #tpu.memory_space<vmem>>
          %dma_start3A_163 = arith.constant 0 : i32
          %dma_start3A_164 = arith.constant 0 : i32
          %dma_start3A_165 = tpu.memref_slice %arg2[%dma_start3A_163, %dma_start3A_164] : memref<10000x128xbf16, #tpu.memory_space<hbm>> -> memref<10000x128xbf16, #tpu.memory_space<hbm>>
          tpu.enqueue_indirect_dma source(%dma_start3A_165 : memref<10000x128xbf16, #tpu.memory_space<hbm>>) target(%arg14 : memref<256x128xbf16, #tpu.memory_space<vmem>>) offsets(%dma_start3A_162 : memref<256xi32, #tpu.memory_space<vmem>>) semaphore(%arg18 : memref<!tpu.dma_semaphore, #tpu.memory_space<semaphore_mem>>)
        } else {
        }
        %dma_wait3A_75 = arith.constant 0 : i32
        %dma_wait3A_76 = arith.constant 0 : i32
        %dma_wait3A_77 = tpu.memref_slice %arg10[%dma_wait3A_75, %dma_wait3A_76] : memref<40x256xi32, #tpu.memory_space<vmem>> -> memref<1x256xi32, #tpu.memory_space<vmem>>
        %dma_wait3A_78 = tpu.memref_squeeze %dma_wait3A_77 : memref<1x256xi32, #tpu.memory_space<vmem>> -> memref<256xi32, #tpu.memory_space<vmem>>
        %dma_wait3A_79 = arith.constant 0 : i32
        %dma_wait3A_80 = arith.constant 0 : i32
        %dma_wait3A_81 = tpu.memref_slice %arg2[%dma_wait3A_79, %dma_wait3A_80] : memref<10000x128xbf16, #tpu.memory_space<hbm>> -> memref<10000x128xbf16, #tpu.memory_space<hbm>>
        tpu.wait_indirect_dma semaphore(%arg16 : memref<!tpu.dma_semaphore, #tpu.memory_space<semaphore_mem>>) src(%dma_wait3A_81 : memref<10000x128xbf16, #tpu.memory_space<hbm>>) dst(%arg12 : memref<256x128xbf16, #tpu.memory_space<vmem>>)
        %dma_start3A_82 = arith.constant 0 : i32
        %dma_start3A_83 = tpu.memref_slice %arg11[%add3A_68, %dma_start3A_82] : memref<40x256xi32, #tpu.memory_space<vmem>> -> memref<1x256xi32, #tpu.memory_space<vmem>>
        %dma_start3A_84 = tpu.memref_squeeze %dma_start3A_83 : memref<1x256xi32, #tpu.memory_space<vmem>> -> memref<256xi32, #tpu.memory_space<vmem>>
        %dma_start3A_85 = arith.constant 0 : i32
        %dma_start3A_86 = arith.constant 0 : i32
        %dma_start3A_87 = tpu.memref_slice %arg9[%dma_start3A_85, %dma_start3A_86] : memref<10016x128xbf16, #tpu.memory_space<vmem_shared>> -> memref<10016x128xbf16, #tpu.memory_space<vmem_shared>>
        tpu.enqueue_indirect_dma source(%arg12 : memref<256x128xbf16, #tpu.memory_space<vmem>>) target(%dma_start3A_87 : memref<10016x128xbf16, #tpu.memory_space<vmem_shared>>) offsets(%dma_start3A_84 : memref<256xi32, #tpu.memory_space<vmem>>) semaphore(%arg20 : memref<!tpu.dma_semaphore, #tpu.memory_space<semaphore_mem>>) {add = true}
        %add3A_88 = arith.constant 1 : i32
        %add3A_89 = arith.addi %add3A_66, %add3A_88 : i32
        %add3A_90 = arith.constant 2 : i32
        %add3A_91 = arith.addi %add3A_89, %add3A_90 : i32
        %lt3A_92 = arith.constant 40 : i32
        %lt3A_93 = arith.cmpi slt, %add3A_91, %lt3A_92 : i32
        %convert_element_type3A_94 = arith.extui %lt3A_93 : i1 to i32
        %cond3A_95 = arith.constant 0 : i32
        %cond3A_96 = arith.cmpi ne, %convert_element_type3A_94, %cond3A_95 : i32
        scf.if %cond3A_96 {
          %ge3A = arith.constant 2 : i32
          %ge3A_154 = arith.cmpi sge, %add3A_89, %ge3A : i32
          %convert_element_type3A_155 = arith.extui %ge3A_154 : i1 to i32
          %cond3A_156 = arith.constant 0 : i32
          %cond3A_157 = arith.cmpi ne, %convert_element_type3A_155, %cond3A_156 : i32
          scf.if %cond3A_157 {
            %dma_wait3A_166 = arith.constant 0 : i32
            %dma_wait3A_167 = arith.constant 0 : i32
            %dma_wait3A_168 = tpu.memref_slice %arg11[%dma_wait3A_166, %dma_wait3A_167] : memref<40x256xi32, #tpu.memory_space<vmem>> -> memref<1x256xi32, #tpu.memory_space<vmem>>
            %dma_wait3A_169 = tpu.memref_squeeze %dma_wait3A_168 : memref<1x256xi32, #tpu.memory_space<vmem>> -> memref<256xi32, #tpu.memory_space<vmem>>
            %dma_wait3A_170 = arith.constant 0 : i32
            %dma_wait3A_171 = arith.constant 0 : i32
            %dma_wait3A_172 = tpu.memref_slice %arg9[%dma_wait3A_170, %dma_wait3A_171] : memref<10016x128xbf16, #tpu.memory_space<vmem_shared>> -> memref<10016x128xbf16, #tpu.memory_space<vmem_shared>>
            tpu.wait_indirect_dma semaphore(%arg23 : memref<!tpu.dma_semaphore, #tpu.memory_space<semaphore_mem>>) src(%arg15 : memref<256x128xbf16, #tpu.memory_space<vmem>>) dst(%dma_wait3A_172 : memref<10016x128xbf16, #tpu.memory_space<vmem_shared>>)
          } else {
          }
          %add3A_158 = arith.constant 2 : i32
          %add3A_159 = arith.addi %add3A_89, %add3A_158 : i32
          %dma_start3A_160 = arith.constant 0 : i32
          %dma_start3A_161 = tpu.memref_slice %arg10[%add3A_159, %dma_start3A_160] : memref<40x256xi32, #tpu.memory_space<vmem>> -> memref<1x256xi32, #tpu.memory_space<vmem>>
          %dma_start3A_162 = tpu.memref_squeeze %dma_start3A_161 : memref<1x256xi32, #tpu.memory_space<vmem>> -> memref<256xi32, #tpu.memory_space<vmem>>
          %dma_start3A_163 = arith.constant 0 : i32
          %dma_start3A_164 = arith.constant 0 : i32
          %dma_start3A_165 = tpu.memref_slice %arg2[%dma_start3A_163, %dma_start3A_164] : memref<10000x128xbf16, #tpu.memory_space<hbm>> -> memref<10000x128xbf16, #tpu.memory_space<hbm>>
          tpu.enqueue_indirect_dma source(%dma_start3A_165 : memref<10000x128xbf16, #tpu.memory_space<hbm>>) target(%arg15 : memref<256x128xbf16, #tpu.memory_space<vmem>>) offsets(%dma_start3A_162 : memref<256xi32, #tpu.memory_space<vmem>>) semaphore(%arg19 : memref<!tpu.dma_semaphore, #tpu.memory_space<semaphore_mem>>)
        } else {
        }
        %dma_wait3A_97 = arith.constant 0 : i32
        %dma_wait3A_98 = arith.constant 0 : i32
        %dma_wait3A_99 = tpu.memref_slice %arg10[%dma_wait3A_97, %dma_wait3A_98] : memref<40x256xi32, #tpu.memory_space<vmem>> -> memref<1x256xi32, #tpu.memory_space<vmem>>
        %dma_wait3A_100 = tpu.memref_squeeze %dma_wait3A_99 : memref<1x256xi32, #tpu.memory_space<vmem>> -> memref<256xi32, #tpu.memory_space<vmem>>
        %dma_wait3A_101 = arith.constant 0 : i32
        %dma_wait3A_102 = arith.constant 0 : i32
        %dma_wait3A_103 = tpu.memref_slice %arg2[%dma_wait3A_101, %dma_wait3A_102] : memref<10000x128xbf16, #tpu.memory_space<hbm>> -> memref<10000x128xbf16, #tpu.memory_space<hbm>>
        tpu.wait_indirect_dma semaphore(%arg17 : memref<!tpu.dma_semaphore, #tpu.memory_space<semaphore_mem>>) src(%dma_wait3A_103 : memref<10000x128xbf16, #tpu.memory_space<hbm>>) dst(%arg13 : memref<256x128xbf16, #tpu.memory_space<vmem>>)
        %dma_start3A_104 = arith.constant 0 : i32
        %dma_start3A_105 = tpu.memref_slice %arg11[%add3A_89, %dma_start3A_104] : memref<40x256xi32, #tpu.memory_space<vmem>> -> memref<1x256xi32, #tpu.memory_space<vmem>>
        %dma_start3A_106 = tpu.memref_squeeze %dma_start3A_105 : memref<1x256xi32, #tpu.memory_space<vmem>> -> memref<256xi32, #tpu.memory_space<vmem>>
        %dma_start3A_107 = arith.constant 0 : i32
        %dma_start3A_108 = arith.constant 0 : i32
        %dma_start3A_109 = tpu.memref_slice %arg9[%dma_start3A_107, %dma_start3A_108] : memref<10016x128xbf16, #tpu.memory_space<vmem_shared>> -> memref<10016x128xbf16, #tpu.memory_space<vmem_shared>>
        tpu.enqueue_indirect_dma source(%arg13 : memref<256x128xbf16, #tpu.memory_space<vmem>>) target(%dma_start3A_109 : memref<10016x128xbf16, #tpu.memory_space<vmem_shared>>) offsets(%dma_start3A_106 : memref<256xi32, #tpu.memory_space<vmem>>) semaphore(%arg21 : memref<!tpu.dma_semaphore, #tpu.memory_space<semaphore_mem>>) {add = true}
        %add3A_110 = arith.constant 2 : i32
        %add3A_111 = arith.addi %add3A_66, %add3A_110 : i32
        %add3A_112 = arith.constant 2 : i32
        %add3A_113 = arith.addi %add3A_111, %add3A_112 : i32
        %lt3A_114 = arith.constant 40 : i32
        %lt3A_115 = arith.cmpi slt, %add3A_113, %lt3A_114 : i32
        %convert_element_type3A_116 = arith.extui %lt3A_115 : i1 to i32
        %cond3A_117 = arith.constant 0 : i32
        %cond3A_118 = arith.cmpi ne, %convert_element_type3A_116, %cond3A_117 : i32
        scf.if %cond3A_118 {
          %ge3A = arith.constant 2 : i32
          %ge3A_154 = arith.cmpi sge, %add3A_111, %ge3A : i32
          %convert_element_type3A_155 = arith.extui %ge3A_154 : i1 to i32
          %cond3A_156 = arith.constant 0 : i32
          %cond3A_157 = arith.cmpi ne, %convert_element_type3A_155, %cond3A_156 : i32
          scf.if %cond3A_157 {
            %dma_wait3A_166 = arith.constant 0 : i32
            %dma_wait3A_167 = arith.constant 0 : i32
            %dma_wait3A_168 = tpu.memref_slice %arg11[%dma_wait3A_166, %dma_wait3A_167] : memref<40x256xi32, #tpu.memory_space<vmem>> -> memref<1x256xi32, #tpu.memory_space<vmem>>
            %dma_wait3A_169 = tpu.memref_squeeze %dma_wait3A_168 : memref<1x256xi32, #tpu.memory_space<vmem>> -> memref<256xi32, #tpu.memory_space<vmem>>
            %dma_wait3A_170 = arith.constant 0 : i32
            %dma_wait3A_171 = arith.constant 0 : i32
            %dma_wait3A_172 = tpu.memref_slice %arg9[%dma_wait3A_170, %dma_wait3A_171] : memref<10016x128xbf16, #tpu.memory_space<vmem_shared>> -> memref<10016x128xbf16, #tpu.memory_space<vmem_shared>>
            tpu.wait_indirect_dma semaphore(%arg20 : memref<!tpu.dma_semaphore, #tpu.memory_space<semaphore_mem>>) src(%arg12 : memref<256x128xbf16, #tpu.memory_space<vmem>>) dst(%dma_wait3A_172 : memref<10016x128xbf16, #tpu.memory_space<vmem_shared>>)
          } else {
          }
          %add3A_158 = arith.constant 2 : i32
          %add3A_159 = arith.addi %add3A_111, %add3A_158 : i32
          %dma_start3A_160 = arith.constant 0 : i32
          %dma_start3A_161 = tpu.memref_slice %arg10[%add3A_159, %dma_start3A_160] : memref<40x256xi32, #tpu.memory_space<vmem>> -> memref<1x256xi32, #tpu.memory_space<vmem>>
          %dma_start3A_162 = tpu.memref_squeeze %dma_start3A_161 : memref<1x256xi32, #tpu.memory_space<vmem>> -> memref<256xi32, #tpu.memory_space<vmem>>
          %dma_start3A_163 = arith.constant 0 : i32
          %dma_start3A_164 = arith.constant 0 : i32
          %dma_start3A_165 = tpu.memref_slice %arg2[%dma_start3A_163, %dma_start3A_164] : memref<10000x128xbf16, #tpu.memory_space<hbm>> -> memref<10000x128xbf16, #tpu.memory_space<hbm>>
          tpu.enqueue_indirect_dma source(%dma_start3A_165 : memref<10000x128xbf16, #tpu.memory_space<hbm>>) target(%arg12 : memref<256x128xbf16, #tpu.memory_space<vmem>>) offsets(%dma_start3A_162 : memref<256xi32, #tpu.memory_space<vmem>>) semaphore(%arg16 : memref<!tpu.dma_semaphore, #tpu.memory_space<semaphore_mem>>)
        } else {
        }
        %dma_wait3A_119 = arith.constant 0 : i32
        %dma_wait3A_120 = arith.constant 0 : i32
        %dma_wait3A_121 = tpu.memref_slice %arg10[%dma_wait3A_119, %dma_wait3A_120] : memref<40x256xi32, #tpu.memory_space<vmem>> -> memref<1x256xi32, #tpu.memory_space<vmem>>
        %dma_wait3A_122 = tpu.memref_squeeze %dma_wait3A_121 : memref<1x256xi32, #tpu.memory_space<vmem>> -> memref<256xi32, #tpu.memory_space<vmem>>
        %dma_wait3A_123 = arith.constant 0 : i32
        %dma_wait3A_124 = arith.constant 0 : i32
        %dma_wait3A_125 = tpu.memref_slice %arg2[%dma_wait3A_123, %dma_wait3A_124] : memref<10000x128xbf16, #tpu.memory_space<hbm>> -> memref<10000x128xbf16, #tpu.memory_space<hbm>>
        tpu.wait_indirect_dma semaphore(%arg18 : memref<!tpu.dma_semaphore, #tpu.memory_space<semaphore_mem>>) src(%dma_wait3A_125 : memref<10000x128xbf16, #tpu.memory_space<hbm>>) dst(%arg14 : memref<256x128xbf16, #tpu.memory_space<vmem>>)
        %dma_start3A_126 = arith.constant 0 : i32
        %dma_start3A_127 = tpu.memref_slice %arg11[%add3A_111, %dma_start3A_126] : memref<40x256xi32, #tpu.memory_space<vmem>> -> memref<1x256xi32, #tpu.memory_space<vmem>>
        %dma_start3A_128 = tpu.memref_squeeze %dma_start3A_127 : memref<1x256xi32, #tpu.memory_space<vmem>> -> memref<256xi32, #tpu.memory_space<vmem>>
        %dma_start3A_129 = arith.constant 0 : i32
        %dma_start3A_130 = arith.constant 0 : i32
        %dma_start3A_131 = tpu.memref_slice %arg9[%dma_start3A_129, %dma_start3A_130] : memref<10016x128xbf16, #tpu.memory_space<vmem_shared>> -> memref<10016x128xbf16, #tpu.memory_space<vmem_shared>>
        tpu.enqueue_indirect_dma source(%arg14 : memref<256x128xbf16, #tpu.memory_space<vmem>>) target(%dma_start3A_131 : memref<10016x128xbf16, #tpu.memory_space<vmem_shared>>) offsets(%dma_start3A_128 : memref<256xi32, #tpu.memory_space<vmem>>) semaphore(%arg22 : memref<!tpu.dma_semaphore, #tpu.memory_space<semaphore_mem>>) {add = true}
        %add3A_132 = arith.constant 3 : i32
        %add3A_133 = arith.addi %add3A_66, %add3A_132 : i32
        %add3A_134 = arith.constant 2 : i32
        %add3A_135 = arith.addi %add3A_133, %add3A_134 : i32
        %lt3A_136 = arith.constant 40 : i32
        %lt3A_137 = arith.cmpi slt, %add3A_135, %lt3A_136 : i32
        %convert_element_type3A_138 = arith.extui %lt3A_137 : i1 to i32
        %cond3A_139 = arith.constant 0 : i32
        %cond3A_140 = arith.cmpi ne, %convert_element_type3A_138, %cond3A_139 : i32
        scf.if %cond3A_140 {
          %ge3A = arith.constant 2 : i32
          %ge3A_154 = arith.cmpi sge, %add3A_133, %ge3A : i32
          %convert_element_type3A_155 = arith.extui %ge3A_154 : i1 to i32
          %cond3A_156 = arith.constant 0 : i32
          %cond3A_157 = arith.cmpi ne, %convert_element_type3A_155, %cond3A_156 : i32
          scf.if %cond3A_157 {
            %dma_wait3A_166 = arith.constant 0 : i32
            %dma_wait3A_167 = arith.constant 0 : i32
            %dma_wait3A_168 = tpu.memref_slice %arg11[%dma_wait3A_166, %dma_wait3A_167] : memref<40x256xi32, #tpu.memory_space<vmem>> -> memref<1x256xi32, #tpu.memory_space<vmem>>
            %dma_wait3A_169 = tpu.memref_squeeze %dma_wait3A_168 : memref<1x256xi32, #tpu.memory_space<vmem>> -> memref<256xi32, #tpu.memory_space<vmem>>
            %dma_wait3A_170 = arith.constant 0 : i32
            %dma_wait3A_171 = arith.constant 0 : i32
            %dma_wait3A_172 = tpu.memref_slice %arg9[%dma_wait3A_170, %dma_wait3A_171] : memref<10016x128xbf16, #tpu.memory_space<vmem_shared>> -> memref<10016x128xbf16, #tpu.memory_space<vmem_shared>>
            tpu.wait_indirect_dma semaphore(%arg21 : memref<!tpu.dma_semaphore, #tpu.memory_space<semaphore_mem>>) src(%arg13 : memref<256x128xbf16, #tpu.memory_space<vmem>>) dst(%dma_wait3A_172 : memref<10016x128xbf16, #tpu.memory_space<vmem_shared>>)
          } else {
          }
          %add3A_158 = arith.constant 2 : i32
          %add3A_159 = arith.addi %add3A_133, %add3A_158 : i32
          %dma_start3A_160 = arith.constant 0 : i32
          %dma_start3A_161 = tpu.memref_slice %arg10[%add3A_159, %dma_start3A_160] : memref<40x256xi32, #tpu.memory_space<vmem>> -> memref<1x256xi32, #tpu.memory_space<vmem>>
          %dma_start3A_162 = tpu.memref_squeeze %dma_start3A_161 : memref<1x256xi32, #tpu.memory_space<vmem>> -> memref<256xi32, #tpu.memory_space<vmem>>
          %dma_start3A_163 = arith.constant 0 : i32
          %dma_start3A_164 = arith.constant 0 : i32
          %dma_start3A_165 = tpu.memref_slice %arg2[%dma_start3A_163, %dma_start3A_164] : memref<10000x128xbf16, #tpu.memory_space<hbm>> -> memref<10000x128xbf16, #tpu.memory_space<hbm>>
          tpu.enqueue_indirect_dma source(%dma_start3A_165 : memref<10000x128xbf16, #tpu.memory_space<hbm>>) target(%arg13 : memref<256x128xbf16, #tpu.memory_space<vmem>>) offsets(%dma_start3A_162 : memref<256xi32, #tpu.memory_space<vmem>>) semaphore(%arg17 : memref<!tpu.dma_semaphore, #tpu.memory_space<semaphore_mem>>)
        } else {
        }
        %dma_wait3A_141 = arith.constant 0 : i32
        %dma_wait3A_142 = arith.constant 0 : i32
        %dma_wait3A_143 = tpu.memref_slice %arg10[%dma_wait3A_141, %dma_wait3A_142] : memref<40x256xi32, #tpu.memory_space<vmem>> -> memref<1x256xi32, #tpu.memory_space<vmem>>
        %dma_wait3A_144 = tpu.memref_squeeze %dma_wait3A_143 : memref<1x256xi32, #tpu.memory_space<vmem>> -> memref<256xi32, #tpu.memory_space<vmem>>
        %dma_wait3A_145 = arith.constant 0 : i32
        %dma_wait3A_146 = arith.constant 0 : i32
        %dma_wait3A_147 = tpu.memref_slice %arg2[%dma_wait3A_145, %dma_wait3A_146] : memref<10000x128xbf16, #tpu.memory_space<hbm>> -> memref<10000x128xbf16, #tpu.memory_space<hbm>>
        tpu.wait_indirect_dma semaphore(%arg19 : memref<!tpu.dma_semaphore, #tpu.memory_space<semaphore_mem>>) src(%dma_wait3A_147 : memref<10000x128xbf16, #tpu.memory_space<hbm>>) dst(%arg15 : memref<256x128xbf16, #tpu.memory_space<vmem>>)
        %dma_start3A_148 = arith.constant 0 : i32
        %dma_start3A_149 = tpu.memref_slice %arg11[%add3A_133, %dma_start3A_148] : memref<40x256xi32, #tpu.memory_space<vmem>> -> memref<1x256xi32, #tpu.memory_space<vmem>>
        %dma_start3A_150 = tpu.memref_squeeze %dma_start3A_149 : memref<1x256xi32, #tpu.memory_space<vmem>> -> memref<256xi32, #tpu.memory_space<vmem>>
        %dma_start3A_151 = arith.constant 0 : i32
        %dma_start3A_152 = arith.constant 0 : i32
        %dma_start3A_153 = tpu.memref_slice %arg9[%dma_start3A_151, %dma_start3A_152] : memref<10016x128xbf16, #tpu.memory_space<vmem_shared>> -> memref<10016x128xbf16, #tpu.memory_space<vmem_shared>>
        tpu.enqueue_indirect_dma source(%arg15 : memref<256x128xbf16, #tpu.memory_space<vmem>>) target(%dma_start3A_153 : memref<10016x128xbf16, #tpu.memory_space<vmem_shared>>) offsets(%dma_start3A_150 : memref<256xi32, #tpu.memory_space<vmem>>) semaphore(%arg23 : memref<!tpu.dma_semaphore, #tpu.memory_space<semaphore_mem>>) {add = true}
      }
      %scan3A_30 = arith.constant 10 : i32
      %dma_wait3A = arith.constant 0 : i32
      %dma_wait3A_31 = arith.constant 0 : i32
      %dma_wait3A_32 = tpu.memref_slice %arg11[%dma_wait3A, %dma_wait3A_31] : memref<40x256xi32, #tpu.memory_space<vmem>> -> memref<1x256xi32, #tpu.memory_space<vmem>>
      %dma_wait3A_33 = tpu.memref_squeeze %dma_wait3A_32 : memref<1x256xi32, #tpu.memory_space<vmem>> -> memref<256xi32, #tpu.memory_space<vmem>>
      %dma_wait3A_34 = arith.constant 0 : i32
      %dma_wait3A_35 = arith.constant 0 : i32
      %dma_wait3A_36 = tpu.memref_slice %arg9[%dma_wait3A_34, %dma_wait3A_35] : memref<10016x128xbf16, #tpu.memory_space<vmem_shared>> -> memref<10016x128xbf16, #tpu.memory_space<vmem_shared>>
      tpu.wait_indirect_dma semaphore(%arg20 : memref<!tpu.dma_semaphore, #tpu.memory_space<semaphore_mem>>) src(%arg12 : memref<256x128xbf16, #tpu.memory_space<vmem>>) dst(%dma_wait3A_36 : memref<10016x128xbf16, #tpu.memory_space<vmem_shared>>)
      %dma_wait3A_37 = arith.constant 0 : i32
      %dma_wait3A_38 = arith.constant 0 : i32
      %dma_wait3A_39 = tpu.memref_slice %arg11[%dma_wait3A_37, %dma_wait3A_38] : memref<40x256xi32, #tpu.memory_space<vmem>> -> memref<1x256xi32, #tpu.memory_space<vmem>>
      %dma_wait3A_40 = tpu.memref_squeeze %dma_wait3A_39 : memref<1x256xi32, #tpu.memory_space<vmem>> -> memref<256xi32, #tpu.memory_space<vmem>>
      %dma_wait3A_41 = arith.constant 0 : i32
      %dma_wait3A_42 = arith.constant 0 : i32
      %dma_wait3A_43 = tpu.memref_slice %arg9[%dma_wait3A_41, %dma_wait3A_42] : memref<10016x128xbf16, #tpu.memory_space<vmem_shared>> -> memref<10016x128xbf16, #tpu.memory_space<vmem_shared>>
      tpu.wait_indirect_dma semaphore(%arg21 : memref<!tpu.dma_semaphore, #tpu.memory_space<semaphore_mem>>) src(%arg13 : memref<256x128xbf16, #tpu.memory_space<vmem>>) dst(%dma_wait3A_43 : memref<10016x128xbf16, #tpu.memory_space<vmem_shared>>)
      %dma_wait3A_44 = arith.constant 0 : i32
      %dma_wait3A_45 = arith.constant 0 : i32
      %dma_wait3A_46 = tpu.memref_slice %arg11[%dma_wait3A_44, %dma_wait3A_45] : memref<40x256xi32, #tpu.memory_space<vmem>> -> memref<1x256xi32, #tpu.memory_space<vmem>>
      %dma_wait3A_47 = tpu.memref_squeeze %dma_wait3A_46 : memref<1x256xi32, #tpu.memory_space<vmem>> -> memref<256xi32, #tpu.memory_space<vmem>>
      %dma_wait3A_48 = arith.constant 0 : i32
      %dma_wait3A_49 = arith.constant 0 : i32
      %dma_wait3A_50 = tpu.memref_slice %arg9[%dma_wait3A_48, %dma_wait3A_49] : memref<10016x128xbf16, #tpu.memory_space<vmem_shared>> -> memref<10016x128xbf16, #tpu.memory_space<vmem_shared>>
      tpu.wait_indirect_dma semaphore(%arg22 : memref<!tpu.dma_semaphore, #tpu.memory_space<semaphore_mem>>) src(%arg14 : memref<256x128xbf16, #tpu.memory_space<vmem>>) dst(%dma_wait3A_50 : memref<10016x128xbf16, #tpu.memory_space<vmem_shared>>)
      %dma_wait3A_51 = arith.constant 0 : i32
      %dma_wait3A_52 = arith.constant 0 : i32
      %dma_wait3A_53 = tpu.memref_slice %arg11[%dma_wait3A_51, %dma_wait3A_52] : memref<40x256xi32, #tpu.memory_space<vmem>> -> memref<1x256xi32, #tpu.memory_space<vmem>>
      %dma_wait3A_54 = tpu.memref_squeeze %dma_wait3A_53 : memref<1x256xi32, #tpu.memory_space<vmem>> -> memref<256xi32, #tpu.memory_space<vmem>>
      %dma_wait3A_55 = arith.constant 0 : i32
      %dma_wait3A_56 = arith.constant 0 : i32
      %dma_wait3A_57 = tpu.memref_slice %arg9[%dma_wait3A_55, %dma_wait3A_56] : memref<10016x128xbf16, #tpu.memory_space<vmem_shared>> -> memref<10016x128xbf16, #tpu.memory_space<vmem_shared>>
      tpu.wait_indirect_dma semaphore(%arg23 : memref<!tpu.dma_semaphore, #tpu.memory_space<semaphore_mem>>) src(%arg15 : memref<256x128xbf16, #tpu.memory_space<vmem>>) dst(%dma_wait3A_57 : memref<10016x128xbf16, #tpu.memory_space<vmem_shared>>)
      %barrier3A_58 = arith.constant 0 : index
      tpu.barrier barrier_id(%barrier3A_58)
      %mul3A_59 = arith.constant 625 : i32
      %mul3A_60 = arith.muli %arg1, %mul3A_59 : i32
      %mul3A_61 = arith.constant 625 : i32
      %mul3A_62 = arith.muli %arg1, %mul3A_61 : i32
      "tpu.region"() ({
        %run_scoped3A = tpu.sem_alloc : memref<!tpu.dma_semaphore, #tpu.memory_space<semaphore_mem>>
        %dma_start3A_63 = arith.constant 0 : i32
        %dma_start3A_64 = tpu.memref_slice %arg7[%mul3A_62, %dma_start3A_63] : memref<10000x128xbf16, #tpu.memory_space<hbm>> -> memref<625x128xbf16, #tpu.memory_space<hbm>>
        %dma_start3A_65 = arith.constant 0 : i32
        %dma_start3A_66 = tpu.memref_slice %arg9[%mul3A_60, %dma_start3A_65] : memref<10016x128xbf16, #tpu.memory_space<vmem_shared>> -> memref<625x128xbf16, #tpu.memory_space<vmem_shared>>
        tpu.enqueue_dma source(%dma_start3A_66 : memref<625x128xbf16, #tpu.memory_space<vmem_shared>>) target(%dma_start3A_64 : memref<625x128xbf16, #tpu.memory_space<hbm>>) target_semaphore(%run_scoped3A : memref<!tpu.dma_semaphore, #tpu.memory_space<semaphore_mem>>)
        %dma_wait3A_67 = arith.constant 0 : i32
        %dma_wait3A_68 = tpu.memref_slice %arg7[%mul3A_62, %dma_wait3A_67] : memref<10000x128xbf16, #tpu.memory_space<hbm>> -> memref<625x128xbf16, #tpu.memory_space<hbm>>
        %dma_wait3A_69 = arith.constant 0 : i32
        %dma_wait3A_70 = tpu.memref_slice %arg9[%mul3A_60, %dma_wait3A_69] : memref<10016x128xbf16, #tpu.memory_space<vmem_shared>> -> memref<625x128xbf16, #tpu.memory_space<vmem_shared>>
        tpu.wait_dma2 semaphore(%run_scoped3A : memref<!tpu.dma_semaphore, #tpu.memory_space<semaphore_mem>>) src(%dma_wait3A_70 : memref<625x128xbf16, #tpu.memory_space<vmem_shared>>) dst(%dma_wait3A_68 : memref<625x128xbf16, #tpu.memory_space<hbm>>)
        tpu.yield
      }) : () -> ()
    } else {
    }
    %eq3A_9 = arith.constant 1 : i32
    %eq3A_10 = arith.cmpi eq, %arg0, %eq3A_9 : i32
    %convert_element_type3A_11 = arith.extui %eq3A_10 : i1 to i32
    %cond3A_12 = arith.constant 0 : i32
    %cond3A_13 = arith.cmpi ne, %convert_element_type3A_11, %cond3A_12 : i32
    scf.if %cond3A_13 {
      %dma_start3A = arith.constant 0 : i32
      %dma_start3A_14 = arith.constant 0 : i32
      %dma_start3A_15 = tpu.memref_slice %arg10[%dma_start3A, %dma_start3A_14] : memref<40x256xi32, #tpu.memory_space<vmem>> -> memref<1x256xi32, #tpu.memory_space<vmem>>
      %dma_start3A_16 = tpu.memref_squeeze %dma_start3A_15 : memref<1x256xi32, #tpu.memory_space<vmem>> -> memref<256xi32, #tpu.memory_space<vmem>>
      %dma_start3A_17 = arith.constant 0 : i32
      %dma_start3A_18 = arith.constant 0 : i32
      %dma_start3A_19 = tpu.memref_slice %arg3[%dma_start3A_17, %dma_start3A_18] : memref<10000x128xbf16, #tpu.memory_space<hbm>> -> memref<10000x128xbf16, #tpu.memory_space<hbm>>
      tpu.enqueue_indirect_dma source(%dma_start3A_19 : memref<10000x128xbf16, #tpu.memory_space<hbm>>) target(%arg12 : memref<256x128xbf16, #tpu.memory_space<vmem>>) offsets(%dma_start3A_16 : memref<256xi32, #tpu.memory_space<vmem>>) semaphore(%arg16 : memref<!tpu.dma_semaphore, #tpu.memory_space<semaphore_mem>>)
      %dma_start3A_20 = arith.constant 1 : i32
      %dma_start3A_21 = arith.constant 0 : i32
      %dma_start3A_22 = tpu.memref_slice %arg10[%dma_start3A_20, %dma_start3A_21] : memref<40x256xi32, #tpu.memory_space<vmem>> -> memref<1x256xi32, #tpu.memory_space<vmem>>
      %dma_start3A_23 = tpu.memref_squeeze %dma_start3A_22 : memref<1x256xi32, #tpu.memory_space<vmem>> -> memref<256xi32, #tpu.memory_space<vmem>>
      %dma_start3A_24 = arith.constant 0 : i32
      %dma_start3A_25 = arith.constant 0 : i32
      %dma_start3A_26 = tpu.memref_slice %arg3[%dma_start3A_24, %dma_start3A_25] : memref<10000x128xbf16, #tpu.memory_space<hbm>> -> memref<10000x128xbf16, #tpu.memory_space<hbm>>
      tpu.enqueue_indirect_dma source(%dma_start3A_26 : memref<10000x128xbf16, #tpu.memory_space<hbm>>) target(%arg13 : memref<256x128xbf16, #tpu.memory_space<vmem>>) offsets(%dma_start3A_23 : memref<256xi32, #tpu.memory_space<vmem>>) semaphore(%arg17 : memref<!tpu.dma_semaphore, #tpu.memory_space<semaphore_mem>>)
      %scan3A = arith.constant 0 : i32
      %scan3A_27 = arith.constant 10 : i32
      %scan3A_28 = arith.addi %scan3A, %scan3A_27 : i32
      %scan3A_29 = arith.constant 1 : i32
      scf.for %scan3A_63 = %scan3A to %scan3A_28 step %scan3A_29  : i32 {
        %mul3A_64 = arith.constant 4 : i32
        %mul3A_65 = arith.muli %scan3A_63, %mul3A_64 : i32
        %add3A = arith.constant 0 : i32
        %add3A_66 = arith.addi %add3A, %mul3A_65 : i32
        %add3A_67 = arith.constant 0 : i32
        %add3A_68 = arith.addi %add3A_66, %add3A_67 : i32
        %add3A_69 = arith.constant 2 : i32
        %add3A_70 = arith.addi %add3A_68, %add3A_69 : i32
        %lt3A = arith.constant 40 : i32
        %lt3A_71 = arith.cmpi slt, %add3A_70, %lt3A : i32
        %convert_element_type3A_72 = arith.extui %lt3A_71 : i1 to i32
        %cond3A_73 = arith.constant 0 : i32
        %cond3A_74 = arith.cmpi ne, %convert_element_type3A_72, %cond3A_73 : i32
        scf.if %cond3A_74 {
          %ge3A = arith.constant 2 : i32
          %ge3A_154 = arith.cmpi sge, %add3A_68, %ge3A : i32
          %convert_element_type3A_155 = arith.extui %ge3A_154 : i1 to i32
          %cond3A_156 = arith.constant 0 : i32
          %cond3A_157 = arith.cmpi ne, %convert_element_type3A_155, %cond3A_156 : i32
          scf.if %cond3A_157 {
            %dma_wait3A_166 = arith.constant 0 : i32
            %dma_wait3A_167 = arith.constant 0 : i32
            %dma_wait3A_168 = tpu.memref_slice %arg11[%dma_wait3A_166, %dma_wait3A_167] : memref<40x256xi32, #tpu.memory_space<vmem>> -> memref<1x256xi32, #tpu.memory_space<vmem>>
            %dma_wait3A_169 = tpu.memref_squeeze %dma_wait3A_168 : memref<1x256xi32, #tpu.memory_space<vmem>> -> memref<256xi32, #tpu.memory_space<vmem>>
            %dma_wait3A_170 = arith.constant 0 : i32
            %dma_wait3A_171 = arith.constant 0 : i32
            %dma_wait3A_172 = tpu.memref_slice %arg9[%dma_wait3A_170, %dma_wait3A_171] : memref<10016x128xbf16, #tpu.memory_space<vmem_shared>> -> memref<10016x128xbf16, #tpu.memory_space<vmem_shared>>
            tpu.wait_indirect_dma semaphore(%arg22 : memref<!tpu.dma_semaphore, #tpu.memory_space<semaphore_mem>>) src(%arg14 : memref<256x128xbf16, #tpu.memory_space<vmem>>) dst(%dma_wait3A_172 : memref<10016x128xbf16, #tpu.memory_space<vmem_shared>>)
          } else {
          }
          %add3A_158 = arith.constant 2 : i32
          %add3A_159 = arith.addi %add3A_68, %add3A_158 : i32
          %dma_start3A_160 = arith.constant 0 : i32
          %dma_start3A_161 = tpu.memref_slice %arg10[%add3A_159, %dma_start3A_160] : memref<40x256xi32, #tpu.memory_space<vmem>> -> memref<1x256xi32, #tpu.memory_space<vmem>>
          %dma_start3A_162 = tpu.memref_squeeze %dma_start3A_161 : memref<1x256xi32, #tpu.memory_space<vmem>> -> memref<256xi32, #tpu.memory_space<vmem>>
          %dma_start3A_163 = arith.constant 0 : i32
          %dma_start3A_164 = arith.constant 0 : i32
          %dma_start3A_165 = tpu.memref_slice %arg3[%dma_start3A_163, %dma_start3A_164] : memref<10000x128xbf16, #tpu.memory_space<hbm>> -> memref<10000x128xbf16, #tpu.memory_space<hbm>>
          tpu.enqueue_indirect_dma source(%dma_start3A_165 : memref<10000x128xbf16, #tpu.memory_space<hbm>>) target(%arg14 : memref<256x128xbf16, #tpu.memory_space<vmem>>) offsets(%dma_start3A_162 : memref<256xi32, #tpu.memory_space<vmem>>) semaphore(%arg18 : memref<!tpu.dma_semaphore, #tpu.memory_space<semaphore_mem>>)
        } else {
        }
        %dma_wait3A_75 = arith.constant 0 : i32
        %dma_wait3A_76 = arith.constant 0 : i32
        %dma_wait3A_77 = tpu.memref_slice %arg10[%dma_wait3A_75, %dma_wait3A_76] : memref<40x256xi32, #tpu.memory_space<vmem>> -> memref<1x256xi32, #tpu.memory_space<vmem>>
        %dma_wait3A_78 = tpu.memref_squeeze %dma_wait3A_77 : memref<1x256xi32, #tpu.memory_space<vmem>> -> memref<256xi32, #tpu.memory_space<vmem>>
        %dma_wait3A_79 = arith.constant 0 : i32
        %dma_wait3A_80 = arith.constant 0 : i32
        %dma_wait3A_81 = tpu.memref_slice %arg3[%dma_wait3A_79, %dma_wait3A_80] : memref<10000x128xbf16, #tpu.memory_space<hbm>> -> memref<10000x128xbf16, #tpu.memory_space<hbm>>
        tpu.wait_indirect_dma semaphore(%arg16 : memref<!tpu.dma_semaphore, #tpu.memory_space<semaphore_mem>>) src(%dma_wait3A_81 : memref<10000x128xbf16, #tpu.memory_space<hbm>>) dst(%arg12 : memref<256x128xbf16, #tpu.memory_space<vmem>>)
        %dma_start3A_82 = arith.constant 0 : i32
        %dma_start3A_83 = tpu.memref_slice %arg11[%add3A_68, %dma_start3A_82] : memref<40x256xi32, #tpu.memory_space<vmem>> -> memref<1x256xi32, #tpu.memory_space<vmem>>
        %dma_start3A_84 = tpu.memref_squeeze %dma_start3A_83 : memref<1x256xi32, #tpu.memory_space<vmem>> -> memref<256xi32, #tpu.memory_space<vmem>>
        %dma_start3A_85 = arith.constant 0 : i32
        %dma_start3A_86 = arith.constant 0 : i32
        %dma_start3A_87 = tpu.memref_slice %arg9[%dma_start3A_85, %dma_start3A_86] : memref<10016x128xbf16, #tpu.memory_space<vmem_shared>> -> memref<10016x128xbf16, #tpu.memory_space<vmem_shared>>
        tpu.enqueue_indirect_dma source(%arg12 : memref<256x128xbf16, #tpu.memory_space<vmem>>) target(%dma_start3A_87 : memref<10016x128xbf16, #tpu.memory_space<vmem_shared>>) offsets(%dma_start3A_84 : memref<256xi32, #tpu.memory_space<vmem>>) semaphore(%arg20 : memref<!tpu.dma_semaphore, #tpu.memory_space<semaphore_mem>>) {add = true}
        %add3A_88 = arith.constant 1 : i32
        %add3A_89 = arith.addi %add3A_66, %add3A_88 : i32
        %add3A_90 = arith.constant 2 : i32
        %add3A_91 = arith.addi %add3A_89, %add3A_90 : i32
        %lt3A_92 = arith.constant 40 : i32
        %lt3A_93 = arith.cmpi slt, %add3A_91, %lt3A_92 : i32
        %convert_element_type3A_94 = arith.extui %lt3A_93 : i1 to i32
        %cond3A_95 = arith.constant 0 : i32
        %cond3A_96 = arith.cmpi ne, %convert_element_type3A_94, %cond3A_95 : i32
        scf.if %cond3A_96 {
          %ge3A = arith.constant 2 : i32
          %ge3A_154 = arith.cmpi sge, %add3A_89, %ge3A : i32
          %convert_element_type3A_155 = arith.extui %ge3A_154 : i1 to i32
          %cond3A_156 = arith.constant 0 : i32
          %cond3A_157 = arith.cmpi ne, %convert_element_type3A_155, %cond3A_156 : i32
          scf.if %cond3A_157 {
            %dma_wait3A_166 = arith.constant 0 : i32
            %dma_wait3A_167 = arith.constant 0 : i32
            %dma_wait3A_168 = tpu.memref_slice %arg11[%dma_wait3A_166, %dma_wait3A_167] : memref<40x256xi32, #tpu.memory_space<vmem>> -> memref<1x256xi32, #tpu.memory_space<vmem>>
            %dma_wait3A_169 = tpu.memref_squeeze %dma_wait3A_168 : memref<1x256xi32, #tpu.memory_space<vmem>> -> memref<256xi32, #tpu.memory_space<vmem>>
            %dma_wait3A_170 = arith.constant 0 : i32
            %dma_wait3A_171 = arith.constant 0 : i32
            %dma_wait3A_172 = tpu.memref_slice %arg9[%dma_wait3A_170, %dma_wait3A_171] : memref<10016x128xbf16, #tpu.memory_space<vmem_shared>> -> memref<10016x128xbf16, #tpu.memory_space<vmem_shared>>
            tpu.wait_indirect_dma semaphore(%arg23 : memref<!tpu.dma_semaphore, #tpu.memory_space<semaphore_mem>>) src(%arg15 : memref<256x128xbf16, #tpu.memory_space<vmem>>) dst(%dma_wait3A_172 : memref<10016x128xbf16, #tpu.memory_space<vmem_shared>>)
          } else {
          }
          %add3A_158 = arith.constant 2 : i32
          %add3A_159 = arith.addi %add3A_89, %add3A_158 : i32
          %dma_start3A_160 = arith.constant 0 : i32
          %dma_start3A_161 = tpu.memref_slice %arg10[%add3A_159, %dma_start3A_160] : memref<40x256xi32, #tpu.memory_space<vmem>> -> memref<1x256xi32, #tpu.memory_space<vmem>>
          %dma_start3A_162 = tpu.memref_squeeze %dma_start3A_161 : memref<1x256xi32, #tpu.memory_space<vmem>> -> memref<256xi32, #tpu.memory_space<vmem>>
          %dma_start3A_163 = arith.constant 0 : i32
          %dma_start3A_164 = arith.constant 0 : i32
          %dma_start3A_165 = tpu.memref_slice %arg3[%dma_start3A_163, %dma_start3A_164] : memref<10000x128xbf16, #tpu.memory_space<hbm>> -> memref<10000x128xbf16, #tpu.memory_space<hbm>>
          tpu.enqueue_indirect_dma source(%dma_start3A_165 : memref<10000x128xbf16, #tpu.memory_space<hbm>>) target(%arg15 : memref<256x128xbf16, #tpu.memory_space<vmem>>) offsets(%dma_start3A_162 : memref<256xi32, #tpu.memory_space<vmem>>) semaphore(%arg19 : memref<!tpu.dma_semaphore, #tpu.memory_space<semaphore_mem>>)
        } else {
        }
        %dma_wait3A_97 = arith.constant 0 : i32
        %dma_wait3A_98 = arith.constant 0 : i32
        %dma_wait3A_99 = tpu.memref_slice %arg10[%dma_wait3A_97, %dma_wait3A_98] : memref<40x256xi32, #tpu.memory_space<vmem>> -> memref<1x256xi32, #tpu.memory_space<vmem>>
        %dma_wait3A_100 = tpu.memref_squeeze %dma_wait3A_99 : memref<1x256xi32, #tpu.memory_space<vmem>> -> memref<256xi32, #tpu.memory_space<vmem>>
        %dma_wait3A_101 = arith.constant 0 : i32
        %dma_wait3A_102 = arith.constant 0 : i32
        %dma_wait3A_103 = tpu.memref_slice %arg3[%dma_wait3A_101, %dma_wait3A_102] : memref<10000x128xbf16, #tpu.memory_space<hbm>> -> memref<10000x128xbf16, #tpu.memory_space<hbm>>
        tpu.wait_indirect_dma semaphore(%arg17 : memref<!tpu.dma_semaphore, #tpu.memory_space<semaphore_mem>>) src(%dma_wait3A_103 : memref<10000x128xbf16, #tpu.memory_space<hbm>>) dst(%arg13 : memref<256x128xbf16, #tpu.memory_space<vmem>>)
        %dma_start3A_104 = arith.constant 0 : i32
        %dma_start3A_105 = tpu.memref_slice %arg11[%add3A_89, %dma_start3A_104] : memref<40x256xi32, #tpu.memory_space<vmem>> -> memref<1x256xi32, #tpu.memory_space<vmem>>
        %dma_start3A_106 = tpu.memref_squeeze %dma_start3A_105 : memref<1x256xi32, #tpu.memory_space<vmem>> -> memref<256xi32, #tpu.memory_space<vmem>>
        %dma_start3A_107 = arith.constant 0 : i32
        %dma_start3A_108 = arith.constant 0 : i32
        %dma_start3A_109 = tpu.memref_slice %arg9[%dma_start3A_107, %dma_start3A_108] : memref<10016x128xbf16, #tpu.memory_space<vmem_shared>> -> memref<10016x128xbf16, #tpu.memory_space<vmem_shared>>
        tpu.enqueue_indirect_dma source(%arg13 : memref<256x128xbf16, #tpu.memory_space<vmem>>) target(%dma_start3A_109 : memref<10016x128xbf16, #tpu.memory_space<vmem_shared>>) offsets(%dma_start3A_106 : memref<256xi32, #tpu.memory_space<vmem>>) semaphore(%arg21 : memref<!tpu.dma_semaphore, #tpu.memory_space<semaphore_mem>>) {add = true}
        %add3A_110 = arith.constant 2 : i32
        %add3A_111 = arith.addi %add3A_66, %add3A_110 : i32
        %add3A_112 = arith.constant 2 : i32
        %add3A_113 = arith.addi %add3A_111, %add3A_112 : i32
        %lt3A_114 = arith.constant 40 : i32
        %lt3A_115 = arith.cmpi slt, %add3A_113, %lt3A_114 : i32
        %convert_element_type3A_116 = arith.extui %lt3A_115 : i1 to i32
        %cond3A_117 = arith.constant 0 : i32
        %cond3A_118 = arith.cmpi ne, %convert_element_type3A_116, %cond3A_117 : i32
        scf.if %cond3A_118 {
          %ge3A = arith.constant 2 : i32
          %ge3A_154 = arith.cmpi sge, %add3A_111, %ge3A : i32
          %convert_element_type3A_155 = arith.extui %ge3A_154 : i1 to i32
          %cond3A_156 = arith.constant 0 : i32
          %cond3A_157 = arith.cmpi ne, %convert_element_type3A_155, %cond3A_156 : i32
          scf.if %cond3A_157 {
            %dma_wait3A_166 = arith.constant 0 : i32
            %dma_wait3A_167 = arith.constant 0 : i32
            %dma_wait3A_168 = tpu.memref_slice %arg11[%dma_wait3A_166, %dma_wait3A_167] : memref<40x256xi32, #tpu.memory_space<vmem>> -> memref<1x256xi32, #tpu.memory_space<vmem>>
            %dma_wait3A_169 = tpu.memref_squeeze %dma_wait3A_168 : memref<1x256xi32, #tpu.memory_space<vmem>> -> memref<256xi32, #tpu.memory_space<vmem>>
            %dma_wait3A_170 = arith.constant 0 : i32
            %dma_wait3A_171 = arith.constant 0 : i32
            %dma_wait3A_172 = tpu.memref_slice %arg9[%dma_wait3A_170, %dma_wait3A_171] : memref<10016x128xbf16, #tpu.memory_space<vmem_shared>> -> memref<10016x128xbf16, #tpu.memory_space<vmem_shared>>
            tpu.wait_indirect_dma semaphore(%arg20 : memref<!tpu.dma_semaphore, #tpu.memory_space<semaphore_mem>>) src(%arg12 : memref<256x128xbf16, #tpu.memory_space<vmem>>) dst(%dma_wait3A_172 : memref<10016x128xbf16, #tpu.memory_space<vmem_shared>>)
          } else {
          }
          %add3A_158 = arith.constant 2 : i32
          %add3A_159 = arith.addi %add3A_111, %add3A_158 : i32
          %dma_start3A_160 = arith.constant 0 : i32
          %dma_start3A_161 = tpu.memref_slice %arg10[%add3A_159, %dma_start3A_160] : memref<40x256xi32, #tpu.memory_space<vmem>> -> memref<1x256xi32, #tpu.memory_space<vmem>>
          %dma_start3A_162 = tpu.memref_squeeze %dma_start3A_161 : memref<1x256xi32, #tpu.memory_space<vmem>> -> memref<256xi32, #tpu.memory_space<vmem>>
          %dma_start3A_163 = arith.constant 0 : i32
          %dma_start3A_164 = arith.constant 0 : i32
          %dma_start3A_165 = tpu.memref_slice %arg3[%dma_start3A_163, %dma_start3A_164] : memref<10000x128xbf16, #tpu.memory_space<hbm>> -> memref<10000x128xbf16, #tpu.memory_space<hbm>>
          tpu.enqueue_indirect_dma source(%dma_start3A_165 : memref<10000x128xbf16, #tpu.memory_space<hbm>>) target(%arg12 : memref<256x128xbf16, #tpu.memory_space<vmem>>) offsets(%dma_start3A_162 : memref<256xi32, #tpu.memory_space<vmem>>) semaphore(%arg16 : memref<!tpu.dma_semaphore, #tpu.memory_space<semaphore_mem>>)
        } else {
        }
        %dma_wait3A_119 = arith.constant 0 : i32
        %dma_wait3A_120 = arith.constant 0 : i32
        %dma_wait3A_121 = tpu.memref_slice %arg10[%dma_wait3A_119, %dma_wait3A_120] : memref<40x256xi32, #tpu.memory_space<vmem>> -> memref<1x256xi32, #tpu.memory_space<vmem>>
        %dma_wait3A_122 = tpu.memref_squeeze %dma_wait3A_121 : memref<1x256xi32, #tpu.memory_space<vmem>> -> memref<256xi32, #tpu.memory_space<vmem>>
        %dma_wait3A_123 = arith.constant 0 : i32
        %dma_wait3A_124 = arith.constant 0 : i32
        %dma_wait3A_125 = tpu.memref_slice %arg3[%dma_wait3A_123, %dma_wait3A_124] : memref<10000x128xbf16, #tpu.memory_space<hbm>> -> memref<10000x128xbf16, #tpu.memory_space<hbm>>
        tpu.wait_indirect_dma semaphore(%arg18 : memref<!tpu.dma_semaphore, #tpu.memory_space<semaphore_mem>>) src(%dma_wait3A_125 : memref<10000x128xbf16, #tpu.memory_space<hbm>>) dst(%arg14 : memref<256x128xbf16, #tpu.memory_space<vmem>>)
        %dma_start3A_126 = arith.constant 0 : i32
        %dma_start3A_127 = tpu.memref_slice %arg11[%add3A_111, %dma_start3A_126] : memref<40x256xi32, #tpu.memory_space<vmem>> -> memref<1x256xi32, #tpu.memory_space<vmem>>
        %dma_start3A_128 = tpu.memref_squeeze %dma_start3A_127 : memref<1x256xi32, #tpu.memory_space<vmem>> -> memref<256xi32, #tpu.memory_space<vmem>>
        %dma_start3A_129 = arith.constant 0 : i32
        %dma_start3A_130 = arith.constant 0 : i32
        %dma_start3A_131 = tpu.memref_slice %arg9[%dma_start3A_129, %dma_start3A_130] : memref<10016x128xbf16, #tpu.memory_space<vmem_shared>> -> memref<10016x128xbf16, #tpu.memory_space<vmem_shared>>
        tpu.enqueue_indirect_dma source(%arg14 : memref<256x128xbf16, #tpu.memory_space<vmem>>) target(%dma_start3A_131 : memref<10016x128xbf16, #tpu.memory_space<vmem_shared>>) offsets(%dma_start3A_128 : memref<256xi32, #tpu.memory_space<vmem>>) semaphore(%arg22 : memref<!tpu.dma_semaphore, #tpu.memory_space<semaphore_mem>>) {add = true}
        %add3A_132 = arith.constant 3 : i32
        %add3A_133 = arith.addi %add3A_66, %add3A_132 : i32
        %add3A_134 = arith.constant 2 : i32
        %add3A_135 = arith.addi %add3A_133, %add3A_134 : i32
        %lt3A_136 = arith.constant 40 : i32
        %lt3A_137 = arith.cmpi slt, %add3A_135, %lt3A_136 : i32
        %convert_element_type3A_138 = arith.extui %lt3A_137 : i1 to i32
        %cond3A_139 = arith.constant 0 : i32
        %cond3A_140 = arith.cmpi ne, %convert_element_type3A_138, %cond3A_139 : i32
        scf.if %cond3A_140 {
          %ge3A = arith.constant 2 : i32
          %ge3A_154 = arith.cmpi sge, %add3A_133, %ge3A : i32
          %convert_element_type3A_155 = arith.extui %ge3A_154 : i1 to i32
          %cond3A_156 = arith.constant 0 : i32
          %cond3A_157 = arith.cmpi ne, %convert_element_type3A_155, %cond3A_156 : i32
          scf.if %cond3A_157 {
            %dma_wait3A_166 = arith.constant 0 : i32
            %dma_wait3A_167 = arith.constant 0 : i32
            %dma_wait3A_168 = tpu.memref_slice %arg11[%dma_wait3A_166, %dma_wait3A_167] : memref<40x256xi32, #tpu.memory_space<vmem>> -> memref<1x256xi32, #tpu.memory_space<vmem>>
            %dma_wait3A_169 = tpu.memref_squeeze %dma_wait3A_168 : memref<1x256xi32, #tpu.memory_space<vmem>> -> memref<256xi32, #tpu.memory_space<vmem>>
            %dma_wait3A_170 = arith.constant 0 : i32
            %dma_wait3A_171 = arith.constant 0 : i32
            %dma_wait3A_172 = tpu.memref_slice %arg9[%dma_wait3A_170, %dma_wait3A_171] : memref<10016x128xbf16, #tpu.memory_space<vmem_shared>> -> memref<10016x128xbf16, #tpu.memory_space<vmem_shared>>
            tpu.wait_indirect_dma semaphore(%arg21 : memref<!tpu.dma_semaphore, #tpu.memory_space<semaphore_mem>>) src(%arg13 : memref<256x128xbf16, #tpu.memory_space<vmem>>) dst(%dma_wait3A_172 : memref<10016x128xbf16, #tpu.memory_space<vmem_shared>>)
          } else {
          }
          %add3A_158 = arith.constant 2 : i32
          %add3A_159 = arith.addi %add3A_133, %add3A_158 : i32
          %dma_start3A_160 = arith.constant 0 : i32
          %dma_start3A_161 = tpu.memref_slice %arg10[%add3A_159, %dma_start3A_160] : memref<40x256xi32, #tpu.memory_space<vmem>> -> memref<1x256xi32, #tpu.memory_space<vmem>>
          %dma_start3A_162 = tpu.memref_squeeze %dma_start3A_161 : memref<1x256xi32, #tpu.memory_space<vmem>> -> memref<256xi32, #tpu.memory_space<vmem>>
          %dma_start3A_163 = arith.constant 0 : i32
          %dma_start3A_164 = arith.constant 0 : i32
          %dma_start3A_165 = tpu.memref_slice %arg3[%dma_start3A_163, %dma_start3A_164] : memref<10000x128xbf16, #tpu.memory_space<hbm>> -> memref<10000x128xbf16, #tpu.memory_space<hbm>>
          tpu.enqueue_indirect_dma source(%dma_start3A_165 : memref<10000x128xbf16, #tpu.memory_space<hbm>>) target(%arg13 : memref<256x128xbf16, #tpu.memory_space<vmem>>) offsets(%dma_start3A_162 : memref<256xi32, #tpu.memory_space<vmem>>) semaphore(%arg17 : memref<!tpu.dma_semaphore, #tpu.memory_space<semaphore_mem>>)
        } else {
        }
        %dma_wait3A_141 = arith.constant 0 : i32
        %dma_wait3A_142 = arith.constant 0 : i32
        %dma_wait3A_143 = tpu.memref_slice %arg10[%dma_wait3A_141, %dma_wait3A_142] : memref<40x256xi32, #tpu.memory_space<vmem>> -> memref<1x256xi32, #tpu.memory_space<vmem>>
        %dma_wait3A_144 = tpu.memref_squeeze %dma_wait3A_143 : memref<1x256xi32, #tpu.memory_space<vmem>> -> memref<256xi32, #tpu.memory_space<vmem>>
        %dma_wait3A_145 = arith.constant 0 : i32
        %dma_wait3A_146 = arith.constant 0 : i32
        %dma_wait3A_147 = tpu.memref_slice %arg3[%dma_wait3A_145, %dma_wait3A_146] : memref<10000x128xbf16, #tpu.memory_space<hbm>> -> memref<10000x128xbf16, #tpu.memory_space<hbm>>
        tpu.wait_indirect_dma semaphore(%arg19 : memref<!tpu.dma_semaphore, #tpu.memory_space<semaphore_mem>>) src(%dma_wait3A_147 : memref<10000x128xbf16, #tpu.memory_space<hbm>>) dst(%arg15 : memref<256x128xbf16, #tpu.memory_space<vmem>>)
        %dma_start3A_148 = arith.constant 0 : i32
        %dma_start3A_149 = tpu.memref_slice %arg11[%add3A_133, %dma_start3A_148] : memref<40x256xi32, #tpu.memory_space<vmem>> -> memref<1x256xi32, #tpu.memory_space<vmem>>
        %dma_start3A_150 = tpu.memref_squeeze %dma_start3A_149 : memref<1x256xi32, #tpu.memory_space<vmem>> -> memref<256xi32, #tpu.memory_space<vmem>>
        %dma_start3A_151 = arith.constant 0 : i32
        %dma_start3A_152 = arith.constant 0 : i32
        %dma_start3A_153 = tpu.memref_slice %arg9[%dma_start3A_151, %dma_start3A_152] : memref<10016x128xbf16, #tpu.memory_space<vmem_shared>> -> memref<10016x128xbf16, #tpu.memory_space<vmem_shared>>
        tpu.enqueue_indirect_dma source(%arg15 : memref<256x128xbf16, #tpu.memory_space<vmem>>) target(%dma_start3A_153 : memref<10016x128xbf16, #tpu.memory_space<vmem_shared>>) offsets(%dma_start3A_150 : memref<256xi32, #tpu.memory_space<vmem>>) semaphore(%arg23 : memref<!tpu.dma_semaphore, #tpu.memory_space<semaphore_mem>>) {add = true}
      }
      %scan3A_30 = arith.constant 10 : i32
      %dma_wait3A = arith.constant 0 : i32
      %dma_wait3A_31 = arith.constant 0 : i32
      %dma_wait3A_32 = tpu.memref_slice %arg11[%dma_wait3A, %dma_wait3A_31] : memref<40x256xi32, #tpu.memory_space<vmem>> -> memref<1x256xi32, #tpu.memory_space<vmem>>
      %dma_wait3A_33 = tpu.memref_squeeze %dma_wait3A_32 : memref<1x256xi32, #tpu.memory_space<vmem>> -> memref<256xi32, #tpu.memory_space<vmem>>
      %dma_wait3A_34 = arith.constant 0 : i32
      %dma_wait3A_35 = arith.constant 0 : i32
      %dma_wait3A_36 = tpu.memref_slice %arg9[%dma_wait3A_34, %dma_wait3A_35] : memref<10016x128xbf16, #tpu.memory_space<vmem_shared>> -> memref<10016x128xbf16, #tpu.memory_space<vmem_shared>>
      tpu.wait_indirect_dma semaphore(%arg20 : memref<!tpu.dma_semaphore, #tpu.memory_space<semaphore_mem>>) src(%arg12 : memref<256x128xbf16, #tpu.memory_space<vmem>>) dst(%dma_wait3A_36 : memref<10016x128xbf16, #tpu.memory_space<vmem_shared>>)
      %dma_wait3A_37 = arith.constant 0 : i32
      %dma_wait3A_38 = arith.constant 0 : i32
      %dma_wait3A_39 = tpu.memref_slice %arg11[%dma_wait3A_37, %dma_wait3A_38] : memref<40x256xi32, #tpu.memory_space<vmem>> -> memref<1x256xi32, #tpu.memory_space<vmem>>
      %dma_wait3A_40 = tpu.memref_squeeze %dma_wait3A_39 : memref<1x256xi32, #tpu.memory_space<vmem>> -> memref<256xi32, #tpu.memory_space<vmem>>
      %dma_wait3A_41 = arith.constant 0 : i32
      %dma_wait3A_42 = arith.constant 0 : i32
      %dma_wait3A_43 = tpu.memref_slice %arg9[%dma_wait3A_41, %dma_wait3A_42] : memref<10016x128xbf16, #tpu.memory_space<vmem_shared>> -> memref<10016x128xbf16, #tpu.memory_space<vmem_shared>>
      tpu.wait_indirect_dma semaphore(%arg21 : memref<!tpu.dma_semaphore, #tpu.memory_space<semaphore_mem>>) src(%arg13 : memref<256x128xbf16, #tpu.memory_space<vmem>>) dst(%dma_wait3A_43 : memref<10016x128xbf16, #tpu.memory_space<vmem_shared>>)
      %dma_wait3A_44 = arith.constant 0 : i32
      %dma_wait3A_45 = arith.constant 0 : i32
      %dma_wait3A_46 = tpu.memref_slice %arg11[%dma_wait3A_44, %dma_wait3A_45] : memref<40x256xi32, #tpu.memory_space<vmem>> -> memref<1x256xi32, #tpu.memory_space<vmem>>
      %dma_wait3A_47 = tpu.memref_squeeze %dma_wait3A_46 : memref<1x256xi32, #tpu.memory_space<vmem>> -> memref<256xi32, #tpu.memory_space<vmem>>
      %dma_wait3A_48 = arith.constant 0 : i32
      %dma_wait3A_49 = arith.constant 0 : i32
      %dma_wait3A_50 = tpu.memref_slice %arg9[%dma_wait3A_48, %dma_wait3A_49] : memref<10016x128xbf16, #tpu.memory_space<vmem_shared>> -> memref<10016x128xbf16, #tpu.memory_space<vmem_shared>>
      tpu.wait_indirect_dma semaphore(%arg22 : memref<!tpu.dma_semaphore, #tpu.memory_space<semaphore_mem>>) src(%arg14 : memref<256x128xbf16, #tpu.memory_space<vmem>>) dst(%dma_wait3A_50 : memref<10016x128xbf16, #tpu.memory_space<vmem_shared>>)
      %dma_wait3A_51 = arith.constant 0 : i32
      %dma_wait3A_52 = arith.constant 0 : i32
      %dma_wait3A_53 = tpu.memref_slice %arg11[%dma_wait3A_51, %dma_wait3A_52] : memref<40x256xi32, #tpu.memory_space<vmem>> -> memref<1x256xi32, #tpu.memory_space<vmem>>
      %dma_wait3A_54 = tpu.memref_squeeze %dma_wait3A_53 : memref<1x256xi32, #tpu.memory_space<vmem>> -> memref<256xi32, #tpu.memory_space<vmem>>
      %dma_wait3A_55 = arith.constant 0 : i32
      %dma_wait3A_56 = arith.constant 0 : i32
      %dma_wait3A_57 = tpu.memref_slice %arg9[%dma_wait3A_55, %dma_wait3A_56] : memref<10016x128xbf16, #tpu.memory_space<vmem_shared>> -> memref<10016x128xbf16, #tpu.memory_space<vmem_shared>>
      tpu.wait_indirect_dma semaphore(%arg23 : memref<!tpu.dma_semaphore, #tpu.memory_space<semaphore_mem>>) src(%arg15 : memref<256x128xbf16, #tpu.memory_space<vmem>>) dst(%dma_wait3A_57 : memref<10016x128xbf16, #tpu.memory_space<vmem_shared>>)
      %barrier3A_58 = arith.constant 0 : index
      tpu.barrier barrier_id(%barrier3A_58)
      %mul3A_59 = arith.constant 625 : i32
      %mul3A_60 = arith.muli %arg1, %mul3A_59 : i32
      %mul3A_61 = arith.constant 625 : i32
      %mul3A_62 = arith.muli %arg1, %mul3A_61 : i32
      "tpu.region"() ({
        %run_scoped3A = tpu.sem_alloc : memref<!tpu.dma_semaphore, #tpu.memory_space<semaphore_mem>>
        %dma_start3A_63 = arith.constant 0 : i32
        %dma_start3A_64 = tpu.memref_slice %arg8[%mul3A_62, %dma_start3A_63] : memref<10000x128xbf16, #tpu.memory_space<hbm>> -> memref<625x128xbf16, #tpu.memory_space<hbm>>
        %dma_start3A_65 = arith.constant 0 : i32
        %dma_start3A_66 = tpu.memref_slice %arg9[%mul3A_60, %dma_start3A_65] : memref<10016x128xbf16, #tpu.memory_space<vmem_shared>> -> memref<625x128xbf16, #tpu.memory_space<vmem_shared>>
        tpu.enqueue_dma source(%dma_start3A_66 : memref<625x128xbf16, #tpu.memory_space<vmem_shared>>) target(%dma_start3A_64 : memref<625x128xbf16, #tpu.memory_space<hbm>>) target_semaphore(%run_scoped3A : memref<!tpu.dma_semaphore, #tpu.memory_space<semaphore_mem>>)
        %dma_wait3A_67 = arith.constant 0 : i32
        %dma_wait3A_68 = tpu.memref_slice %arg8[%mul3A_62, %dma_wait3A_67] : memref<10000x128xbf16, #tpu.memory_space<hbm>> -> memref<625x128xbf16, #tpu.memory_space<hbm>>
        %dma_wait3A_69 = arith.constant 0 : i32
        %dma_wait3A_70 = tpu.memref_slice %arg9[%mul3A_60, %dma_wait3A_69] : memref<10016x128xbf16, #tpu.memory_space<vmem_shared>> -> memref<625x128xbf16, #tpu.memory_space<vmem_shared>>
        tpu.wait_dma2 semaphore(%run_scoped3A : memref<!tpu.dma_semaphore, #tpu.memory_space<semaphore_mem>>) src(%dma_wait3A_70 : memref<625x128xbf16, #tpu.memory_space<vmem_shared>>) dst(%dma_wait3A_68 : memref<625x128xbf16, #tpu.memory_space<hbm>>)
        tpu.yield
      }) : () -> ()
    } else {
    }
    return
  }
}

#map = affine_map<(d0, d1) -> (0, 0)>
module attributes {stable_mosaic.version = 14 : i64} {
  func.func @_seg_sum(%arg0: i32, %arg1: i32, %arg2: memref<10000x128xbf16, #tpu.memory_space<hbm>>, %arg3: memref<10000x128xbf16, #tpu.memory_space<hbm>>, %arg4: memref<640x256xi32, #tpu.memory_space<hbm>>, %arg5: memref<640x256xi32, #tpu.memory_space<hbm>>, %arg6: memref<10016x128xbf16, #tpu.memory_space<hbm>>, %arg7: memref<10000x128xbf16, #tpu.memory_space<hbm>>, %arg8: memref<10000x128xbf16, #tpu.memory_space<hbm>>, %arg9: memref<10016x128xbf16, #tpu.memory_space<vmem_shared>>, %arg10: memref<40x256xi32, #tpu.memory_space<vmem>>, %arg11: memref<40x256xi32, #tpu.memory_space<vmem>>, %arg12: memref<256x128xbf16, #tpu.memory_space<vmem>>, %arg13: memref<256x128xbf16, #tpu.memory_space<vmem>>, %arg14: memref<256x128xbf16, #tpu.memory_space<vmem>>, %arg15: memref<256x128xbf16, #tpu.memory_space<vmem>>, %arg16: memref<!tpu.dma_semaphore, #tpu.memory_space<semaphore_mem>>, %arg17: memref<!tpu.dma_semaphore, #tpu.memory_space<semaphore_mem>>, %arg18: memref<!tpu.dma_semaphore, #tpu.memory_space<semaphore_mem>>, %arg19: memref<!tpu.dma_semaphore, #tpu.memory_space<semaphore_mem>>, %arg20: memref<!tpu.dma_semaphore, #tpu.memory_space<semaphore_mem>>, %arg21: memref<!tpu.dma_semaphore, #tpu.memory_space<semaphore_mem>>, %arg22: memref<!tpu.dma_semaphore, #tpu.memory_space<semaphore_mem>>, %arg23: memref<!tpu.dma_semaphore, #tpu.memory_space<semaphore_mem>>) attributes {dimension_semantics = [#tpu.dimension_semantics<core_parallel>, #tpu.dimension_semantics<subcore_parallel>], iteration_bounds = array<i64: 2, 16>, scalar_prefetch = 0 : i64, scratch_operands = 15 : i64, tpu.core_type = #tpu.core_type<sc_vector_subcore>, window_params = [{transform_indices = #map}, {transform_indices = #map}, {transform_indices = #map}, {transform_indices = #map}, {transform_indices = #map}, {transform_indices = #map}, {transform_indices = #map}]} {
    %mul3A = arith.constant 626 : i32
    %mul3A_0 = arith.muli %arg1, %mul3A : i32
    %mul3A_1 = arith.constant 626 : i32
    %mul3A_2 = arith.muli %arg1, %mul3A_1 : i32
    "tpu.region"() ({
      %run_scoped3A = tpu.sem_alloc : memref<!tpu.dma_semaphore, #tpu.memory_space<semaphore_mem>>
      %dma_start3A = arith.constant 0 : i32
      %dma_start3A_14 = tpu.memref_slice %arg9[%mul3A_2, %dma_start3A] : memref<10016x128xbf16, #tpu.memory_space<vmem_shared>> -> memref<626x128xbf16, #tpu.memory_space<vmem_shared>>
      %dma_start3A_15 = arith.constant 0 : i32
      %dma_start3A_16 = tpu.memref_slice %arg6[%mul3A_0, %dma_start3A_15] : memref<10016x128xbf16, #tpu.memory_space<hbm>> -> memref<626x128xbf16, #tpu.memory_space<hbm>>
      tpu.enqueue_dma source(%dma_start3A_16 : memref<626x128xbf16, #tpu.memory_space<hbm>>) target(%dma_start3A_14 : memref<626x128xbf16, #tpu.memory_space<vmem_shared>>) target_semaphore(%run_scoped3A : memref<!tpu.dma_semaphore, #tpu.memory_space<semaphore_mem>>)
      %dma_wait3A = arith.constant 0 : i32
      %dma_wait3A_17 = tpu.memref_slice %arg9[%mul3A_2, %dma_wait3A] : memref<10016x128xbf16, #tpu.memory_space<vmem_shared>> -> memref<626x128xbf16, #tpu.memory_space<vmem_shared>>
      %dma_wait3A_18 = arith.constant 0 : i32
      %dma_wait3A_19 = tpu.memref_slice %arg6[%mul3A_0, %dma_wait3A_18] : memref<10016x128xbf16, #tpu.memory_space<hbm>> -> memref<626x128xbf16, #tpu.memory_space<hbm>>
      tpu.wait_dma2 semaphore(%run_scoped3A : memref<!tpu.dma_semaphore, #tpu.memory_space<semaphore_mem>>) src(%dma_wait3A_19 : memref<626x128xbf16, #tpu.memory_space<hbm>>) dst(%dma_wait3A_17 : memref<626x128xbf16, #tpu.memory_space<vmem_shared>>)
      tpu.yield
    }) : () -> ()
    %mul3A_3 = arith.constant 40 : i32
    %mul3A_4 = arith.muli %arg1, %mul3A_3 : i32
    "tpu.region"() ({
      %run_scoped3A = tpu.sem_alloc : memref<!tpu.dma_semaphore, #tpu.memory_space<semaphore_mem>>
      %dma_start3A = arith.constant 0 : i32
      %dma_start3A_14 = tpu.memref_slice %arg4[%mul3A_4, %dma_start3A] : memref<640x256xi32, #tpu.memory_space<hbm>> -> memref<40x256xi32, #tpu.memory_space<hbm>>
      %dma_start3A_15 = arith.constant 0 : i32
      %dma_start3A_16 = tpu.memref_slice %arg4[%mul3A_4, %dma_start3A_15] : memref<640x256xi32, #tpu.memory_space<hbm>> -> memref<40x256xi32, #tpu.memory_space<hbm>>
      tpu.enqueue_dma source(%dma_start3A_16 : memref<40x256xi32, #tpu.memory_space<hbm>>) target(%arg10 : memref<40x256xi32, #tpu.memory_space<vmem>>) target_semaphore(%run_scoped3A : memref<!tpu.dma_semaphore, #tpu.memory_space<semaphore_mem>>)
      %dma_wait3A = arith.constant 0 : i32
      %dma_wait3A_17 = tpu.memref_slice %arg4[%mul3A_4, %dma_wait3A] : memref<640x256xi32, #tpu.memory_space<hbm>> -> memref<40x256xi32, #tpu.memory_space<hbm>>
      %dma_wait3A_18 = arith.constant 0 : i32
      %dma_wait3A_19 = tpu.memref_slice %arg4[%mul3A_4, %dma_wait3A_18] : memref<640x256xi32, #tpu.memory_space<hbm>> -> memref<40x256xi32, #tpu.memory_space<hbm>>
      tpu.wait_dma2 semaphore(%run_scoped3A : memref<!tpu.dma_semaphore, #tpu.memory_space<semaphore_mem>>) src(%dma_wait3A_19 : memref<40x256xi32, #tpu.memory_space<hbm>>) dst(%arg10 : memref<40x256xi32, #tpu.memory_space<vmem>>)
      tpu.yield
    }) : () -> ()
    %mul3A_5 = arith.constant 40 : i32
    %mul3A_6 = arith.muli %arg1, %mul3A_5 : i32
    "tpu.region"() ({
      %run_scoped3A = tpu.sem_alloc : memref<!tpu.dma_semaphore, #tpu.memory_space<semaphore_mem>>
      %dma_start3A = arith.constant 0 : i32
      %dma_start3A_14 = tpu.memref_slice %arg5[%mul3A_6, %dma_start3A] : memref<640x256xi32, #tpu.memory_space<hbm>> -> memref<40x256xi32, #tpu.memory_space<hbm>>
      %dma_start3A_15 = arith.constant 0 : i32
      %dma_start3A_16 = tpu.memref_slice %arg5[%mul3A_6, %dma_start3A_15] : memref<640x256xi32, #tpu.memory_space<hbm>> -> memref<40x256xi32, #tpu.memory_space<hbm>>
      tpu.enqueue_dma source(%dma_start3A_16 : memref<40x256xi32, #tpu.memory_space<hbm>>) target(%arg11 : memref<40x256xi32, #tpu.memory_space<vmem>>) target_semaphore(%run_scoped3A : memref<!tpu.dma_semaphore, #tpu.memory_space<semaphore_mem>>)
      %dma_wait3A = arith.constant 0 : i32
      %dma_wait3A_17 = tpu.memref_slice %arg5[%mul3A_6, %dma_wait3A] : memref<640x256xi32, #tpu.memory_space<hbm>> -> memref<40x256xi32, #tpu.memory_space<hbm>>
      %dma_wait3A_18 = arith.constant 0 : i32
      %dma_wait3A_19 = tpu.memref_slice %arg5[%mul3A_6, %dma_wait3A_18] : memref<640x256xi32, #tpu.memory_space<hbm>> -> memref<40x256xi32, #tpu.memory_space<hbm>>
      tpu.wait_dma2 semaphore(%run_scoped3A : memref<!tpu.dma_semaphore, #tpu.memory_space<semaphore_mem>>) src(%dma_wait3A_19 : memref<40x256xi32, #tpu.memory_space<hbm>>) dst(%arg11 : memref<40x256xi32, #tpu.memory_space<vmem>>)
      tpu.yield
    }) : () -> ()
    %barrier3A = arith.constant 0 : index
    tpu.barrier barrier_id(%barrier3A)
    %eq3A = arith.constant 0 : i32
    %eq3A_7 = arith.cmpi eq, %arg0, %eq3A : i32
    %convert_element_type3A = arith.extui %eq3A_7 : i1 to i32
    %cond3A = arith.constant 0 : i32
    %cond3A_8 = arith.cmpi ne, %convert_element_type3A, %cond3A : i32
    scf.if %cond3A_8 {
      %dma_start3A = arith.constant 0 : i32
      %dma_start3A_14 = arith.constant 0 : i32
      %dma_start3A_15 = tpu.memref_slice %arg10[%dma_start3A, %dma_start3A_14] : memref<40x256xi32, #tpu.memory_space<vmem>> -> memref<1x256xi32, #tpu.memory_space<vmem>>
      %dma_start3A_16 = tpu.memref_squeeze %dma_start3A_15 : memref<1x256xi32, #tpu.memory_space<vmem>> -> memref<256xi32, #tpu.memory_space<vmem>>
      %dma_start3A_17 = arith.constant 0 : i32
      %dma_start3A_18 = arith.constant 0 : i32
      %dma_start3A_19 = tpu.memref_slice %arg2[%dma_start3A_17, %dma_start3A_18] : memref<10000x128xbf16, #tpu.memory_space<hbm>> -> memref<10000x128xbf16, #tpu.memory_space<hbm>>
      tpu.enqueue_indirect_dma source(%dma_start3A_19 : memref<10000x128xbf16, #tpu.memory_space<hbm>>) target(%arg12 : memref<256x128xbf16, #tpu.memory_space<vmem>>) offsets(%dma_start3A_16 : memref<256xi32, #tpu.memory_space<vmem>>) semaphore(%arg16 : memref<!tpu.dma_semaphore, #tpu.memory_space<semaphore_mem>>)
      %dma_start3A_20 = arith.constant 1 : i32
      %dma_start3A_21 = arith.constant 0 : i32
      %dma_start3A_22 = tpu.memref_slice %arg10[%dma_start3A_20, %dma_start3A_21] : memref<40x256xi32, #tpu.memory_space<vmem>> -> memref<1x256xi32, #tpu.memory_space<vmem>>
      %dma_start3A_23 = tpu.memref_squeeze %dma_start3A_22 : memref<1x256xi32, #tpu.memory_space<vmem>> -> memref<256xi32, #tpu.memory_space<vmem>>
      %dma_start3A_24 = arith.constant 0 : i32
      %dma_start3A_25 = arith.constant 0 : i32
      %dma_start3A_26 = tpu.memref_slice %arg2[%dma_start3A_24, %dma_start3A_25] : memref<10000x128xbf16, #tpu.memory_space<hbm>> -> memref<10000x128xbf16, #tpu.memory_space<hbm>>
      tpu.enqueue_indirect_dma source(%dma_start3A_26 : memref<10000x128xbf16, #tpu.memory_space<hbm>>) target(%arg13 : memref<256x128xbf16, #tpu.memory_space<vmem>>) offsets(%dma_start3A_23 : memref<256xi32, #tpu.memory_space<vmem>>) semaphore(%arg17 : memref<!tpu.dma_semaphore, #tpu.memory_space<semaphore_mem>>)
      %scan3A = arith.constant 0 : i32
      %scan3A_27 = arith.constant 10 : i32
      %scan3A_28 = arith.addi %scan3A, %scan3A_27 : i32
      %scan3A_29 = arith.constant 1 : i32
      scf.for %scan3A_63 = %scan3A to %scan3A_28 step %scan3A_29  : i32 {
        %mul3A_64 = arith.constant 4 : i32
        %mul3A_65 = arith.muli %scan3A_63, %mul3A_64 : i32
        %add3A = arith.constant 0 : i32
        %add3A_66 = arith.addi %add3A, %mul3A_65 : i32
        %add3A_67 = arith.constant 0 : i32
        %add3A_68 = arith.addi %add3A_66, %add3A_67 : i32
        %add3A_69 = arith.constant 2 : i32
        %add3A_70 = arith.addi %add3A_68, %add3A_69 : i32
        %lt3A = arith.constant 40 : i32
        %lt3A_71 = arith.cmpi slt, %add3A_70, %lt3A : i32
        %convert_element_type3A_72 = arith.extui %lt3A_71 : i1 to i32
        %cond3A_73 = arith.constant 0 : i32
        %cond3A_74 = arith.cmpi ne, %convert_element_type3A_72, %cond3A_73 : i32
        scf.if %cond3A_74 {
          %ge3A = arith.constant 2 : i32
          %ge3A_154 = arith.cmpi sge, %add3A_68, %ge3A : i32
          %convert_element_type3A_155 = arith.extui %ge3A_154 : i1 to i32
          %cond3A_156 = arith.constant 0 : i32
          %cond3A_157 = arith.cmpi ne, %convert_element_type3A_155, %cond3A_156 : i32
          scf.if %cond3A_157 {
            %dma_wait3A_166 = arith.constant 0 : i32
            %dma_wait3A_167 = arith.constant 0 : i32
            %dma_wait3A_168 = tpu.memref_slice %arg11[%dma_wait3A_166, %dma_wait3A_167] : memref<40x256xi32, #tpu.memory_space<vmem>> -> memref<1x256xi32, #tpu.memory_space<vmem>>
            %dma_wait3A_169 = tpu.memref_squeeze %dma_wait3A_168 : memref<1x256xi32, #tpu.memory_space<vmem>> -> memref<256xi32, #tpu.memory_space<vmem>>
            %dma_wait3A_170 = arith.constant 0 : i32
            %dma_wait3A_171 = arith.constant 0 : i32
            %dma_wait3A_172 = tpu.memref_slice %arg9[%dma_wait3A_170, %dma_wait3A_171] : memref<10016x128xbf16, #tpu.memory_space<vmem_shared>> -> memref<10016x128xbf16, #tpu.memory_space<vmem_shared>>
            tpu.wait_indirect_dma semaphore(%arg22 : memref<!tpu.dma_semaphore, #tpu.memory_space<semaphore_mem>>) src(%arg14 : memref<256x128xbf16, #tpu.memory_space<vmem>>) dst(%dma_wait3A_172 : memref<10016x128xbf16, #tpu.memory_space<vmem_shared>>)
          } else {
          }
          %add3A_158 = arith.constant 2 : i32
          %add3A_159 = arith.addi %add3A_68, %add3A_158 : i32
          %dma_start3A_160 = arith.constant 0 : i32
          %dma_start3A_161 = tpu.memref_slice %arg10[%add3A_159, %dma_start3A_160] : memref<40x256xi32, #tpu.memory_space<vmem>> -> memref<1x256xi32, #tpu.memory_space<vmem>>
          %dma_start3A_162 = tpu.memref_squeeze %dma_start3A_161 : memref<1x256xi32, #tpu.memory_space<vmem>> -> memref<256xi32, #tpu.memory_space<vmem>>
          %dma_start3A_163 = arith.constant 0 : i32
          %dma_start3A_164 = arith.constant 0 : i32
          %dma_start3A_165 = tpu.memref_slice %arg2[%dma_start3A_163, %dma_start3A_164] : memref<10000x128xbf16, #tpu.memory_space<hbm>> -> memref<10000x128xbf16, #tpu.memory_space<hbm>>
          tpu.enqueue_indirect_dma source(%dma_start3A_165 : memref<10000x128xbf16, #tpu.memory_space<hbm>>) target(%arg14 : memref<256x128xbf16, #tpu.memory_space<vmem>>) offsets(%dma_start3A_162 : memref<256xi32, #tpu.memory_space<vmem>>) semaphore(%arg18 : memref<!tpu.dma_semaphore, #tpu.memory_space<semaphore_mem>>)
        } else {
        }
        %dma_wait3A_75 = arith.constant 0 : i32
        %dma_wait3A_76 = arith.constant 0 : i32
        %dma_wait3A_77 = tpu.memref_slice %arg10[%dma_wait3A_75, %dma_wait3A_76] : memref<40x256xi32, #tpu.memory_space<vmem>> -> memref<1x256xi32, #tpu.memory_space<vmem>>
        %dma_wait3A_78 = tpu.memref_squeeze %dma_wait3A_77 : memref<1x256xi32, #tpu.memory_space<vmem>> -> memref<256xi32, #tpu.memory_space<vmem>>
        %dma_wait3A_79 = arith.constant 0 : i32
        %dma_wait3A_80 = arith.constant 0 : i32
        %dma_wait3A_81 = tpu.memref_slice %arg2[%dma_wait3A_79, %dma_wait3A_80] : memref<10000x128xbf16, #tpu.memory_space<hbm>> -> memref<10000x128xbf16, #tpu.memory_space<hbm>>
        tpu.wait_indirect_dma semaphore(%arg16 : memref<!tpu.dma_semaphore, #tpu.memory_space<semaphore_mem>>) src(%dma_wait3A_81 : memref<10000x128xbf16, #tpu.memory_space<hbm>>) dst(%arg12 : memref<256x128xbf16, #tpu.memory_space<vmem>>)
        %dma_start3A_82 = arith.constant 0 : i32
        %dma_start3A_83 = tpu.memref_slice %arg11[%add3A_68, %dma_start3A_82] : memref<40x256xi32, #tpu.memory_space<vmem>> -> memref<1x256xi32, #tpu.memory_space<vmem>>
        %dma_start3A_84 = tpu.memref_squeeze %dma_start3A_83 : memref<1x256xi32, #tpu.memory_space<vmem>> -> memref<256xi32, #tpu.memory_space<vmem>>
        %dma_start3A_85 = arith.constant 0 : i32
        %dma_start3A_86 = arith.constant 0 : i32
        %dma_start3A_87 = tpu.memref_slice %arg9[%dma_start3A_85, %dma_start3A_86] : memref<10016x128xbf16, #tpu.memory_space<vmem_shared>> -> memref<10016x128xbf16, #tpu.memory_space<vmem_shared>>
        tpu.enqueue_indirect_dma source(%arg12 : memref<256x128xbf16, #tpu.memory_space<vmem>>) target(%dma_start3A_87 : memref<10016x128xbf16, #tpu.memory_space<vmem_shared>>) offsets(%dma_start3A_84 : memref<256xi32, #tpu.memory_space<vmem>>) semaphore(%arg20 : memref<!tpu.dma_semaphore, #tpu.memory_space<semaphore_mem>>) {add = true}
        %add3A_88 = arith.constant 1 : i32
        %add3A_89 = arith.addi %add3A_66, %add3A_88 : i32
        %add3A_90 = arith.constant 2 : i32
        %add3A_91 = arith.addi %add3A_89, %add3A_90 : i32
        %lt3A_92 = arith.constant 40 : i32
        %lt3A_93 = arith.cmpi slt, %add3A_91, %lt3A_92 : i32
        %convert_element_type3A_94 = arith.extui %lt3A_93 : i1 to i32
        %cond3A_95 = arith.constant 0 : i32
        %cond3A_96 = arith.cmpi ne, %convert_element_type3A_94, %cond3A_95 : i32
        scf.if %cond3A_96 {
          %ge3A = arith.constant 2 : i32
          %ge3A_154 = arith.cmpi sge, %add3A_89, %ge3A : i32
          %convert_element_type3A_155 = arith.extui %ge3A_154 : i1 to i32
          %cond3A_156 = arith.constant 0 : i32
          %cond3A_157 = arith.cmpi ne, %convert_element_type3A_155, %cond3A_156 : i32
          scf.if %cond3A_157 {
            %dma_wait3A_166 = arith.constant 0 : i32
            %dma_wait3A_167 = arith.constant 0 : i32
            %dma_wait3A_168 = tpu.memref_slice %arg11[%dma_wait3A_166, %dma_wait3A_167] : memref<40x256xi32, #tpu.memory_space<vmem>> -> memref<1x256xi32, #tpu.memory_space<vmem>>
            %dma_wait3A_169 = tpu.memref_squeeze %dma_wait3A_168 : memref<1x256xi32, #tpu.memory_space<vmem>> -> memref<256xi32, #tpu.memory_space<vmem>>
            %dma_wait3A_170 = arith.constant 0 : i32
            %dma_wait3A_171 = arith.constant 0 : i32
            %dma_wait3A_172 = tpu.memref_slice %arg9[%dma_wait3A_170, %dma_wait3A_171] : memref<10016x128xbf16, #tpu.memory_space<vmem_shared>> -> memref<10016x128xbf16, #tpu.memory_space<vmem_shared>>
            tpu.wait_indirect_dma semaphore(%arg23 : memref<!tpu.dma_semaphore, #tpu.memory_space<semaphore_mem>>) src(%arg15 : memref<256x128xbf16, #tpu.memory_space<vmem>>) dst(%dma_wait3A_172 : memref<10016x128xbf16, #tpu.memory_space<vmem_shared>>)
          } else {
          }
          %add3A_158 = arith.constant 2 : i32
          %add3A_159 = arith.addi %add3A_89, %add3A_158 : i32
          %dma_start3A_160 = arith.constant 0 : i32
          %dma_start3A_161 = tpu.memref_slice %arg10[%add3A_159, %dma_start3A_160] : memref<40x256xi32, #tpu.memory_space<vmem>> -> memref<1x256xi32, #tpu.memory_space<vmem>>
          %dma_start3A_162 = tpu.memref_squeeze %dma_start3A_161 : memref<1x256xi32, #tpu.memory_space<vmem>> -> memref<256xi32, #tpu.memory_space<vmem>>
          %dma_start3A_163 = arith.constant 0 : i32
          %dma_start3A_164 = arith.constant 0 : i32
          %dma_start3A_165 = tpu.memref_slice %arg2[%dma_start3A_163, %dma_start3A_164] : memref<10000x128xbf16, #tpu.memory_space<hbm>> -> memref<10000x128xbf16, #tpu.memory_space<hbm>>
          tpu.enqueue_indirect_dma source(%dma_start3A_165 : memref<10000x128xbf16, #tpu.memory_space<hbm>>) target(%arg15 : memref<256x128xbf16, #tpu.memory_space<vmem>>) offsets(%dma_start3A_162 : memref<256xi32, #tpu.memory_space<vmem>>) semaphore(%arg19 : memref<!tpu.dma_semaphore, #tpu.memory_space<semaphore_mem>>)
        } else {
        }
        %dma_wait3A_97 = arith.constant 0 : i32
        %dma_wait3A_98 = arith.constant 0 : i32
        %dma_wait3A_99 = tpu.memref_slice %arg10[%dma_wait3A_97, %dma_wait3A_98] : memref<40x256xi32, #tpu.memory_space<vmem>> -> memref<1x256xi32, #tpu.memory_space<vmem>>
        %dma_wait3A_100 = tpu.memref_squeeze %dma_wait3A_99 : memref<1x256xi32, #tpu.memory_space<vmem>> -> memref<256xi32, #tpu.memory_space<vmem>>
        %dma_wait3A_101 = arith.constant 0 : i32
        %dma_wait3A_102 = arith.constant 0 : i32
        %dma_wait3A_103 = tpu.memref_slice %arg2[%dma_wait3A_101, %dma_wait3A_102] : memref<10000x128xbf16, #tpu.memory_space<hbm>> -> memref<10000x128xbf16, #tpu.memory_space<hbm>>
        tpu.wait_indirect_dma semaphore(%arg17 : memref<!tpu.dma_semaphore, #tpu.memory_space<semaphore_mem>>) src(%dma_wait3A_103 : memref<10000x128xbf16, #tpu.memory_space<hbm>>) dst(%arg13 : memref<256x128xbf16, #tpu.memory_space<vmem>>)
        %dma_start3A_104 = arith.constant 0 : i32
        %dma_start3A_105 = tpu.memref_slice %arg11[%add3A_89, %dma_start3A_104] : memref<40x256xi32, #tpu.memory_space<vmem>> -> memref<1x256xi32, #tpu.memory_space<vmem>>
        %dma_start3A_106 = tpu.memref_squeeze %dma_start3A_105 : memref<1x256xi32, #tpu.memory_space<vmem>> -> memref<256xi32, #tpu.memory_space<vmem>>
        %dma_start3A_107 = arith.constant 0 : i32
        %dma_start3A_108 = arith.constant 0 : i32
        %dma_start3A_109 = tpu.memref_slice %arg9[%dma_start3A_107, %dma_start3A_108] : memref<10016x128xbf16, #tpu.memory_space<vmem_shared>> -> memref<10016x128xbf16, #tpu.memory_space<vmem_shared>>
        tpu.enqueue_indirect_dma source(%arg13 : memref<256x128xbf16, #tpu.memory_space<vmem>>) target(%dma_start3A_109 : memref<10016x128xbf16, #tpu.memory_space<vmem_shared>>) offsets(%dma_start3A_106 : memref<256xi32, #tpu.memory_space<vmem>>) semaphore(%arg21 : memref<!tpu.dma_semaphore, #tpu.memory_space<semaphore_mem>>) {add = true}
        %add3A_110 = arith.constant 2 : i32
        %add3A_111 = arith.addi %add3A_66, %add3A_110 : i32
        %add3A_112 = arith.constant 2 : i32
        %add3A_113 = arith.addi %add3A_111, %add3A_112 : i32
        %lt3A_114 = arith.constant 40 : i32
        %lt3A_115 = arith.cmpi slt, %add3A_113, %lt3A_114 : i32
        %convert_element_type3A_116 = arith.extui %lt3A_115 : i1 to i32
        %cond3A_117 = arith.constant 0 : i32
        %cond3A_118 = arith.cmpi ne, %convert_element_type3A_116, %cond3A_117 : i32
        scf.if %cond3A_118 {
          %ge3A = arith.constant 2 : i32
          %ge3A_154 = arith.cmpi sge, %add3A_111, %ge3A : i32
          %convert_element_type3A_155 = arith.extui %ge3A_154 : i1 to i32
          %cond3A_156 = arith.constant 0 : i32
          %cond3A_157 = arith.cmpi ne, %convert_element_type3A_155, %cond3A_156 : i32
          scf.if %cond3A_157 {
            %dma_wait3A_166 = arith.constant 0 : i32
            %dma_wait3A_167 = arith.constant 0 : i32
            %dma_wait3A_168 = tpu.memref_slice %arg11[%dma_wait3A_166, %dma_wait3A_167] : memref<40x256xi32, #tpu.memory_space<vmem>> -> memref<1x256xi32, #tpu.memory_space<vmem>>
            %dma_wait3A_169 = tpu.memref_squeeze %dma_wait3A_168 : memref<1x256xi32, #tpu.memory_space<vmem>> -> memref<256xi32, #tpu.memory_space<vmem>>
            %dma_wait3A_170 = arith.constant 0 : i32
            %dma_wait3A_171 = arith.constant 0 : i32
            %dma_wait3A_172 = tpu.memref_slice %arg9[%dma_wait3A_170, %dma_wait3A_171] : memref<10016x128xbf16, #tpu.memory_space<vmem_shared>> -> memref<10016x128xbf16, #tpu.memory_space<vmem_shared>>
            tpu.wait_indirect_dma semaphore(%arg20 : memref<!tpu.dma_semaphore, #tpu.memory_space<semaphore_mem>>) src(%arg12 : memref<256x128xbf16, #tpu.memory_space<vmem>>) dst(%dma_wait3A_172 : memref<10016x128xbf16, #tpu.memory_space<vmem_shared>>)
          } else {
          }
          %add3A_158 = arith.constant 2 : i32
          %add3A_159 = arith.addi %add3A_111, %add3A_158 : i32
          %dma_start3A_160 = arith.constant 0 : i32
          %dma_start3A_161 = tpu.memref_slice %arg10[%add3A_159, %dma_start3A_160] : memref<40x256xi32, #tpu.memory_space<vmem>> -> memref<1x256xi32, #tpu.memory_space<vmem>>
          %dma_start3A_162 = tpu.memref_squeeze %dma_start3A_161 : memref<1x256xi32, #tpu.memory_space<vmem>> -> memref<256xi32, #tpu.memory_space<vmem>>
          %dma_start3A_163 = arith.constant 0 : i32
          %dma_start3A_164 = arith.constant 0 : i32
          %dma_start3A_165 = tpu.memref_slice %arg2[%dma_start3A_163, %dma_start3A_164] : memref<10000x128xbf16, #tpu.memory_space<hbm>> -> memref<10000x128xbf16, #tpu.memory_space<hbm>>
          tpu.enqueue_indirect_dma source(%dma_start3A_165 : memref<10000x128xbf16, #tpu.memory_space<hbm>>) target(%arg12 : memref<256x128xbf16, #tpu.memory_space<vmem>>) offsets(%dma_start3A_162 : memref<256xi32, #tpu.memory_space<vmem>>) semaphore(%arg16 : memref<!tpu.dma_semaphore, #tpu.memory_space<semaphore_mem>>)
        } else {
        }
        %dma_wait3A_119 = arith.constant 0 : i32
        %dma_wait3A_120 = arith.constant 0 : i32
        %dma_wait3A_121 = tpu.memref_slice %arg10[%dma_wait3A_119, %dma_wait3A_120] : memref<40x256xi32, #tpu.memory_space<vmem>> -> memref<1x256xi32, #tpu.memory_space<vmem>>
        %dma_wait3A_122 = tpu.memref_squeeze %dma_wait3A_121 : memref<1x256xi32, #tpu.memory_space<vmem>> -> memref<256xi32, #tpu.memory_space<vmem>>
        %dma_wait3A_123 = arith.constant 0 : i32
        %dma_wait3A_124 = arith.constant 0 : i32
        %dma_wait3A_125 = tpu.memref_slice %arg2[%dma_wait3A_123, %dma_wait3A_124] : memref<10000x128xbf16, #tpu.memory_space<hbm>> -> memref<10000x128xbf16, #tpu.memory_space<hbm>>
        tpu.wait_indirect_dma semaphore(%arg18 : memref<!tpu.dma_semaphore, #tpu.memory_space<semaphore_mem>>) src(%dma_wait3A_125 : memref<10000x128xbf16, #tpu.memory_space<hbm>>) dst(%arg14 : memref<256x128xbf16, #tpu.memory_space<vmem>>)
        %dma_start3A_126 = arith.constant 0 : i32
        %dma_start3A_127 = tpu.memref_slice %arg11[%add3A_111, %dma_start3A_126] : memref<40x256xi32, #tpu.memory_space<vmem>> -> memref<1x256xi32, #tpu.memory_space<vmem>>
        %dma_start3A_128 = tpu.memref_squeeze %dma_start3A_127 : memref<1x256xi32, #tpu.memory_space<vmem>> -> memref<256xi32, #tpu.memory_space<vmem>>
        %dma_start3A_129 = arith.constant 0 : i32
        %dma_start3A_130 = arith.constant 0 : i32
        %dma_start3A_131 = tpu.memref_slice %arg9[%dma_start3A_129, %dma_start3A_130] : memref<10016x128xbf16, #tpu.memory_space<vmem_shared>> -> memref<10016x128xbf16, #tpu.memory_space<vmem_shared>>
        tpu.enqueue_indirect_dma source(%arg14 : memref<256x128xbf16, #tpu.memory_space<vmem>>) target(%dma_start3A_131 : memref<10016x128xbf16, #tpu.memory_space<vmem_shared>>) offsets(%dma_start3A_128 : memref<256xi32, #tpu.memory_space<vmem>>) semaphore(%arg22 : memref<!tpu.dma_semaphore, #tpu.memory_space<semaphore_mem>>) {add = true}
        %add3A_132 = arith.constant 3 : i32
        %add3A_133 = arith.addi %add3A_66, %add3A_132 : i32
        %add3A_134 = arith.constant 2 : i32
        %add3A_135 = arith.addi %add3A_133, %add3A_134 : i32
        %lt3A_136 = arith.constant 40 : i32
        %lt3A_137 = arith.cmpi slt, %add3A_135, %lt3A_136 : i32
        %convert_element_type3A_138 = arith.extui %lt3A_137 : i1 to i32
        %cond3A_139 = arith.constant 0 : i32
        %cond3A_140 = arith.cmpi ne, %convert_element_type3A_138, %cond3A_139 : i32
        scf.if %cond3A_140 {
          %ge3A = arith.constant 2 : i32
          %ge3A_154 = arith.cmpi sge, %add3A_133, %ge3A : i32
          %convert_element_type3A_155 = arith.extui %ge3A_154 : i1 to i32
          %cond3A_156 = arith.constant 0 : i32
          %cond3A_157 = arith.cmpi ne, %convert_element_type3A_155, %cond3A_156 : i32
          scf.if %cond3A_157 {
            %dma_wait3A_166 = arith.constant 0 : i32
            %dma_wait3A_167 = arith.constant 0 : i32
            %dma_wait3A_168 = tpu.memref_slice %arg11[%dma_wait3A_166, %dma_wait3A_167] : memref<40x256xi32, #tpu.memory_space<vmem>> -> memref<1x256xi32, #tpu.memory_space<vmem>>
            %dma_wait3A_169 = tpu.memref_squeeze %dma_wait3A_168 : memref<1x256xi32, #tpu.memory_space<vmem>> -> memref<256xi32, #tpu.memory_space<vmem>>
            %dma_wait3A_170 = arith.constant 0 : i32
            %dma_wait3A_171 = arith.constant 0 : i32
            %dma_wait3A_172 = tpu.memref_slice %arg9[%dma_wait3A_170, %dma_wait3A_171] : memref<10016x128xbf16, #tpu.memory_space<vmem_shared>> -> memref<10016x128xbf16, #tpu.memory_space<vmem_shared>>
            tpu.wait_indirect_dma semaphore(%arg21 : memref<!tpu.dma_semaphore, #tpu.memory_space<semaphore_mem>>) src(%arg13 : memref<256x128xbf16, #tpu.memory_space<vmem>>) dst(%dma_wait3A_172 : memref<10016x128xbf16, #tpu.memory_space<vmem_shared>>)
          } else {
          }
          %add3A_158 = arith.constant 2 : i32
          %add3A_159 = arith.addi %add3A_133, %add3A_158 : i32
          %dma_start3A_160 = arith.constant 0 : i32
          %dma_start3A_161 = tpu.memref_slice %arg10[%add3A_159, %dma_start3A_160] : memref<40x256xi32, #tpu.memory_space<vmem>> -> memref<1x256xi32, #tpu.memory_space<vmem>>
          %dma_start3A_162 = tpu.memref_squeeze %dma_start3A_161 : memref<1x256xi32, #tpu.memory_space<vmem>> -> memref<256xi32, #tpu.memory_space<vmem>>
          %dma_start3A_163 = arith.constant 0 : i32
          %dma_start3A_164 = arith.constant 0 : i32
          %dma_start3A_165 = tpu.memref_slice %arg2[%dma_start3A_163, %dma_start3A_164] : memref<10000x128xbf16, #tpu.memory_space<hbm>> -> memref<10000x128xbf16, #tpu.memory_space<hbm>>
          tpu.enqueue_indirect_dma source(%dma_start3A_165 : memref<10000x128xbf16, #tpu.memory_space<hbm>>) target(%arg13 : memref<256x128xbf16, #tpu.memory_space<vmem>>) offsets(%dma_start3A_162 : memref<256xi32, #tpu.memory_space<vmem>>) semaphore(%arg17 : memref<!tpu.dma_semaphore, #tpu.memory_space<semaphore_mem>>)
        } else {
        }
        %dma_wait3A_141 = arith.constant 0 : i32
        %dma_wait3A_142 = arith.constant 0 : i32
        %dma_wait3A_143 = tpu.memref_slice %arg10[%dma_wait3A_141, %dma_wait3A_142] : memref<40x256xi32, #tpu.memory_space<vmem>> -> memref<1x256xi32, #tpu.memory_space<vmem>>
        %dma_wait3A_144 = tpu.memref_squeeze %dma_wait3A_143 : memref<1x256xi32, #tpu.memory_space<vmem>> -> memref<256xi32, #tpu.memory_space<vmem>>
        %dma_wait3A_145 = arith.constant 0 : i32
        %dma_wait3A_146 = arith.constant 0 : i32
        %dma_wait3A_147 = tpu.memref_slice %arg2[%dma_wait3A_145, %dma_wait3A_146] : memref<10000x128xbf16, #tpu.memory_space<hbm>> -> memref<10000x128xbf16, #tpu.memory_space<hbm>>
        tpu.wait_indirect_dma semaphore(%arg19 : memref<!tpu.dma_semaphore, #tpu.memory_space<semaphore_mem>>) src(%dma_wait3A_147 : memref<10000x128xbf16, #tpu.memory_space<hbm>>) dst(%arg15 : memref<256x128xbf16, #tpu.memory_space<vmem>>)
        %dma_start3A_148 = arith.constant 0 : i32
        %dma_start3A_149 = tpu.memref_slice %arg11[%add3A_133, %dma_start3A_148] : memref<40x256xi32, #tpu.memory_space<vmem>> -> memref<1x256xi32, #tpu.memory_space<vmem>>
        %dma_start3A_150 = tpu.memref_squeeze %dma_start3A_149 : memref<1x256xi32, #tpu.memory_space<vmem>> -> memref<256xi32, #tpu.memory_space<vmem>>
        %dma_start3A_151 = arith.constant 0 : i32
        %dma_start3A_152 = arith.constant 0 : i32
        %dma_start3A_153 = tpu.memref_slice %arg9[%dma_start3A_151, %dma_start3A_152] : memref<10016x128xbf16, #tpu.memory_space<vmem_shared>> -> memref<10016x128xbf16, #tpu.memory_space<vmem_shared>>
        tpu.enqueue_indirect_dma source(%arg15 : memref<256x128xbf16, #tpu.memory_space<vmem>>) target(%dma_start3A_153 : memref<10016x128xbf16, #tpu.memory_space<vmem_shared>>) offsets(%dma_start3A_150 : memref<256xi32, #tpu.memory_space<vmem>>) semaphore(%arg23 : memref<!tpu.dma_semaphore, #tpu.memory_space<semaphore_mem>>) {add = true}
      }
      %scan3A_30 = arith.constant 10 : i32
      %dma_wait3A = arith.constant 0 : i32
      %dma_wait3A_31 = arith.constant 0 : i32
      %dma_wait3A_32 = tpu.memref_slice %arg11[%dma_wait3A, %dma_wait3A_31] : memref<40x256xi32, #tpu.memory_space<vmem>> -> memref<1x256xi32, #tpu.memory_space<vmem>>
      %dma_wait3A_33 = tpu.memref_squeeze %dma_wait3A_32 : memref<1x256xi32, #tpu.memory_space<vmem>> -> memref<256xi32, #tpu.memory_space<vmem>>
      %dma_wait3A_34 = arith.constant 0 : i32
      %dma_wait3A_35 = arith.constant 0 : i32
      %dma_wait3A_36 = tpu.memref_slice %arg9[%dma_wait3A_34, %dma_wait3A_35] : memref<10016x128xbf16, #tpu.memory_space<vmem_shared>> -> memref<10016x128xbf16, #tpu.memory_space<vmem_shared>>
      tpu.wait_indirect_dma semaphore(%arg20 : memref<!tpu.dma_semaphore, #tpu.memory_space<semaphore_mem>>) src(%arg12 : memref<256x128xbf16, #tpu.memory_space<vmem>>) dst(%dma_wait3A_36 : memref<10016x128xbf16, #tpu.memory_space<vmem_shared>>)
      %dma_wait3A_37 = arith.constant 0 : i32
      %dma_wait3A_38 = arith.constant 0 : i32
      %dma_wait3A_39 = tpu.memref_slice %arg11[%dma_wait3A_37, %dma_wait3A_38] : memref<40x256xi32, #tpu.memory_space<vmem>> -> memref<1x256xi32, #tpu.memory_space<vmem>>
      %dma_wait3A_40 = tpu.memref_squeeze %dma_wait3A_39 : memref<1x256xi32, #tpu.memory_space<vmem>> -> memref<256xi32, #tpu.memory_space<vmem>>
      %dma_wait3A_41 = arith.constant 0 : i32
      %dma_wait3A_42 = arith.constant 0 : i32
      %dma_wait3A_43 = tpu.memref_slice %arg9[%dma_wait3A_41, %dma_wait3A_42] : memref<10016x128xbf16, #tpu.memory_space<vmem_shared>> -> memref<10016x128xbf16, #tpu.memory_space<vmem_shared>>
      tpu.wait_indirect_dma semaphore(%arg21 : memref<!tpu.dma_semaphore, #tpu.memory_space<semaphore_mem>>) src(%arg13 : memref<256x128xbf16, #tpu.memory_space<vmem>>) dst(%dma_wait3A_43 : memref<10016x128xbf16, #tpu.memory_space<vmem_shared>>)
      %dma_wait3A_44 = arith.constant 0 : i32
      %dma_wait3A_45 = arith.constant 0 : i32
      %dma_wait3A_46 = tpu.memref_slice %arg11[%dma_wait3A_44, %dma_wait3A_45] : memref<40x256xi32, #tpu.memory_space<vmem>> -> memref<1x256xi32, #tpu.memory_space<vmem>>
      %dma_wait3A_47 = tpu.memref_squeeze %dma_wait3A_46 : memref<1x256xi32, #tpu.memory_space<vmem>> -> memref<256xi32, #tpu.memory_space<vmem>>
      %dma_wait3A_48 = arith.constant 0 : i32
      %dma_wait3A_49 = arith.constant 0 : i32
      %dma_wait3A_50 = tpu.memref_slice %arg9[%dma_wait3A_48, %dma_wait3A_49] : memref<10016x128xbf16, #tpu.memory_space<vmem_shared>> -> memref<10016x128xbf16, #tpu.memory_space<vmem_shared>>
      tpu.wait_indirect_dma semaphore(%arg22 : memref<!tpu.dma_semaphore, #tpu.memory_space<semaphore_mem>>) src(%arg14 : memref<256x128xbf16, #tpu.memory_space<vmem>>) dst(%dma_wait3A_50 : memref<10016x128xbf16, #tpu.memory_space<vmem_shared>>)
      %dma_wait3A_51 = arith.constant 0 : i32
      %dma_wait3A_52 = arith.constant 0 : i32
      %dma_wait3A_53 = tpu.memref_slice %arg11[%dma_wait3A_51, %dma_wait3A_52] : memref<40x256xi32, #tpu.memory_space<vmem>> -> memref<1x256xi32, #tpu.memory_space<vmem>>
      %dma_wait3A_54 = tpu.memref_squeeze %dma_wait3A_53 : memref<1x256xi32, #tpu.memory_space<vmem>> -> memref<256xi32, #tpu.memory_space<vmem>>
      %dma_wait3A_55 = arith.constant 0 : i32
      %dma_wait3A_56 = arith.constant 0 : i32
      %dma_wait3A_57 = tpu.memref_slice %arg9[%dma_wait3A_55, %dma_wait3A_56] : memref<10016x128xbf16, #tpu.memory_space<vmem_shared>> -> memref<10016x128xbf16, #tpu.memory_space<vmem_shared>>
      tpu.wait_indirect_dma semaphore(%arg23 : memref<!tpu.dma_semaphore, #tpu.memory_space<semaphore_mem>>) src(%arg15 : memref<256x128xbf16, #tpu.memory_space<vmem>>) dst(%dma_wait3A_57 : memref<10016x128xbf16, #tpu.memory_space<vmem_shared>>)
      %barrier3A_58 = arith.constant 0 : index
      tpu.barrier barrier_id(%barrier3A_58)
      %mul3A_59 = arith.constant 625 : i32
      %mul3A_60 = arith.muli %arg1, %mul3A_59 : i32
      %mul3A_61 = arith.constant 625 : i32
      %mul3A_62 = arith.muli %arg1, %mul3A_61 : i32
      "tpu.region"() ({
        %run_scoped3A = tpu.sem_alloc : memref<!tpu.dma_semaphore, #tpu.memory_space<semaphore_mem>>
        %dma_start3A_63 = arith.constant 0 : i32
        %dma_start3A_64 = tpu.memref_slice %arg7[%mul3A_62, %dma_start3A_63] : memref<10000x128xbf16, #tpu.memory_space<hbm>> -> memref<625x128xbf16, #tpu.memory_space<hbm>>
        %dma_start3A_65 = arith.constant 0 : i32
        %dma_start3A_66 = tpu.memref_slice %arg9[%mul3A_60, %dma_start3A_65] : memref<10016x128xbf16, #tpu.memory_space<vmem_shared>> -> memref<625x128xbf16, #tpu.memory_space<vmem_shared>>
        tpu.enqueue_dma source(%dma_start3A_66 : memref<625x128xbf16, #tpu.memory_space<vmem_shared>>) target(%dma_start3A_64 : memref<625x128xbf16, #tpu.memory_space<hbm>>) target_semaphore(%run_scoped3A : memref<!tpu.dma_semaphore, #tpu.memory_space<semaphore_mem>>)
        %dma_wait3A_67 = arith.constant 0 : i32
        %dma_wait3A_68 = tpu.memref_slice %arg7[%mul3A_62, %dma_wait3A_67] : memref<10000x128xbf16, #tpu.memory_space<hbm>> -> memref<625x128xbf16, #tpu.memory_space<hbm>>
        %dma_wait3A_69 = arith.constant 0 : i32
        %dma_wait3A_70 = tpu.memref_slice %arg9[%mul3A_60, %dma_wait3A_69] : memref<10016x128xbf16, #tpu.memory_space<vmem_shared>> -> memref<625x128xbf16, #tpu.memory_space<vmem_shared>>
        tpu.wait_dma2 semaphore(%run_scoped3A : memref<!tpu.dma_semaphore, #tpu.memory_space<semaphore_mem>>) src(%dma_wait3A_70 : memref<625x128xbf16, #tpu.memory_space<vmem_shared>>) dst(%dma_wait3A_68 : memref<625x128xbf16, #tpu.memory_space<hbm>>)
        tpu.yield
      }) : () -> ()
    } else {
    }
    %eq3A_9 = arith.constant 1 : i32
    %eq3A_10 = arith.cmpi eq, %arg0, %eq3A_9 : i32
    %convert_element_type3A_11 = arith.extui %eq3A_10 : i1 to i32
    %cond3A_12 = arith.constant 0 : i32
    %cond3A_13 = arith.cmpi ne, %convert_element_type3A_11, %cond3A_12 : i32
    scf.if %cond3A_13 {
      %dma_start3A = arith.constant 0 : i32
      %dma_start3A_14 = arith.constant 0 : i32
      %dma_start3A_15 = tpu.memref_slice %arg10[%dma_start3A, %dma_start3A_14] : memref<40x256xi32, #tpu.memory_space<vmem>> -> memref<1x256xi32, #tpu.memory_space<vmem>>
      %dma_start3A_16 = tpu.memref_squeeze %dma_start3A_15 : memref<1x256xi32, #tpu.memory_space<vmem>> -> memref<256xi32, #tpu.memory_space<vmem>>
      %dma_start3A_17 = arith.constant 0 : i32
      %dma_start3A_18 = arith.constant 0 : i32
      %dma_start3A_19 = tpu.memref_slice %arg3[%dma_start3A_17, %dma_start3A_18] : memref<10000x128xbf16, #tpu.memory_space<hbm>> -> memref<10000x128xbf16, #tpu.memory_space<hbm>>
      tpu.enqueue_indirect_dma source(%dma_start3A_19 : memref<10000x128xbf16, #tpu.memory_space<hbm>>) target(%arg12 : memref<256x128xbf16, #tpu.memory_space<vmem>>) offsets(%dma_start3A_16 : memref<256xi32, #tpu.memory_space<vmem>>) semaphore(%arg16 : memref<!tpu.dma_semaphore, #tpu.memory_space<semaphore_mem>>)
      %dma_start3A_20 = arith.constant 1 : i32
      %dma_start3A_21 = arith.constant 0 : i32
      %dma_start3A_22 = tpu.memref_slice %arg10[%dma_start3A_20, %dma_start3A_21] : memref<40x256xi32, #tpu.memory_space<vmem>> -> memref<1x256xi32, #tpu.memory_space<vmem>>
      %dma_start3A_23 = tpu.memref_squeeze %dma_start3A_22 : memref<1x256xi32, #tpu.memory_space<vmem>> -> memref<256xi32, #tpu.memory_space<vmem>>
      %dma_start3A_24 = arith.constant 0 : i32
      %dma_start3A_25 = arith.constant 0 : i32
      %dma_start3A_26 = tpu.memref_slice %arg3[%dma_start3A_24, %dma_start3A_25] : memref<10000x128xbf16, #tpu.memory_space<hbm>> -> memref<10000x128xbf16, #tpu.memory_space<hbm>>
      tpu.enqueue_indirect_dma source(%dma_start3A_26 : memref<10000x128xbf16, #tpu.memory_space<hbm>>) target(%arg13 : memref<256x128xbf16, #tpu.memory_space<vmem>>) offsets(%dma_start3A_23 : memref<256xi32, #tpu.memory_space<vmem>>) semaphore(%arg17 : memref<!tpu.dma_semaphore, #tpu.memory_space<semaphore_mem>>)
      %scan3A = arith.constant 0 : i32
      %scan3A_27 = arith.constant 10 : i32
      %scan3A_28 = arith.addi %scan3A, %scan3A_27 : i32
      %scan3A_29 = arith.constant 1 : i32
      scf.for %scan3A_63 = %scan3A to %scan3A_28 step %scan3A_29  : i32 {
        %mul3A_64 = arith.constant 4 : i32
        %mul3A_65 = arith.muli %scan3A_63, %mul3A_64 : i32
        %add3A = arith.constant 0 : i32
        %add3A_66 = arith.addi %add3A, %mul3A_65 : i32
        %add3A_67 = arith.constant 0 : i32
        %add3A_68 = arith.addi %add3A_66, %add3A_67 : i32
        %add3A_69 = arith.constant 2 : i32
        %add3A_70 = arith.addi %add3A_68, %add3A_69 : i32
        %lt3A = arith.constant 40 : i32
        %lt3A_71 = arith.cmpi slt, %add3A_70, %lt3A : i32
        %convert_element_type3A_72 = arith.extui %lt3A_71 : i1 to i32
        %cond3A_73 = arith.constant 0 : i32
        %cond3A_74 = arith.cmpi ne, %convert_element_type3A_72, %cond3A_73 : i32
        scf.if %cond3A_74 {
          %ge3A = arith.constant 2 : i32
          %ge3A_154 = arith.cmpi sge, %add3A_68, %ge3A : i32
          %convert_element_type3A_155 = arith.extui %ge3A_154 : i1 to i32
          %cond3A_156 = arith.constant 0 : i32
          %cond3A_157 = arith.cmpi ne, %convert_element_type3A_155, %cond3A_156 : i32
          scf.if %cond3A_157 {
            %dma_wait3A_166 = arith.constant 0 : i32
            %dma_wait3A_167 = arith.constant 0 : i32
            %dma_wait3A_168 = tpu.memref_slice %arg11[%dma_wait3A_166, %dma_wait3A_167] : memref<40x256xi32, #tpu.memory_space<vmem>> -> memref<1x256xi32, #tpu.memory_space<vmem>>
            %dma_wait3A_169 = tpu.memref_squeeze %dma_wait3A_168 : memref<1x256xi32, #tpu.memory_space<vmem>> -> memref<256xi32, #tpu.memory_space<vmem>>
            %dma_wait3A_170 = arith.constant 0 : i32
            %dma_wait3A_171 = arith.constant 0 : i32
            %dma_wait3A_172 = tpu.memref_slice %arg9[%dma_wait3A_170, %dma_wait3A_171] : memref<10016x128xbf16, #tpu.memory_space<vmem_shared>> -> memref<10016x128xbf16, #tpu.memory_space<vmem_shared>>
            tpu.wait_indirect_dma semaphore(%arg22 : memref<!tpu.dma_semaphore, #tpu.memory_space<semaphore_mem>>) src(%arg14 : memref<256x128xbf16, #tpu.memory_space<vmem>>) dst(%dma_wait3A_172 : memref<10016x128xbf16, #tpu.memory_space<vmem_shared>>)
          } else {
          }
          %add3A_158 = arith.constant 2 : i32
          %add3A_159 = arith.addi %add3A_68, %add3A_158 : i32
          %dma_start3A_160 = arith.constant 0 : i32
          %dma_start3A_161 = tpu.memref_slice %arg10[%add3A_159, %dma_start3A_160] : memref<40x256xi32, #tpu.memory_space<vmem>> -> memref<1x256xi32, #tpu.memory_space<vmem>>
          %dma_start3A_162 = tpu.memref_squeeze %dma_start3A_161 : memref<1x256xi32, #tpu.memory_space<vmem>> -> memref<256xi32, #tpu.memory_space<vmem>>
          %dma_start3A_163 = arith.constant 0 : i32
          %dma_start3A_164 = arith.constant 0 : i32
          %dma_start3A_165 = tpu.memref_slice %arg3[%dma_start3A_163, %dma_start3A_164] : memref<10000x128xbf16, #tpu.memory_space<hbm>> -> memref<10000x128xbf16, #tpu.memory_space<hbm>>
          tpu.enqueue_indirect_dma source(%dma_start3A_165 : memref<10000x128xbf16, #tpu.memory_space<hbm>>) target(%arg14 : memref<256x128xbf16, #tpu.memory_space<vmem>>) offsets(%dma_start3A_162 : memref<256xi32, #tpu.memory_space<vmem>>) semaphore(%arg18 : memref<!tpu.dma_semaphore, #tpu.memory_space<semaphore_mem>>)
        } else {
        }
        %dma_wait3A_75 = arith.constant 0 : i32
        %dma_wait3A_76 = arith.constant 0 : i32
        %dma_wait3A_77 = tpu.memref_slice %arg10[%dma_wait3A_75, %dma_wait3A_76] : memref<40x256xi32, #tpu.memory_space<vmem>> -> memref<1x256xi32, #tpu.memory_space<vmem>>
        %dma_wait3A_78 = tpu.memref_squeeze %dma_wait3A_77 : memref<1x256xi32, #tpu.memory_space<vmem>> -> memref<256xi32, #tpu.memory_space<vmem>>
        %dma_wait3A_79 = arith.constant 0 : i32
        %dma_wait3A_80 = arith.constant 0 : i32
        %dma_wait3A_81 = tpu.memref_slice %arg3[%dma_wait3A_79, %dma_wait3A_80] : memref<10000x128xbf16, #tpu.memory_space<hbm>> -> memref<10000x128xbf16, #tpu.memory_space<hbm>>
        tpu.wait_indirect_dma semaphore(%arg16 : memref<!tpu.dma_semaphore, #tpu.memory_space<semaphore_mem>>) src(%dma_wait3A_81 : memref<10000x128xbf16, #tpu.memory_space<hbm>>) dst(%arg12 : memref<256x128xbf16, #tpu.memory_space<vmem>>)
        %dma_start3A_82 = arith.constant 0 : i32
        %dma_start3A_83 = tpu.memref_slice %arg11[%add3A_68, %dma_start3A_82] : memref<40x256xi32, #tpu.memory_space<vmem>> -> memref<1x256xi32, #tpu.memory_space<vmem>>
        %dma_start3A_84 = tpu.memref_squeeze %dma_start3A_83 : memref<1x256xi32, #tpu.memory_space<vmem>> -> memref<256xi32, #tpu.memory_space<vmem>>
        %dma_start3A_85 = arith.constant 0 : i32
        %dma_start3A_86 = arith.constant 0 : i32
        %dma_start3A_87 = tpu.memref_slice %arg9[%dma_start3A_85, %dma_start3A_86] : memref<10016x128xbf16, #tpu.memory_space<vmem_shared>> -> memref<10016x128xbf16, #tpu.memory_space<vmem_shared>>
        tpu.enqueue_indirect_dma source(%arg12 : memref<256x128xbf16, #tpu.memory_space<vmem>>) target(%dma_start3A_87 : memref<10016x128xbf16, #tpu.memory_space<vmem_shared>>) offsets(%dma_start3A_84 : memref<256xi32, #tpu.memory_space<vmem>>) semaphore(%arg20 : memref<!tpu.dma_semaphore, #tpu.memory_space<semaphore_mem>>) {add = true}
        %add3A_88 = arith.constant 1 : i32
        %add3A_89 = arith.addi %add3A_66, %add3A_88 : i32
        %add3A_90 = arith.constant 2 : i32
        %add3A_91 = arith.addi %add3A_89, %add3A_90 : i32
        %lt3A_92 = arith.constant 40 : i32
        %lt3A_93 = arith.cmpi slt, %add3A_91, %lt3A_92 : i32
        %convert_element_type3A_94 = arith.extui %lt3A_93 : i1 to i32
        %cond3A_95 = arith.constant 0 : i32
        %cond3A_96 = arith.cmpi ne, %convert_element_type3A_94, %cond3A_95 : i32
        scf.if %cond3A_96 {
          %ge3A = arith.constant 2 : i32
          %ge3A_154 = arith.cmpi sge, %add3A_89, %ge3A : i32
          %convert_element_type3A_155 = arith.extui %ge3A_154 : i1 to i32
          %cond3A_156 = arith.constant 0 : i32
          %cond3A_157 = arith.cmpi ne, %convert_element_type3A_155, %cond3A_156 : i32
          scf.if %cond3A_157 {
            %dma_wait3A_166 = arith.constant 0 : i32
            %dma_wait3A_167 = arith.constant 0 : i32
            %dma_wait3A_168 = tpu.memref_slice %arg11[%dma_wait3A_166, %dma_wait3A_167] : memref<40x256xi32, #tpu.memory_space<vmem>> -> memref<1x256xi32, #tpu.memory_space<vmem>>
            %dma_wait3A_169 = tpu.memref_squeeze %dma_wait3A_168 : memref<1x256xi32, #tpu.memory_space<vmem>> -> memref<256xi32, #tpu.memory_space<vmem>>
            %dma_wait3A_170 = arith.constant 0 : i32
            %dma_wait3A_171 = arith.constant 0 : i32
            %dma_wait3A_172 = tpu.memref_slice %arg9[%dma_wait3A_170, %dma_wait3A_171] : memref<10016x128xbf16, #tpu.memory_space<vmem_shared>> -> memref<10016x128xbf16, #tpu.memory_space<vmem_shared>>
            tpu.wait_indirect_dma semaphore(%arg23 : memref<!tpu.dma_semaphore, #tpu.memory_space<semaphore_mem>>) src(%arg15 : memref<256x128xbf16, #tpu.memory_space<vmem>>) dst(%dma_wait3A_172 : memref<10016x128xbf16, #tpu.memory_space<vmem_shared>>)
          } else {
          }
          %add3A_158 = arith.constant 2 : i32
          %add3A_159 = arith.addi %add3A_89, %add3A_158 : i32
          %dma_start3A_160 = arith.constant 0 : i32
          %dma_start3A_161 = tpu.memref_slice %arg10[%add3A_159, %dma_start3A_160] : memref<40x256xi32, #tpu.memory_space<vmem>> -> memref<1x256xi32, #tpu.memory_space<vmem>>
          %dma_start3A_162 = tpu.memref_squeeze %dma_start3A_161 : memref<1x256xi32, #tpu.memory_space<vmem>> -> memref<256xi32, #tpu.memory_space<vmem>>
          %dma_start3A_163 = arith.constant 0 : i32
          %dma_start3A_164 = arith.constant 0 : i32
          %dma_start3A_165 = tpu.memref_slice %arg3[%dma_start3A_163, %dma_start3A_164] : memref<10000x128xbf16, #tpu.memory_space<hbm>> -> memref<10000x128xbf16, #tpu.memory_space<hbm>>
          tpu.enqueue_indirect_dma source(%dma_start3A_165 : memref<10000x128xbf16, #tpu.memory_space<hbm>>) target(%arg15 : memref<256x128xbf16, #tpu.memory_space<vmem>>) offsets(%dma_start3A_162 : memref<256xi32, #tpu.memory_space<vmem>>) semaphore(%arg19 : memref<!tpu.dma_semaphore, #tpu.memory_space<semaphore_mem>>)
        } else {
        }
        %dma_wait3A_97 = arith.constant 0 : i32
        %dma_wait3A_98 = arith.constant 0 : i32
        %dma_wait3A_99 = tpu.memref_slice %arg10[%dma_wait3A_97, %dma_wait3A_98] : memref<40x256xi32, #tpu.memory_space<vmem>> -> memref<1x256xi32, #tpu.memory_space<vmem>>
        %dma_wait3A_100 = tpu.memref_squeeze %dma_wait3A_99 : memref<1x256xi32, #tpu.memory_space<vmem>> -> memref<256xi32, #tpu.memory_space<vmem>>
        %dma_wait3A_101 = arith.constant 0 : i32
        %dma_wait3A_102 = arith.constant 0 : i32
        %dma_wait3A_103 = tpu.memref_slice %arg3[%dma_wait3A_101, %dma_wait3A_102] : memref<10000x128xbf16, #tpu.memory_space<hbm>> -> memref<10000x128xbf16, #tpu.memory_space<hbm>>
        tpu.wait_indirect_dma semaphore(%arg17 : memref<!tpu.dma_semaphore, #tpu.memory_space<semaphore_mem>>) src(%dma_wait3A_103 : memref<10000x128xbf16, #tpu.memory_space<hbm>>) dst(%arg13 : memref<256x128xbf16, #tpu.memory_space<vmem>>)
        %dma_start3A_104 = arith.constant 0 : i32
        %dma_start3A_105 = tpu.memref_slice %arg11[%add3A_89, %dma_start3A_104] : memref<40x256xi32, #tpu.memory_space<vmem>> -> memref<1x256xi32, #tpu.memory_space<vmem>>
        %dma_start3A_106 = tpu.memref_squeeze %dma_start3A_105 : memref<1x256xi32, #tpu.memory_space<vmem>> -> memref<256xi32, #tpu.memory_space<vmem>>
        %dma_start3A_107 = arith.constant 0 : i32
        %dma_start3A_108 = arith.constant 0 : i32
        %dma_start3A_109 = tpu.memref_slice %arg9[%dma_start3A_107, %dma_start3A_108] : memref<10016x128xbf16, #tpu.memory_space<vmem_shared>> -> memref<10016x128xbf16, #tpu.memory_space<vmem_shared>>
        tpu.enqueue_indirect_dma source(%arg13 : memref<256x128xbf16, #tpu.memory_space<vmem>>) target(%dma_start3A_109 : memref<10016x128xbf16, #tpu.memory_space<vmem_shared>>) offsets(%dma_start3A_106 : memref<256xi32, #tpu.memory_space<vmem>>) semaphore(%arg21 : memref<!tpu.dma_semaphore, #tpu.memory_space<semaphore_mem>>) {add = true}
        %add3A_110 = arith.constant 2 : i32
        %add3A_111 = arith.addi %add3A_66, %add3A_110 : i32
        %add3A_112 = arith.constant 2 : i32
        %add3A_113 = arith.addi %add3A_111, %add3A_112 : i32
        %lt3A_114 = arith.constant 40 : i32
        %lt3A_115 = arith.cmpi slt, %add3A_113, %lt3A_114 : i32
        %convert_element_type3A_116 = arith.extui %lt3A_115 : i1 to i32
        %cond3A_117 = arith.constant 0 : i32
        %cond3A_118 = arith.cmpi ne, %convert_element_type3A_116, %cond3A_117 : i32
        scf.if %cond3A_118 {
          %ge3A = arith.constant 2 : i32
          %ge3A_154 = arith.cmpi sge, %add3A_111, %ge3A : i32
          %convert_element_type3A_155 = arith.extui %ge3A_154 : i1 to i32
          %cond3A_156 = arith.constant 0 : i32
          %cond3A_157 = arith.cmpi ne, %convert_element_type3A_155, %cond3A_156 : i32
          scf.if %cond3A_157 {
            %dma_wait3A_166 = arith.constant 0 : i32
            %dma_wait3A_167 = arith.constant 0 : i32
            %dma_wait3A_168 = tpu.memref_slice %arg11[%dma_wait3A_166, %dma_wait3A_167] : memref<40x256xi32, #tpu.memory_space<vmem>> -> memref<1x256xi32, #tpu.memory_space<vmem>>
            %dma_wait3A_169 = tpu.memref_squeeze %dma_wait3A_168 : memref<1x256xi32, #tpu.memory_space<vmem>> -> memref<256xi32, #tpu.memory_space<vmem>>
            %dma_wait3A_170 = arith.constant 0 : i32
            %dma_wait3A_171 = arith.constant 0 : i32
            %dma_wait3A_172 = tpu.memref_slice %arg9[%dma_wait3A_170, %dma_wait3A_171] : memref<10016x128xbf16, #tpu.memory_space<vmem_shared>> -> memref<10016x128xbf16, #tpu.memory_space<vmem_shared>>
            tpu.wait_indirect_dma semaphore(%arg20 : memref<!tpu.dma_semaphore, #tpu.memory_space<semaphore_mem>>) src(%arg12 : memref<256x128xbf16, #tpu.memory_space<vmem>>) dst(%dma_wait3A_172 : memref<10016x128xbf16, #tpu.memory_space<vmem_shared>>)
          } else {
          }
          %add3A_158 = arith.constant 2 : i32
          %add3A_159 = arith.addi %add3A_111, %add3A_158 : i32
          %dma_start3A_160 = arith.constant 0 : i32
          %dma_start3A_161 = tpu.memref_slice %arg10[%add3A_159, %dma_start3A_160] : memref<40x256xi32, #tpu.memory_space<vmem>> -> memref<1x256xi32, #tpu.memory_space<vmem>>
          %dma_start3A_162 = tpu.memref_squeeze %dma_start3A_161 : memref<1x256xi32, #tpu.memory_space<vmem>> -> memref<256xi32, #tpu.memory_space<vmem>>
          %dma_start3A_163 = arith.constant 0 : i32
          %dma_start3A_164 = arith.constant 0 : i32
          %dma_start3A_165 = tpu.memref_slice %arg3[%dma_start3A_163, %dma_start3A_164] : memref<10000x128xbf16, #tpu.memory_space<hbm>> -> memref<10000x128xbf16, #tpu.memory_space<hbm>>
          tpu.enqueue_indirect_dma source(%dma_start3A_165 : memref<10000x128xbf16, #tpu.memory_space<hbm>>) target(%arg12 : memref<256x128xbf16, #tpu.memory_space<vmem>>) offsets(%dma_start3A_162 : memref<256xi32, #tpu.memory_space<vmem>>) semaphore(%arg16 : memref<!tpu.dma_semaphore, #tpu.memory_space<semaphore_mem>>)
        } else {
        }
        %dma_wait3A_119 = arith.constant 0 : i32
        %dma_wait3A_120 = arith.constant 0 : i32
        %dma_wait3A_121 = tpu.memref_slice %arg10[%dma_wait3A_119, %dma_wait3A_120] : memref<40x256xi32, #tpu.memory_space<vmem>> -> memref<1x256xi32, #tpu.memory_space<vmem>>
        %dma_wait3A_122 = tpu.memref_squeeze %dma_wait3A_121 : memref<1x256xi32, #tpu.memory_space<vmem>> -> memref<256xi32, #tpu.memory_space<vmem>>
        %dma_wait3A_123 = arith.constant 0 : i32
        %dma_wait3A_124 = arith.constant 0 : i32
        %dma_wait3A_125 = tpu.memref_slice %arg3[%dma_wait3A_123, %dma_wait3A_124] : memref<10000x128xbf16, #tpu.memory_space<hbm>> -> memref<10000x128xbf16, #tpu.memory_space<hbm>>
        tpu.wait_indirect_dma semaphore(%arg18 : memref<!tpu.dma_semaphore, #tpu.memory_space<semaphore_mem>>) src(%dma_wait3A_125 : memref<10000x128xbf16, #tpu.memory_space<hbm>>) dst(%arg14 : memref<256x128xbf16, #tpu.memory_space<vmem>>)
        %dma_start3A_126 = arith.constant 0 : i32
        %dma_start3A_127 = tpu.memref_slice %arg11[%add3A_111, %dma_start3A_126] : memref<40x256xi32, #tpu.memory_space<vmem>> -> memref<1x256xi32, #tpu.memory_space<vmem>>
        %dma_start3A_128 = tpu.memref_squeeze %dma_start3A_127 : memref<1x256xi32, #tpu.memory_space<vmem>> -> memref<256xi32, #tpu.memory_space<vmem>>
        %dma_start3A_129 = arith.constant 0 : i32
        %dma_start3A_130 = arith.constant 0 : i32
        %dma_start3A_131 = tpu.memref_slice %arg9[%dma_start3A_129, %dma_start3A_130] : memref<10016x128xbf16, #tpu.memory_space<vmem_shared>> -> memref<10016x128xbf16, #tpu.memory_space<vmem_shared>>
        tpu.enqueue_indirect_dma source(%arg14 : memref<256x128xbf16, #tpu.memory_space<vmem>>) target(%dma_start3A_131 : memref<10016x128xbf16, #tpu.memory_space<vmem_shared>>) offsets(%dma_start3A_128 : memref<256xi32, #tpu.memory_space<vmem>>) semaphore(%arg22 : memref<!tpu.dma_semaphore, #tpu.memory_space<semaphore_mem>>) {add = true}
        %add3A_132 = arith.constant 3 : i32
        %add3A_133 = arith.addi %add3A_66, %add3A_132 : i32
        %add3A_134 = arith.constant 2 : i32
        %add3A_135 = arith.addi %add3A_133, %add3A_134 : i32
        %lt3A_136 = arith.constant 40 : i32
        %lt3A_137 = arith.cmpi slt, %add3A_135, %lt3A_136 : i32
        %convert_element_type3A_138 = arith.extui %lt3A_137 : i1 to i32
        %cond3A_139 = arith.constant 0 : i32
        %cond3A_140 = arith.cmpi ne, %convert_element_type3A_138, %cond3A_139 : i32
        scf.if %cond3A_140 {
          %ge3A = arith.constant 2 : i32
          %ge3A_154 = arith.cmpi sge, %add3A_133, %ge3A : i32
          %convert_element_type3A_155 = arith.extui %ge3A_154 : i1 to i32
          %cond3A_156 = arith.constant 0 : i32
          %cond3A_157 = arith.cmpi ne, %convert_element_type3A_155, %cond3A_156 : i32
          scf.if %cond3A_157 {
            %dma_wait3A_166 = arith.constant 0 : i32
            %dma_wait3A_167 = arith.constant 0 : i32
            %dma_wait3A_168 = tpu.memref_slice %arg11[%dma_wait3A_166, %dma_wait3A_167] : memref<40x256xi32, #tpu.memory_space<vmem>> -> memref<1x256xi32, #tpu.memory_space<vmem>>
            %dma_wait3A_169 = tpu.memref_squeeze %dma_wait3A_168 : memref<1x256xi32, #tpu.memory_space<vmem>> -> memref<256xi32, #tpu.memory_space<vmem>>
            %dma_wait3A_170 = arith.constant 0 : i32
            %dma_wait3A_171 = arith.constant 0 : i32
            %dma_wait3A_172 = tpu.memref_slice %arg9[%dma_wait3A_170, %dma_wait3A_171] : memref<10016x128xbf16, #tpu.memory_space<vmem_shared>> -> memref<10016x128xbf16, #tpu.memory_space<vmem_shared>>
            tpu.wait_indirect_dma semaphore(%arg21 : memref<!tpu.dma_semaphore, #tpu.memory_space<semaphore_mem>>) src(%arg13 : memref<256x128xbf16, #tpu.memory_space<vmem>>) dst(%dma_wait3A_172 : memref<10016x128xbf16, #tpu.memory_space<vmem_shared>>)
          } else {
          }
          %add3A_158 = arith.constant 2 : i32
          %add3A_159 = arith.addi %add3A_133, %add3A_158 : i32
          %dma_start3A_160 = arith.constant 0 : i32
          %dma_start3A_161 = tpu.memref_slice %arg10[%add3A_159, %dma_start3A_160] : memref<40x256xi32, #tpu.memory_space<vmem>> -> memref<1x256xi32, #tpu.memory_space<vmem>>
          %dma_start3A_162 = tpu.memref_squeeze %dma_start3A_161 : memref<1x256xi32, #tpu.memory_space<vmem>> -> memref<256xi32, #tpu.memory_space<vmem>>
          %dma_start3A_163 = arith.constant 0 : i32
          %dma_start3A_164 = arith.constant 0 : i32
          %dma_start3A_165 = tpu.memref_slice %arg3[%dma_start3A_163, %dma_start3A_164] : memref<10000x128xbf16, #tpu.memory_space<hbm>> -> memref<10000x128xbf16, #tpu.memory_space<hbm>>
          tpu.enqueue_indirect_dma source(%dma_start3A_165 : memref<10000x128xbf16, #tpu.memory_space<hbm>>) target(%arg13 : memref<256x128xbf16, #tpu.memory_space<vmem>>) offsets(%dma_start3A_162 : memref<256xi32, #tpu.memory_space<vmem>>) semaphore(%arg17 : memref<!tpu.dma_semaphore, #tpu.memory_space<semaphore_mem>>)
        } else {
        }
        %dma_wait3A_141 = arith.constant 0 : i32
        %dma_wait3A_142 = arith.constant 0 : i32
        %dma_wait3A_143 = tpu.memref_slice %arg10[%dma_wait3A_141, %dma_wait3A_142] : memref<40x256xi32, #tpu.memory_space<vmem>> -> memref<1x256xi32, #tpu.memory_space<vmem>>
        %dma_wait3A_144 = tpu.memref_squeeze %dma_wait3A_143 : memref<1x256xi32, #tpu.memory_space<vmem>> -> memref<256xi32, #tpu.memory_space<vmem>>
        %dma_wait3A_145 = arith.constant 0 : i32
        %dma_wait3A_146 = arith.constant 0 : i32
        %dma_wait3A_147 = tpu.memref_slice %arg3[%dma_wait3A_145, %dma_wait3A_146] : memref<10000x128xbf16, #tpu.memory_space<hbm>> -> memref<10000x128xbf16, #tpu.memory_space<hbm>>
        tpu.wait_indirect_dma semaphore(%arg19 : memref<!tpu.dma_semaphore, #tpu.memory_space<semaphore_mem>>) src(%dma_wait3A_147 : memref<10000x128xbf16, #tpu.memory_space<hbm>>) dst(%arg15 : memref<256x128xbf16, #tpu.memory_space<vmem>>)
        %dma_start3A_148 = arith.constant 0 : i32
        %dma_start3A_149 = tpu.memref_slice %arg11[%add3A_133, %dma_start3A_148] : memref<40x256xi32, #tpu.memory_space<vmem>> -> memref<1x256xi32, #tpu.memory_space<vmem>>
        %dma_start3A_150 = tpu.memref_squeeze %dma_start3A_149 : memref<1x256xi32, #tpu.memory_space<vmem>> -> memref<256xi32, #tpu.memory_space<vmem>>
        %dma_start3A_151 = arith.constant 0 : i32
        %dma_start3A_152 = arith.constant 0 : i32
        %dma_start3A_153 = tpu.memref_slice %arg9[%dma_start3A_151, %dma_start3A_152] : memref<10016x128xbf16, #tpu.memory_space<vmem_shared>> -> memref<10016x128xbf16, #tpu.memory_space<vmem_shared>>
        tpu.enqueue_indirect_dma source(%arg15 : memref<256x128xbf16, #tpu.memory_space<vmem>>) target(%dma_start3A_153 : memref<10016x128xbf16, #tpu.memory_space<vmem_shared>>) offsets(%dma_start3A_150 : memref<256xi32, #tpu.memory_space<vmem>>) semaphore(%arg23 : memref<!tpu.dma_semaphore, #tpu.memory_space<semaphore_mem>>) {add = true}
      }
      %scan3A_30 = arith.constant 10 : i32
      %dma_wait3A = arith.constant 0 : i32
      %dma_wait3A_31 = arith.constant 0 : i32
      %dma_wait3A_32 = tpu.memref_slice %arg11[%dma_wait3A, %dma_wait3A_31] : memref<40x256xi32, #tpu.memory_space<vmem>> -> memref<1x256xi32, #tpu.memory_space<vmem>>
      %dma_wait3A_33 = tpu.memref_squeeze %dma_wait3A_32 : memref<1x256xi32, #tpu.memory_space<vmem>> -> memref<256xi32, #tpu.memory_space<vmem>>
      %dma_wait3A_34 = arith.constant 0 : i32
      %dma_wait3A_35 = arith.constant 0 : i32
      %dma_wait3A_36 = tpu.memref_slice %arg9[%dma_wait3A_34, %dma_wait3A_35] : memref<10016x128xbf16, #tpu.memory_space<vmem_shared>> -> memref<10016x128xbf16, #tpu.memory_space<vmem_shared>>
      tpu.wait_indirect_dma semaphore(%arg20 : memref<!tpu.dma_semaphore, #tpu.memory_space<semaphore_mem>>) src(%arg12 : memref<256x128xbf16, #tpu.memory_space<vmem>>) dst(%dma_wait3A_36 : memref<10016x128xbf16, #tpu.memory_space<vmem_shared>>)
      %dma_wait3A_37 = arith.constant 0 : i32
      %dma_wait3A_38 = arith.constant 0 : i32
      %dma_wait3A_39 = tpu.memref_slice %arg11[%dma_wait3A_37, %dma_wait3A_38] : memref<40x256xi32, #tpu.memory_space<vmem>> -> memref<1x256xi32, #tpu.memory_space<vmem>>
      %dma_wait3A_40 = tpu.memref_squeeze %dma_wait3A_39 : memref<1x256xi32, #tpu.memory_space<vmem>> -> memref<256xi32, #tpu.memory_space<vmem>>
      %dma_wait3A_41 = arith.constant 0 : i32
      %dma_wait3A_42 = arith.constant 0 : i32
      %dma_wait3A_43 = tpu.memref_slice %arg9[%dma_wait3A_41, %dma_wait3A_42] : memref<10016x128xbf16, #tpu.memory_space<vmem_shared>> -> memref<10016x128xbf16, #tpu.memory_space<vmem_shared>>
      tpu.wait_indirect_dma semaphore(%arg21 : memref<!tpu.dma_semaphore, #tpu.memory_space<semaphore_mem>>) src(%arg13 : memref<256x128xbf16, #tpu.memory_space<vmem>>) dst(%dma_wait3A_43 : memref<10016x128xbf16, #tpu.memory_space<vmem_shared>>)
      %dma_wait3A_44 = arith.constant 0 : i32
      %dma_wait3A_45 = arith.constant 0 : i32
      %dma_wait3A_46 = tpu.memref_slice %arg11[%dma_wait3A_44, %dma_wait3A_45] : memref<40x256xi32, #tpu.memory_space<vmem>> -> memref<1x256xi32, #tpu.memory_space<vmem>>
      %dma_wait3A_47 = tpu.memref_squeeze %dma_wait3A_46 : memref<1x256xi32, #tpu.memory_space<vmem>> -> memref<256xi32, #tpu.memory_space<vmem>>
      %dma_wait3A_48 = arith.constant 0 : i32
      %dma_wait3A_49 = arith.constant 0 : i32
      %dma_wait3A_50 = tpu.memref_slice %arg9[%dma_wait3A_48, %dma_wait3A_49] : memref<10016x128xbf16, #tpu.memory_space<vmem_shared>> -> memref<10016x128xbf16, #tpu.memory_space<vmem_shared>>
      tpu.wait_indirect_dma semaphore(%arg22 : memref<!tpu.dma_semaphore, #tpu.memory_space<semaphore_mem>>) src(%arg14 : memref<256x128xbf16, #tpu.memory_space<vmem>>) dst(%dma_wait3A_50 : memref<10016x128xbf16, #tpu.memory_space<vmem_shared>>)
      %dma_wait3A_51 = arith.constant 0 : i32
      %dma_wait3A_52 = arith.constant 0 : i32
      %dma_wait3A_53 = tpu.memref_slice %arg11[%dma_wait3A_51, %dma_wait3A_52] : memref<40x256xi32, #tpu.memory_space<vmem>> -> memref<1x256xi32, #tpu.memory_space<vmem>>
      %dma_wait3A_54 = tpu.memref_squeeze %dma_wait3A_53 : memref<1x256xi32, #tpu.memory_space<vmem>> -> memref<256xi32, #tpu.memory_space<vmem>>
      %dma_wait3A_55 = arith.constant 0 : i32
      %dma_wait3A_56 = arith.constant 0 : i32
      %dma_wait3A_57 = tpu.memref_slice %arg9[%dma_wait3A_55, %dma_wait3A_56] : memref<10016x128xbf16, #tpu.memory_space<vmem_shared>> -> memref<10016x128xbf16, #tpu.memory_space<vmem_shared>>
      tpu.wait_indirect_dma semaphore(%arg23 : memref<!tpu.dma_semaphore, #tpu.memory_space<semaphore_mem>>) src(%arg15 : memref<256x128xbf16, #tpu.memory_space<vmem>>) dst(%dma_wait3A_57 : memref<10016x128xbf16, #tpu.memory_space<vmem_shared>>)
      %barrier3A_58 = arith.constant 0 : index
      tpu.barrier barrier_id(%barrier3A_58)
      %mul3A_59 = arith.constant 625 : i32
      %mul3A_60 = arith.muli %arg1, %mul3A_59 : i32
      %mul3A_61 = arith.constant 625 : i32
      %mul3A_62 = arith.muli %arg1, %mul3A_61 : i32
      "tpu.region"() ({
        %run_scoped3A = tpu.sem_alloc : memref<!tpu.dma_semaphore, #tpu.memory_space<semaphore_mem>>
        %dma_start3A_63 = arith.constant 0 : i32
        %dma_start3A_64 = tpu.memref_slice %arg8[%mul3A_62, %dma_start3A_63] : memref<10000x128xbf16, #tpu.memory_space<hbm>> -> memref<625x128xbf16, #tpu.memory_space<hbm>>
        %dma_start3A_65 = arith.constant 0 : i32
        %dma_start3A_66 = tpu.memref_slice %arg9[%mul3A_60, %dma_start3A_65] : memref<10016x128xbf16, #tpu.memory_space<vmem_shared>> -> memref<625x128xbf16, #tpu.memory_space<vmem_shared>>
        tpu.enqueue_dma source(%dma_start3A_66 : memref<625x128xbf16, #tpu.memory_space<vmem_shared>>) target(%dma_start3A_64 : memref<625x128xbf16, #tpu.memory_space<hbm>>) target_semaphore(%run_scoped3A : memref<!tpu.dma_semaphore, #tpu.memory_space<semaphore_mem>>)
        %dma_wait3A_67 = arith.constant 0 : i32
        %dma_wait3A_68 = tpu.memref_slice %arg8[%mul3A_62, %dma_wait3A_67] : memref<10000x128xbf16, #tpu.memory_space<hbm>> -> memref<625x128xbf16, #tpu.memory_space<hbm>>
        %dma_wait3A_69 = arith.constant 0 : i32
        %dma_wait3A_70 = tpu.memref_slice %arg9[%mul3A_60, %dma_wait3A_69] : memref<10016x128xbf16, #tpu.memory_space<vmem_shared>> -> memref<625x128xbf16, #tpu.memory_space<vmem_shared>>
        tpu.wait_dma2 semaphore(%run_scoped3A : memref<!tpu.dma_semaphore, #tpu.memory_space<semaphore_mem>>) src(%dma_wait3A_70 : memref<625x128xbf16, #tpu.memory_space<vmem_shared>>) dst(%dma_wait3A_68 : memref<625x128xbf16, #tpu.memory_space<hbm>>)
        tpu.yield
      }) : () -> ()
    } else {
    }
    return
  }
}

module attributes {stable_mosaic.version = 14 : i64} {
  func.func @_tc_h_body(%arg0: i32, %arg1: memref<1000x256xf32, #tpu.memory_space<vmem>>, %arg2: memref<256x256xf32, #tpu.memory_space<vmem>>, %arg3: memref<256xf32, #tpu.memory_space<vmem>>, %arg4: memref<1000x256xf32, #tpu.memory_space<vmem>>) attributes {dimension_semantics = [#tpu.dimension_semantics<arbitrary>], iteration_bounds = array<i64: 10>, scalar_prefetch = 0 : i64, scratch_operands = 0 : i64, tpu.core_type = #tpu.core_type<tc>, window_params = [{transform_indices = @transform_0, window_bounds = array<i64: 1000, 256>}, {pipeline_mode = #tpu.pipeline_mode<synchronous>, transform_indices = @transform_1, window_bounds = array<i64: 256, 256>}, {pipeline_mode = #tpu.pipeline_mode<synchronous>, transform_indices = @transform_2, window_bounds = array<i64: 256>}, {transform_indices = @transform_3, window_bounds = array<i64: 1000, 256>}]} {
    %get3A = arith.constant 0 : index
    %get3A_0 = arith.constant 0 : index
    %get3A_1 = vector.load %arg1[%get3A, %get3A_0] : memref<1000x256xf32, #tpu.memory_space<vmem>>, vector<1000x256xf32>
    %get3A_2 = arith.constant 0 : index
    %get3A_3 = arith.constant 0 : index
    %get3A_4 = vector.load %arg2[%get3A_2, %get3A_3] : memref<256x256xf32, #tpu.memory_space<vmem>>, vector<256x256xf32>
    %dot_general3A = arith.constant dense<0.000000e+00> : vector<1000x256xf32>
    %dot_general3A_5 = tpu.matmul %get3A_1, %get3A_4, %dot_general3A {dimension_numbers = #tpu.dot_dimension_numbers<[1], [1], [0], [0], [0, 0, 1, 0], [], []>, transpose_lhs_hint = false} : vector<1000x256xf32>, vector<256x256xf32>, vector<1000x256xf32> -> vector<1000x256xf32>
    %get3A_6 = arith.constant 0 : index
    %get3A_7 = vector.load %arg3[%get3A_6] : memref<256xf32, #tpu.memory_space<vmem>>, vector<256xf32>
    %broadcast_in_dim3A = vector.shape_cast %get3A_7 : vector<256xf32> to vector<1x256xf32>
    %add3A = vector.broadcast %broadcast_in_dim3A : vector<1x256xf32> to vector<1000x256xf32>
    %add3A_8 = arith.addf %dot_general3A_5, %add3A : vector<1000x256xf32>
    %mul3A = arith.constant 5.000000e-01 : f32
    %mul3A_9 = vector.broadcast %mul3A : f32 to vector<1000x256xf32>
    %mul3A_10 = arith.mulf %mul3A_9, %add3A_8 : vector<1000x256xf32>
    %mul3A_11 = arith.constant 0.707106769 : f32
    %mul3A_12 = vector.broadcast %mul3A_11 : f32 to vector<1000x256xf32>
    %mul3A_13 = arith.mulf %add3A_8, %mul3A_12 : vector<1000x256xf32>
    %erf3A = math.erf %mul3A_13 : vector<1000x256xf32>
    %add3A_14 = arith.constant 1.000000e+00 : f32
    %add3A_15 = vector.broadcast %add3A_14 : f32 to vector<1000x256xf32>
    %add3A_16 = arith.addf %add3A_15, %erf3A : vector<1000x256xf32>
    %mul3A_17 = arith.mulf %mul3A_10, %add3A_16 : vector<1000x256xf32>
    %swap3A = arith.constant 0 : index
    %swap3A_18 = arith.constant 0 : index
    %swap3A_19 = vector.load %arg4[%swap3A, %swap3A_18] : memref<1000x256xf32, #tpu.memory_space<vmem>>, vector<1000x256xf32>
    tpu.vector_store %arg4[%swap3A, %swap3A_18], %mul3A_17 {strides = array<i32>} : memref<1000x256xf32, #tpu.memory_space<vmem>>, vector<1000x256xf32>,
    return
  }
  func.func @transform_0(%arg0: i32) -> (i32, i32) {
    %c0_i32 = arith.constant 0 : i32
    %c0_i32_0 = arith.constant 0 : i32
    return %arg0, %c0_i32 : i32, i32
  }
  func.func @transform_1(%arg0: i32) -> (i32, i32) {
    %c0_i32 = arith.constant 0 : i32
    %c0_i32_0 = arith.constant 0 : i32
    %c0_i32_1 = arith.constant 0 : i32
    return %c0_i32, %c0_i32_0 : i32, i32
  }
  func.func @transform_2(%arg0: i32) -> i32 {
    %c0_i32 = arith.constant 0 : i32
    %c0_i32_0 = arith.constant 0 : i32
    return %c0_i32 : i32
  }
  func.func @transform_3(%arg0: i32) -> (i32, i32) {
    %c0_i32 = arith.constant 0 : i32
    %c0_i32_0 = arith.constant 0 : i32
    return %arg0, %c0_i32 : i32, i32
  }
}

module attributes {stable_mosaic.version = 14 : i64} {
  func.func @_tc_rp_body(%arg0: i32, %arg1: memref<1000x256xf32, #tpu.memory_space<vmem>>, %arg2: memref<1000x16xf32, #tpu.memory_space<vmem>>, %arg3: memref<1000x16xf32, #tpu.memory_space<vmem>>, %arg4: memref<256xf32, #tpu.memory_space<vmem>>, %arg5: memref<256xf32, #tpu.memory_space<vmem>>, %arg6: memref<1000x128xbf16, #tpu.memory_space<vmem>>, %arg7: memref<1000x128xbf16, #tpu.memory_space<vmem>>) attributes {dimension_semantics = [#tpu.dimension_semantics<arbitrary>], iteration_bounds = array<i64: 10>, scalar_prefetch = 0 : i64, scratch_operands = 0 : i64, tpu.core_type = #tpu.core_type<tc>, window_params = [{transform_indices = @transform_0, window_bounds = array<i64: 1000, 256>}, {transform_indices = @transform_1, window_bounds = array<i64: 1000, 16>}, {transform_indices = @transform_2, window_bounds = array<i64: 1000, 16>}, {pipeline_mode = #tpu.pipeline_mode<synchronous>, transform_indices = @transform_3, window_bounds = array<i64: 256>}, {pipeline_mode = #tpu.pipeline_mode<synchronous>, transform_indices = @transform_4, window_bounds = array<i64: 256>}, {transform_indices = @transform_5, window_bounds = array<i64: 1000, 128>}, {transform_indices = @transform_6, window_bounds = array<i64: 1000, 128>}]} {
    %get3A = arith.constant 0 : index
    %get3A_0 = arith.constant 0 : index
    %get3A_1 = vector.load %arg1[%get3A, %get3A_0] : memref<1000x256xf32, #tpu.memory_space<vmem>>, vector<1000x256xf32>
    %get3A_2 = arith.constant 0 : index
    %get3A_3 = vector.load %arg4[%get3A_2] : memref<256xf32, #tpu.memory_space<vmem>>, vector<256xf32>
    %get3A_4 = arith.constant 0 : index
    %get3A_5 = vector.load %arg5[%get3A_4] : memref<256xf32, #tpu.memory_space<vmem>>, vector<256xf32>
    %reduce_sum3A = arith.constant dense<0.000000e+00> : vector<1000xf32>
    %reduce_sum3A_6 = vector.multi_reduction <add>, %get3A_1, %reduce_sum3A [1] : vector<1000x256xf32> to vector<1000xf32>
    %broadcast_in_dim3A = vector.shape_cast %reduce_sum3A_6 : vector<1000xf32> to vector<1000x1xf32>
    %div3A = arith.constant 2.560000e+02 : f32
    %div3A_7 = vector.broadcast %div3A : f32 to vector<1000x1xf32>
    %div3A_8 = arith.divf %broadcast_in_dim3A, %div3A_7 : vector<1000x1xf32>
    %sub3A = vector.broadcast %div3A_8 : vector<1000x1xf32> to vector<1000x256xf32>
    %sub3A_9 = arith.subf %get3A_1, %sub3A : vector<1000x256xf32>
    %integer_pow3A = arith.mulf %sub3A_9, %sub3A_9 : vector<1000x256xf32>
    %reduce_sum3A_10 = arith.constant dense<0.000000e+00> : vector<1000xf32>
    %reduce_sum3A_11 = vector.multi_reduction <add>, %integer_pow3A, %reduce_sum3A_10 [1] : vector<1000x256xf32> to vector<1000xf32>
    %broadcast_in_dim3A_12 = vector.shape_cast %reduce_sum3A_11 : vector<1000xf32> to vector<1000x1xf32>
    %div3A_13 = arith.constant 2.560000e+02 : f32
    %div3A_14 = vector.broadcast %div3A_13 : f32 to vector<1000x1xf32>
    %div3A_15 = arith.divf %broadcast_in_dim3A_12, %div3A_14 : vector<1000x1xf32>
    %sub3A_16 = vector.broadcast %div3A_8 : vector<1000x1xf32> to vector<1000x256xf32>
    %sub3A_17 = arith.subf %get3A_1, %sub3A_16 : vector<1000x256xf32>
    %add3A = arith.constant 9.99999974E-6 : f32
    %add3A_18 = vector.broadcast %add3A : f32 to vector<1000x1xf32>
    %add3A_19 = arith.addf %div3A_15, %add3A_18 : vector<1000x1xf32>
    %rsqrt3A = math.rsqrt %add3A_19 : vector<1000x1xf32>
    %mul3A = vector.broadcast %rsqrt3A : vector<1000x1xf32> to vector<1000x256xf32>
    %mul3A_20 = arith.mulf %sub3A_17, %mul3A : vector<1000x256xf32>
    %broadcast_in_dim3A_21 = vector.shape_cast %get3A_3 : vector<256xf32> to vector<1x256xf32>
    %mul3A_22 = vector.broadcast %broadcast_in_dim3A_21 : vector<1x256xf32> to vector<1000x256xf32>
    %mul3A_23 = arith.mulf %mul3A_20, %mul3A_22 : vector<1000x256xf32>
    %broadcast_in_dim3A_24 = vector.shape_cast %get3A_5 : vector<256xf32> to vector<1x256xf32>
    %add3A_25 = vector.broadcast %broadcast_in_dim3A_24 : vector<1x256xf32> to vector<1000x256xf32>
    %add3A_26 = arith.addf %mul3A_23, %add3A_25 : vector<1000x256xf32>
    %get3A_27 = arith.constant 0 : index
    %get3A_28 = arith.constant 0 : index
    %get3A_29 = vector.load %arg2[%get3A_27, %get3A_28] : memref<1000x16xf32, #tpu.memory_space<vmem>>, vector<1000x1xf32>
    %get3A_30 = arith.constant 0 : index
    %get3A_31 = arith.constant 0 : index
    %get3A_32 = vector.load %arg3[%get3A_30, %get3A_31] : memref<1000x16xf32, #tpu.memory_space<vmem>>, vector<1000x1xf32>
    %add3A_33 = arith.addf %get3A_29, %get3A_32 : vector<1000x1xf32>
    %max3A = arith.constant 1.000000e+00 : f32
    %max3A_34 = vector.broadcast %max3A : f32 to vector<1000x1xf32>
    %max3A_35 = arith.maximumf %add3A_33, %max3A_34 : vector<1000x1xf32>
    %rsqrt3A_36 = math.rsqrt %max3A_35 : vector<1000x1xf32>
    %mul3A_37 = vector.broadcast %rsqrt3A_36 : vector<1000x1xf32> to vector<1000x256xf32>
    %mul3A_38 = arith.mulf %add3A_26, %mul3A_37 : vector<1000x256xf32>
    %convert_element_type3A = arith.truncf %mul3A_38 : vector<1000x256xf32> to vector<1000x256xbf16>
    %slice3A = vector.extract_strided_slice %convert_element_type3A {offsets = [0, 0], sizes = [1000, 128], strides = [1, 1]} : vector<1000x256xbf16> to vector<1000x128xbf16>
    %swap3A = arith.constant 0 : index
    %swap3A_39 = arith.constant 0 : index
    %swap3A_40 = vector.load %arg6[%swap3A, %swap3A_39] : memref<1000x128xbf16, #tpu.memory_space<vmem>>, vector<1000x128xbf16>
    tpu.vector_store %arg6[%swap3A, %swap3A_39], %slice3A {strides = array<i32>} : memref<1000x128xbf16, #tpu.memory_space<vmem>>, vector<1000x128xbf16>,
    %slice3A_41 = vector.extract_strided_slice %convert_element_type3A {offsets = [0, 128], sizes = [1000, 128], strides = [1, 1]} : vector<1000x256xbf16> to vector<1000x128xbf16>
    %swap3A_42 = arith.constant 0 : index
    %swap3A_43 = arith.constant 0 : index
    %swap3A_44 = vector.load %arg7[%swap3A_42, %swap3A_43] : memref<1000x128xbf16, #tpu.memory_space<vmem>>, vector<1000x128xbf16>
    tpu.vector_store %arg7[%swap3A_42, %swap3A_43], %slice3A_41 {strides = array<i32>} : memref<1000x128xbf16, #tpu.memory_space<vmem>>, vector<1000x128xbf16>,
    return
  }
  func.func @transform_0(%arg0: i32) -> (i32, i32) {
    %c0_i32 = arith.constant 0 : i32
    %c0_i32_0 = arith.constant 0 : i32
    return %arg0, %c0_i32 : i32, i32
  }
  func.func @transform_1(%arg0: i32) -> (i32, i32) {
    %c0_i32 = arith.constant 0 : i32
    %c0_i32_0 = arith.constant 0 : i32
    return %arg0, %c0_i32 : i32, i32
  }
  func.func @transform_2(%arg0: i32) -> (i32, i32) {
    %c0_i32 = arith.constant 0 : i32
    %c0_i32_0 = arith.constant 0 : i32
    return %arg0, %c0_i32 : i32, i32
  }
  func.func @transform_3(%arg0: i32) -> i32 {
    %c0_i32 = arith.constant 0 : i32
    %c0_i32_0 = arith.constant 0 : i32
    return %c0_i32 : i32
  }
  func.func @transform_4(%arg0: i32) -> i32 {
    %c0_i32 = arith.constant 0 : i32
    %c0_i32_0 = arith.constant 0 : i32
    return %c0_i32 : i32
  }
  func.func @transform_5(%arg0: i32) -> (i32, i32) {
    %c0_i32 = arith.constant 0 : i32
    %c0_i32_0 = arith.constant 0 : i32
    return %arg0, %c0_i32 : i32, i32
  }
  func.func @transform_6(%arg0: i32) -> (i32, i32) {
    %c0_i32 = arith.constant 0 : i32
    %c0_i32_0 = arith.constant 0 : i32
    return %arg0, %c0_i32 : i32, i32
  }
}

module attributes {stable_mosaic.version = 14 : i64} {
  func.func @_tc_mid_body(%arg0: i32, %arg1: memref<1000x256xf32, #tpu.memory_space<vmem>>, %arg2: memref<1000x128xbf16, #tpu.memory_space<vmem>>, %arg3: memref<1000x128xbf16, #tpu.memory_space<vmem>>, %arg4: memref<1000x16xf32, #tpu.memory_space<vmem>>, %arg5: memref<1000x16xf32, #tpu.memory_space<vmem>>, %arg6: memref<512x256xbf16, #tpu.memory_space<vmem>>, %arg7: memref<512xf32, #tpu.memory_space<vmem>>, %arg8: memref<256x512xf32, #tpu.memory_space<vmem>>, %arg9: memref<256xf32, #tpu.memory_space<vmem>>, %arg10: memref<256xf32, #tpu.memory_space<vmem>>, %arg11: memref<256xf32, #tpu.memory_space<vmem>>, %arg12: memref<1000x256xf32, #tpu.memory_space<vmem>>, %arg13: memref<1000x128xbf16, #tpu.memory_space<vmem>>, %arg14: memref<1000x128xbf16, #tpu.memory_space<vmem>>) attributes {dimension_semantics = [#tpu.dimension_semantics<arbitrary>], iteration_bounds = array<i64: 10>, scalar_prefetch = 0 : i64, scratch_operands = 0 : i64, tpu.core_type = #tpu.core_type<tc>, window_params = [{transform_indices = @transform_0, window_bounds = array<i64: 1000, 256>}, {transform_indices = @transform_1, window_bounds = array<i64: 1000, 128>}, {transform_indices = @transform_2, window_bounds = array<i64: 1000, 128>}, {transform_indices = @transform_3, window_bounds = array<i64: 1000, 16>}, {transform_indices = @transform_4, window_bounds = array<i64: 1000, 16>}, {pipeline_mode = #tpu.pipeline_mode<synchronous>, transform_indices = @transform_5, window_bounds = array<i64: 512, 256>}, {pipeline_mode = #tpu.pipeline_mode<synchronous>, transform_indices = @transform_6, window_bounds = array<i64: 512>}, {pipeline_mode = #tpu.pipeline_mode<synchronous>, transform_indices = @transform_7, window_bounds = array<i64: 256, 512>}, {pipeline_mode = #tpu.pipeline_mode<synchronous>, transform_indices = @transform_8, window_bounds = array<i64: 256>}, {pipeline_mode = #tpu.pipeline_mode<synchronous>, transform_indices = @transform_9, window_bounds = array<i64: 256>}, {pipeline_mode = #tpu.pipeline_mode<synchronous>, transform_indices = @transform_10, window_bounds = array<i64: 256>}, {transform_indices = @transform_11, window_bounds = array<i64: 1000, 256>}, {transform_indices = @transform_12, window_bounds = array<i64: 1000, 128>}, {transform_indices = @transform_13, window_bounds = array<i64: 1000, 128>}]} {
    %get3A = arith.constant 0 : index
    %get3A_0 = arith.constant 0 : index
    %get3A_1 = vector.load %arg4[%get3A, %get3A_0] : memref<1000x16xf32, #tpu.memory_space<vmem>>, vector<1000x1xf32>
    %get3A_2 = arith.constant 0 : index
    %get3A_3 = arith.constant 0 : index
    %get3A_4 = vector.load %arg5[%get3A_2, %get3A_3] : memref<1000x16xf32, #tpu.memory_space<vmem>>, vector<1000x1xf32>
    %add3A = arith.addf %get3A_1, %get3A_4 : vector<1000x1xf32>
    %max3A = arith.constant 1.000000e+00 : f32
    %max3A_5 = vector.broadcast %max3A : f32 to vector<1000x1xf32>
    %max3A_6 = arith.maximumf %add3A, %max3A_5 : vector<1000x1xf32>
    %rsqrt3A = math.rsqrt %max3A_6 : vector<1000x1xf32>
    %get3A_7 = arith.constant 0 : index
    %get3A_8 = arith.constant 0 : index
    %get3A_9 = vector.load %arg2[%get3A_7, %get3A_8] : memref<1000x128xbf16, #tpu.memory_space<vmem>>, vector<1000x128xbf16>
    %get3A_10 = arith.constant 0 : index
    %get3A_11 = arith.constant 0 : index
    %get3A_12 = vector.load %arg3[%get3A_10, %get3A_11] : memref<1000x128xbf16, #tpu.memory_space<vmem>>, vector<1000x128xbf16>
    %concatenate3A = tpu.concatenate %get3A_9, %get3A_12 in 1 : vector<1000x128xbf16>, vector<1000x128xbf16> -> vector<1000x256xbf16>
    %get3A_13 = arith.constant 0 : index
    %get3A_14 = arith.constant 0 : index
    %get3A_15 = vector.load %arg6[%get3A_13, %get3A_14] : memref<512x256xbf16, #tpu.memory_space<vmem>>, vector<512x256xbf16>
    %dot_general3A = arith.constant dense<0.000000e+00> : vector<1000x512xf32>
    %dot_general3A_16 = tpu.matmul %concatenate3A, %get3A_15, %dot_general3A {dimension_numbers = #tpu.dot_dimension_numbers<[1], [1], [0], [0], [0, 0, 1, 0], [], []>, transpose_lhs_hint = false} : vector<1000x256xbf16>, vector<512x256xbf16>, vector<1000x512xf32> -> vector<1000x512xf32>
    %mul3A = vector.broadcast %rsqrt3A : vector<1000x1xf32> to vector<1000x512xf32>
    %mul3A_17 = arith.mulf %dot_general3A_16, %mul3A : vector<1000x512xf32>
    %get3A_18 = arith.constant 0 : index
    %get3A_19 = vector.load %arg7[%get3A_18] : memref<512xf32, #tpu.memory_space<vmem>>, vector<512xf32>
    %broadcast_in_dim3A = vector.shape_cast %get3A_19 : vector<512xf32> to vector<1x512xf32>
    %add3A_20 = vector.broadcast %broadcast_in_dim3A : vector<1x512xf32> to vector<1000x512xf32>
    %add3A_21 = arith.addf %mul3A_17, %add3A_20 : vector<1000x512xf32>
    %mul3A_22 = arith.constant 5.000000e-01 : f32
    %mul3A_23 = vector.broadcast %mul3A_22 : f32 to vector<1000x512xf32>
    %mul3A_24 = arith.mulf %mul3A_23, %add3A_21 : vector<1000x512xf32>
    %mul3A_25 = arith.constant 0.707106769 : f32
    %mul3A_26 = vector.broadcast %mul3A_25 : f32 to vector<1000x512xf32>
    %mul3A_27 = arith.mulf %add3A_21, %mul3A_26 : vector<1000x512xf32>
    %erf3A = math.erf %mul3A_27 : vector<1000x512xf32>
    %add3A_28 = arith.constant 1.000000e+00 : f32
    %add3A_29 = vector.broadcast %add3A_28 : f32 to vector<1000x512xf32>
    %add3A_30 = arith.addf %add3A_29, %erf3A : vector<1000x512xf32>
    %mul3A_31 = arith.mulf %mul3A_24, %add3A_30 : vector<1000x512xf32>
    %get3A_32 = arith.constant 0 : index
    %get3A_33 = arith.constant 0 : index
    %get3A_34 = vector.load %arg1[%get3A_32, %get3A_33] : memref<1000x256xf32, #tpu.memory_space<vmem>>, vector<1000x256xf32>
    %get3A_35 = arith.constant 0 : index
    %get3A_36 = arith.constant 0 : index
    %get3A_37 = vector.load %arg8[%get3A_35, %get3A_36] : memref<256x512xf32, #tpu.memory_space<vmem>>, vector<256x512xf32>
    %dot_general3A_38 = arith.constant dense<0.000000e+00> : vector<1000x256xf32>
    %dot_general3A_39 = tpu.matmul %mul3A_31, %get3A_37, %dot_general3A_38 {dimension_numbers = #tpu.dot_dimension_numbers<[1], [1], [0], [0], [0, 0, 1, 0], [], []>, transpose_lhs_hint = false} : vector<1000x512xf32>, vector<256x512xf32>, vector<1000x256xf32> -> vector<1000x256xf32>
    %add3A_40 = arith.addf %get3A_34, %dot_general3A_39 : vector<1000x256xf32>
    %get3A_41 = arith.constant 0 : index
    %get3A_42 = vector.load %arg9[%get3A_41] : memref<256xf32, #tpu.memory_space<vmem>>, vector<256xf32>
    %broadcast_in_dim3A_43 = vector.shape_cast %get3A_42 : vector<256xf32> to vector<1x256xf32>
    %add3A_44 = vector.broadcast %broadcast_in_dim3A_43 : vector<1x256xf32> to vector<1000x256xf32>
    %add3A_45 = arith.addf %add3A_40, %add3A_44 : vector<1000x256xf32>
    %swap3A = arith.constant 0 : index
    %swap3A_46 = arith.constant 0 : index
    %swap3A_47 = vector.load %arg12[%swap3A, %swap3A_46] : memref<1000x256xf32, #tpu.memory_space<vmem>>, vector<1000x256xf32>
    tpu.vector_store %arg12[%swap3A, %swap3A_46], %add3A_45 {strides = array<i32>} : memref<1000x256xf32, #tpu.memory_space<vmem>>, vector<1000x256xf32>,
    %get3A_48 = arith.constant 0 : index
    %get3A_49 = vector.load %arg10[%get3A_48] : memref<256xf32, #tpu.memory_space<vmem>>, vector<256xf32>
    %get3A_50 = arith.constant 0 : index
    %get3A_51 = vector.load %arg11[%get3A_50] : memref<256xf32, #tpu.memory_space<vmem>>, vector<256xf32>
    %reduce_sum3A = arith.constant dense<0.000000e+00> : vector<1000xf32>
    %reduce_sum3A_52 = vector.multi_reduction <add>, %add3A_45, %reduce_sum3A [1] : vector<1000x256xf32> to vector<1000xf32>
    %broadcast_in_dim3A_53 = vector.shape_cast %reduce_sum3A_52 : vector<1000xf32> to vector<1000x1xf32>
    %div3A = arith.constant 2.560000e+02 : f32
    %div3A_54 = vector.broadcast %div3A : f32 to vector<1000x1xf32>
    %div3A_55 = arith.divf %broadcast_in_dim3A_53, %div3A_54 : vector<1000x1xf32>
    %sub3A = vector.broadcast %div3A_55 : vector<1000x1xf32> to vector<1000x256xf32>
    %sub3A_56 = arith.subf %add3A_45, %sub3A : vector<1000x256xf32>
    %integer_pow3A = arith.mulf %sub3A_56, %sub3A_56 : vector<1000x256xf32>
    %reduce_sum3A_57 = arith.constant dense<0.000000e+00> : vector<1000xf32>
    %reduce_sum3A_58 = vector.multi_reduction <add>, %integer_pow3A, %reduce_sum3A_57 [1] : vector<1000x256xf32> to vector<1000xf32>
    %broadcast_in_dim3A_59 = vector.shape_cast %reduce_sum3A_58 : vector<1000xf32> to vector<1000x1xf32>
    %div3A_60 = arith.constant 2.560000e+02 : f32
    %div3A_61 = vector.broadcast %div3A_60 : f32 to vector<1000x1xf32>
    %div3A_62 = arith.divf %broadcast_in_dim3A_59, %div3A_61 : vector<1000x1xf32>
    %sub3A_63 = vector.broadcast %div3A_55 : vector<1000x1xf32> to vector<1000x256xf32>
    %sub3A_64 = arith.subf %add3A_45, %sub3A_63 : vector<1000x256xf32>
    %add3A_65 = arith.constant 9.99999974E-6 : f32
    %add3A_66 = vector.broadcast %add3A_65 : f32 to vector<1000x1xf32>
    %add3A_67 = arith.addf %div3A_62, %add3A_66 : vector<1000x1xf32>
    %rsqrt3A_68 = math.rsqrt %add3A_67 : vector<1000x1xf32>
    %mul3A_69 = vector.broadcast %rsqrt3A_68 : vector<1000x1xf32> to vector<1000x256xf32>
    %mul3A_70 = arith.mulf %sub3A_64, %mul3A_69 : vector<1000x256xf32>
    %broadcast_in_dim3A_71 = vector.shape_cast %get3A_49 : vector<256xf32> to vector<1x256xf32>
    %mul3A_72 = vector.broadcast %broadcast_in_dim3A_71 : vector<1x256xf32> to vector<1000x256xf32>
    %mul3A_73 = arith.mulf %mul3A_70, %mul3A_72 : vector<1000x256xf32>
    %broadcast_in_dim3A_74 = vector.shape_cast %get3A_51 : vector<256xf32> to vector<1x256xf32>
    %add3A_75 = vector.broadcast %broadcast_in_dim3A_74 : vector<1x256xf32> to vector<1000x256xf32>
    %add3A_76 = arith.addf %mul3A_73, %add3A_75 : vector<1000x256xf32>
    %mul3A_77 = vector.broadcast %rsqrt3A : vector<1000x1xf32> to vector<1000x256xf32>
    %mul3A_78 = arith.mulf %add3A_76, %mul3A_77 : vector<1000x256xf32>
    %convert_element_type3A = arith.truncf %mul3A_78 : vector<1000x256xf32> to vector<1000x256xbf16>
    %slice3A = vector.extract_strided_slice %convert_element_type3A {offsets = [0, 0], sizes = [1000, 128], strides = [1, 1]} : vector<1000x256xbf16> to vector<1000x128xbf16>
    %swap3A_79 = arith.constant 0 : index
    %swap3A_80 = arith.constant 0 : index
    %swap3A_81 = vector.load %arg13[%swap3A_79, %swap3A_80] : memref<1000x128xbf16, #tpu.memory_space<vmem>>, vector<1000x128xbf16>
    tpu.vector_store %arg13[%swap3A_79, %swap3A_80], %slice3A {strides = array<i32>} : memref<1000x128xbf16, #tpu.memory_space<vmem>>, vector<1000x128xbf16>,
    %slice3A_82 = vector.extract_strided_slice %convert_element_type3A {offsets = [0, 128], sizes = [1000, 128], strides = [1, 1]} : vector<1000x256xbf16> to vector<1000x128xbf16>
    %swap3A_83 = arith.constant 0 : index
    %swap3A_84 = arith.constant 0 : index
    %swap3A_85 = vector.load %arg14[%swap3A_83, %swap3A_84] : memref<1000x128xbf16, #tpu.memory_space<vmem>>, vector<1000x128xbf16>
    tpu.vector_store %arg14[%swap3A_83, %swap3A_84], %slice3A_82 {strides = array<i32>} : memref<1000x128xbf16, #tpu.memory_space<vmem>>, vector<1000x128xbf16>,
    return
  }
  func.func @transform_0(%arg0: i32) -> (i32, i32) {
    %c0_i32 = arith.constant 0 : i32
    %c0_i32_0 = arith.constant 0 : i32
    return %arg0, %c0_i32 : i32, i32
  }
  func.func @transform_1(%arg0: i32) -> (i32, i32) {
    %c0_i32 = arith.constant 0 : i32
    %c0_i32_0 = arith.constant 0 : i32
    return %arg0, %c0_i32 : i32, i32
  }
  func.func @transform_2(%arg0: i32) -> (i32, i32) {
    %c0_i32 = arith.constant 0 : i32
    %c0_i32_0 = arith.constant 0 : i32
    return %arg0, %c0_i32 : i32, i32
  }
  func.func @transform_3(%arg0: i32) -> (i32, i32) {
    %c0_i32 = arith.constant 0 : i32
    %c0_i32_0 = arith.constant 0 : i32
    return %arg0, %c0_i32 : i32, i32
  }
  func.func @transform_4(%arg0: i32) -> (i32, i32) {
    %c0_i32 = arith.constant 0 : i32
    %c0_i32_0 = arith.constant 0 : i32
    return %arg0, %c0_i32 : i32, i32
  }
  func.func @transform_5(%arg0: i32) -> (i32, i32) {
    %c0_i32 = arith.constant 0 : i32
    %c0_i32_0 = arith.constant 0 : i32
    %c0_i32_1 = arith.constant 0 : i32
    return %c0_i32, %c0_i32_0 : i32, i32
  }
  func.func @transform_6(%arg0: i32) -> i32 {
    %c0_i32 = arith.constant 0 : i32
    %c0_i32_0 = arith.constant 0 : i32
    return %c0_i32 : i32
  }
  func.func @transform_7(%arg0: i32) -> (i32, i32) {
    %c0_i32 = arith.constant 0 : i32
    %c0_i32_0 = arith.constant 0 : i32
    %c0_i32_1 = arith.constant 0 : i32
    return %c0_i32, %c0_i32_0 : i32, i32
  }
  func.func @transform_8(%arg0: i32) -> i32 {
    %c0_i32 = arith.constant 0 : i32
    %c0_i32_0 = arith.constant 0 : i32
    return %c0_i32 : i32
  }
  func.func @transform_9(%arg0: i32) -> i32 {
    %c0_i32 = arith.constant 0 : i32
    %c0_i32_0 = arith.constant 0 : i32
    return %c0_i32 : i32
  }
  func.func @transform_10(%arg0: i32) -> i32 {
    %c0_i32 = arith.constant 0 : i32
    %c0_i32_0 = arith.constant 0 : i32
    return %c0_i32 : i32
  }
  func.func @transform_11(%arg0: i32) -> (i32, i32) {
    %c0_i32 = arith.constant 0 : i32
    %c0_i32_0 = arith.constant 0 : i32
    return %arg0, %c0_i32 : i32, i32
  }
  func.func @transform_12(%arg0: i32) -> (i32, i32) {
    %c0_i32 = arith.constant 0 : i32
    %c0_i32_0 = arith.constant 0 : i32
    return %arg0, %c0_i32 : i32, i32
  }
  func.func @transform_13(%arg0: i32) -> (i32, i32) {
    %c0_i32 = arith.constant 0 : i32
    %c0_i32_0 = arith.constant 0 : i32
    return %arg0, %c0_i32 : i32, i32
  }
}

module attributes {stable_mosaic.version = 14 : i64} {
  func.func @_tc_out_body(%arg0: i32, %arg1: memref<1000x256xf32, #tpu.memory_space<vmem>>, %arg2: memref<1000x128xbf16, #tpu.memory_space<vmem>>, %arg3: memref<1000x128xbf16, #tpu.memory_space<vmem>>, %arg4: memref<1000x16xf32, #tpu.memory_space<vmem>>, %arg5: memref<1000x16xf32, #tpu.memory_space<vmem>>, %arg6: memref<512x256xbf16, #tpu.memory_space<vmem>>, %arg7: memref<512xf32, #tpu.memory_space<vmem>>, %arg8: memref<256x512xf32, #tpu.memory_space<vmem>>, %arg9: memref<256xf32, #tpu.memory_space<vmem>>, %arg10: memref<256xf32, #tpu.memory_space<vmem>>, %arg11: memref<256xf32, #tpu.memory_space<vmem>>, %arg12: memref<256x256xf32, #tpu.memory_space<vmem>>, %arg13: memref<256xf32, #tpu.memory_space<vmem>>, %arg14: memref<1000x256xf32, #tpu.memory_space<vmem>>) attributes {dimension_semantics = [#tpu.dimension_semantics<arbitrary>], iteration_bounds = array<i64: 10>, scalar_prefetch = 0 : i64, scratch_operands = 0 : i64, tpu.core_type = #tpu.core_type<tc>, window_params = [{transform_indices = @transform_0, window_bounds = array<i64: 1000, 256>}, {transform_indices = @transform_1, window_bounds = array<i64: 1000, 128>}, {transform_indices = @transform_2, window_bounds = array<i64: 1000, 128>}, {transform_indices = @transform_3, window_bounds = array<i64: 1000, 16>}, {transform_indices = @transform_4, window_bounds = array<i64: 1000, 16>}, {pipeline_mode = #tpu.pipeline_mode<synchronous>, transform_indices = @transform_5, window_bounds = array<i64: 512, 256>}, {pipeline_mode = #tpu.pipeline_mode<synchronous>, transform_indices = @transform_6, window_bounds = array<i64: 512>}, {pipeline_mode = #tpu.pipeline_mode<synchronous>, transform_indices = @transform_7, window_bounds = array<i64: 256, 512>}, {pipeline_mode = #tpu.pipeline_mode<synchronous>, transform_indices = @transform_8, window_bounds = array<i64: 256>}, {pipeline_mode = #tpu.pipeline_mode<synchronous>, transform_indices = @transform_9, window_bounds = array<i64: 256>}, {pipeline_mode = #tpu.pipeline_mode<synchronous>, transform_indices = @transform_10, window_bounds = array<i64: 256>}, {pipeline_mode = #tpu.pipeline_mode<synchronous>, transform_indices = @transform_11, window_bounds = array<i64: 256, 256>}, {pipeline_mode = #tpu.pipeline_mode<synchronous>, transform_indices = @transform_12, window_bounds = array<i64: 256>}, {transform_indices = @transform_13, window_bounds = array<i64: 1000, 256>}]} {
    %get3A = arith.constant 0 : index
    %get3A_0 = arith.constant 0 : index
    %get3A_1 = vector.load %arg4[%get3A, %get3A_0] : memref<1000x16xf32, #tpu.memory_space<vmem>>, vector<1000x1xf32>
    %get3A_2 = arith.constant 0 : index
    %get3A_3 = arith.constant 0 : index
    %get3A_4 = vector.load %arg5[%get3A_2, %get3A_3] : memref<1000x16xf32, #tpu.memory_space<vmem>>, vector<1000x1xf32>
    %add3A = arith.addf %get3A_1, %get3A_4 : vector<1000x1xf32>
    %max3A = arith.constant 1.000000e+00 : f32
    %max3A_5 = vector.broadcast %max3A : f32 to vector<1000x1xf32>
    %max3A_6 = arith.maximumf %add3A, %max3A_5 : vector<1000x1xf32>
    %rsqrt3A = math.rsqrt %max3A_6 : vector<1000x1xf32>
    %get3A_7 = arith.constant 0 : index
    %get3A_8 = arith.constant 0 : index
    %get3A_9 = vector.load %arg2[%get3A_7, %get3A_8] : memref<1000x128xbf16, #tpu.memory_space<vmem>>, vector<1000x128xbf16>
    %get3A_10 = arith.constant 0 : index
    %get3A_11 = arith.constant 0 : index
    %get3A_12 = vector.load %arg3[%get3A_10, %get3A_11] : memref<1000x128xbf16, #tpu.memory_space<vmem>>, vector<1000x128xbf16>
    %concatenate3A = tpu.concatenate %get3A_9, %get3A_12 in 1 : vector<1000x128xbf16>, vector<1000x128xbf16> -> vector<1000x256xbf16>
    %get3A_13 = arith.constant 0 : index
    %get3A_14 = arith.constant 0 : index
    %get3A_15 = vector.load %arg6[%get3A_13, %get3A_14] : memref<512x256xbf16, #tpu.memory_space<vmem>>, vector<512x256xbf16>
    %dot_general3A = arith.constant dense<0.000000e+00> : vector<1000x512xf32>
    %dot_general3A_16 = tpu.matmul %concatenate3A, %get3A_15, %dot_general3A {dimension_numbers = #tpu.dot_dimension_numbers<[1], [1], [0], [0], [0, 0, 1, 0], [], []>, transpose_lhs_hint = false} : vector<1000x256xbf16>, vector<512x256xbf16>, vector<1000x512xf32> -> vector<1000x512xf32>
    %mul3A = vector.broadcast %rsqrt3A : vector<1000x1xf32> to vector<1000x512xf32>
    %mul3A_17 = arith.mulf %dot_general3A_16, %mul3A : vector<1000x512xf32>
    %get3A_18 = arith.constant 0 : index
    %get3A_19 = vector.load %arg7[%get3A_18] : memref<512xf32, #tpu.memory_space<vmem>>, vector<512xf32>
    %broadcast_in_dim3A = vector.shape_cast %get3A_19 : vector<512xf32> to vector<1x512xf32>
    %add3A_20 = vector.broadcast %broadcast_in_dim3A : vector<1x512xf32> to vector<1000x512xf32>
    %add3A_21 = arith.addf %mul3A_17, %add3A_20 : vector<1000x512xf32>
    %mul3A_22 = arith.constant 5.000000e-01 : f32
    %mul3A_23 = vector.broadcast %mul3A_22 : f32 to vector<1000x512xf32>
    %mul3A_24 = arith.mulf %mul3A_23, %add3A_21 : vector<1000x512xf32>
    %mul3A_25 = arith.constant 0.707106769 : f32
    %mul3A_26 = vector.broadcast %mul3A_25 : f32 to vector<1000x512xf32>
    %mul3A_27 = arith.mulf %add3A_21, %mul3A_26 : vector<1000x512xf32>
    %erf3A = math.erf %mul3A_27 : vector<1000x512xf32>
    %add3A_28 = arith.constant 1.000000e+00 : f32
    %add3A_29 = vector.broadcast %add3A_28 : f32 to vector<1000x512xf32>
    %add3A_30 = arith.addf %add3A_29, %erf3A : vector<1000x512xf32>
    %mul3A_31 = arith.mulf %mul3A_24, %add3A_30 : vector<1000x512xf32>
    %get3A_32 = arith.constant 0 : index
    %get3A_33 = arith.constant 0 : index
    %get3A_34 = vector.load %arg1[%get3A_32, %get3A_33] : memref<1000x256xf32, #tpu.memory_space<vmem>>, vector<1000x256xf32>
    %get3A_35 = arith.constant 0 : index
    %get3A_36 = arith.constant 0 : index
    %get3A_37 = vector.load %arg8[%get3A_35, %get3A_36] : memref<256x512xf32, #tpu.memory_space<vmem>>, vector<256x512xf32>
    %dot_general3A_38 = arith.constant dense<0.000000e+00> : vector<1000x256xf32>
    %dot_general3A_39 = tpu.matmul %mul3A_31, %get3A_37, %dot_general3A_38 {dimension_numbers = #tpu.dot_dimension_numbers<[1], [1], [0], [0], [0, 0, 1, 0], [], []>, transpose_lhs_hint = false} : vector<1000x512xf32>, vector<256x512xf32>, vector<1000x256xf32> -> vector<1000x256xf32>
    %add3A_40 = arith.addf %get3A_34, %dot_general3A_39 : vector<1000x256xf32>
    %get3A_41 = arith.constant 0 : index
    %get3A_42 = vector.load %arg9[%get3A_41] : memref<256xf32, #tpu.memory_space<vmem>>, vector<256xf32>
    %broadcast_in_dim3A_43 = vector.shape_cast %get3A_42 : vector<256xf32> to vector<1x256xf32>
    %add3A_44 = vector.broadcast %broadcast_in_dim3A_43 : vector<1x256xf32> to vector<1000x256xf32>
    %add3A_45 = arith.addf %add3A_40, %add3A_44 : vector<1000x256xf32>
    %get3A_46 = arith.constant 0 : index
    %get3A_47 = vector.load %arg10[%get3A_46] : memref<256xf32, #tpu.memory_space<vmem>>, vector<256xf32>
    %get3A_48 = arith.constant 0 : index
    %get3A_49 = vector.load %arg11[%get3A_48] : memref<256xf32, #tpu.memory_space<vmem>>, vector<256xf32>
    %reduce_sum3A = arith.constant dense<0.000000e+00> : vector<1000xf32>
    %reduce_sum3A_50 = vector.multi_reduction <add>, %add3A_45, %reduce_sum3A [1] : vector<1000x256xf32> to vector<1000xf32>
    %broadcast_in_dim3A_51 = vector.shape_cast %reduce_sum3A_50 : vector<1000xf32> to vector<1000x1xf32>
    %div3A = arith.constant 2.560000e+02 : f32
    %div3A_52 = vector.broadcast %div3A : f32 to vector<1000x1xf32>
    %div3A_53 = arith.divf %broadcast_in_dim3A_51, %div3A_52 : vector<1000x1xf32>
    %sub3A = vector.broadcast %div3A_53 : vector<1000x1xf32> to vector<1000x256xf32>
    %sub3A_54 = arith.subf %add3A_45, %sub3A : vector<1000x256xf32>
    %integer_pow3A = arith.mulf %sub3A_54, %sub3A_54 : vector<1000x256xf32>
    %reduce_sum3A_55 = arith.constant dense<0.000000e+00> : vector<1000xf32>
    %reduce_sum3A_56 = vector.multi_reduction <add>, %integer_pow3A, %reduce_sum3A_55 [1] : vector<1000x256xf32> to vector<1000xf32>
    %broadcast_in_dim3A_57 = vector.shape_cast %reduce_sum3A_56 : vector<1000xf32> to vector<1000x1xf32>
    %div3A_58 = arith.constant 2.560000e+02 : f32
    %div3A_59 = vector.broadcast %div3A_58 : f32 to vector<1000x1xf32>
    %div3A_60 = arith.divf %broadcast_in_dim3A_57, %div3A_59 : vector<1000x1xf32>
    %sub3A_61 = vector.broadcast %div3A_53 : vector<1000x1xf32> to vector<1000x256xf32>
    %sub3A_62 = arith.subf %add3A_45, %sub3A_61 : vector<1000x256xf32>
    %add3A_63 = arith.constant 9.99999974E-6 : f32
    %add3A_64 = vector.broadcast %add3A_63 : f32 to vector<1000x1xf32>
    %add3A_65 = arith.addf %div3A_60, %add3A_64 : vector<1000x1xf32>
    %rsqrt3A_66 = math.rsqrt %add3A_65 : vector<1000x1xf32>
    %mul3A_67 = vector.broadcast %rsqrt3A_66 : vector<1000x1xf32> to vector<1000x256xf32>
    %mul3A_68 = arith.mulf %sub3A_62, %mul3A_67 : vector<1000x256xf32>
    %broadcast_in_dim3A_69 = vector.shape_cast %get3A_47 : vector<256xf32> to vector<1x256xf32>
    %mul3A_70 = vector.broadcast %broadcast_in_dim3A_69 : vector<1x256xf32> to vector<1000x256xf32>
    %mul3A_71 = arith.mulf %mul3A_68, %mul3A_70 : vector<1000x256xf32>
    %broadcast_in_dim3A_72 = vector.shape_cast %get3A_49 : vector<256xf32> to vector<1x256xf32>
    %add3A_73 = vector.broadcast %broadcast_in_dim3A_72 : vector<1x256xf32> to vector<1000x256xf32>
    %add3A_74 = arith.addf %mul3A_71, %add3A_73 : vector<1000x256xf32>
    %get3A_75 = arith.constant 0 : index
    %get3A_76 = arith.constant 0 : index
    %get3A_77 = vector.load %arg12[%get3A_75, %get3A_76] : memref<256x256xf32, #tpu.memory_space<vmem>>, vector<256x256xf32>
    %dot_general3A_78 = arith.constant dense<0.000000e+00> : vector<1000x256xf32>
    %dot_general3A_79 = tpu.matmul %add3A_74, %get3A_77, %dot_general3A_78 {dimension_numbers = #tpu.dot_dimension_numbers<[1], [1], [0], [0], [0, 0, 1, 0], [], []>, transpose_lhs_hint = false} : vector<1000x256xf32>, vector<256x256xf32>, vector<1000x256xf32> -> vector<1000x256xf32>
    %get3A_80 = arith.constant 0 : index
    %get3A_81 = vector.load %arg13[%get3A_80] : memref<256xf32, #tpu.memory_space<vmem>>, vector<256xf32>
    %broadcast_in_dim3A_82 = vector.shape_cast %get3A_81 : vector<256xf32> to vector<1x256xf32>
    %add3A_83 = vector.broadcast %broadcast_in_dim3A_82 : vector<1x256xf32> to vector<1000x256xf32>
    %add3A_84 = arith.addf %dot_general3A_79, %add3A_83 : vector<1000x256xf32>
    %swap3A = arith.constant 0 : index
    %swap3A_85 = arith.constant 0 : index
    %swap3A_86 = vector.load %arg14[%swap3A, %swap3A_85] : memref<1000x256xf32, #tpu.memory_space<vmem>>, vector<1000x256xf32>
    tpu.vector_store %arg14[%swap3A, %swap3A_85], %add3A_84 {strides = array<i32>} : memref<1000x256xf32, #tpu.memory_space<vmem>>, vector<1000x256xf32>,
    return
  }
  func.func @transform_0(%arg0: i32) -> (i32, i32) {
    %c0_i32 = arith.constant 0 : i32
    %c0_i32_0 = arith.constant 0 : i32
    return %arg0, %c0_i32 : i32, i32
  }
  func.func @transform_1(%arg0: i32) -> (i32, i32) {
    %c0_i32 = arith.constant 0 : i32
    %c0_i32_0 = arith.constant 0 : i32
    return %arg0, %c0_i32 : i32, i32
  }
  func.func @transform_2(%arg0: i32) -> (i32, i32) {
    %c0_i32 = arith.constant 0 : i32
    %c0_i32_0 = arith.constant 0 : i32
    return %arg0, %c0_i32 : i32, i32
  }
  func.func @transform_3(%arg0: i32) -> (i32, i32) {
    %c0_i32 = arith.constant 0 : i32
    %c0_i32_0 = arith.constant 0 : i32
    return %arg0, %c0_i32 : i32, i32
  }
  func.func @transform_4(%arg0: i32) -> (i32, i32) {
    %c0_i32 = arith.constant 0 : i32
    %c0_i32_0 = arith.constant 0 : i32
    return %arg0, %c0_i32 : i32, i32
  }
  func.func @transform_5(%arg0: i32) -> (i32, i32) {
    %c0_i32 = arith.constant 0 : i32
    %c0_i32_0 = arith.constant 0 : i32
    %c0_i32_1 = arith.constant 0 : i32
    return %c0_i32, %c0_i32_0 : i32, i32
  }
  func.func @transform_6(%arg0: i32) -> i32 {
    %c0_i32 = arith.constant 0 : i32
    %c0_i32_0 = arith.constant 0 : i32
    return %c0_i32 : i32
  }
  func.func @transform_7(%arg0: i32) -> (i32, i32) {
    %c0_i32 = arith.constant 0 : i32
    %c0_i32_0 = arith.constant 0 : i32
    %c0_i32_1 = arith.constant 0 : i32
    return %c0_i32, %c0_i32_0 : i32, i32
  }
  func.func @transform_8(%arg0: i32) -> i32 {
    %c0_i32 = arith.constant 0 : i32
    %c0_i32_0 = arith.constant 0 : i32
    return %c0_i32 : i32
  }
  func.func @transform_9(%arg0: i32) -> i32 {
    %c0_i32 = arith.constant 0 : i32
    %c0_i32_0 = arith.constant 0 : i32
    return %c0_i32 : i32
  }
  func.func @transform_10(%arg0: i32) -> i32 {
    %c0_i32 = arith.constant 0 : i32
    %c0_i32_0 = arith.constant 0 : i32
    return %c0_i32 : i32
  }
  func.func @transform_11(%arg0: i32) -> (i32, i32) {
    %c0_i32 = arith.constant 0 : i32
    %c0_i32_0 = arith.constant 0 : i32
    %c0_i32_1 = arith.constant 0 : i32
    return %c0_i32, %c0_i32_0 : i32, i32
  }
  func.func @transform_12(%arg0: i32) -> i32 {
    %c0_i32 = arith.constant 0 : i32
    %c0_i32_0 = arith.constant 0 : i32
    return %c0_i32 : i32
  }
  func.func @transform_13(%arg0: i32) -> (i32, i32) {
    %c0_i32 = arith.constant 0 : i32
    %c0_i32_0 = arith.constant 0 : i32
    return %arg0, %c0_i32 : i32, i32
  }
}

</mosaic_0001>

<sc_bundles>
// kernel: kernel.11.cloned.1.call-start
scs
__scs_entry_jumppad:
0x0: {  	(pc) =	sbr.rel $0x88, $3  }
0x1: {  	(tag) =	ssettag $0x0;
	lr =	simm.s32 $0x1  }
0x2: {  	[smem:$0x3F93] =	sst lr;
	_ =	strace $0xD0000000  }
0x3: {  	_ = 	snop  }
0x4: {  	_ = 	snop  }
0x5: {  	_ = 	snop  }
0x6: {  	_ = 	snop  }
0x7: {  	_ = 	snop  }
__scs_overlays_trampoline_lowered:
0x8: {  	[smem:$0x3FA2] =	sst s0  }
0x9: {  	[smem:$0x3FA3] =	sst s1  }
0xa: {  	[smem:$0x3FA4] =	sst s2  }
0xb: {  	[smem:$0x3FA5] =	sst s3  }
0xc: {  	[smem:$0x3FA6] =	sst s4  }
0xd: {  	[smem:$0x3FA7] =	sst s5  }
0xe: {  	[smem:$0x3FA8] =	sst s6  }
0xf: {  	[smem:$0x3FA9] =	sst s7  }
0x10: {  	[smem:$0x3FAA] =	sst s8  }
0x11: {  	[smem:$0x3FAB] =	sst s9;
	s0 =	simm.s32 @!p0 $0x0  }
0x12: {  	s1 =	sld [smem:$0x3F91];
	s0 =	simm.s32 @p0 $0x1  }
0x13: {  	[smem:$0x3FAC] =	sst s0;
	s0 =	simm.s32 @!p1 $0x0  }
0x14: {  	s2 =	sld [smem:$0x3F90];
	s0 =	simm.s32 @p1 $0x1  }
0x15: {  	[smem:$0x3FAD] =	sst s0;
	s0 =	simm.s32 @!p2 $0x0  }
0x16: {  	s3 =	sld [smem:$0x3FDB];
	s0 =	simm.s32 @p2 $0x1  }
0x17: {  	s4 =	simm.s32 $0x1BF5;
	[smem:$0x3FAF] =	sst s0  }
0x18: {  	s0 =	sld [smem:$0x3F92];
	_ =	swait.ge [sflag:s4], $0x0  }
0x19: {  	s7 =	sld [smem:$0x3F93]  }
0x1a: {  	s8 =	sadd.s32 $0xFFFFE003, lr  }
0x1b: {  	s9 =	sadd.s32 $0xFFFFFEF7, lr;
	s5 =	simm.s32 $0xFFFFFFFF;
	p2 =	slt.u32 s8, $0xFFFFF086  }
0x1c: {  	p1 =	slt.u32 s9, $0xF7A;
	s5 =	simm.s32 @!p2 $0x0  }
0x1d: {  	s5 =	simm.s32 @p1 $0x1;
	p0 =	seq.s32 s7, s2  }
0x1e: {  	s7 =	smul.u32 @!p0 $0xF7A, s2;
	p2 =	seq.s32 @!p0 s5, $0x0  }
0x1f: {  	s9 =	smul.u32 $0xF7A, s1;
	s8 =	simm.s32 @!p0 $0x1BF5;
	p2 =	por !p2, p0  }
0x20: {  	[sflag:s8] =	ssyncset.s32 @!p0 $0xFFFFF086;
	s6 =	sadd.s32 @!p0 s3, s7;
	s7 =	simm.s32 @!p0 $0x108  }
0x21: {  	s3 =	sadd.s32 s3, s9;
	s6 =	sadd.s32 @!p0 $0x88, s6;
	s7 =	simm.s32 @p2 $0x1082  }
0x22: {  	[simem:s7], [sflag:s8] =	dma.local @!p0 [hbm:s6], $0xF7A  }
0x23: {  	s9 =	sor.u32 $0xD0000000, s2;
	s6 =	simm.s32 $0x108;
	_ =	swait.ge @!p0 [sflag:s8], $0x0  }
0x24: {  	s3 =	sadd.s32 $0x88, s3;
	s6 =	simm.s32 @!p1 $0x1082;
	[sflag:s4] =	ssyncset.s32 $0xFFFFF086  }
0x25: {  	[simem:s6], [sflag:s4] =	dma.local [hbm:s3], $0xF7A  }
0x26: {  	[smem:$0x3F93] =	sst s1;
	(tag) =	ssettag s2;
	_ =	strace s9  }
0x27: {  	s1 =	sld [smem:$0x3FA3]  }
0x28: {  	s2 =	sld [smem:$0x3FA4]  }
0x29: {  	s4 =	sld [smem:$0x3FA6]  }
0x2a: {  	p0 =	seq.s32 s5, $0x0;
	s5 =	sld [smem:$0x3FA7]  }
0x2b: {  	s6 =	sld [smem:$0x3FA8]  }
0x2c: {  	s7 =	sld [smem:$0x3FA9]  }
0x2d: {  	s3 =	simm.s32 $0x108;
	s8 =	sld [smem:$0x3FAA]  }
0x2e: {  	s3 =	simm.s32 @!p0 $0x1082;
	s9 =	sld [smem:$0x3FAB]  }
0x2f: {  	lr =	sadd.s32 s0, s3;
	s0 =	sld [smem:$0x3FA2]  }
0x30: {  	s3 =	sld [smem:$0x3FA5]  }
0x31: {  	[smem:$0x3FAE] =	sst s10  }
0x32: {  	s10 =	sld [smem:$0x3FAC];
	_ =	sdelay $0x3  }
0x33: {  	p0 =	seq.s32 s10, $0x1;
	s10 =	sld [smem:$0x3FAE];
	_ =	sdelay $0x3  }
0x34: {  	[smem:$0x3FAE] =	sst s10  }
0x35: {  	s10 =	sld [smem:$0x3FAD];
	_ =	sdelay $0x3  }
0x36: {  	p1 =	seq.s32 s10, $0x1;
	s10 =	sld [smem:$0x3FAE];
	_ =	sdelay $0x3  }
0x37: {  	[smem:$0x3FAE] =	sst s10  }
0x38: {  	s10 =	sld [smem:$0x3FAF]  }
0x39: {  	_ = 	snop;
	(pc) =	sbr.ind lr, $3  }
0x3a: {  	_ = 	snop  }
0x3b: {  	_ = 	snop  }
0x3c: {  	p2 =	seq.s32 s10, $0x1;
	s10 =	sld [smem:$0x3FAE]  }
0x3d: {  	_ =	shalt  }
0x3e: {  	_ =	shalt  }
0x3f: {  	_ =	shalt  }
0x40: {  	_ =	shalt  }
0x41: {  	_ =	shalt  }
0x42: {  	_ =	shalt  }
0x43: {  	_ =	shalt  }
0x44: {  	_ =	shalt  }
0x45: {  	_ =	shalt  }
0x46: {  	_ =	shalt  }
0x47: {  	_ =	shalt  }
0x48: {  	_ =	shalt  }
0x49: {  	_ =	shalt  }
0x4a: {  	_ =	shalt  }
0x4b: {  	_ =	shalt  }
0x4c: {  	_ =	shalt  }
0x4d: {  	_ =	shalt  }
0x4e: {  	_ =	shalt  }
0x4f: {  	_ =	shalt  }
0x50: {  	_ =	shalt  }
0x51: {  	_ =	shalt  }
0x52: {  	_ =	shalt  }
0x53: {  	_ =	shalt  }
0x54: {  	_ =	shalt  }
0x55: {  	_ =	shalt  }
0x56: {  	_ =	shalt  }
0x57: {  	_ =	shalt  }
0x58: {  	_ =	shalt  }
0x59: {  	_ =	shalt  }
0x5a: {  	_ =	shalt  }
0x5b: {  	_ =	shalt  }
0x5c: {  	_ =	shalt  }
0x5d: {  	_ =	shalt  }
0x5e: {  	_ =	shalt  }
0x5f: {  	_ =	shalt  }
0x60: {  	_ =	shalt  }
0x61: {  	_ =	shalt  }
0x62: {  	_ =	shalt  }
0x63: {  	_ =	shalt  }
0x64: {  	_ =	shalt  }
0x65: {  	_ =	shalt  }
0x66: {  	_ =	shalt  }
0x67: {  	_ =	shalt  }
0x68: {  	_ =	shalt  }
0x69: {  	_ =	shalt  }
0x6a: {  	_ =	shalt  }
0x6b: {  	_ =	shalt  }
0x6c: {  	_ =	shalt  }
0x6d: {  	_ =	shalt  }
0x6e: {  	_ =	shalt  }
0x6f: {  	_ =	shalt  }
0x70: {  	_ =	shalt  }
0x71: {  	_ =	shalt  }
0x72: {  	_ =	shalt  }
0x73: {  	_ =	shalt  }
0x74: {  	_ =	shalt  }
0x75: {  	_ =	shalt  }
0x76: {  	_ =	shalt  }
0x77: {  	_ =	shalt  }
0x78: {  	_ =	shalt  }
0x79: {  	_ =	shalt  }
0x7a: {  	_ =	shalt  }
0x7b: {  	_ =	shalt  }
0x7c: {  	_ =	shalt  }
0x7d: {  	_ =	shalt  }
0x7e: {  	_ =	shalt  }
0x7f: {  	_ =	shalt  }
0x80: {  	_ =	shalt  }
0x81: {  	_ =	shalt  }
0x82: {  	_ =	shalt  }
0x83: {  	_ =	shalt  }
0x84: {  	_ =	shalt  }
0x85: {  	_ =	shalt  }
0x86: {  	_ =	shalt  }
0x87: {  	_ =	shalt  }
.Lfunc_end0:
.L_simem_size_0:
called_computation_lowered:
.L_overlay_start_0:
0x88: {  	s2 =	sld [smem:$0x3FD9]  }
0x89: {  	s3 =	sld [smem:$0x3FFE];
	_ =	sdelay $0x1  }
0x8a: {  	s1 =	srdreg.scid  }
0x8b: {  	s0 =	sand.u32 $0x1, s1  }
0x8c: {  	s16 =	sshll.u32 s0, $0xA;
	s2 =	sadd.s32 s3, s2  }
0x8d: {  	s2 =	sadd.s32 s2, s16  }
0x8e: {  	[smem:$0x3FBA] =	sst s2  }
0x8f: {  	_ = 	snop  }
0x90: {  	(tm) =	ssettm $0x1  }
0x91: {  	s17 =	sld [smem:$0x3FFB];
	_ =	sdelay $0x3  }
0x92: {  	_ =	strace s17  }
0x93: {  	s2 =	sld [smem:$0x3FFC];
	_ =	sdelay $0x3  }
0x94: {  	_ =	strace s2  }
0x95: {  	s2 =	sld [smem:$0x3FFD];
	_ =	sdelay $0x3  }
0x96: {  	_ =	strace s2  }
0x97: {  	_ =	strace $0x8FFFFFFF  }
0x98: {  	s18 =	sld [smem:$0x3FDB];
	_ =	sdelay $0x1  }
0x99: {  	s19 =	simm.s32 $_scs_section_size  }
0x9a: {  	s4 =	simm.s32 $_size__tile_overlayer_lowered;
	s5 =	simm.s32 $_tile_overlayer_lowered  }
0x9b: {  	s22 =	simm.s32 $0x1BFF;
	s21 =	sshll.u32 s5, $0x1;
	s2 =	sadd.s32 s19, s18  }
0x9c: {  	s6 =	simm.s32 $0x0;
	s20 =	sshll.u32 s4, $0x1;
	s4 =	sadd.s32 s21, s2  }
0x9d: {  	[timem:s6], [sflag:s22] =	dma.local [hbm:s4], s20  }
0x9e: {  	_ =	swait.ge [sflag:s22], s20  }
0x9f: {  	s3 =	ssub.s32 $0x0, s20;
	[sflag:s22] =	ssyncset.done $0x0  }
0xa0: {  	[sflag:s22] =	ssyncadd.s32 s3;
	_ =	sdelay $0x1  }
0xa1: {  	s23 =	simm.s32 $0x1B8B  }
0xa2: {  	_ =	swait.ge [sflag:s23], $0x1  }
0xa3: {  	[sflag:s23] =	ssyncset.done $0x0  }
0xa4: {  	s25 =	simm.s32 $0x1B8E;
	s24 =	sld [smem:$0x3FFE];
	[sflag:s23] =	ssyncadd.s32 $0xFFFFFFFF  }
0xa5: {  	s26 =	simm.s32 $execute0_lowered;
	[smem:$0x3FD2] =	sst s25  }
0xa6: {  	s4 =	sshll.u32 s26, $0x1;
	_ =	strace $0x80000046;
	[dreg:$0x1] =	wrdreg $0xFFFFFFFF  }
0xa7: {  	s28 =	simm.s32 $_size_execute0_lowered;
	s2 =	sadd.s32 s2, s4;
	[dreg:$0x0] =	wrdreg $0x0  }
0xa8: {  	s4 =	sshll.u32 s28, $0x1;
	[dreg:$0x2] =	wrdreg s2  }
0xa9: {  	[dreg:$0x3] =	wrdreg s4  }
0xaa: {  	[dreg:$0x4] =	wrdreg $0xC0  }
0xab: {  	_ =	task [dreg:s6], $0x5FFFF  }
0xac: {  	[dreg:$0x1] =	wrdreg $0xFFFFFFFF  }
0xad: {  	[dreg:$0x0] =	wrdreg $0x60  }
0xae: {  	[dreg:$0x2] =	wrdreg s24  }
0xaf: {  	[dreg:$0x3] =	wrdreg $0x0  }
0xb0: {  	[dreg:$0x4] =	wrdreg $0x9  }
0xb1: {  	_ =	task.clear_ibuf [dreg:s6], $0x5FFFF;
	_ =	strace $0x90000046  }
0xb2: {  	s29 =	simm.s32 $0x9;
	_ =	strace $0x80000048  }
0xb3: {  	_ =	swait.ge [sflag:s29], $0x1  }
0xb4: {  	[sflag:s29] =	ssyncadd.s32 $0xFFFFFFFF  }
0xb5: {  	_ =	strace $0x90000048  }
0xb6: {  	_ =	sfence  }
0xb7: {  	s30 =	sld [smem:$0x0];
	_ =	sdelay $0x2  }
0xb8: {  	s31 =	sshll.u32 s1, $0xD;
	s1 =	sshrl.u32 s1, $0x2  }
0xb9: {  	s3 =	sand.u32 $0x4000, s31;
	s1 =	sadd.s32 s1, s30  }
0xba: {  	s0 =	sor.u32 s3, s0;
	s1 =	sshll.u32 s1, $0x11  }
0xbb: {  	s0 =	sor.u32 s1, s0  }
0xbc: {  	s0 =	sadd.s32 $0x8F2B, s0  }
0xbd: {  	[sflag:s0] =	ssyncadd.remote.s32 $0x1  }
0xbe: {  	_ =	sfence.sel $0xFFFF  }
0xbf: {  	[dreg:$0x0] =	wrdreg $0xFFFFFFFF;
	(pc) =	sbr.abs _section_cstart, $3  }
0xc0: {  	[dreg:$0x1] =	wrdreg $0xFFFFFFFF  }
0xc1: {  	_ =	task.clear_ibuf [dreg:s6], $0x2FFFF;
	_ =	strace $0x9FFFFFFF  }
0xc2: {  	(tm) =	ssettm $0x7FFFFFFF  }
0xc3: {  	_ =	shalt  }
tec
execute0_lowered:
.L_overlay_start_1:
0x0: {  	(tag) =	ssettag $0x1  }
0x1: {  	s8 =	rddreg [dreg:$0x0]  }
0x2: {  	s1 =	rddreg [dreg:$0x1];
	s2 =	srdreg.scid  }
0x3: {  	s0 =	rddreg [dreg:$0x2];
	s7 =	sand.u32 $0x1, s2  }
0x4: {  	s3 =	simm.s32 $0x0;
	s2 =	stileid.u32;
	s4 =	smul.u32 $0x2800, s7  }
0x5: {  	s13 =	simm.s32 $0x14200;
	[smem:$0x7FF] =	sst s3;
	s5 =	smul.u32 $0x2720, s2  }
0x6: {  	_ =	strace $0x80000047;
	s6 =	ssub.s32 $0x2, s7;
	s31 =	smul.u32 $0x2710, s2  }
0x7: {  	s30 =	sshll.u32 s2, $0x6;
	p0 =	seq.s32 s7, $0x1;
	s14 =	smul.u32 $0x280, s2  }
0x8: {  	s11 =	sshrl.u32 s6, $0x1;
	s13 =	simm.s32 @!p0 $0x19200;
	s9 =	sadd.s32 s4, s8  }
0x9: {  	s29 =	sshrl.u32 s5, $0x3;
	s4 =	sadd.s32 $0xF000, s8;
	s11 =	ssub.s32 s6, s11  }
0xa: {  	s12 =	sadd.s32 s5, s1;
	s6 =	sor.u32 $0x1C01, s30;
	s15 =	sshrl.u32 s31, $0x3  }
0xb: {  	s16 =	sadd.s32 s31, s1;
	s10 =	sadd.s32 s29, s8;
	s7 =	smax.u32 s11, $0x1  }
0xc: {  	s8 =	sadd.s32 s13, s8;
	s9 =	sadd.s32 s14, s9;
	s11 =	simm.s32 $0x1  }
0xd: {  	s13 =	simm.s32 $0x2720;
	s14 =	simm.s32 $0x80;
	s5 =	sadd.s32 $0xF200, s10  }
0xe: {  	s8 =	sadd.s32 s8, s15;
	s9 =	sadd.s32 $0x5000, s9;
	s10 =	sshrl.u32 s12, $0x3  }
0xf: {  	s12 =	simm.s32 $0x27A0;
	s15 =	sshrl.u32 s16, $0x3;
	s16 =	simm.s32 $0x0  }
.LBB2_1:
0x10: {  	[spmem:s10], [sflag:s6] =	dma.local [hbm:s5], $0x4E4  }
0x11: {  	_ =	swait.ge [sflag:s11], $0x4E4  }
0x12: {  	[sflag:s11] =	ssyncset.done $0x0  }
0x13: {  	[sflag:s11] =	ssyncadd.s32 $0xFFFFFB1C  }
0x14: {  	[tilespmem:s12], [sflag:$0x1] =	stream.linear.gather [hbm4b:s4+s3], $0x800, $0x38;
	[tilespmem:$0x2FA0] =	vst v63  }
0x15: {  	_ =	swait.ge [sflag:s11], $0x800  }
0x16: {  	[sflag:s11] =	ssyncset.done $0x0  }
0x17: {  	[sflag:s11] =	ssyncadd.s32 $0xFFFFF800  }
0x18: {  	s17 =	sadd.s32 $0x0, s9;
	[bflag:$0x0] =	sbarrier.arrive $0xFFFF  }
0x19: {  	[tilespmem:s13], [sflag:$0x1] =	stream.linear.gather [hbm4b:s17+s3], $0x80, $0x38;
	[tilespmem:$0x2FA0] =	vst v63  }
0x1a: {  	_ =	swait.ge [sflag:s11], $0x80  }
0x1b: {  	[sflag:s11] =	ssyncset.done $0x0  }
0x1c: {  	[sflag:s11] =	ssyncadd.s32 $0xFFFFFF80  }
0x1d: {  	[spmem:s1] =	stream.indirect.scatter.add.f32 [tilespmem:s12], [sflag:$0x1], $0x10, s13, s14, $0xb8;
	[tilespmem:$0x2FA0] =	vst v63  }
0x1e: {  	_ =	swait.ge [sflag:s11], $0x800  }
0x1f: {  	s18 =	simm.s32 $0x20;
	s17 =	simm.s32 $0x10;
	[sflag:s11] =	ssyncset.done $0x0  }
.LBB2_2:
0x20: {  	s19 =	sadd.s32 s17, s9  }
0x21: {  	[sflag:s11] =	ssyncadd.s32 $0xFFFFF800;
	s17 =	smov.u32 s18;
	s20 =	sadd.s32 $0x10, s18  }
0x22: {  	[tilespmem:s13], [sflag:$0x1] =	stream.linear.gather [hbm4b:s19+s3], $0x80, $0x38;
	[tilespmem:$0x2FA0] =	vst v63  }
0x23: {  	p0 =	sne.s32 s18, $0x270;
	_ =	swait.ge [sflag:s11], $0x80  }
.Ltmp0:
0x24: {  	[sflag:s11] =	ssyncset.done $0x0;
	(pc) =	sbr.rel @p0 .LBB2_2-.Ltmp0, $4  }
0x25: {  	[sflag:s11] =	ssyncadd.s32 $0xFFFFFF80  }
0x26: {  	[spmem:s1] =	stream.indirect.scatter.add.f32 [tilespmem:s12], [sflag:$0x1], $0x10, s13, s14, $0xb8;
	[tilespmem:$0x2FA0] =	vst v63  }
0x27: {  	_ =	swait.ge [sflag:s11], $0x800  }
0x28: {  	s18 =	smov.u32 s20;
	[sflag:s11] =	ssyncset.done $0x0  }
0x29: {  	s17 =	sadd.s32 s17, s9;
	[sflag:s11] =	ssyncadd.s32 $0xFFFFF800  }
0x2a: {  	[tilespmem:s13], [sflag:$0x1] =	stream.linear.gather [hbm4b:s17+s3], $0x80, $0x38;
	[tilespmem:$0x2FA0] =	vst v63  }
0x2b: {  	_ =	swait.ge [sflag:s11], $0x80  }
0x2c: {  	[sflag:s11] =	ssyncset.done $0x0  }
0x2d: {  	[sflag:s11] =	ssyncadd.s32 $0xFFFFFF80  }
0x2e: {  	[spmem:s1] =	stream.indirect.scatter.add.f32 [tilespmem:s12], [sflag:$0x1], $0x10, s13, s14, $0xb8;
	[tilespmem:$0x2FA0] =	vst v63  }
0x2f: {  	_ =	swait.ge [sflag:s11], $0x800  }
0x30: {  	s16 =	sadd.s32 $0x1, s16;
	[sflag:s11] =	ssyncset.done $0x0  }
0x31: {  	p0 =	sne.s32 s16, s7;
	[sflag:s11] =	ssyncadd.s32 $0xFFFFF800  }
.Ltmp1:
0x32: {  	[bflag:$0x0] =	sbarrier.arrive $0xFFFF;
	(pc) =	sbr.rel @p0 .LBB2_1-.Ltmp1, $4  }
0x33: {  	[hbm:s8], [sflag:s6] =	dma.local [spmem:s15], $0x4E2  }
0x34: {  	_ =	swait.ge [sflag:s11], $0x4E2  }
0x35: {  	[sflag:s11] =	ssyncset.done $0x0  }
0x36: {  	[sflag:s11] =	ssyncadd.s32 $0xFFFFFB1E  }
0x37: {  	_ =	sfence.sel $0x180000  }
0x38: {  	[bflag:$0x0] =	sbarrier.arrive $0xFFFF  }
0x39: {  	p0 =	sne.s32 s2, $0x0;
	_ =	strace $0x90000047  }
0x3a: {  	s0 =	sadd.s32 @!p0 $0x100000, s0;
	[bflag:$0x2] =	sbarrier.arrive $0xFFFF  }
0x3b: {  	[sflag:s0] =	ssyncadd.tile.s32 @!p0 $0x1;
	_ =	shalt  }
.Lfunc_end2:
_tile_overlayer_lowered:
.L_overlay_start_2:
0x3c: {  	(tag) =	ssettag $0x2  }
0x3d: {  	s0 =	rddreg [dreg:$0x0];
	s2 =	stileid.u32  }
0x3e: {  	s1 =	rddreg [dreg:$0x1];
	p0 =	sne.s32 s2, $0x0  }
0x3f: {  	s3 =	rddreg [dreg:$0x2];
	[bflag:$0x3] =	sbarrier.arrive $0xFFFF;
	s2 =	simm.s32 @!p0 $0x1C01  }
0x40: {  	[timem:s3], [sflag:s2] =	dma.local @!p0 [hbm:s0], s1  }
0x41: {  	s0 =	simm.s32 @!p0 $0x1  }
0x42: {  	_ =	swait.ge @!p0 [sflag:s0], s1  }
0x43: {  	s1 =	ssub.s32 @!p0 $0x0, s1;
	[sflag:s0] =	ssyncset.done @!p0 $0x0  }
0x44: {  	[sflag:s0] =	ssyncadd.s32 @!p0 s1  }
0x45: {  	[bflag:$0x3] =	sbarrier.arrive $0xFFFF  }
0x46: {  	_ =	shalt  }

// kernel: kernel.14.cloned.1.call-start
scs
__scs_entry_jumppad:
0x0: {  	(pc) =	sbr.rel $0x88, $3  }
0x1: {  	(tag) =	ssettag $0x0;
	lr =	simm.s32 $0x1  }
0x2: {  	[smem:$0x3F93] =	sst lr;
	_ =	strace $0xD0000000  }
0x3: {  	_ = 	snop  }
0x4: {  	_ = 	snop  }
0x5: {  	_ = 	snop  }
0x6: {  	_ = 	snop  }
0x7: {  	_ = 	snop  }
__scs_overlays_trampoline_lowered:
0x8: {  	[smem:$0x3FA2] =	sst s0  }
0x9: {  	[smem:$0x3FA3] =	sst s1  }
0xa: {  	[smem:$0x3FA4] =	sst s2  }
0xb: {  	[smem:$0x3FA5] =	sst s3  }
0xc: {  	[smem:$0x3FA6] =	sst s4  }
0xd: {  	[smem:$0x3FA7] =	sst s5  }
0xe: {  	[smem:$0x3FA8] =	sst s6  }
0xf: {  	[smem:$0x3FA9] =	sst s7  }
0x10: {  	[smem:$0x3FAA] =	sst s8  }
0x11: {  	[smem:$0x3FAB] =	sst s9;
	s0 =	simm.s32 @!p0 $0x0  }
0x12: {  	s1 =	sld [smem:$0x3F91];
	s0 =	simm.s32 @p0 $0x1  }
0x13: {  	[smem:$0x3FAC] =	sst s0;
	s0 =	simm.s32 @!p1 $0x0  }
0x14: {  	s2 =	sld [smem:$0x3F90];
	s0 =	simm.s32 @p1 $0x1  }
0x15: {  	[smem:$0x3FAD] =	sst s0;
	s0 =	simm.s32 @!p2 $0x0  }
0x16: {  	s3 =	sld [smem:$0x3FDB];
	s0 =	simm.s32 @p2 $0x1  }
0x17: {  	s4 =	simm.s32 $0x1BF5;
	[smem:$0x3FAF] =	sst s0  }
0x18: {  	s0 =	sld [smem:$0x3F92];
	_ =	swait.ge [sflag:s4], $0x0  }
0x19: {  	s7 =	sld [smem:$0x3F93]  }
0x1a: {  	s8 =	sadd.s32 $0xFFFFE003, lr  }
0x1b: {  	s9 =	sadd.s32 $0xFFFFFEF7, lr;
	s5 =	simm.s32 $0xFFFFFFFF;
	p2 =	slt.u32 s8, $0xFFFFF086  }
0x1c: {  	p1 =	slt.u32 s9, $0xF7A;
	s5 =	simm.s32 @!p2 $0x0  }
0x1d: {  	s5 =	simm.s32 @p1 $0x1;
	p0 =	seq.s32 s7, s2  }
0x1e: {  	s7 =	smul.u32 @!p0 $0xF7A, s2;
	p2 =	seq.s32 @!p0 s5, $0x0  }
0x1f: {  	s9 =	smul.u32 $0xF7A, s1;
	s8 =	simm.s32 @!p0 $0x1BF5;
	p2 =	por !p2, p0  }
0x20: {  	[sflag:s8] =	ssyncset.s32 @!p0 $0xFFFFF086;
	s6 =	sadd.s32 @!p0 s3, s7;
	s7 =	simm.s32 @!p0 $0x108  }
0x21: {  	s3 =	sadd.s32 s3, s9;
	s6 =	sadd.s32 @!p0 $0x88, s6;
	s7 =	simm.s32 @p2 $0x1082  }
0x22: {  	[simem:s7], [sflag:s8] =	dma.local @!p0 [hbm:s6], $0xF7A  }
0x23: {  	s9 =	sor.u32 $0xD0000000, s2;
	s6 =	simm.s32 $0x108;
	_ =	swait.ge @!p0 [sflag:s8], $0x0  }
0x24: {  	s3 =	sadd.s32 $0x88, s3;
	s6 =	simm.s32 @!p1 $0x1082;
	[sflag:s4] =	ssyncset.s32 $0xFFFFF086  }
0x25: {  	[simem:s6], [sflag:s4] =	dma.local [hbm:s3], $0xF7A  }
0x26: {  	[smem:$0x3F93] =	sst s1;
	(tag) =	ssettag s2;
	_ =	strace s9  }
0x27: {  	s1 =	sld [smem:$0x3FA3]  }
0x28: {  	s2 =	sld [smem:$0x3FA4]  }
0x29: {  	s4 =	sld [smem:$0x3FA6]  }
0x2a: {  	p0 =	seq.s32 s5, $0x0;
	s5 =	sld [smem:$0x3FA7]  }
0x2b: {  	s6 =	sld [smem:$0x3FA8]  }
0x2c: {  	s7 =	sld [smem:$0x3FA9]  }
0x2d: {  	s3 =	simm.s32 $0x108;
	s8 =	sld [smem:$0x3FAA]  }
0x2e: {  	s3 =	simm.s32 @!p0 $0x1082;
	s9 =	sld [smem:$0x3FAB]  }
0x2f: {  	lr =	sadd.s32 s0, s3;
	s0 =	sld [smem:$0x3FA2]  }
0x30: {  	s3 =	sld [smem:$0x3FA5]  }
0x31: {  	[smem:$0x3FAE] =	sst s10  }
0x32: {  	s10 =	sld [smem:$0x3FAC];
	_ =	sdelay $0x3  }
0x33: {  	p0 =	seq.s32 s10, $0x1;
	s10 =	sld [smem:$0x3FAE];
	_ =	sdelay $0x3  }
0x34: {  	[smem:$0x3FAE] =	sst s10  }
0x35: {  	s10 =	sld [smem:$0x3FAD];
	_ =	sdelay $0x3  }
0x36: {  	p1 =	seq.s32 s10, $0x1;
	s10 =	sld [smem:$0x3FAE];
	_ =	sdelay $0x3  }
0x37: {  	[smem:$0x3FAE] =	sst s10  }
0x38: {  	s10 =	sld [smem:$0x3FAF]  }
0x39: {  	_ = 	snop;
	(pc) =	sbr.ind lr, $3  }
0x3a: {  	_ = 	snop  }
0x3b: {  	_ = 	snop  }
0x3c: {  	p2 =	seq.s32 s10, $0x1;
	s10 =	sld [smem:$0x3FAE]  }
0x3d: {  	_ =	shalt  }
0x3e: {  	_ =	shalt  }
0x3f: {  	_ =	shalt  }
0x40: {  	_ =	shalt  }
0x41: {  	_ =	shalt  }
0x42: {  	_ =	shalt  }
0x43: {  	_ =	shalt  }
0x44: {  	_ =	shalt  }
0x45: {  	_ =	shalt  }
0x46: {  	_ =	shalt  }
0x47: {  	_ =	shalt  }
0x48: {  	_ =	shalt  }
0x49: {  	_ =	shalt  }
0x4a: {  	_ =	shalt  }
0x4b: {  	_ =	shalt  }
0x4c: {  	_ =	shalt  }
0x4d: {  	_ =	shalt  }
0x4e: {  	_ =	shalt  }
0x4f: {  	_ =	shalt  }
0x50: {  	_ =	shalt  }
0x51: {  	_ =	shalt  }
0x52: {  	_ =	shalt  }
0x53: {  	_ =	shalt  }
0x54: {  	_ =	shalt  }
0x55: {  	_ =	shalt  }
0x56: {  	_ =	shalt  }
0x57: {  	_ =	shalt  }
0x58: {  	_ =	shalt  }
0x59: {  	_ =	shalt  }
0x5a: {  	_ =	shalt  }
0x5b: {  	_ =	shalt  }
0x5c: {  	_ =	shalt  }
0x5d: {  	_ =	shalt  }
0x5e: {  	_ =	shalt  }
0x5f: {  	_ =	shalt  }
0x60: {  	_ =	shalt  }
0x61: {  	_ =	shalt  }
0x62: {  	_ =	shalt  }
0x63: {  	_ =	shalt  }
0x64: {  	_ =	shalt  }
0x65: {  	_ =	shalt  }
0x66: {  	_ =	shalt  }
0x67: {  	_ =	shalt  }
0x68: {  	_ =	shalt  }
0x69: {  	_ =	shalt  }
0x6a: {  	_ =	shalt  }
0x6b: {  	_ =	shalt  }
0x6c: {  	_ =	shalt  }
0x6d: {  	_ =	shalt  }
0x6e: {  	_ =	shalt  }
0x6f: {  	_ =	shalt  }
0x70: {  	_ =	shalt  }
0x71: {  	_ =	shalt  }
0x72: {  	_ =	shalt  }
0x73: {  	_ =	shalt  }
0x74: {  	_ =	shalt  }
0x75: {  	_ =	shalt  }
0x76: {  	_ =	shalt  }
0x77: {  	_ =	shalt  }
0x78: {  	_ =	shalt  }
0x79: {  	_ =	shalt  }
0x7a: {  	_ =	shalt  }
0x7b: {  	_ =	shalt  }
0x7c: {  	_ =	shalt  }
0x7d: {  	_ =	shalt  }
0x7e: {  	_ =	shalt  }
0x7f: {  	_ =	shalt  }
0x80: {  	_ =	shalt  }
0x81: {  	_ =	shalt  }
0x82: {  	_ =	shalt  }
0x83: {  	_ =	shalt  }
0x84: {  	_ =	shalt  }
0x85: {  	_ =	shalt  }
0x86: {  	_ =	shalt  }
0x87: {  	_ =	shalt  }
.Lfunc_end0:
.L_simem_size_0:
called_computation.1_lowered:
.L_overlay_start_0:
0x88: {  	s2 =	sld [smem:$0x3FD9]  }
0x89: {  	s3 =	sld [smem:$0x3FFE];
	_ =	sdelay $0x1  }
0x8a: {  	s1 =	srdreg.scid  }
0x8b: {  	s0 =	sand.u32 $0x1, s1  }
0x8c: {  	s16 =	sshll.u32 s0, $0xA;
	s2 =	sadd.s32 s3, s2  }
0x8d: {  	s2 =	sadd.s32 s2, s16  }
0x8e: {  	[smem:$0x3FBA] =	sst s2  }
0x8f: {  	_ = 	snop  }
0x90: {  	(tm) =	ssettm $0x1  }
0x91: {  	s17 =	sld [smem:$0x3FFB];
	_ =	sdelay $0x3  }
0x92: {  	_ =	strace s17  }
0x93: {  	s2 =	sld [smem:$0x3FFC];
	_ =	sdelay $0x3  }
0x94: {  	_ =	strace s2  }
0x95: {  	s2 =	sld [smem:$0x3FFD];
	_ =	sdelay $0x3  }
0x96: {  	_ =	strace s2  }
0x97: {  	_ =	strace $0x8FFFFFFF  }
0x98: {  	s18 =	sld [smem:$0x3FDB];
	_ =	sdelay $0x1  }
0x99: {  	s19 =	simm.s32 $_scs_section_size  }
0x9a: {  	s4 =	simm.s32 $_size__tile_overlayer_lowered;
	s5 =	simm.s32 $_tile_overlayer_lowered  }
0x9b: {  	s22 =	simm.s32 $0x1BFF;
	s21 =	sshll.u32 s5, $0x1;
	s2 =	sadd.s32 s19, s18  }
0x9c: {  	s6 =	simm.s32 $0x0;
	s20 =	sshll.u32 s4, $0x1;
	s4 =	sadd.s32 s21, s2  }
0x9d: {  	[timem:s6], [sflag:s22] =	dma.local [hbm:s4], s20  }
0x9e: {  	_ =	swait.ge [sflag:s22], s20  }
0x9f: {  	s3 =	ssub.s32 $0x0, s20;
	[sflag:s22] =	ssyncset.done $0x0  }
0xa0: {  	[sflag:s22] =	ssyncadd.s32 s3;
	_ =	sdelay $0x1  }
0xa1: {  	s23 =	simm.s32 $0x1B8B  }
0xa2: {  	_ =	swait.ge [sflag:s23], $0x1  }
0xa3: {  	[sflag:s23] =	ssyncset.done $0x0  }
0xa4: {  	s25 =	simm.s32 $0x1B8E;
	s24 =	sld [smem:$0x3FFE];
	[sflag:s23] =	ssyncadd.s32 $0xFFFFFFFF  }
0xa5: {  	s26 =	simm.s32 $execute0_lowered;
	[smem:$0x3FD2] =	sst s25  }
0xa6: {  	s4 =	sshll.u32 s26, $0x1;
	_ =	strace $0x80000049;
	[dreg:$0x1] =	wrdreg $0xFFFFFFFF  }
0xa7: {  	s28 =	simm.s32 $_size_execute0_lowered;
	s2 =	sadd.s32 s2, s4;
	[dreg:$0x0] =	wrdreg $0x0  }
0xa8: {  	s4 =	sshll.u32 s28, $0x1;
	[dreg:$0x2] =	wrdreg s2  }
0xa9: {  	[dreg:$0x3] =	wrdreg s4  }
0xaa: {  	[dreg:$0x4] =	wrdreg $0xC0  }
0xab: {  	_ =	task [dreg:s6], $0x5FFFF  }
0xac: {  	[dreg:$0x1] =	wrdreg $0xFFFFFFFF  }
0xad: {  	[dreg:$0x0] =	wrdreg $0x60  }
0xae: {  	[dreg:$0x2] =	wrdreg s24  }
0xaf: {  	[dreg:$0x3] =	wrdreg $0x0  }
0xb0: {  	[dreg:$0x4] =	wrdreg $0x9  }
0xb1: {  	_ =	task.clear_ibuf [dreg:s6], $0x5FFFF;
	_ =	strace $0x90000049  }
0xb2: {  	s29 =	simm.s32 $0x9;
	_ =	strace $0x8000004B  }
0xb3: {  	_ =	swait.ge [sflag:s29], $0x1  }
0xb4: {  	[sflag:s29] =	ssyncadd.s32 $0xFFFFFFFF  }
0xb5: {  	_ =	strace $0x9000004B  }
0xb6: {  	_ =	sfence  }
0xb7: {  	s30 =	sld [smem:$0x0];
	_ =	sdelay $0x2  }
0xb8: {  	s31 =	sshll.u32 s1, $0xD;
	s1 =	sshrl.u32 s1, $0x2  }
0xb9: {  	s3 =	sand.u32 $0x4000, s31;
	s1 =	sadd.s32 s1, s30  }
0xba: {  	s0 =	sor.u32 s3, s0;
	s1 =	sshll.u32 s1, $0x11  }
0xbb: {  	s0 =	sor.u32 s1, s0  }
0xbc: {  	s0 =	sadd.s32 $0x8F2B, s0  }
0xbd: {  	[sflag:s0] =	ssyncadd.remote.s32 $0x1  }
0xbe: {  	_ =	sfence.sel $0xFFFF  }
0xbf: {  	[dreg:$0x0] =	wrdreg $0xFFFFFFFF;
	(pc) =	sbr.abs _section_cstart, $3  }
0xc0: {  	[dreg:$0x1] =	wrdreg $0xFFFFFFFF  }
0xc1: {  	_ =	task.clear_ibuf [dreg:s6], $0x2FFFF;
	_ =	strace $0x9FFFFFFF  }
0xc2: {  	(tm) =	ssettm $0x7FFFFFFF  }
0xc3: {  	_ =	shalt  }
tec
execute0_lowered:
.L_overlay_start_1:
0x0: {  	(tag) =	ssettag $0x1  }
0x1: {  	s0 =	rddreg [dreg:$0x0]  }
0x2: {  	s2 =	rddreg [dreg:$0x1];
	s1 =	simm.s32 $0x0;
	s3 =	stileid.u32  }
0x3: {  	s7 =	srdreg.scid;
	s15 =	simm.s32 $0x9;
	s16 =	simm.s32 $0x9C80  }
0x4: {  	s17 =	simm.s32 $0xC480;
	s18 =	simm.s32 $0x100;
	s19 =	simm.s32 $0xEC80  }
0x5: {  	s21 =	simm.s32 $0x12C80;
	s28 =	simm.s32 $0x1AC80;
	s29 =	simm.s32 $0x2  }
0x6: {  	s31 =	simm.s32 $0x5;
	s30 =	simm.s32 $0x7;
	s22 =	smul.u32 $0x500, s3  }
0x7: {  	[smem:$0x7FF] =	sst s1;
	s6 =	smul.u32 $0x13900, s3;
	s4 =	sadd.s32 $0x36C00, s0  }
0x8: {  	s5 =	sadd.s32 $0x4A600, s0;
	s7 =	sand.u32 $0x1, s7;
	s10 =	sadd.s32 $0x5E000, s0  }
0x9: {  	s25 =	sshll.u32 s3, $0x6;
	s12 =	smul.u32 $0x13880, s3;
	_ =	strace $0x8000004A  }
0xa: {  	s9 =	ssub.s32 $0x2, s7;
	[dreg:$0x3] =	wrdreg s10;
	p0 =	seq.s32 s7, $0x1  }
0xb: {  	s7 =	simm.s32 $0x6;
	s1 =	sadd.s32 s22, s0;
	s8 =	sshrl.u32 s6, $0x4  }
0xc: {  	s23 =	sshrl.u32 s9, $0x1;
	s6 =	sshrl.u32 s6, $0x1;
	s26 =	sshrl.u32 s12, $0x1  }
0xd: {  	s12 =	sshrl.u32 s12, $0x4;
	s22 =	simm.s32 $0x4;
	s8 =	sadd.s32 s8, s0  }
0xe: {  	s0 =	sadd.s32 $0x71A00, s0;
	s24 =	ssub.s32 s9, s23;
	s6 =	sadd.s32 s6, s2  }
.Ltmp0:
0xf: {  	s9 =	sor.u32 $0x1C09, s25;
	s10 =	sadd.s32 $0xA000, s1;
	(pc) =	sbr.rel .LBB2_1-.Ltmp0, $4  }
0x10: {  	s11 =	sadd.s32 $0x31C00, s1;
	s1 =	sadd.s32 s26, s2;
	s23 =	simm.s32 $0x16C80  }
0x11: {  	[dreg:$0x4] =	wrdreg s0;
	s8 =	sadd.s32 $0x1E200, s8;
	s13 =	smax.u32 s24, $0x1  }
0x12: {  	s14 =	sshrl.u32 s6, $0x3;
	s24 =	simm.s32 $0x1;
	s25 =	sshrl.u32 s1, $0x3  }
0x13: {  	s1 =	simm.s32 $0x3;
	s0 =	simm.s32 $0x8;
	s6 =	simm.s32 $0x0  }
.LBB2_7:
0x14: {  	[spmem:s2] =	stream.indirect.scatter.add.bf16 [tilespmem:s28], [sflag:$0x8], $0x40, s26, s18, $0xb8;
	[tilespmem:$0x1EC80] =	vst v63  }
0x15: {  	_ =	swait.ge [sflag:s30], $0x4000  }
0x16: {  	[sflag:s30] =	ssyncset.done $0x0  }
0x17: {  	s3 =	simm.s32 $0xC280;
	[sflag:s30] =	ssyncadd.s32 $0xFFFFC000  }
0x18: {  	[tilespmem:s23], [sflag:$0x3] =	stream.indirect.gather [hbm4b:s5+s18], $0x40, s3, s18, $0xb8;
	[tilespmem:$0x1EC80] =	vst v63  }
0x19: {  	_ =	swait.ge [sflag:s24], $0x4000  }
0x1a: {  	[sflag:s24] =	ssyncset.done $0x0  }
0x1b: {  	s26 =	simm.s32 $0xE880;
	[sflag:s24] =	ssyncadd.s32 $0xFFFFC000  }
0x1c: {  	[spmem:s2] =	stream.indirect.scatter.add.bf16 [tilespmem:s19], [sflag:$0x5], $0x40, s26, s18, $0xb8;
	[tilespmem:$0x1EC80] =	vst v63  }
0x1d: {  	_ =	swait.ge [sflag:s0], $0x4000  }
0x1e: {  	[sflag:s0] =	ssyncset.done $0x0  }
0x1f: {  	s20 =	simm.s32 $0xC380;
	[sflag:s0] =	ssyncadd.s32 $0xFFFFC000  }
0x20: {  	[tilespmem:s28], [sflag:$0x4] =	stream.indirect.gather [hbm4b:s5+s18], $0x40, s20, s18, $0xb8;
	[tilespmem:$0x1EC80] =	vst v63  }
0x21: {  	_ =	swait.ge [sflag:s29], $0x4000  }
0x22: {  	[sflag:s29] =	ssyncset.done $0x0  }
0x23: {  	s26 =	simm.s32 $0xE980;
	[sflag:s29] =	ssyncadd.s32 $0xFFFFC000  }
0x24: {  	[spmem:s2] =	stream.indirect.scatter.add.bf16 [tilespmem:s21], [sflag:$0x6], $0x40, s26, s18, $0xb8;
	[tilespmem:$0x1EC80] =	vst v63  }
0x25: {  	_ =	swait.ge [sflag:s1], $0x4000  }
0x26: {  	[sflag:s1] =	ssyncset.done $0x0  }
0x27: {  	s20 =	simm.s32 $0xEA80;
	[sflag:s1] =	ssyncadd.s32 $0xFFFFC000  }
0x28: {  	[spmem:s2] =	stream.indirect.scatter.add.bf16 [tilespmem:s23], [sflag:$0x7], $0x40, s20, s18, $0xb8;
	[tilespmem:$0x1EC80] =	vst v63  }
0x29: {  	_ =	swait.ge [sflag:s22], $0x4000  }
0x2a: {  	[sflag:s22] =	ssyncset.done $0x0  }
0x2b: {  	s26 =	simm.s32 $0xEB80;
	s20 =	rddreg [dreg:$0x4];
	[sflag:s22] =	ssyncadd.s32 $0xFFFFC000  }
0x2c: {  	[spmem:s2] =	stream.indirect.scatter.add.bf16 [tilespmem:s28], [sflag:$0x8], $0x40, s26, s18, $0xb8;
	[tilespmem:$0x1EC80] =	vst v63  }
.LBB2_8:
0x2d: {  	_ =	swait.ge [sflag:s31], $0x4000  }
0x2e: {  	[sflag:s31] =	ssyncset.done $0x0  }
0x2f: {  	[sflag:s31] =	ssyncadd.s32 $0xFFFFC000  }
0x30: {  	_ =	swait.ge [sflag:s7], $0x4000  }
0x31: {  	[sflag:s7] =	ssyncset.done $0x0  }
0x32: {  	[sflag:s7] =	ssyncadd.s32 $0xFFFFC000  }
0x33: {  	_ =	swait.ge [sflag:s30], $0x4000  }
0x34: {  	[sflag:s30] =	ssyncset.done $0x0  }
0x35: {  	[sflag:s30] =	ssyncadd.s32 $0xFFFFC000  }
0x36: {  	_ =	swait.ge [sflag:s0], $0x4000  }
0x37: {  	s6 =	sadd.s32 $0x1, s6;
	[sflag:s0] =	ssyncset.done $0x0  }
0x38: {  	p1 =	sne.s32 s6, s13;
	[sflag:s0] =	ssyncadd.s32 $0xFFFFC000  }
.Ltmp1:
0x39: {  	s3 =	sadd.s32 s20, s12;
	[bflag:$0x0] =	sbarrier.arrive $0xFFFF;
	(pc) =	sbr.rel @!p1 .LBB2_9-.Ltmp1, $4  }
0x3a: {  	[hbm:s3], [sflag:s9] =	dma.local [spmem:s25], $0x1388  }
0x3b: {  	_ =	swait.ge [sflag:s15], $0x1388  }
0x3c: {  	[sflag:s15] =	ssyncset.done $0x0  }
0x3d: {  	[sflag:s15] =	ssyncadd.s32 $0xFFFFEC78  }
.LBB2_1:
0x3e: {  	[spmem:s14], [sflag:s9] =	dma.local [hbm:s8], $0x1390  }
0x3f: {  	_ =	swait.ge [sflag:s15], $0x1390  }
0x40: {  	[sflag:s15] =	ssyncset.done $0x0  }
0x41: {  	s3 =	simm.s32 $0x0;
	[sflag:s15] =	ssyncadd.s32 $0xFFFFEC70  }
0x42: {  	[tilespmem:s16], [sflag:$0x9] =	stream.linear.gather [hbm4b:s10+s3], $0x2800, $0x38;
	[tilespmem:$0x1EC80] =	vst v63  }
0x43: {  	_ =	swait.ge [sflag:s15], $0x2800  }
0x44: {  	[sflag:s15] =	ssyncset.done $0x0  }
0x45: {  	[sflag:s15] =	ssyncadd.s32 $0xFFFFD800  }
0x46: {  	[tilespmem:s17], [sflag:$0x9] =	stream.linear.gather [hbm4b:s11+s3], $0x2800, $0x38;
	[tilespmem:$0x1EC80] =	vst v63  }
.Ltmp2:
0x47: {  	_ =	swait.ge [sflag:s15], $0x2800;
	(pc) =	sbr.rel @!p0 .LBB2_2-.Ltmp2, $3  }
0x48: {  	[sflag:s15] =	ssyncset.done $0x0  }
0x49: {  	[sflag:s15] =	ssyncadd.s32 $0xFFFFD800  }
0x4a: {  	[bflag:$0x0] =	sbarrier.arrive $0xFFFF;
	_ =	sdelay $0x1  }
0x4b: {  	[tilespmem:s19], [sflag:$0x1] =	stream.indirect.gather [hbm4b:s5+s18], $0x40, s16, s18, $0xb8;
	[tilespmem:$0x1EC80] =	vst v63  }
0x4c: {  	s3 =	simm.s32 $0x9D80  }
0x4d: {  	[tilespmem:s21], [sflag:$0x2] =	stream.indirect.gather [hbm4b:s5+s18], $0x40, s3, s18, $0xb8;
	[tilespmem:$0x1EC80] =	vst v63  }
0x4e: {  	s20 =	simm.s32 $0x9E80  }
0x4f: {  	[tilespmem:s23], [sflag:$0x3] =	stream.indirect.gather [hbm4b:s5+s18], $0x40, s20, s18, $0xb8;
	[tilespmem:$0x1EC80] =	vst v63  }
0x50: {  	_ =	swait.ge [sflag:s24], $0x4000  }
0x51: {  	[sflag:s24] =	ssyncset.done $0x0  }
0x52: {  	[sflag:s24] =	ssyncadd.s32 $0xFFFFC000  }
0x53: {  	[spmem:s2] =	stream.indirect.scatter.add.bf16 [tilespmem:s19], [sflag:$0x5], $0x40, s17, s18, $0xb8;
	[tilespmem:$0x1EC80] =	vst v63  }
0x54: {  	s26 =	simm.s32 $0x9F80  }
0x55: {  	[tilespmem:s28], [sflag:$0x4] =	stream.indirect.gather [hbm4b:s5+s18], $0x40, s26, s18, $0xb8;
	[tilespmem:$0x1EC80] =	vst v63  }
0x56: {  	_ =	swait.ge [sflag:s29], $0x4000  }
0x57: {  	[sflag:s29] =	ssyncset.done $0x0  }
0x58: {  	s20 =	simm.s32 $0xC580;
	[sflag:s29] =	ssyncadd.s32 $0xFFFFC000  }
0x59: {  	[spmem:s2] =	stream.indirect.scatter.add.bf16 [tilespmem:s21], [sflag:$0x6], $0x40, s20, s18, $0xb8;
	[tilespmem:$0x1EC80] =	vst v63  }
0x5a: {  	_ =	swait.ge [sflag:s31], $0x4000  }
0x5b: {  	[sflag:s31] =	ssyncset.done $0x0  }
0x5c: {  	s26 =	simm.s32 $0xA080;
	[sflag:s31] =	ssyncadd.s32 $0xFFFFC000  }
0x5d: {  	[tilespmem:s19], [sflag:$0x1] =	stream.indirect.gather [hbm4b:s5+s18], $0x40, s26, s18, $0xb8;
	[tilespmem:$0x1EC80] =	vst v63  }
0x5e: {  	_ =	swait.ge [sflag:s1], $0x4000  }
0x5f: {  	[sflag:s1] =	ssyncset.done $0x0  }
0x60: {  	s20 =	simm.s32 $0xC680;
	[sflag:s1] =	ssyncadd.s32 $0xFFFFC000  }
0x61: {  	[spmem:s2] =	stream.indirect.scatter.add.bf16 [tilespmem:s23], [sflag:$0x7], $0x40, s20, s18, $0xb8;
	[tilespmem:$0x1EC80] =	vst v63  }
0x62: {  	_ =	swait.ge [sflag:s7], $0x4000  }
0x63: {  	[sflag:s7] =	ssyncset.done $0x0  }
0x64: {  	s26 =	simm.s32 $0xA180;
	[sflag:s7] =	ssyncadd.s32 $0xFFFFC000  }
0x65: {  	[tilespmem:s21], [sflag:$0x2] =	stream.indirect.gather [hbm4b:s5+s18], $0x40, s26, s18, $0xb8;
	[tilespmem:$0x1EC80] =	vst v63  }
0x66: {  	_ =	swait.ge [sflag:s22], $0x4000  }
0x67: {  	[sflag:s22] =	ssyncset.done $0x0  }
0x68: {  	s20 =	simm.s32 $0xC780;
	[sflag:s22] =	ssyncadd.s32 $0xFFFFC000  }
0x69: {  	[spmem:s2] =	stream.indirect.scatter.add.bf16 [tilespmem:s28], [sflag:$0x8], $0x40, s20, s18, $0xb8;
	[tilespmem:$0x1EC80] =	vst v63  }
0x6a: {  	_ =	swait.ge [sflag:s30], $0x4000  }
0x6b: {  	[sflag:s30] =	ssyncset.done $0x0  }
0x6c: {  	s26 =	simm.s32 $0xA280;
	[sflag:s30] =	ssyncadd.s32 $0xFFFFC000  }
0x6d: {  	[tilespmem:s23], [sflag:$0x3] =	stream.indirect.gather [hbm4b:s5+s18], $0x40, s26, s18, $0xb8;
	[tilespmem:$0x1EC80] =	vst v63  }
0x6e: {  	_ =	swait.ge [sflag:s24], $0x4000  }
0x6f: {  	[sflag:s24] =	ssyncset.done $0x0  }
0x70: {  	s20 =	simm.s32 $0xC880;
	[sflag:s24] =	ssyncadd.s32 $0xFFFFC000  }
0x71: {  	[spmem:s2] =	stream.indirect.scatter.add.bf16 [tilespmem:s19], [sflag:$0x5], $0x40, s20, s18, $0xb8;
	[tilespmem:$0x1EC80] =	vst v63  }
0x72: {  	_ =	swait.ge [sflag:s0], $0x4000  }
0x73: {  	[sflag:s0] =	ssyncset.done $0x0  }
0x74: {  	s26 =	simm.s32 $0xA380;
	[sflag:s0] =	ssyncadd.s32 $0xFFFFC000  }
0x75: {  	[tilespmem:s28], [sflag:$0x4] =	stream.indirect.gather [hbm4b:s5+s18], $0x40, s26, s18, $0xb8;
	[tilespmem:$0x1EC80] =	vst v63  }
0x76: {  	_ =	swait.ge [sflag:s29], $0x4000  }
0x77: {  	[sflag:s29] =	ssyncset.done $0x0  }
0x78: {  	s20 =	simm.s32 $0xC980;
	[sflag:s29] =	ssyncadd.s32 $0xFFFFC000  }
0x79: {  	[spmem:s2] =	stream.indirect.scatter.add.bf16 [tilespmem:s21], [sflag:$0x6], $0x40, s20, s18, $0xb8;
	[tilespmem:$0x1EC80] =	vst v63  }
0x7a: {  	_ =	swait.ge [sflag:s31], $0x4000  }
0x7b: {  	[sflag:s31] =	ssyncset.done $0x0  }
0x7c: {  	s26 =	simm.s32 $0xA480;
	[sflag:s31] =	ssyncadd.s32 $0xFFFFC000  }
0x7d: {  	[tilespmem:s19], [sflag:$0x1] =	stream.indirect.gather [hbm4b:s5+s18], $0x40, s26, s18, $0xb8;
	[tilespmem:$0x1EC80] =	vst v63  }
0x7e: {  	_ =	swait.ge [sflag:s1], $0x4000  }
0x7f: {  	[sflag:s1] =	ssyncset.done $0x0  }
0x80: {  	s20 =	simm.s32 $0xCA80;
	[sflag:s1] =	ssyncadd.s32 $0xFFFFC000  }
0x81: {  	[spmem:s2] =	stream.indirect.scatter.add.bf16 [tilespmem:s23], [sflag:$0x7], $0x40, s20, s18, $0xb8;
	[tilespmem:$0x1EC80] =	vst v63  }
0x82: {  	_ =	swait.ge [sflag:s7], $0x4000  }
0x83: {  	[sflag:s7] =	ssyncset.done $0x0  }
0x84: {  	s26 =	simm.s32 $0xA580;
	[sflag:s7] =	ssyncadd.s32 $0xFFFFC000  }
0x85: {  	[tilespmem:s21], [sflag:$0x2] =	stream.indirect.gather [hbm4b:s5+s18], $0x40, s26, s18, $0xb8;
	[tilespmem:$0x1EC80] =	vst v63  }
0x86: {  	_ =	swait.ge [sflag:s22], $0x4000  }
0x87: {  	[sflag:s22] =	ssyncset.done $0x0  }
0x88: {  	s20 =	simm.s32 $0x1000;
	s26 =	simm.s32 $0xCB80;
	[sflag:s22] =	ssyncadd.s32 $0xFFFFC000  }
.LBB2_6:
0x89: {  	[spmem:s2] =	stream.indirect.scatter.add.bf16 [tilespmem:s28], [sflag:$0x8], $0x40, s26, s18, $0xb8;
	[tilespmem:$0x1EC80] =	vst v63  }
0x8a: {  	s3 =	smov.u32 s20  }
0x8b: {  	p1 =	sne.s32 s20, $0x7000;
	s20 =	sadd.s32 $0x1000, s20;
	_ =	swait.ge [sflag:s30], $0x4000  }
0x8c: {  	s26 =	sshra.s32 s3, $0x2;
	[sflag:s30] =	ssyncset.done $0x0  }
0x8d: {  	s3 =	sadd.s32 $0xA280, s26;
	[sflag:s30] =	ssyncadd.s32 $0xFFFFC000  }
0x8e: {  	[tilespmem:s23], [sflag:$0x3] =	stream.indirect.gather [hbm4b:s5+s18], $0x40, s3, s18, $0xb8;
	[tilespmem:$0x1EC80] =	vst v63  }
0x8f: {  	_ =	swait.ge [sflag:s24], $0x4000  }
0x90: {  	[sflag:s24] =	ssyncset.done $0x0  }
0x91: {  	s3 =	sadd.s32 $0xC880, s26;
	[sflag:s24] =	ssyncadd.s32 $0xFFFFC000  }
0x92: {  	[spmem:s2] =	stream.indirect.scatter.add.bf16 [tilespmem:s19], [sflag:$0x5], $0x40, s3, s18, $0xb8;
	[tilespmem:$0x1EC80] =	vst v63  }
0x93: {  	_ =	swait.ge [sflag:s0], $0x4000  }
0x94: {  	[sflag:s0] =	ssyncset.done $0x0  }
0x95: {  	s3 =	sadd.s32 $0xA380, s26;
	[sflag:s0] =	ssyncadd.s32 $0xFFFFC000  }
0x96: {  	[tilespmem:s28], [sflag:$0x4] =	stream.indirect.gather [hbm4b:s5+s18], $0x40, s3, s18, $0xb8;
	[tilespmem:$0x1EC80] =	vst v63  }
0x97: {  	_ =	swait.ge [sflag:s29], $0x4000  }
0x98: {  	[sflag:s29] =	ssyncset.done $0x0  }
0x99: {  	s3 =	sadd.s32 $0xC980, s26;
	[sflag:s29] =	ssyncadd.s32 $0xFFFFC000  }
0x9a: {  	[spmem:s2] =	stream.indirect.scatter.add.bf16 [tilespmem:s21], [sflag:$0x6], $0x40, s3, s18, $0xb8;
	[tilespmem:$0x1EC80] =	vst v63  }
0x9b: {  	_ =	swait.ge [sflag:s31], $0x4000  }
0x9c: {  	[sflag:s31] =	ssyncset.done $0x0  }
0x9d: {  	s3 =	sadd.s32 $0xA480, s26;
	[sflag:s31] =	ssyncadd.s32 $0xFFFFC000  }
0x9e: {  	[tilespmem:s19], [sflag:$0x1] =	stream.indirect.gather [hbm4b:s5+s18], $0x40, s3, s18, $0xb8;
	[tilespmem:$0x1EC80] =	vst v63  }
0x9f: {  	_ =	swait.ge [sflag:s1], $0x4000  }
0xa0: {  	[sflag:s1] =	ssyncset.done $0x0  }
0xa1: {  	s3 =	sadd.s32 $0xCA80, s26;
	[sflag:s1] =	ssyncadd.s32 $0xFFFFC000  }
0xa2: {  	[spmem:s2] =	stream.indirect.scatter.add.bf16 [tilespmem:s23], [sflag:$0x7], $0x40, s3, s18, $0xb8;
	[tilespmem:$0x1EC80] =	vst v63  }
0xa3: {  	_ =	swait.ge [sflag:s7], $0x4000  }
0xa4: {  	[sflag:s7] =	ssyncset.done $0x0  }
.Ltmp3:
0xa5: {  	s3 =	sadd.s32 $0xA580, s26;
	[sflag:s7] =	ssyncadd.s32 $0xFFFFC000;
	(pc) =	sbr.rel @p1 .LBB2_6-.Ltmp3, $4  }
0xa6: {  	[tilespmem:s21], [sflag:$0x2] =	stream.indirect.gather [hbm4b:s5+s18], $0x40, s3, s18, $0xb8;
	[tilespmem:$0x1EC80] =	vst v63  }
0xa7: {  	_ =	swait.ge [sflag:s22], $0x4000  }
0xa8: {  	[sflag:s22] =	ssyncset.done $0x0  }
0xa9: {  	s26 =	sadd.s32 $0xCB80, s26;
	[sflag:s22] =	ssyncadd.s32 $0xFFFFC000  }
.Ltmp4:
0xaa: {  	_ = 	snop;
	(pc) =	sbr.rel .LBB2_7-.Ltmp4, $1  }
0xab: {  	_ =	sdelay $0x3  }
.LBB2_2:
0xac: {  	[tilespmem:s19], [sflag:$0x1] =	stream.indirect.gather [hbm4b:s4+s18], $0x40, s16, s18, $0xb8;
	[tilespmem:$0x1EC80] =	vst v63  }
0xad: {  	s3 =	simm.s32 $0x9D80  }
0xae: {  	[tilespmem:s21], [sflag:$0x2] =	stream.indirect.gather [hbm4b:s4+s18], $0x40, s3, s18, $0xb8;
	[tilespmem:$0x1EC80] =	vst v63  }
0xaf: {  	s26 =	simm.s32 $0x9E80  }
0xb0: {  	[tilespmem:s23], [sflag:$0x3] =	stream.indirect.gather [hbm4b:s4+s18], $0x40, s26, s18, $0xb8;
	[tilespmem:$0x1EC80] =	vst v63  }
0xb1: {  	_ =	swait.ge [sflag:s24], $0x4000  }
0xb2: {  	[sflag:s24] =	ssyncset.done $0x0  }
0xb3: {  	[sflag:s24] =	ssyncadd.s32 $0xFFFFC000  }
0xb4: {  	[spmem:s2] =	stream.indirect.scatter.add.bf16 [tilespmem:s19], [sflag:$0x5], $0x40, s17, s18, $0xb8;
	[tilespmem:$0x1EC80] =	vst v63  }
0xb5: {  	s20 =	simm.s32 $0x9F80  }
0xb6: {  	[tilespmem:s28], [sflag:$0x4] =	stream.indirect.gather [hbm4b:s4+s18], $0x40, s20, s18, $0xb8;
	[tilespmem:$0x1EC80] =	vst v63  }
0xb7: {  	_ =	swait.ge [sflag:s29], $0x4000  }
0xb8: {  	[sflag:s29] =	ssyncset.done $0x0  }
0xb9: {  	s26 =	simm.s32 $0xC580;
	[sflag:s29] =	ssyncadd.s32 $0xFFFFC000  }
0xba: {  	[spmem:s2] =	stream.indirect.scatter.add.bf16 [tilespmem:s21], [sflag:$0x6], $0x40, s26, s18, $0xb8;
	[tilespmem:$0x1EC80] =	vst v63  }
0xbb: {  	_ =	swait.ge [sflag:s31], $0x4000  }
0xbc: {  	[sflag:s31] =	ssyncset.done $0x0  }
0xbd: {  	s20 =	simm.s32 $0xA080;
	[sflag:s31] =	ssyncadd.s32 $0xFFFFC000  }
0xbe: {  	[tilespmem:s19], [sflag:$0x1] =	stream.indirect.gather [hbm4b:s4+s18], $0x40, s20, s18, $0xb8;
	[tilespmem:$0x1EC80] =	vst v63  }
0xbf: {  	_ =	swait.ge [sflag:s1], $0x4000  }
0xc0: {  	[sflag:s1] =	ssyncset.done $0x0  }
0xc1: {  	s26 =	simm.s32 $0xC680;
	[sflag:s1] =	ssyncadd.s32 $0xFFFFC000  }
0xc2: {  	[spmem:s2] =	stream.indirect.scatter.add.bf16 [tilespmem:s23], [sflag:$0x7], $0x40, s26, s18, $0xb8;
	[tilespmem:$0x1EC80] =	vst v63  }
0xc3: {  	_ =	swait.ge [sflag:s7], $0x4000  }
0xc4: {  	[sflag:s7] =	ssyncset.done $0x0  }
0xc5: {  	s20 =	simm.s32 $0xA180;
	[sflag:s7] =	ssyncadd.s32 $0xFFFFC000  }
0xc6: {  	[tilespmem:s21], [sflag:$0x2] =	stream.indirect.gather [hbm4b:s4+s18], $0x40, s20, s18, $0xb8;
	[tilespmem:$0x1EC80] =	vst v63  }
0xc7: {  	_ =	swait.ge [sflag:s22], $0x4000  }
0xc8: {  	[sflag:s22] =	ssyncset.done $0x0  }
0xc9: {  	s26 =	simm.s32 $0xC780;
	[sflag:s22] =	ssyncadd.s32 $0xFFFFC000  }
0xca: {  	[spmem:s2] =	stream.indirect.scatter.add.bf16 [tilespmem:s28], [sflag:$0x8], $0x40, s26, s18, $0xb8;
	[tilespmem:$0x1EC80] =	vst v63  }
0xcb: {  	_ =	swait.ge [sflag:s30], $0x4000  }
0xcc: {  	[sflag:s30] =	ssyncset.done $0x0  }
0xcd: {  	s20 =	simm.s32 $0xA280;
	[sflag:s30] =	ssyncadd.s32 $0xFFFFC000  }
0xce: {  	[tilespmem:s23], [sflag:$0x3] =	stream.indirect.gather [hbm4b:s4+s18], $0x40, s20, s18, $0xb8;
	[tilespmem:$0x1EC80] =	vst v63  }
0xcf: {  	_ =	swait.ge [sflag:s24], $0x4000  }
0xd0: {  	[sflag:s24] =	ssyncset.done $0x0  }
0xd1: {  	s3 =	simm.s32 $0xC880;
	[sflag:s24] =	ssyncadd.s32 $0xFFFFC000  }
0xd2: {  	[spmem:s2] =	stream.indirect.scatter.add.bf16 [tilespmem:s19], [sflag:$0x5], $0x40, s3, s18, $0xb8;
	[tilespmem:$0x1EC80] =	vst v63  }
0xd3: {  	_ =	swait.ge [sflag:s0], $0x4000  }
0xd4: {  	[sflag:s0] =	ssyncset.done $0x0  }
0xd5: {  	s26 =	simm.s32 $0xA380;
	[sflag:s0] =	ssyncadd.s32 $0xFFFFC000  }
0xd6: {  	[tilespmem:s28], [sflag:$0x4] =	stream.indirect.gather [hbm4b:s4+s18], $0x40, s26, s18, $0xb8;
	[tilespmem:$0x1EC80] =	vst v63  }
0xd7: {  	_ =	swait.ge [sflag:s29], $0x4000  }
0xd8: {  	[sflag:s29] =	ssyncset.done $0x0  }
0xd9: {  	s3 =	simm.s32 $0xC980;
	[sflag:s29] =	ssyncadd.s32 $0xFFFFC000  }
0xda: {  	[spmem:s2] =	stream.indirect.scatter.add.bf16 [tilespmem:s21], [sflag:$0x6], $0x40, s3, s18, $0xb8;
	[tilespmem:$0x1EC80] =	vst v63  }
0xdb: {  	_ =	swait.ge [sflag:s31], $0x4000  }
0xdc: {  	[sflag:s31] =	ssyncset.done $0x0  }
0xdd: {  	s26 =	simm.s32 $0xA480;
	[sflag:s31] =	ssyncadd.s32 $0xFFFFC000  }
0xde: {  	[tilespmem:s19], [sflag:$0x1] =	stream.indirect.gather [hbm4b:s4+s18], $0x40, s26, s18, $0xb8;
	[tilespmem:$0x1EC80] =	vst v63  }
0xdf: {  	_ =	swait.ge [sflag:s1], $0x4000  }
0xe0: {  	[sflag:s1] =	ssyncset.done $0x0  }
0xe1: {  	s3 =	simm.s32 $0xCA80;
	[sflag:s1] =	ssyncadd.s32 $0xFFFFC000  }
0xe2: {  	[spmem:s2] =	stream.indirect.scatter.add.bf16 [tilespmem:s23], [sflag:$0x7], $0x40, s3, s18, $0xb8;
	[tilespmem:$0x1EC80] =	vst v63  }
0xe3: {  	_ =	swait.ge [sflag:s7], $0x4000  }
0xe4: {  	[sflag:s7] =	ssyncset.done $0x0  }
0xe5: {  	s26 =	simm.s32 $0xA580;
	[sflag:s7] =	ssyncadd.s32 $0xFFFFC000  }
0xe6: {  	[tilespmem:s21], [sflag:$0x2] =	stream.indirect.gather [hbm4b:s4+s18], $0x40, s26, s18, $0xb8;
	[tilespmem:$0x1EC80] =	vst v63  }
0xe7: {  	_ =	swait.ge [sflag:s22], $0x4000  }
0xe8: {  	[sflag:s22] =	ssyncset.done $0x0  }
0xe9: {  	s20 =	simm.s32 $0x1000;
	s26 =	simm.s32 $0xCB80;
	[sflag:s22] =	ssyncadd.s32 $0xFFFFC000  }
.LBB2_3:
0xea: {  	[spmem:s2] =	stream.indirect.scatter.add.bf16 [tilespmem:s28], [sflag:$0x8], $0x40, s26, s18, $0xb8;
	[tilespmem:$0x1EC80] =	vst v63  }
0xeb: {  	s26 =	smov.u32 s20  }
0xec: {  	p1 =	seq.s32 s20, $0x7000;
	s20 =	sadd.s32 $0x1000, s20;
	_ =	swait.ge [sflag:s30], $0x4000  }
0xed: {  	s26 =	sshra.s32 s26, $0x2;
	[sflag:s30] =	ssyncset.done $0x0  }
0xee: {  	s3 =	sadd.s32 $0xA280, s26;
	[sflag:s30] =	ssyncadd.s32 $0xFFFFC000  }
0xef: {  	[tilespmem:s23], [sflag:$0x3] =	stream.indirect.gather [hbm4b:s4+s18], $0x40, s3, s18, $0xb8;
	[tilespmem:$0x1EC80] =	vst v63  }
0xf0: {  	_ =	swait.ge [sflag:s24], $0x4000  }
0xf1: {  	[sflag:s24] =	ssyncset.done $0x0  }
0xf2: {  	s3 =	sadd.s32 $0xC880, s26;
	[sflag:s24] =	ssyncadd.s32 $0xFFFFC000  }
0xf3: {  	[spmem:s2] =	stream.indirect.scatter.add.bf16 [tilespmem:s19], [sflag:$0x5], $0x40, s3, s18, $0xb8;
	[tilespmem:$0x1EC80] =	vst v63  }
0xf4: {  	_ =	swait.ge [sflag:s0], $0x4000  }
0xf5: {  	[sflag:s0] =	ssyncset.done $0x0  }
0xf6: {  	s3 =	sadd.s32 $0xA380, s26;
	[sflag:s0] =	ssyncadd.s32 $0xFFFFC000  }
0xf7: {  	[tilespmem:s28], [sflag:$0x4] =	stream.indirect.gather [hbm4b:s4+s18], $0x40, s3, s18, $0xb8;
	[tilespmem:$0x1EC80] =	vst v63  }
0xf8: {  	_ =	swait.ge [sflag:s29], $0x4000  }
0xf9: {  	[sflag:s29] =	ssyncset.done $0x0  }
0xfa: {  	s3 =	sadd.s32 $0xC980, s26;
	[sflag:s29] =	ssyncadd.s32 $0xFFFFC000  }
0xfb: {  	[spmem:s2] =	stream.indirect.scatter.add.bf16 [tilespmem:s21], [sflag:$0x6], $0x40, s3, s18, $0xb8;
	[tilespmem:$0x1EC80] =	vst v63  }
0xfc: {  	_ =	swait.ge [sflag:s31], $0x4000  }
0xfd: {  	[sflag:s31] =	ssyncset.done $0x0  }
0xfe: {  	s3 =	sadd.s32 $0xA480, s26;
	[sflag:s31] =	ssyncadd.s32 $0xFFFFC000  }
0xff: {  	[tilespmem:s19], [sflag:$0x1] =	stream.indirect.gather [hbm4b:s4+s18], $0x40, s3, s18, $0xb8;
	[tilespmem:$0x1EC80] =	vst v63  }
0x100: {  	_ =	swait.ge [sflag:s1], $0x4000  }
0x101: {  	[sflag:s1] =	ssyncset.done $0x0  }
0x102: {  	s3 =	sadd.s32 $0xCA80, s26;
	[sflag:s1] =	ssyncadd.s32 $0xFFFFC000  }
0x103: {  	[spmem:s2] =	stream.indirect.scatter.add.bf16 [tilespmem:s23], [sflag:$0x7], $0x40, s3, s18, $0xb8;
	[tilespmem:$0x1EC80] =	vst v63  }
0x104: {  	_ =	swait.ge [sflag:s7], $0x4000  }
0x105: {  	[sflag:s7] =	ssyncset.done $0x0  }
.Ltmp5:
0x106: {  	s3 =	sadd.s32 $0xA580, s26;
	[sflag:s7] =	ssyncadd.s32 $0xFFFFC000;
	(pc) =	sbr.rel @!p1 .LBB2_3-.Ltmp5, $4  }
0x107: {  	[tilespmem:s21], [sflag:$0x2] =	stream.indirect.gather [hbm4b:s4+s18], $0x40, s3, s18, $0xb8;
	[tilespmem:$0x1EC80] =	vst v63  }
0x108: {  	_ =	swait.ge [sflag:s22], $0x4000  }
0x109: {  	[sflag:s22] =	ssyncset.done $0x0  }
0x10a: {  	s26 =	sadd.s32 $0xCB80, s26;
	[sflag:s22] =	ssyncadd.s32 $0xFFFFC000  }
0x10b: {  	[spmem:s2] =	stream.indirect.scatter.add.bf16 [tilespmem:s28], [sflag:$0x8], $0x40, s26, s18, $0xb8;
	[tilespmem:$0x1EC80] =	vst v63  }
0x10c: {  	_ =	swait.ge [sflag:s30], $0x4000  }
0x10d: {  	[sflag:s30] =	ssyncset.done $0x0  }
0x10e: {  	s3 =	simm.s32 $0xC280;
	[sflag:s30] =	ssyncadd.s32 $0xFFFFC000  }
0x10f: {  	[tilespmem:s23], [sflag:$0x3] =	stream.indirect.gather [hbm4b:s4+s18], $0x40, s3, s18, $0xb8;
	[tilespmem:$0x1EC80] =	vst v63  }
0x110: {  	_ =	swait.ge [sflag:s24], $0x4000  }
0x111: {  	[sflag:s24] =	ssyncset.done $0x0  }
0x112: {  	s26 =	simm.s32 $0xE880;
	[sflag:s24] =	ssyncadd.s32 $0xFFFFC000  }
0x113: {  	[spmem:s2] =	stream.indirect.scatter.add.bf16 [tilespmem:s19], [sflag:$0x5], $0x40, s26, s18, $0xb8;
	[tilespmem:$0x1EC80] =	vst v63  }
0x114: {  	_ =	swait.ge [sflag:s0], $0x4000  }
0x115: {  	[sflag:s0] =	ssyncset.done $0x0  }
0x116: {  	s20 =	simm.s32 $0xC380;
	[sflag:s0] =	ssyncadd.s32 $0xFFFFC000  }
0x117: {  	[tilespmem:s28], [sflag:$0x4] =	stream.indirect.gather [hbm4b:s4+s18], $0x40, s20, s18, $0xb8;
	[tilespmem:$0x1EC80] =	vst v63  }
0x118: {  	_ =	swait.ge [sflag:s29], $0x4000  }
0x119: {  	[sflag:s29] =	ssyncset.done $0x0  }
0x11a: {  	s26 =	simm.s32 $0xE980;
	[sflag:s29] =	ssyncadd.s32 $0xFFFFC000  }
0x11b: {  	[spmem:s2] =	stream.indirect.scatter.add.bf16 [tilespmem:s21], [sflag:$0x6], $0x40, s26, s18, $0xb8;
	[tilespmem:$0x1EC80] =	vst v63  }
0x11c: {  	_ =	swait.ge [sflag:s1], $0x4000  }
0x11d: {  	[sflag:s1] =	ssyncset.done $0x0  }
0x11e: {  	s20 =	simm.s32 $0xEA80;
	[sflag:s1] =	ssyncadd.s32 $0xFFFFC000  }
0x11f: {  	[spmem:s2] =	stream.indirect.scatter.add.bf16 [tilespmem:s23], [sflag:$0x7], $0x40, s20, s18, $0xb8;
	[tilespmem:$0x1EC80] =	vst v63  }
.Ltmp6:
0x120: {  	_ = 	snop;
	(pc) =	sbr.rel .LBB2_8-.Ltmp6, $4  }
0x121: {  	_ =	swait.ge [sflag:s22], $0x4000  }
0x122: {  	[sflag:s22] =	ssyncset.done $0x0  }
0x123: {  	s26 =	simm.s32 $0xEB80;
	s20 =	rddreg [dreg:$0x3];
	[sflag:s22] =	ssyncadd.s32 $0xFFFFC000  }
0x124: {  	[spmem:s2] =	stream.indirect.scatter.add.bf16 [tilespmem:s28], [sflag:$0x8], $0x40, s26, s18, $0xb8;
	[tilespmem:$0x1EC80] =	vst v63  }
.LBB2_9:
0x125: {  	_ =	sfence.sel $0x180000  }
0x126: {  	[bflag:$0x0] =	sbarrier.arrive $0xFFFF  }
0x127: {  	_ =	strace $0x9000004A  }
0x128: {  	s0 =	stileid.u32;
	[bflag:$0x2] =	sbarrier.arrive $0xFFFF  }
0x129: {  	p0 =	sne.s32 s0, $0x0;
	s0 =	rddreg [dreg:$0x2]  }
0x12a: {  	s0 =	sadd.s32 @!p0 $0x100000, s0  }
0x12b: {  	[sflag:s0] =	ssyncadd.tile.s32 @!p0 $0x1;
	_ =	shalt  }
.Lfunc_end2:
_tile_overlayer_lowered:
.L_overlay_start_2:
0x12c: {  	(tag) =	ssettag $0x2  }
0x12d: {  	s0 =	rddreg [dreg:$0x0];
	s2 =	stileid.u32  }
0x12e: {  	s1 =	rddreg [dreg:$0x1];
	p0 =	sne.s32 s2, $0x0  }
0x12f: {  	s3 =	rddreg [dreg:$0x2];
	[bflag:$0x3] =	sbarrier.arrive $0xFFFF;
	s2 =	simm.s32 @!p0 $0x1C09  }
0x130: {  	[timem:s3], [sflag:s2] =	dma.local @!p0 [hbm:s0], s1  }
0x131: {  	s0 =	simm.s32 @!p0 $0x9  }
0x132: {  	_ =	swait.ge @!p0 [sflag:s0], s1  }
0x133: {  	s1 =	ssub.s32 @!p0 $0x0, s1;
	[sflag:s0] =	ssyncset.done @!p0 $0x0  }
0x134: {  	[sflag:s0] =	ssyncadd.s32 @!p0 s1  }
0x135: {  	[bflag:$0x3] =	sbarrier.arrive $0xFFFF  }
0x136: {  	_ =	shalt  }

// kernel: kernel.17.cloned.1.call-start
scs
__scs_entry_jumppad:
0x0: {  	(pc) =	sbr.rel $0x88, $3  }
0x1: {  	(tag) =	ssettag $0x0;
	lr =	simm.s32 $0x1  }
0x2: {  	[smem:$0x3F93] =	sst lr;
	_ =	strace $0xD0000000  }
0x3: {  	_ = 	snop  }
0x4: {  	_ = 	snop  }
0x5: {  	_ = 	snop  }
0x6: {  	_ = 	snop  }
0x7: {  	_ = 	snop  }
__scs_overlays_trampoline_lowered:
0x8: {  	[smem:$0x3FA2] =	sst s0  }
0x9: {  	[smem:$0x3FA3] =	sst s1  }
0xa: {  	[smem:$0x3FA4] =	sst s2  }
0xb: {  	[smem:$0x3FA5] =	sst s3  }
0xc: {  	[smem:$0x3FA6] =	sst s4  }
0xd: {  	[smem:$0x3FA7] =	sst s5  }
0xe: {  	[smem:$0x3FA8] =	sst s6  }
0xf: {  	[smem:$0x3FA9] =	sst s7  }
0x10: {  	[smem:$0x3FAA] =	sst s8  }
0x11: {  	[smem:$0x3FAB] =	sst s9;
	s0 =	simm.s32 @!p0 $0x0  }
0x12: {  	s1 =	sld [smem:$0x3F91];
	s0 =	simm.s32 @p0 $0x1  }
0x13: {  	[smem:$0x3FAC] =	sst s0;
	s0 =	simm.s32 @!p1 $0x0  }
0x14: {  	s2 =	sld [smem:$0x3F90];
	s0 =	simm.s32 @p1 $0x1  }
0x15: {  	[smem:$0x3FAD] =	sst s0;
	s0 =	simm.s32 @!p2 $0x0  }
0x16: {  	s3 =	sld [smem:$0x3FDB];
	s0 =	simm.s32 @p2 $0x1  }
0x17: {  	s4 =	simm.s32 $0x1BF5;
	[smem:$0x3FAF] =	sst s0  }
0x18: {  	s0 =	sld [smem:$0x3F92];
	_ =	swait.ge [sflag:s4], $0x0  }
0x19: {  	s7 =	sld [smem:$0x3F93]  }
0x1a: {  	s8 =	sadd.s32 $0xFFFFE003, lr  }
0x1b: {  	s9 =	sadd.s32 $0xFFFFFEF7, lr;
	s5 =	simm.s32 $0xFFFFFFFF;
	p2 =	slt.u32 s8, $0xFFFFF086  }
0x1c: {  	p1 =	slt.u32 s9, $0xF7A;
	s5 =	simm.s32 @!p2 $0x0  }
0x1d: {  	s5 =	simm.s32 @p1 $0x1;
	p0 =	seq.s32 s7, s2  }
0x1e: {  	s7 =	smul.u32 @!p0 $0xF7A, s2;
	p2 =	seq.s32 @!p0 s5, $0x0  }
0x1f: {  	s9 =	smul.u32 $0xF7A, s1;
	s8 =	simm.s32 @!p0 $0x1BF5;
	p2 =	por !p2, p0  }
0x20: {  	[sflag:s8] =	ssyncset.s32 @!p0 $0xFFFFF086;
	s6 =	sadd.s32 @!p0 s3, s7;
	s7 =	simm.s32 @!p0 $0x108  }
0x21: {  	s3 =	sadd.s32 s3, s9;
	s6 =	sadd.s32 @!p0 $0x88, s6;
	s7 =	simm.s32 @p2 $0x1082  }
0x22: {  	[simem:s7], [sflag:s8] =	dma.local @!p0 [hbm:s6], $0xF7A  }
0x23: {  	s9 =	sor.u32 $0xD0000000, s2;
	s6 =	simm.s32 $0x108;
	_ =	swait.ge @!p0 [sflag:s8], $0x0  }
0x24: {  	s3 =	sadd.s32 $0x88, s3;
	s6 =	simm.s32 @!p1 $0x1082;
	[sflag:s4] =	ssyncset.s32 $0xFFFFF086  }
0x25: {  	[simem:s6], [sflag:s4] =	dma.local [hbm:s3], $0xF7A  }
0x26: {  	[smem:$0x3F93] =	sst s1;
	(tag) =	ssettag s2;
	_ =	strace s9  }
0x27: {  	s1 =	sld [smem:$0x3FA3]  }
0x28: {  	s2 =	sld [smem:$0x3FA4]  }
0x29: {  	s4 =	sld [smem:$0x3FA6]  }
0x2a: {  	p0 =	seq.s32 s5, $0x0;
	s5 =	sld [smem:$0x3FA7]  }
0x2b: {  	s6 =	sld [smem:$0x3FA8]  }
0x2c: {  	s7 =	sld [smem:$0x3FA9]  }
0x2d: {  	s3 =	simm.s32 $0x108;
	s8 =	sld [smem:$0x3FAA]  }
0x2e: {  	s3 =	simm.s32 @!p0 $0x1082;
	s9 =	sld [smem:$0x3FAB]  }
0x2f: {  	lr =	sadd.s32 s0, s3;
	s0 =	sld [smem:$0x3FA2]  }
0x30: {  	s3 =	sld [smem:$0x3FA5]  }
0x31: {  	[smem:$0x3FAE] =	sst s10  }
0x32: {  	s10 =	sld [smem:$0x3FAC];
	_ =	sdelay $0x3  }
0x33: {  	p0 =	seq.s32 s10, $0x1;
	s10 =	sld [smem:$0x3FAE];
	_ =	sdelay $0x3  }
0x34: {  	[smem:$0x3FAE] =	sst s10  }
0x35: {  	s10 =	sld [smem:$0x3FAD];
	_ =	sdelay $0x3  }
0x36: {  	p1 =	seq.s32 s10, $0x1;
	s10 =	sld [smem:$0x3FAE];
	_ =	sdelay $0x3  }
0x37: {  	[smem:$0x3FAE] =	sst s10  }
0x38: {  	s10 =	sld [smem:$0x3FAF]  }
0x39: {  	_ = 	snop;
	(pc) =	sbr.ind lr, $3  }
0x3a: {  	_ = 	snop  }
0x3b: {  	_ = 	snop  }
0x3c: {  	p2 =	seq.s32 s10, $0x1;
	s10 =	sld [smem:$0x3FAE]  }
0x3d: {  	_ =	shalt  }
0x3e: {  	_ =	shalt  }
0x3f: {  	_ =	shalt  }
0x40: {  	_ =	shalt  }
0x41: {  	_ =	shalt  }
0x42: {  	_ =	shalt  }
0x43: {  	_ =	shalt  }
0x44: {  	_ =	shalt  }
0x45: {  	_ =	shalt  }
0x46: {  	_ =	shalt  }
0x47: {  	_ =	shalt  }
0x48: {  	_ =	shalt  }
0x49: {  	_ =	shalt  }
0x4a: {  	_ =	shalt  }
0x4b: {  	_ =	shalt  }
0x4c: {  	_ =	shalt  }
0x4d: {  	_ =	shalt  }
0x4e: {  	_ =	shalt  }
0x4f: {  	_ =	shalt  }
0x50: {  	_ =	shalt  }
0x51: {  	_ =	shalt  }
0x52: {  	_ =	shalt  }
0x53: {  	_ =	shalt  }
0x54: {  	_ =	shalt  }
0x55: {  	_ =	shalt  }
0x56: {  	_ =	shalt  }
0x57: {  	_ =	shalt  }
0x58: {  	_ =	shalt  }
0x59: {  	_ =	shalt  }
0x5a: {  	_ =	shalt  }
0x5b: {  	_ =	shalt  }
0x5c: {  	_ =	shalt  }
0x5d: {  	_ =	shalt  }
0x5e: {  	_ =	shalt  }
0x5f: {  	_ =	shalt  }
0x60: {  	_ =	shalt  }
0x61: {  	_ =	shalt  }
0x62: {  	_ =	shalt  }
0x63: {  	_ =	shalt  }
0x64: {  	_ =	shalt  }
0x65: {  	_ =	shalt  }
0x66: {  	_ =	shalt  }
0x67: {  	_ =	shalt  }
0x68: {  	_ =	shalt  }
0x69: {  	_ =	shalt  }
0x6a: {  	_ =	shalt  }
0x6b: {  	_ =	shalt  }
0x6c: {  	_ =	shalt  }
0x6d: {  	_ =	shalt  }
0x6e: {  	_ =	shalt  }
0x6f: {  	_ =	shalt  }
0x70: {  	_ =	shalt  }
0x71: {  	_ =	shalt  }
0x72: {  	_ =	shalt  }
0x73: {  	_ =	shalt  }
0x74: {  	_ =	shalt  }
0x75: {  	_ =	shalt  }
0x76: {  	_ =	shalt  }
0x77: {  	_ =	shalt  }
0x78: {  	_ =	shalt  }
0x79: {  	_ =	shalt  }
0x7a: {  	_ =	shalt  }
0x7b: {  	_ =	shalt  }
0x7c: {  	_ =	shalt  }
0x7d: {  	_ =	shalt  }
0x7e: {  	_ =	shalt  }
0x7f: {  	_ =	shalt  }
0x80: {  	_ =	shalt  }
0x81: {  	_ =	shalt  }
0x82: {  	_ =	shalt  }
0x83: {  	_ =	shalt  }
0x84: {  	_ =	shalt  }
0x85: {  	_ =	shalt  }
0x86: {  	_ =	shalt  }
0x87: {  	_ =	shalt  }
.Lfunc_end0:
.L_simem_size_0:
called_computation.2_lowered:
.L_overlay_start_0:
0x88: {  	s2 =	sld [smem:$0x3FD9]  }
0x89: {  	s3 =	sld [smem:$0x3FFE];
	_ =	sdelay $0x1  }
0x8a: {  	s1 =	srdreg.scid  }
0x8b: {  	s0 =	sand.u32 $0x1, s1  }
0x8c: {  	s17 =	sshll.u32 s0, $0xA;
	s2 =	sadd.s32 s3, s2  }
0x8d: {  	s2 =	sadd.s32 s2, s17  }
0x8e: {  	[smem:$0x3FBA] =	sst s2  }
0x8f: {  	_ = 	snop  }
0x90: {  	s2 =	sld [smem:$0x3FD0];
	(tm) =	ssettm $0x1  }
0x91: {  	s18 =	sld [smem:$0x3FFB];
	_ =	sdelay $0x3  }
0x92: {  	_ =	strace s18  }
0x93: {  	s3 =	sld [smem:$0x3FFC];
	_ =	sdelay $0x3  }
0x94: {  	_ =	strace s3  }
0x95: {  	s3 =	sld [smem:$0x3FFD];
	_ =	sdelay $0x3  }
0x96: {  	_ =	strace s3  }
0x97: {  	_ =	strace $0x8FFFFFFF  }
0x98: {  	s19 =	sld [smem:$0x3FDB];
	_ =	sdelay $0x1  }
0x99: {  	s4 =	simm.s32 $_scs_section_size  }
0x9a: {  	s5 =	simm.s32 $_size__tile_overlayer_lowered;
	s6 =	simm.s32 $_tile_overlayer_lowered  }
0x9b: {  	s22 =	simm.s32 $0x1BFF;
	s21 =	sshll.u32 s6, $0x1;
	s3 =	sadd.s32 s4, s19  }
0x9c: {  	s7 =	simm.s32 $0x0;
	s20 =	sshll.u32 s5, $0x1;
	s5 =	sadd.s32 s21, s3  }
0x9d: {  	[timem:s7], [sflag:s22] =	dma.local [hbm:s5], s20  }
0x9e: {  	_ =	swait.ge [sflag:s22], s20  }
0x9f: {  	s4 =	ssub.s32 $0x0, s20;
	[sflag:s22] =	ssyncset.done $0x0  }
0xa0: {  	[sflag:s22] =	ssyncadd.s32 s4;
	_ =	sdelay $0x1  }
0xa1: {  	s23 =	simm.s32 $0x1B8B  }
0xa2: {  	_ =	swait.ge [sflag:s23], $0x1  }
0xa3: {  	[sflag:s23] =	ssyncset.done $0x0  }
0xa4: {  	s25 =	simm.s32 $0x1B8E;
	s24 =	sld [smem:$0x3FFE];
	[sflag:s23] =	ssyncadd.s32 $0xFFFFFFFF  }
0xa5: {  	s26 =	simm.s32 $execute0_lowered;
	[smem:$0x3FD2] =	sst s25  }
0xa6: {  	s5 =	sshll.u32 s26, $0x1;
	_ =	strace $0x8000004C;
	[dreg:$0x1] =	wrdreg $0xFFFFFFFF  }
0xa7: {  	s28 =	simm.s32 $_size_execute0_lowered;
	s3 =	sadd.s32 s3, s5;
	[dreg:$0x0] =	wrdreg $0x0  }
0xa8: {  	s5 =	sshll.u32 s28, $0x1;
	[dreg:$0x2] =	wrdreg s3  }
0xa9: {  	[dreg:$0x3] =	wrdreg s5  }
0xaa: {  	[dreg:$0x4] =	wrdreg $0xC0  }
0xab: {  	_ =	task [dreg:s7], $0x5FFFF  }
0xac: {  	[dreg:$0x1] =	wrdreg $0xFFFFFFFF  }
0xad: {  	[dreg:$0x0] =	wrdreg $0x60  }
0xae: {  	[dreg:$0x2] =	wrdreg s2  }
0xaf: {  	[dreg:$0x3] =	wrdreg s24  }
0xb0: {  	[dreg:$0x4] =	wrdreg $0x0  }
0xb1: {  	[dreg:$0x5] =	wrdreg $0x9  }
0xb2: {  	_ =	task.clear_ibuf [dreg:s7], $0x6FFFF;
	_ =	strace $0x9000004C  }
0xb3: {  	s29 =	simm.s32 $0x9;
	_ =	strace $0x8000004E  }
0xb4: {  	_ =	swait.ge [sflag:s29], $0x1  }
0xb5: {  	[sflag:s29] =	ssyncadd.s32 $0xFFFFFFFF  }
0xb6: {  	_ =	strace $0x9000004E  }
0xb7: {  	_ =	sfence  }
0xb8: {  	s30 =	sld [smem:$0x0];
	_ =	sdelay $0x2  }
0xb9: {  	s31 =	sshll.u32 s1, $0xD;
	s1 =	sshrl.u32 s1, $0x2  }
0xba: {  	s3 =	sand.u32 $0x4000, s31;
	s1 =	sadd.s32 s1, s30  }
0xbb: {  	s0 =	sor.u32 s3, s0;
	s1 =	sshll.u32 s1, $0x11  }
0xbc: {  	s0 =	sor.u32 s1, s0  }
0xbd: {  	s0 =	sadd.s32 $0x8F2B, s0  }
0xbe: {  	[sflag:s0] =	ssyncadd.remote.s32 $0x1  }
0xbf: {  	_ =	sfence.sel $0xFFFF  }
0xc0: {  	[dreg:$0x0] =	wrdreg $0xFFFFFFFF;
	(pc) =	sbr.abs _section_cstart, $3  }
0xc1: {  	[dreg:$0x1] =	wrdreg $0xFFFFFFFF  }
0xc2: {  	_ =	task.clear_ibuf [dreg:s7], $0x2FFFF;
	_ =	strace $0x9FFFFFFF  }
0xc3: {  	(tm) =	ssettm $0x7FFFFFFF  }
tec
execute0_lowered:
.L_overlay_start_1:
0x0: {  	(tag) =	ssettag $0x1  }
0x1: {  	s1 =	rddreg [dreg:$0x0]  }
0x2: {  	s0 =	rddreg [dreg:$0x1]  }
0x3: {  	s3 =	rddreg [dreg:$0x2];
	s2 =	simm.s32 $0x0  }
0x4: {  	s4 =	stileid.u32;
	s7 =	srdreg.scid;
	s15 =	simm.s32 $0x9  }
0x5: {  	s16 =	simm.s32 $0x9C80;
	s17 =	simm.s32 $0xC480;
	s18 =	simm.s32 $0x100  }
0x6: {  	s19 =	simm.s32 $0xEC80;
	s21 =	simm.s32 $0x12C80;
	s28 =	simm.s32 $0x1AC80  }
0x7: {  	s29 =	simm.s32 $0x2;
	s31 =	simm.s32 $0x5;
	s22 =	smul.u32 $0x500, s4  }
0x8: {  	s30 =	simm.s32 $0x7;
	[smem:$0x7FF] =	sst s2;
	s6 =	smul.u32 $0x13900, s4  }
0x9: {  	s5 =	sadd.s32 $0x84E00, s0;
	s7 =	sand.u32 $0x1, s7;
	s10 =	sadd.s32 $0x98800, s0  }
0xa: {  	s25 =	sshll.u32 s4, $0x6;
	s12 =	smul.u32 $0x13880, s4;
	_ =	strace $0x8000004D  }
0xb: {  	s9 =	ssub.s32 $0x2, s7;
	[dreg:$0x4] =	wrdreg s10;
	p0 =	seq.s32 s7, $0x1  }
0xc: {  	s7 =	simm.s32 $0x6;
	s2 =	sadd.s32 s22, s0;
	s8 =	sshrl.u32 s6, $0x4  }
0xd: {  	s23 =	sshrl.u32 s9, $0x1;
	s6 =	sshrl.u32 s6, $0x1;
	s26 =	sshrl.u32 s12, $0x1  }
0xe: {  	s12 =	sshrl.u32 s12, $0x4;
	s22 =	simm.s32 $0x4;
	s8 =	sadd.s32 s8, s0  }
0xf: {  	s0 =	sadd.s32 $0xAC200, s0;
	s24 =	ssub.s32 s9, s23;
	s6 =	sadd.s32 s6, s3  }
.Ltmp0:
0x10: {  	s9 =	sor.u32 $0x1C09, s25;
	s10 =	sadd.s32 $0xA000, s2;
	(pc) =	sbr.rel .LBB2_1-.Ltmp0, $4  }
0x11: {  	s11 =	sadd.s32 $0x31C00, s2;
	s2 =	sadd.s32 s26, s3;
	s23 =	simm.s32 $0x16C80  }
0x12: {  	[dreg:$0x5] =	wrdreg s0;
	s8 =	sadd.s32 $0x1E200, s8;
	s13 =	smax.u32 s24, $0x1  }
0x13: {  	s14 =	sshrl.u32 s6, $0x3;
	s24 =	simm.s32 $0x1;
	s25 =	sshrl.u32 s2, $0x3  }
0x14: {  	s2 =	simm.s32 $0x3;
	s0 =	simm.s32 $0x8;
	s6 =	simm.s32 $0x0  }
.LBB2_7:
0x15: {  	[spmem:s3] =	stream.indirect.scatter.add.bf16 [tilespmem:s28], [sflag:$0x8], $0x40, s26, s18, $0xb8;
	[tilespmem:$0x1EC80] =	vst v63  }
0x16: {  	_ =	swait.ge [sflag:s30], $0x4000  }
0x17: {  	[sflag:s30] =	ssyncset.done $0x0  }
0x18: {  	s4 =	simm.s32 $0xC280;
	[sflag:s30] =	ssyncadd.s32 $0xFFFFC000  }
0x19: {  	[tilespmem:s23], [sflag:$0x3] =	stream.indirect.gather [hbm4b:s5+s18], $0x40, s4, s18, $0xb8;
	[tilespmem:$0x1EC80] =	vst v63  }
0x1a: {  	_ =	swait.ge [sflag:s24], $0x4000  }
0x1b: {  	[sflag:s24] =	ssyncset.done $0x0  }
0x1c: {  	s26 =	simm.s32 $0xE880;
	[sflag:s24] =	ssyncadd.s32 $0xFFFFC000  }
0x1d: {  	[spmem:s3] =	stream.indirect.scatter.add.bf16 [tilespmem:s19], [sflag:$0x5], $0x40, s26, s18, $0xb8;
	[tilespmem:$0x1EC80] =	vst v63  }
0x1e: {  	_ =	swait.ge [sflag:s0], $0x4000  }
0x1f: {  	[sflag:s0] =	ssyncset.done $0x0  }
0x20: {  	s20 =	simm.s32 $0xC380;
	[sflag:s0] =	ssyncadd.s32 $0xFFFFC000  }
0x21: {  	[tilespmem:s28], [sflag:$0x4] =	stream.indirect.gather [hbm4b:s5+s18], $0x40, s20, s18, $0xb8;
	[tilespmem:$0x1EC80] =	vst v63  }
0x22: {  	_ =	swait.ge [sflag:s29], $0x4000  }
0x23: {  	[sflag:s29] =	ssyncset.done $0x0  }
0x24: {  	s26 =	simm.s32 $0xE980;
	[sflag:s29] =	ssyncadd.s32 $0xFFFFC000  }
0x25: {  	[spmem:s3] =	stream.indirect.scatter.add.bf16 [tilespmem:s21], [sflag:$0x6], $0x40, s26, s18, $0xb8;
	[tilespmem:$0x1EC80] =	vst v63  }
0x26: {  	_ =	swait.ge [sflag:s2], $0x4000  }
0x27: {  	[sflag:s2] =	ssyncset.done $0x0  }
0x28: {  	s20 =	simm.s32 $0xEA80;
	[sflag:s2] =	ssyncadd.s32 $0xFFFFC000  }
0x29: {  	[spmem:s3] =	stream.indirect.scatter.add.bf16 [tilespmem:s23], [sflag:$0x7], $0x40, s20, s18, $0xb8;
	[tilespmem:$0x1EC80] =	vst v63  }
0x2a: {  	_ =	swait.ge [sflag:s22], $0x4000  }
0x2b: {  	[sflag:s22] =	ssyncset.done $0x0  }
0x2c: {  	s26 =	simm.s32 $0xEB80;
	s20 =	rddreg [dreg:$0x5];
	[sflag:s22] =	ssyncadd.s32 $0xFFFFC000  }
0x2d: {  	[spmem:s3] =	stream.indirect.scatter.add.bf16 [tilespmem:s28], [sflag:$0x8], $0x40, s26, s18, $0xb8;
	[tilespmem:$0x1EC80] =	vst v63  }
.LBB2_8:
0x2e: {  	_ =	swait.ge [sflag:s31], $0x4000  }
0x2f: {  	[sflag:s31] =	ssyncset.done $0x0  }
0x30: {  	[sflag:s31] =	ssyncadd.s32 $0xFFFFC000  }
0x31: {  	_ =	swait.ge [sflag:s7], $0x4000  }
0x32: {  	[sflag:s7] =	ssyncset.done $0x0  }
0x33: {  	[sflag:s7] =	ssyncadd.s32 $0xFFFFC000  }
0x34: {  	_ =	swait.ge [sflag:s30], $0x4000  }
0x35: {  	[sflag:s30] =	ssyncset.done $0x0  }
0x36: {  	[sflag:s30] =	ssyncadd.s32 $0xFFFFC000  }
0x37: {  	_ =	swait.ge [sflag:s0], $0x4000  }
0x38: {  	s6 =	sadd.s32 $0x1, s6;
	[sflag:s0] =	ssyncset.done $0x0  }
0x39: {  	p1 =	sne.s32 s6, s13;
	[sflag:s0] =	ssyncadd.s32 $0xFFFFC000  }
.Ltmp1:
0x3a: {  	s4 =	sadd.s32 s20, s12;
	[bflag:$0x0] =	sbarrier.arrive $0xFFFF;
	(pc) =	sbr.rel @!p1 .LBB2_9-.Ltmp1, $4  }
0x3b: {  	[hbm:s4], [sflag:s9] =	dma.local [spmem:s25], $0x1388  }
0x3c: {  	_ =	swait.ge [sflag:s15], $0x1388  }
0x3d: {  	[sflag:s15] =	ssyncset.done $0x0  }
0x3e: {  	[sflag:s15] =	ssyncadd.s32 $0xFFFFEC78  }
.LBB2_1:
0x3f: {  	[spmem:s14], [sflag:s9] =	dma.local [hbm:s8], $0x1390  }
0x40: {  	_ =	swait.ge [sflag:s15], $0x1390  }
0x41: {  	[sflag:s15] =	ssyncset.done $0x0  }
0x42: {  	s4 =	simm.s32 $0x0;
	[sflag:s15] =	ssyncadd.s32 $0xFFFFEC70  }
0x43: {  	[tilespmem:s16], [sflag:$0x9] =	stream.linear.gather [hbm4b:s10+s4], $0x2800, $0x38;
	[tilespmem:$0x1EC80] =	vst v63  }
0x44: {  	_ =	swait.ge [sflag:s15], $0x2800  }
0x45: {  	[sflag:s15] =	ssyncset.done $0x0  }
0x46: {  	[sflag:s15] =	ssyncadd.s32 $0xFFFFD800  }
0x47: {  	[tilespmem:s17], [sflag:$0x9] =	stream.linear.gather [hbm4b:s11+s4], $0x2800, $0x38;
	[tilespmem:$0x1EC80] =	vst v63  }
.Ltmp2:
0x48: {  	_ =	swait.ge [sflag:s15], $0x2800;
	(pc) =	sbr.rel @!p0 .LBB2_2-.Ltmp2, $3  }
0x49: {  	[sflag:s15] =	ssyncset.done $0x0  }
0x4a: {  	[sflag:s15] =	ssyncadd.s32 $0xFFFFD800  }
0x4b: {  	[bflag:$0x0] =	sbarrier.arrive $0xFFFF;
	_ =	sdelay $0x1  }
0x4c: {  	[tilespmem:s19], [sflag:$0x1] =	stream.indirect.gather [hbm4b:s5+s18], $0x40, s16, s18, $0xb8;
	[tilespmem:$0x1EC80] =	vst v63  }
0x4d: {  	s4 =	simm.s32 $0x9D80  }
0x4e: {  	[tilespmem:s21], [sflag:$0x2] =	stream.indirect.gather [hbm4b:s5+s18], $0x40, s4, s18, $0xb8;
	[tilespmem:$0x1EC80] =	vst v63  }
0x4f: {  	s20 =	simm.s32 $0x9E80  }
0x50: {  	[tilespmem:s23], [sflag:$0x3] =	stream.indirect.gather [hbm4b:s5+s18], $0x40, s20, s18, $0xb8;
	[tilespmem:$0x1EC80] =	vst v63  }
0x51: {  	_ =	swait.ge [sflag:s24], $0x4000  }
0x52: {  	[sflag:s24] =	ssyncset.done $0x0  }
0x53: {  	[sflag:s24] =	ssyncadd.s32 $0xFFFFC000  }
0x54: {  	[spmem:s3] =	stream.indirect.scatter.add.bf16 [tilespmem:s19], [sflag:$0x5], $0x40, s17, s18, $0xb8;
	[tilespmem:$0x1EC80] =	vst v63  }
0x55: {  	s26 =	simm.s32 $0x9F80  }
0x56: {  	[tilespmem:s28], [sflag:$0x4] =	stream.indirect.gather [hbm4b:s5+s18], $0x40, s26, s18, $0xb8;
	[tilespmem:$0x1EC80] =	vst v63  }
0x57: {  	_ =	swait.ge [sflag:s29], $0x4000  }
0x58: {  	[sflag:s29] =	ssyncset.done $0x0  }
0x59: {  	s20 =	simm.s32 $0xC580;
	[sflag:s29] =	ssyncadd.s32 $0xFFFFC000  }
0x5a: {  	[spmem:s3] =	stream.indirect.scatter.add.bf16 [tilespmem:s21], [sflag:$0x6], $0x40, s20, s18, $0xb8;
	[tilespmem:$0x1EC80] =	vst v63  }
0x5b: {  	_ =	swait.ge [sflag:s31], $0x4000  }
0x5c: {  	[sflag:s31] =	ssyncset.done $0x0  }
0x5d: {  	s26 =	simm.s32 $0xA080;
	[sflag:s31] =	ssyncadd.s32 $0xFFFFC000  }
0x5e: {  	[tilespmem:s19], [sflag:$0x1] =	stream.indirect.gather [hbm4b:s5+s18], $0x40, s26, s18, $0xb8;
	[tilespmem:$0x1EC80] =	vst v63  }
0x5f: {  	_ =	swait.ge [sflag:s2], $0x4000  }
0x60: {  	[sflag:s2] =	ssyncset.done $0x0  }
0x61: {  	s20 =	simm.s32 $0xC680;
	[sflag:s2] =	ssyncadd.s32 $0xFFFFC000  }
0x62: {  	[spmem:s3] =	stream.indirect.scatter.add.bf16 [tilespmem:s23], [sflag:$0x7], $0x40, s20, s18, $0xb8;
	[tilespmem:$0x1EC80] =	vst v63  }
0x63: {  	_ =	swait.ge [sflag:s7], $0x4000  }
0x64: {  	[sflag:s7] =	ssyncset.done $0x0  }
0x65: {  	s26 =	simm.s32 $0xA180;
	[sflag:s7] =	ssyncadd.s32 $0xFFFFC000  }
0x66: {  	[tilespmem:s21], [sflag:$0x2] =	stream.indirect.gather [hbm4b:s5+s18], $0x40, s26, s18, $0xb8;
	[tilespmem:$0x1EC80] =	vst v63  }
0x67: {  	_ =	swait.ge [sflag:s22], $0x4000  }
0x68: {  	[sflag:s22] =	ssyncset.done $0x0  }
0x69: {  	s20 =	simm.s32 $0xC780;
	[sflag:s22] =	ssyncadd.s32 $0xFFFFC000  }
0x6a: {  	[spmem:s3] =	stream.indirect.scatter.add.bf16 [tilespmem:s28], [sflag:$0x8], $0x40, s20, s18, $0xb8;
	[tilespmem:$0x1EC80] =	vst v63  }
0x6b: {  	_ =	swait.ge [sflag:s30], $0x4000  }
0x6c: {  	[sflag:s30] =	ssyncset.done $0x0  }
0x6d: {  	s26 =	simm.s32 $0xA280;
	[sflag:s30] =	ssyncadd.s32 $0xFFFFC000  }
0x6e: {  	[tilespmem:s23], [sflag:$0x3] =	stream.indirect.gather [hbm4b:s5+s18], $0x40, s26, s18, $0xb8;
	[tilespmem:$0x1EC80] =	vst v63  }
0x6f: {  	_ =	swait.ge [sflag:s24], $0x4000  }
0x70: {  	[sflag:s24] =	ssyncset.done $0x0  }
0x71: {  	s20 =	simm.s32 $0xC880;
	[sflag:s24] =	ssyncadd.s32 $0xFFFFC000  }
0x72: {  	[spmem:s3] =	stream.indirect.scatter.add.bf16 [tilespmem:s19], [sflag:$0x5], $0x40, s20, s18, $0xb8;
	[tilespmem:$0x1EC80] =	vst v63  }
0x73: {  	_ =	swait.ge [sflag:s0], $0x4000  }
0x74: {  	[sflag:s0] =	ssyncset.done $0x0  }
0x75: {  	s26 =	simm.s32 $0xA380;
	[sflag:s0] =	ssyncadd.s32 $0xFFFFC000  }
0x76: {  	[tilespmem:s28], [sflag:$0x4] =	stream.indirect.gather [hbm4b:s5+s18], $0x40, s26, s18, $0xb8;
	[tilespmem:$0x1EC80] =	vst v63  }
0x77: {  	_ =	swait.ge [sflag:s29], $0x4000  }
0x78: {  	[sflag:s29] =	ssyncset.done $0x0  }
0x79: {  	s20 =	simm.s32 $0xC980;
	[sflag:s29] =	ssyncadd.s32 $0xFFFFC000  }
0x7a: {  	[spmem:s3] =	stream.indirect.scatter.add.bf16 [tilespmem:s21], [sflag:$0x6], $0x40, s20, s18, $0xb8;
	[tilespmem:$0x1EC80] =	vst v63  }
0x7b: {  	_ =	swait.ge [sflag:s31], $0x4000  }
0x7c: {  	[sflag:s31] =	ssyncset.done $0x0  }
0x7d: {  	s26 =	simm.s32 $0xA480;
	[sflag:s31] =	ssyncadd.s32 $0xFFFFC000  }
0x7e: {  	[tilespmem:s19], [sflag:$0x1] =	stream.indirect.gather [hbm4b:s5+s18], $0x40, s26, s18, $0xb8;
	[tilespmem:$0x1EC80] =	vst v63  }
0x7f: {  	_ =	swait.ge [sflag:s2], $0x4000  }
0x80: {  	[sflag:s2] =	ssyncset.done $0x0  }
0x81: {  	s20 =	simm.s32 $0xCA80;
	[sflag:s2] =	ssyncadd.s32 $0xFFFFC000  }
0x82: {  	[spmem:s3] =	stream.indirect.scatter.add.bf16 [tilespmem:s23], [sflag:$0x7], $0x40, s20, s18, $0xb8;
	[tilespmem:$0x1EC80] =	vst v63  }
0x83: {  	_ =	swait.ge [sflag:s7], $0x4000  }
0x84: {  	[sflag:s7] =	ssyncset.done $0x0  }
0x85: {  	s26 =	simm.s32 $0xA580;
	[sflag:s7] =	ssyncadd.s32 $0xFFFFC000  }
0x86: {  	[tilespmem:s21], [sflag:$0x2] =	stream.indirect.gather [hbm4b:s5+s18], $0x40, s26, s18, $0xb8;
	[tilespmem:$0x1EC80] =	vst v63  }
0x87: {  	_ =	swait.ge [sflag:s22], $0x4000  }
0x88: {  	[sflag:s22] =	ssyncset.done $0x0  }
0x89: {  	s20 =	simm.s32 $0x1000;
	s26 =	simm.s32 $0xCB80;
	[sflag:s22] =	ssyncadd.s32 $0xFFFFC000  }
.LBB2_6:
0x8a: {  	[spmem:s3] =	stream.indirect.scatter.add.bf16 [tilespmem:s28], [sflag:$0x8], $0x40, s26, s18, $0xb8;
	[tilespmem:$0x1EC80] =	vst v63  }
0x8b: {  	s4 =	smov.u32 s20  }
0x8c: {  	p1 =	sne.s32 s20, $0x7000;
	s20 =	sadd.s32 $0x1000, s20;
	_ =	swait.ge [sflag:s30], $0x4000  }
0x8d: {  	s26 =	sshra.s32 s4, $0x2;
	[sflag:s30] =	ssyncset.done $0x0  }
0x8e: {  	s4 =	sadd.s32 $0xA280, s26;
	[sflag:s30] =	ssyncadd.s32 $0xFFFFC000  }
0x8f: {  	[tilespmem:s23], [sflag:$0x3] =	stream.indirect.gather [hbm4b:s5+s18], $0x40, s4, s18, $0xb8;
	[tilespmem:$0x1EC80] =	vst v63  }
0x90: {  	_ =	swait.ge [sflag:s24], $0x4000  }
0x91: {  	[sflag:s24] =	ssyncset.done $0x0  }
0x92: {  	s4 =	sadd.s32 $0xC880, s26;
	[sflag:s24] =	ssyncadd.s32 $0xFFFFC000  }
0x93: {  	[spmem:s3] =	stream.indirect.scatter.add.bf16 [tilespmem:s19], [sflag:$0x5], $0x40, s4, s18, $0xb8;
	[tilespmem:$0x1EC80] =	vst v63  }
0x94: {  	_ =	swait.ge [sflag:s0], $0x4000  }
0x95: {  	[sflag:s0] =	ssyncset.done $0x0  }
0x96: {  	s4 =	sadd.s32 $0xA380, s26;
	[sflag:s0] =	ssyncadd.s32 $0xFFFFC000  }
0x97: {  	[tilespmem:s28], [sflag:$0x4] =	stream.indirect.gather [hbm4b:s5+s18], $0x40, s4, s18, $0xb8;
	[tilespmem:$0x1EC80] =	vst v63  }
0x98: {  	_ =	swait.ge [sflag:s29], $0x4000  }
0x99: {  	[sflag:s29] =	ssyncset.done $0x0  }
0x9a: {  	s4 =	sadd.s32 $0xC980, s26;
	[sflag:s29] =	ssyncadd.s32 $0xFFFFC000  }
0x9b: {  	[spmem:s3] =	stream.indirect.scatter.add.bf16 [tilespmem:s21], [sflag:$0x6], $0x40, s4, s18, $0xb8;
	[tilespmem:$0x1EC80] =	vst v63  }
0x9c: {  	_ =	swait.ge [sflag:s31], $0x4000  }
0x9d: {  	[sflag:s31] =	ssyncset.done $0x0  }
0x9e: {  	s4 =	sadd.s32 $0xA480, s26;
	[sflag:s31] =	ssyncadd.s32 $0xFFFFC000  }
0x9f: {  	[tilespmem:s19], [sflag:$0x1] =	stream.indirect.gather [hbm4b:s5+s18], $0x40, s4, s18, $0xb8;
	[tilespmem:$0x1EC80] =	vst v63  }
0xa0: {  	_ =	swait.ge [sflag:s2], $0x4000  }
0xa1: {  	[sflag:s2] =	ssyncset.done $0x0  }
0xa2: {  	s4 =	sadd.s32 $0xCA80, s26;
	[sflag:s2] =	ssyncadd.s32 $0xFFFFC000  }
0xa3: {  	[spmem:s3] =	stream.indirect.scatter.add.bf16 [tilespmem:s23], [sflag:$0x7], $0x40, s4, s18, $0xb8;
	[tilespmem:$0x1EC80] =	vst v63  }
0xa4: {  	_ =	swait.ge [sflag:s7], $0x4000  }
0xa5: {  	[sflag:s7] =	ssyncset.done $0x0  }
.Ltmp3:
0xa6: {  	s4 =	sadd.s32 $0xA580, s26;
	[sflag:s7] =	ssyncadd.s32 $0xFFFFC000;
	(pc) =	sbr.rel @p1 .LBB2_6-.Ltmp3, $4  }
0xa7: {  	[tilespmem:s21], [sflag:$0x2] =	stream.indirect.gather [hbm4b:s5+s18], $0x40, s4, s18, $0xb8;
	[tilespmem:$0x1EC80] =	vst v63  }
0xa8: {  	_ =	swait.ge [sflag:s22], $0x4000  }
0xa9: {  	[sflag:s22] =	ssyncset.done $0x0  }
0xaa: {  	s26 =	sadd.s32 $0xCB80, s26;
	[sflag:s22] =	ssyncadd.s32 $0xFFFFC000  }
.Ltmp4:
0xab: {  	_ = 	snop;
	(pc) =	sbr.rel .LBB2_7-.Ltmp4, $1  }
0xac: {  	_ =	sdelay $0x3  }
.LBB2_2:
0xad: {  	[tilespmem:s19], [sflag:$0x1] =	stream.indirect.gather [hbm4b:s1+s18], $0x40, s16, s18, $0xb8;
	[tilespmem:$0x1EC80] =	vst v63  }
0xae: {  	s4 =	simm.s32 $0x9D80  }
0xaf: {  	[tilespmem:s21], [sflag:$0x2] =	stream.indirect.gather [hbm4b:s1+s18], $0x40, s4, s18, $0xb8;
	[tilespmem:$0x1EC80] =	vst v63  }
0xb0: {  	s26 =	simm.s32 $0x9E80  }
0xb1: {  	[tilespmem:s23], [sflag:$0x3] =	stream.indirect.gather [hbm4b:s1+s18], $0x40, s26, s18, $0xb8;
	[tilespmem:$0x1EC80] =	vst v63  }
0xb2: {  	_ =	swait.ge [sflag:s24], $0x4000  }
0xb3: {  	[sflag:s24] =	ssyncset.done $0x0  }
0xb4: {  	[sflag:s24] =	ssyncadd.s32 $0xFFFFC000  }
0xb5: {  	[spmem:s3] =	stream.indirect.scatter.add.bf16 [tilespmem:s19], [sflag:$0x5], $0x40, s17, s18, $0xb8;
	[tilespmem:$0x1EC80] =	vst v63  }
0xb6: {  	s20 =	simm.s32 $0x9F80  }
0xb7: {  	[tilespmem:s28], [sflag:$0x4] =	stream.indirect.gather [hbm4b:s1+s18], $0x40, s20, s18, $0xb8;
	[tilespmem:$0x1EC80] =	vst v63  }
0xb8: {  	_ =	swait.ge [sflag:s29], $0x4000  }
0xb9: {  	[sflag:s29] =	ssyncset.done $0x0  }
0xba: {  	s26 =	simm.s32 $0xC580;
	[sflag:s29] =	ssyncadd.s32 $0xFFFFC000  }
0xbb: {  	[spmem:s3] =	stream.indirect.scatter.add.bf16 [tilespmem:s21], [sflag:$0x6], $0x40, s26, s18, $0xb8;
	[tilespmem:$0x1EC80] =	vst v63  }
0xbc: {  	_ =	swait.ge [sflag:s31], $0x4000  }
0xbd: {  	[sflag:s31] =	ssyncset.done $0x0  }
0xbe: {  	s20 =	simm.s32 $0xA080;
	[sflag:s31] =	ssyncadd.s32 $0xFFFFC000  }
0xbf: {  	[tilespmem:s19], [sflag:$0x1] =	stream.indirect.gather [hbm4b:s1+s18], $0x40, s20, s18, $0xb8;
	[tilespmem:$0x1EC80] =	vst v63  }
0xc0: {  	_ =	swait.ge [sflag:s2], $0x4000  }
0xc1: {  	[sflag:s2] =	ssyncset.done $0x0  }
0xc2: {  	s26 =	simm.s32 $0xC680;
	[sflag:s2] =	ssyncadd.s32 $0xFFFFC000  }
0xc3: {  	[spmem:s3] =	stream.indirect.scatter.add.bf16 [tilespmem:s23], [sflag:$0x7], $0x40, s26, s18, $0xb8;
	[tilespmem:$0x1EC80] =	vst v63  }
0xc4: {  	_ =	swait.ge [sflag:s7], $0x4000  }
0xc5: {  	[sflag:s7] =	ssyncset.done $0x0  }
0xc6: {  	s20 =	simm.s32 $0xA180;
	[sflag:s7] =	ssyncadd.s32 $0xFFFFC000  }
0xc7: {  	[tilespmem:s21], [sflag:$0x2] =	stream.indirect.gather [hbm4b:s1+s18], $0x40, s20, s18, $0xb8;
	[tilespmem:$0x1EC80] =	vst v63  }
0xc8: {  	_ =	swait.ge [sflag:s22], $0x4000  }
0xc9: {  	[sflag:s22] =	ssyncset.done $0x0  }
0xca: {  	s26 =	simm.s32 $0xC780;
	[sflag:s22] =	ssyncadd.s32 $0xFFFFC000  }
0xcb: {  	[spmem:s3] =	stream.indirect.scatter.add.bf16 [tilespmem:s28], [sflag:$0x8], $0x40, s26, s18, $0xb8;
	[tilespmem:$0x1EC80] =	vst v63  }
0xcc: {  	_ =	swait.ge [sflag:s30], $0x4000  }
0xcd: {  	[sflag:s30] =	ssyncset.done $0x0  }
0xce: {  	s20 =	simm.s32 $0xA280;
	[sflag:s30] =	ssyncadd.s32 $0xFFFFC000  }
0xcf: {  	[tilespmem:s23], [sflag:$0x3] =	stream.indirect.gather [hbm4b:s1+s18], $0x40, s20, s18, $0xb8;
	[tilespmem:$0x1EC80] =	vst v63  }
0xd0: {  	_ =	swait.ge [sflag:s24], $0x4000  }
0xd1: {  	[sflag:s24] =	ssyncset.done $0x0  }
0xd2: {  	s4 =	simm.s32 $0xC880;
	[sflag:s24] =	ssyncadd.s32 $0xFFFFC000  }
0xd3: {  	[spmem:s3] =	stream.indirect.scatter.add.bf16 [tilespmem:s19], [sflag:$0x5], $0x40, s4, s18, $0xb8;
	[tilespmem:$0x1EC80] =	vst v63  }
0xd4: {  	_ =	swait.ge [sflag:s0], $0x4000  }
0xd5: {  	[sflag:s0] =	ssyncset.done $0x0  }
0xd6: {  	s26 =	simm.s32 $0xA380;
	[sflag:s0] =	ssyncadd.s32 $0xFFFFC000  }
0xd7: {  	[tilespmem:s28], [sflag:$0x4] =	stream.indirect.gather [hbm4b:s1+s18], $0x40, s26, s18, $0xb8;
	[tilespmem:$0x1EC80] =	vst v63  }
0xd8: {  	_ =	swait.ge [sflag:s29], $0x4000  }
0xd9: {  	[sflag:s29] =	ssyncset.done $0x0  }
0xda: {  	s4 =	simm.s32 $0xC980;
	[sflag:s29] =	ssyncadd.s32 $0xFFFFC000  }
0xdb: {  	[spmem:s3] =	stream.indirect.scatter.add.bf16 [tilespmem:s21], [sflag:$0x6], $0x40, s4, s18, $0xb8;
	[tilespmem:$0x1EC80] =	vst v63  }
0xdc: {  	_ =	swait.ge [sflag:s31], $0x4000  }
0xdd: {  	[sflag:s31] =	ssyncset.done $0x0  }
0xde: {  	s26 =	simm.s32 $0xA480;
	[sflag:s31] =	ssyncadd.s32 $0xFFFFC000  }
0xdf: {  	[tilespmem:s19], [sflag:$0x1] =	stream.indirect.gather [hbm4b:s1+s18], $0x40, s26, s18, $0xb8;
	[tilespmem:$0x1EC80] =	vst v63  }
0xe0: {  	_ =	swait.ge [sflag:s2], $0x4000  }
0xe1: {  	[sflag:s2] =	ssyncset.done $0x0  }
0xe2: {  	s4 =	simm.s32 $0xCA80;
	[sflag:s2] =	ssyncadd.s32 $0xFFFFC000  }
0xe3: {  	[spmem:s3] =	stream.indirect.scatter.add.bf16 [tilespmem:s23], [sflag:$0x7], $0x40, s4, s18, $0xb8;
	[tilespmem:$0x1EC80] =	vst v63  }
0xe4: {  	_ =	swait.ge [sflag:s7], $0x4000  }
0xe5: {  	[sflag:s7] =	ssyncset.done $0x0  }
0xe6: {  	s26 =	simm.s32 $0xA580;
	[sflag:s7] =	ssyncadd.s32 $0xFFFFC000  }
0xe7: {  	[tilespmem:s21], [sflag:$0x2] =	stream.indirect.gather [hbm4b:s1+s18], $0x40, s26, s18, $0xb8;
	[tilespmem:$0x1EC80] =	vst v63  }
0xe8: {  	_ =	swait.ge [sflag:s22], $0x4000  }
0xe9: {  	[sflag:s22] =	ssyncset.done $0x0  }
0xea: {  	s20 =	simm.s32 $0x1000;
	s26 =	simm.s32 $0xCB80;
	[sflag:s22] =	ssyncadd.s32 $0xFFFFC000  }
.LBB2_3:
0xeb: {  	[spmem:s3] =	stream.indirect.scatter.add.bf16 [tilespmem:s28], [sflag:$0x8], $0x40, s26, s18, $0xb8;
	[tilespmem:$0x1EC80] =	vst v63  }
0xec: {  	s26 =	smov.u32 s20  }
0xed: {  	p1 =	seq.s32 s20, $0x7000;
	s20 =	sadd.s32 $0x1000, s20;
	_ =	swait.ge [sflag:s30], $0x4000  }
0xee: {  	s26 =	sshra.s32 s26, $0x2;
	[sflag:s30] =	ssyncset.done $0x0  }
0xef: {  	s4 =	sadd.s32 $0xA280, s26;
	[sflag:s30] =	ssyncadd.s32 $0xFFFFC000  }
0xf0: {  	[tilespmem:s23], [sflag:$0x3] =	stream.indirect.gather [hbm4b:s1+s18], $0x40, s4, s18, $0xb8;
	[tilespmem:$0x1EC80] =	vst v63  }
0xf1: {  	_ =	swait.ge [sflag:s24], $0x4000  }
0xf2: {  	[sflag:s24] =	ssyncset.done $0x0  }
0xf3: {  	s4 =	sadd.s32 $0xC880, s26;
	[sflag:s24] =	ssyncadd.s32 $0xFFFFC000  }
0xf4: {  	[spmem:s3] =	stream.indirect.scatter.add.bf16 [tilespmem:s19], [sflag:$0x5], $0x40, s4, s18, $0xb8;
	[tilespmem:$0x1EC80] =	vst v63  }
0xf5: {  	_ =	swait.ge [sflag:s0], $0x4000  }
0xf6: {  	[sflag:s0] =	ssyncset.done $0x0  }
0xf7: {  	s4 =	sadd.s32 $0xA380, s26;
	[sflag:s0] =	ssyncadd.s32 $0xFFFFC000  }
0xf8: {  	[tilespmem:s28], [sflag:$0x4] =	stream.indirect.gather [hbm4b:s1+s18], $0x40, s4, s18, $0xb8;
	[tilespmem:$0x1EC80] =	vst v63  }
0xf9: {  	_ =	swait.ge [sflag:s29], $0x4000  }
0xfa: {  	[sflag:s29] =	ssyncset.done $0x0  }
0xfb: {  	s4 =	sadd.s32 $0xC980, s26;
	[sflag:s29] =	ssyncadd.s32 $0xFFFFC000  }
0xfc: {  	[spmem:s3] =	stream.indirect.scatter.add.bf16 [tilespmem:s21], [sflag:$0x6], $0x40, s4, s18, $0xb8;
	[tilespmem:$0x1EC80] =	vst v63  }
0xfd: {  	_ =	swait.ge [sflag:s31], $0x4000  }
0xfe: {  	[sflag:s31] =	ssyncset.done $0x0  }
0xff: {  	s4 =	sadd.s32 $0xA480, s26;
	[sflag:s31] =	ssyncadd.s32 $0xFFFFC000  }
0x100: {  	[tilespmem:s19], [sflag:$0x1] =	stream.indirect.gather [hbm4b:s1+s18], $0x40, s4, s18, $0xb8;
	[tilespmem:$0x1EC80] =	vst v63  }
0x101: {  	_ =	swait.ge [sflag:s2], $0x4000  }
0x102: {  	[sflag:s2] =	ssyncset.done $0x0  }
0x103: {  	s4 =	sadd.s32 $0xCA80, s26;
	[sflag:s2] =	ssyncadd.s32 $0xFFFFC000  }
0x104: {  	[spmem:s3] =	stream.indirect.scatter.add.bf16 [tilespmem:s23], [sflag:$0x7], $0x40, s4, s18, $0xb8;
	[tilespmem:$0x1EC80] =	vst v63  }
0x105: {  	_ =	swait.ge [sflag:s7], $0x4000  }
0x106: {  	[sflag:s7] =	ssyncset.done $0x0  }
.Ltmp5:
0x107: {  	s4 =	sadd.s32 $0xA580, s26;
	[sflag:s7] =	ssyncadd.s32 $0xFFFFC000;
	(pc) =	sbr.rel @!p1 .LBB2_3-.Ltmp5, $4  }
0x108: {  	[tilespmem:s21], [sflag:$0x2] =	stream.indirect.gather [hbm4b:s1+s18], $0x40, s4, s18, $0xb8;
	[tilespmem:$0x1EC80] =	vst v63  }
0x109: {  	_ =	swait.ge [sflag:s22], $0x4000  }
0x10a: {  	[sflag:s22] =	ssyncset.done $0x0  }
0x10b: {  	s26 =	sadd.s32 $0xCB80, s26;
	[sflag:s22] =	ssyncadd.s32 $0xFFFFC000  }
0x10c: {  	[spmem:s3] =	stream.indirect.scatter.add.bf16 [tilespmem:s28], [sflag:$0x8], $0x40, s26, s18, $0xb8;
	[tilespmem:$0x1EC80] =	vst v63  }
0x10d: {  	_ =	swait.ge [sflag:s30], $0x4000  }
0x10e: {  	[sflag:s30] =	ssyncset.done $0x0  }
0x10f: {  	s4 =	simm.s32 $0xC280;
	[sflag:s30] =	ssyncadd.s32 $0xFFFFC000  }
0x110: {  	[tilespmem:s23], [sflag:$0x3] =	stream.indirect.gather [hbm4b:s1+s18], $0x40, s4, s18, $0xb8;
	[tilespmem:$0x1EC80] =	vst v63  }
0x111: {  	_ =	swait.ge [sflag:s24], $0x4000  }
0x112: {  	[sflag:s24] =	ssyncset.done $0x0  }
0x113: {  	s26 =	simm.s32 $0xE880;
	[sflag:s24] =	ssyncadd.s32 $0xFFFFC000  }
0x114: {  	[spmem:s3] =	stream.indirect.scatter.add.bf16 [tilespmem:s19], [sflag:$0x5], $0x40, s26, s18, $0xb8;
	[tilespmem:$0x1EC80] =	vst v63  }
0x115: {  	_ =	swait.ge [sflag:s0], $0x4000  }
0x116: {  	[sflag:s0] =	ssyncset.done $0x0  }
0x117: {  	s20 =	simm.s32 $0xC380;
	[sflag:s0] =	ssyncadd.s32 $0xFFFFC000  }
0x118: {  	[tilespmem:s28], [sflag:$0x4] =	stream.indirect.gather [hbm4b:s1+s18], $0x40, s20, s18, $0xb8;
	[tilespmem:$0x1EC80] =	vst v63  }
0x119: {  	_ =	swait.ge [sflag:s29], $0x4000  }
0x11a: {  	[sflag:s29] =	ssyncset.done $0x0  }
0x11b: {  	s26 =	simm.s32 $0xE980;
	[sflag:s29] =	ssyncadd.s32 $0xFFFFC000  }
0x11c: {  	[spmem:s3] =	stream.indirect.scatter.add.bf16 [tilespmem:s21], [sflag:$0x6], $0x40, s26, s18, $0xb8;
	[tilespmem:$0x1EC80] =	vst v63  }
0x11d: {  	_ =	swait.ge [sflag:s2], $0x4000  }
0x11e: {  	[sflag:s2] =	ssyncset.done $0x0  }
0x11f: {  	s20 =	simm.s32 $0xEA80;
	[sflag:s2] =	ssyncadd.s32 $0xFFFFC000  }
0x120: {  	[spmem:s3] =	stream.indirect.scatter.add.bf16 [tilespmem:s23], [sflag:$0x7], $0x40, s20, s18, $0xb8;
	[tilespmem:$0x1EC80] =	vst v63  }
.Ltmp6:
0x121: {  	_ = 	snop;
	(pc) =	sbr.rel .LBB2_8-.Ltmp6, $4  }
0x122: {  	_ =	swait.ge [sflag:s22], $0x4000  }
0x123: {  	[sflag:s22] =	ssyncset.done $0x0  }
0x124: {  	s26 =	simm.s32 $0xEB80;
	s20 =	rddreg [dreg:$0x4];
	[sflag:s22] =	ssyncadd.s32 $0xFFFFC000  }
0x125: {  	[spmem:s3] =	stream.indirect.scatter.add.bf16 [tilespmem:s28], [sflag:$0x8], $0x40, s26, s18, $0xb8;
	[tilespmem:$0x1EC80] =	vst v63  }
.LBB2_9:
0x126: {  	_ =	sfence.sel $0x180000  }
0x127: {  	[bflag:$0x0] =	sbarrier.arrive $0xFFFF  }
0x128: {  	_ =	strace $0x9000004D  }
0x129: {  	s0 =	stileid.u32;
	[bflag:$0x2] =	sbarrier.arrive $0xFFFF  }
0x12a: {  	p0 =	sne.s32 s0, $0x0;
	s0 =	rddreg [dreg:$0x3]  }
0x12b: {  	s0 =	sadd.s32 @!p0 $0x100000, s0  }
0x12c: {  	[sflag:s0] =	ssyncadd.tile.s32 @!p0 $0x1;
	_ =	shalt  }
.Lfunc_end2:
_tile_overlayer_lowered:
.L_overlay_start_2:
0x12d: {  	(tag) =	ssettag $0x2  }
0x12e: {  	s0 =	rddreg [dreg:$0x0];
	s2 =	stileid.u32  }
0x12f: {  	s1 =	rddreg [dreg:$0x1];
	p0 =	sne.s32 s2, $0x0  }
0x130: {  	s3 =	rddreg [dreg:$0x2];
	[bflag:$0x3] =	sbarrier.arrive $0xFFFF;
	s2 =	simm.s32 @!p0 $0x1C09  }
0x131: {  	[timem:s3], [sflag:s2] =	dma.local @!p0 [hbm:s0], s1  }
0x132: {  	s0 =	simm.s32 @!p0 $0x9  }
0x133: {  	_ =	swait.ge @!p0 [sflag:s0], s1  }
0x134: {  	s1 =	ssub.s32 @!p0 $0x0, s1;
	[sflag:s0] =	ssyncset.done @!p0 $0x0  }
0x135: {  	[sflag:s0] =	ssyncadd.s32 @!p0 s1  }
0x136: {  	[bflag:$0x3] =	sbarrier.arrive $0xFFFF  }
0x137: {  	_ =	shalt  }

// kernel: kernel.20.cloned.1.call-start
scs
__scs_entry_jumppad:
0x0: {  	(pc) =	sbr.rel $0x88, $3  }
0x1: {  	(tag) =	ssettag $0x0;
	lr =	simm.s32 $0x1  }
0x2: {  	[smem:$0x3F93] =	sst lr;
	_ =	strace $0xD0000000  }
0x3: {  	_ = 	snop  }
0x4: {  	_ = 	snop  }
0x5: {  	_ = 	snop  }
0x6: {  	_ = 	snop  }
0x7: {  	_ = 	snop  }
__scs_overlays_trampoline_lowered:
0x8: {  	[smem:$0x3FA2] =	sst s0  }
0x9: {  	[smem:$0x3FA3] =	sst s1  }
0xa: {  	[smem:$0x3FA4] =	sst s2  }
0xb: {  	[smem:$0x3FA5] =	sst s3  }
0xc: {  	[smem:$0x3FA6] =	sst s4  }
0xd: {  	[smem:$0x3FA7] =	sst s5  }
0xe: {  	[smem:$0x3FA8] =	sst s6  }
0xf: {  	[smem:$0x3FA9] =	sst s7  }
0x10: {  	[smem:$0x3FAA] =	sst s8  }
0x11: {  	[smem:$0x3FAB] =	sst s9;
	s0 =	simm.s32 @!p0 $0x0  }
0x12: {  	s1 =	sld [smem:$0x3F91];
	s0 =	simm.s32 @p0 $0x1  }
0x13: {  	[smem:$0x3FAC] =	sst s0;
	s0 =	simm.s32 @!p1 $0x0  }
0x14: {  	s2 =	sld [smem:$0x3F90];
	s0 =	simm.s32 @p1 $0x1  }
0x15: {  	[smem:$0x3FAD] =	sst s0;
	s0 =	simm.s32 @!p2 $0x0  }
0x16: {  	s3 =	sld [smem:$0x3FDB];
	s0 =	simm.s32 @p2 $0x1  }
0x17: {  	s4 =	simm.s32 $0x1BF5;
	[smem:$0x3FAF] =	sst s0  }
0x18: {  	s0 =	sld [smem:$0x3F92];
	_ =	swait.ge [sflag:s4], $0x0  }
0x19: {  	s7 =	sld [smem:$0x3F93]  }
0x1a: {  	s8 =	sadd.s32 $0xFFFFE003, lr  }
0x1b: {  	s9 =	sadd.s32 $0xFFFFFEF7, lr;
	s5 =	simm.s32 $0xFFFFFFFF;
	p2 =	slt.u32 s8, $0xFFFFF086  }
0x1c: {  	p1 =	slt.u32 s9, $0xF7A;
	s5 =	simm.s32 @!p2 $0x0  }
0x1d: {  	s5 =	simm.s32 @p1 $0x1;
	p0 =	seq.s32 s7, s2  }
0x1e: {  	s7 =	smul.u32 @!p0 $0xF7A, s2;
	p2 =	seq.s32 @!p0 s5, $0x0  }
0x1f: {  	s9 =	smul.u32 $0xF7A, s1;
	s8 =	simm.s32 @!p0 $0x1BF5;
	p2 =	por !p2, p0  }
0x20: {  	[sflag:s8] =	ssyncset.s32 @!p0 $0xFFFFF086;
	s6 =	sadd.s32 @!p0 s3, s7;
	s7 =	simm.s32 @!p0 $0x108  }
0x21: {  	s3 =	sadd.s32 s3, s9;
	s6 =	sadd.s32 @!p0 $0x88, s6;
	s7 =	simm.s32 @p2 $0x1082  }
0x22: {  	[simem:s7], [sflag:s8] =	dma.local @!p0 [hbm:s6], $0xF7A  }
0x23: {  	s9 =	sor.u32 $0xD0000000, s2;
	s6 =	simm.s32 $0x108;
	_ =	swait.ge @!p0 [sflag:s8], $0x0  }
0x24: {  	s3 =	sadd.s32 $0x88, s3;
	s6 =	simm.s32 @!p1 $0x1082;
	[sflag:s4] =	ssyncset.s32 $0xFFFFF086  }
0x25: {  	[simem:s6], [sflag:s4] =	dma.local [hbm:s3], $0xF7A  }
0x26: {  	[smem:$0x3F93] =	sst s1;
	(tag) =	ssettag s2;
	_ =	strace s9  }
0x27: {  	s1 =	sld [smem:$0x3FA3]  }
0x28: {  	s2 =	sld [smem:$0x3FA4]  }
0x29: {  	s4 =	sld [smem:$0x3FA6]  }
0x2a: {  	p0 =	seq.s32 s5, $0x0;
	s5 =	sld [smem:$0x3FA7]  }
0x2b: {  	s6 =	sld [smem:$0x3FA8]  }
0x2c: {  	s7 =	sld [smem:$0x3FA9]  }
0x2d: {  	s3 =	simm.s32 $0x108;
	s8 =	sld [smem:$0x3FAA]  }
0x2e: {  	s3 =	simm.s32 @!p0 $0x1082;
	s9 =	sld [smem:$0x3FAB]  }
0x2f: {  	lr =	sadd.s32 s0, s3;
	s0 =	sld [smem:$0x3FA2]  }
0x30: {  	s3 =	sld [smem:$0x3FA5]  }
0x31: {  	[smem:$0x3FAE] =	sst s10  }
0x32: {  	s10 =	sld [smem:$0x3FAC];
	_ =	sdelay $0x3  }
0x33: {  	p0 =	seq.s32 s10, $0x1;
	s10 =	sld [smem:$0x3FAE];
	_ =	sdelay $0x3  }
0x34: {  	[smem:$0x3FAE] =	sst s10  }
0x35: {  	s10 =	sld [smem:$0x3FAD];
	_ =	sdelay $0x3  }
0x36: {  	p1 =	seq.s32 s10, $0x1;
	s10 =	sld [smem:$0x3FAE];
	_ =	sdelay $0x3  }
0x37: {  	[smem:$0x3FAE] =	sst s10  }
0x38: {  	s10 =	sld [smem:$0x3FAF]  }
0x39: {  	_ = 	snop;
	(pc) =	sbr.ind lr, $3  }
0x3a: {  	_ = 	snop  }
0x3b: {  	_ = 	snop  }
0x3c: {  	p2 =	seq.s32 s10, $0x1;
	s10 =	sld [smem:$0x3FAE]  }
0x3d: {  	_ =	shalt  }
0x3e: {  	_ =	shalt  }
0x3f: {  	_ =	shalt  }
0x40: {  	_ =	shalt  }
0x41: {  	_ =	shalt  }
0x42: {  	_ =	shalt  }
0x43: {  	_ =	shalt  }
0x44: {  	_ =	shalt  }
0x45: {  	_ =	shalt  }
0x46: {  	_ =	shalt  }
0x47: {  	_ =	shalt  }
0x48: {  	_ =	shalt  }
0x49: {  	_ =	shalt  }
0x4a: {  	_ =	shalt  }
0x4b: {  	_ =	shalt  }
0x4c: {  	_ =	shalt  }
0x4d: {  	_ =	shalt  }
0x4e: {  	_ =	shalt  }
0x4f: {  	_ =	shalt  }
0x50: {  	_ =	shalt  }
0x51: {  	_ =	shalt  }
0x52: {  	_ =	shalt  }
0x53: {  	_ =	shalt  }
0x54: {  	_ =	shalt  }
0x55: {  	_ =	shalt  }
0x56: {  	_ =	shalt  }
0x57: {  	_ =	shalt  }
0x58: {  	_ =	shalt  }
0x59: {  	_ =	shalt  }
0x5a: {  	_ =	shalt  }
0x5b: {  	_ =	shalt  }
0x5c: {  	_ =	shalt  }
0x5d: {  	_ =	shalt  }
0x5e: {  	_ =	shalt  }
0x5f: {  	_ =	shalt  }
0x60: {  	_ =	shalt  }
0x61: {  	_ =	shalt  }
0x62: {  	_ =	shalt  }
0x63: {  	_ =	shalt  }
0x64: {  	_ =	shalt  }
0x65: {  	_ =	shalt  }
0x66: {  	_ =	shalt  }
0x67: {  	_ =	shalt  }
0x68: {  	_ =	shalt  }
0x69: {  	_ =	shalt  }
0x6a: {  	_ =	shalt  }
0x6b: {  	_ =	shalt  }
0x6c: {  	_ =	shalt  }
0x6d: {  	_ =	shalt  }
0x6e: {  	_ =	shalt  }
0x6f: {  	_ =	shalt  }
0x70: {  	_ =	shalt  }
0x71: {  	_ =	shalt  }
0x72: {  	_ =	shalt  }
0x73: {  	_ =	shalt  }
0x74: {  	_ =	shalt  }
0x75: {  	_ =	shalt  }
0x76: {  	_ =	shalt  }
0x77: {  	_ =	shalt  }
0x78: {  	_ =	shalt  }
0x79: {  	_ =	shalt  }
0x7a: {  	_ =	shalt  }
0x7b: {  	_ =	shalt  }
0x7c: {  	_ =	shalt  }
0x7d: {  	_ =	shalt  }
0x7e: {  	_ =	shalt  }
0x7f: {  	_ =	shalt  }
0x80: {  	_ =	shalt  }
0x81: {  	_ =	shalt  }
0x82: {  	_ =	shalt  }
0x83: {  	_ =	shalt  }
0x84: {  	_ =	shalt  }
0x85: {  	_ =	shalt  }
0x86: {  	_ =	shalt  }
0x87: {  	_ =	shalt  }
.Lfunc_end0:
.L_simem_size_0:
called_computation.3_lowered:
.L_overlay_start_0:
0x88: {  	s2 =	sld [smem:$0x3FD9]  }
0x89: {  	s3 =	sld [smem:$0x3FFE];
	_ =	sdelay $0x1  }
0x8a: {  	s1 =	srdreg.scid  }
0x8b: {  	s0 =	sand.u32 $0x1, s1  }
0x8c: {  	s17 =	sshll.u32 s0, $0xA;
	s2 =	sadd.s32 s3, s2  }
0x8d: {  	s2 =	sadd.s32 s2, s17  }
0x8e: {  	[smem:$0x3FBA] =	sst s2  }
0x8f: {  	_ = 	snop  }
0x90: {  	s2 =	sld [smem:$0x3FD0];
	(tm) =	ssettm $0x1  }
0x91: {  	s18 =	sld [smem:$0x3FFB];
	_ =	sdelay $0x3  }
0x92: {  	_ =	strace s18  }
0x93: {  	s3 =	sld [smem:$0x3FFC];
	_ =	sdelay $0x3  }
0x94: {  	_ =	strace s3  }
0x95: {  	s3 =	sld [smem:$0x3FFD];
	_ =	sdelay $0x3  }
0x96: {  	_ =	strace s3  }
0x97: {  	_ =	strace $0x8FFFFFFF  }
0x98: {  	s19 =	sld [smem:$0x3FDB];
	_ =	sdelay $0x1  }
0x99: {  	s4 =	simm.s32 $_scs_section_size  }
0x9a: {  	s5 =	simm.s32 $_size__tile_overlayer_lowered;
	s6 =	simm.s32 $_tile_overlayer_lowered  }
0x9b: {  	s22 =	simm.s32 $0x1BFF;
	s21 =	sshll.u32 s6, $0x1;
	s3 =	sadd.s32 s4, s19  }
0x9c: {  	s7 =	simm.s32 $0x0;
	s20 =	sshll.u32 s5, $0x1;
	s5 =	sadd.s32 s21, s3  }
0x9d: {  	[timem:s7], [sflag:s22] =	dma.local [hbm:s5], s20  }
0x9e: {  	_ =	swait.ge [sflag:s22], s20  }
0x9f: {  	s4 =	ssub.s32 $0x0, s20;
	[sflag:s22] =	ssyncset.done $0x0  }
0xa0: {  	[sflag:s22] =	ssyncadd.s32 s4;
	_ =	sdelay $0x1  }
0xa1: {  	s23 =	simm.s32 $0x1B8B  }
0xa2: {  	_ =	swait.ge [sflag:s23], $0x1  }
0xa3: {  	[sflag:s23] =	ssyncset.done $0x0  }
0xa4: {  	s25 =	simm.s32 $0x1B8E;
	s24 =	sld [smem:$0x3FFE];
	[sflag:s23] =	ssyncadd.s32 $0xFFFFFFFF  }
0xa5: {  	s26 =	simm.s32 $execute0_lowered;
	[smem:$0x3FD2] =	sst s25  }
0xa6: {  	s5 =	sshll.u32 s26, $0x1;
	_ =	strace $0x8000004F;
	[dreg:$0x1] =	wrdreg $0xFFFFFFFF  }
0xa7: {  	s28 =	simm.s32 $_size_execute0_lowered;
	s3 =	sadd.s32 s3, s5;
	[dreg:$0x0] =	wrdreg $0x0  }
0xa8: {  	s5 =	sshll.u32 s28, $0x1;
	[dreg:$0x2] =	wrdreg s3  }
0xa9: {  	[dreg:$0x3] =	wrdreg s5  }
0xaa: {  	[dreg:$0x4] =	wrdreg $0xC0  }
0xab: {  	_ =	task [dreg:s7], $0x5FFFF  }
0xac: {  	[dreg:$0x1] =	wrdreg $0xFFFFFFFF  }
0xad: {  	[dreg:$0x0] =	wrdreg $0x60  }
0xae: {  	[dreg:$0x2] =	wrdreg s2  }
0xaf: {  	[dreg:$0x3] =	wrdreg s24  }
0xb0: {  	[dreg:$0x4] =	wrdreg $0x0  }
0xb1: {  	[dreg:$0x5] =	wrdreg $0x9  }
0xb2: {  	_ =	task.clear_ibuf [dreg:s7], $0x6FFFF;
	_ =	strace $0x9000004F  }
0xb3: {  	s29 =	simm.s32 $0x9;
	_ =	strace $0x80000051  }
0xb4: {  	_ =	swait.ge [sflag:s29], $0x1  }
0xb5: {  	[sflag:s29] =	ssyncadd.s32 $0xFFFFFFFF  }
0xb6: {  	_ =	strace $0x90000051  }
0xb7: {  	_ =	sfence  }
0xb8: {  	s30 =	sld [smem:$0x0];
	_ =	sdelay $0x2  }
0xb9: {  	s31 =	sshll.u32 s1, $0xD;
	s1 =	sshrl.u32 s1, $0x2  }
0xba: {  	s3 =	sand.u32 $0x4000, s31;
	s1 =	sadd.s32 s1, s30  }
0xbb: {  	s0 =	sor.u32 s3, s0;
	s1 =	sshll.u32 s1, $0x11  }
0xbc: {  	s0 =	sor.u32 s1, s0  }
0xbd: {  	s0 =	sadd.s32 $0x8F2B, s0  }
0xbe: {  	[sflag:s0] =	ssyncadd.remote.s32 $0x1  }
0xbf: {  	_ =	sfence.sel $0xFFFF  }
0xc0: {  	[dreg:$0x0] =	wrdreg $0xFFFFFFFF;
	(pc) =	sbr.abs _section_cstart, $3  }
0xc1: {  	[dreg:$0x1] =	wrdreg $0xFFFFFFFF  }
0xc2: {  	_ =	task.clear_ibuf [dreg:s7], $0x2FFFF;
	_ =	strace $0x9FFFFFFF  }
0xc3: {  	(tm) =	ssettm $0x7FFFFFFF  }
tec
execute0_lowered:
.L_overlay_start_1:
0x0: {  	(tag) =	ssettag $0x1  }
0x1: {  	s1 =	rddreg [dreg:$0x0]  }
0x2: {  	s0 =	rddreg [dreg:$0x1]  }
0x3: {  	s3 =	rddreg [dreg:$0x2];
	s2 =	simm.s32 $0x0  }
0x4: {  	s4 =	stileid.u32;
	s7 =	srdreg.scid;
	s15 =	simm.s32 $0x9  }
0x5: {  	s16 =	simm.s32 $0x9C80;
	s17 =	simm.s32 $0xC480;
	s18 =	simm.s32 $0x100  }
0x6: {  	s19 =	simm.s32 $0xEC80;
	s21 =	simm.s32 $0x12C80;
	s28 =	simm.s32 $0x1AC80  }
0x7: {  	s29 =	simm.s32 $0x2;
	s31 =	simm.s32 $0x5;
	s22 =	smul.u32 $0x500, s4  }
0x8: {  	s30 =	simm.s32 $0x7;
	[smem:$0x7FF] =	sst s2;
	s6 =	smul.u32 $0x13900, s4  }
0x9: {  	s5 =	sadd.s32 $0x36C00, s0;
	s7 =	sand.u32 $0x1, s7;
	s10 =	sadd.s32 $0x4A600, s0  }
0xa: {  	s25 =	sshll.u32 s4, $0x6;
	s12 =	smul.u32 $0x13880, s4;
	_ =	strace $0x80000050  }
0xb: {  	s9 =	ssub.s32 $0x2, s7;
	[dreg:$0x4] =	wrdreg s10;
	p0 =	seq.s32 s7, $0x1  }
0xc: {  	s7 =	simm.s32 $0x6;
	s2 =	sadd.s32 s22, s0;
	s8 =	sshrl.u32 s6, $0x4  }
0xd: {  	s23 =	sshrl.u32 s9, $0x1;
	s6 =	sshrl.u32 s6, $0x1;
	s26 =	sshrl.u32 s12, $0x1  }
0xe: {  	s12 =	sshrl.u32 s12, $0x4;
	s22 =	simm.s32 $0x4;
	s8 =	sadd.s32 s8, s0  }
0xf: {  	s0 =	sadd.s32 $0x5E000, s0;
	s24 =	ssub.s32 s9, s23;
	s6 =	sadd.s32 s6, s3  }
.Ltmp0:
0x10: {  	s9 =	sor.u32 $0x1C09, s25;
	s10 =	sadd.s32 $0xA000, s2;
	(pc) =	sbr.rel .LBB2_1-.Ltmp0, $4  }
0x11: {  	s11 =	sadd.s32 $0x31C00, s2;
	s2 =	sadd.s32 s26, s3;
	s23 =	simm.s32 $0x16C80  }
0x12: {  	[dreg:$0x5] =	wrdreg s0;
	s8 =	sadd.s32 $0x1E200, s8;
	s13 =	smax.u32 s24, $0x1  }
0x13: {  	s14 =	sshrl.u32 s6, $0x3;
	s24 =	simm.s32 $0x1;
	s25 =	sshrl.u32 s2, $0x3  }
0x14: {  	s2 =	simm.s32 $0x3;
	s0 =	simm.s32 $0x8;
	s6 =	simm.s32 $0x0  }
.LBB2_7:
0x15: {  	[spmem:s3] =	stream.indirect.scatter.add.bf16 [tilespmem:s28], [sflag:$0x8], $0x40, s26, s18, $0xb8;
	[tilespmem:$0x1EC80] =	vst v63  }
0x16: {  	_ =	swait.ge [sflag:s30], $0x4000  }
0x17: {  	[sflag:s30] =	ssyncset.done $0x0  }
0x18: {  	s4 =	simm.s32 $0xC280;
	[sflag:s30] =	ssyncadd.s32 $0xFFFFC000  }
0x19: {  	[tilespmem:s23], [sflag:$0x3] =	stream.indirect.gather [hbm4b:s5+s18], $0x40, s4, s18, $0xb8;
	[tilespmem:$0x1EC80] =	vst v63  }
0x1a: {  	_ =	swait.ge [sflag:s24], $0x4000  }
0x1b: {  	[sflag:s24] =	ssyncset.done $0x0  }
0x1c: {  	s26 =	simm.s32 $0xE880;
	[sflag:s24] =	ssyncadd.s32 $0xFFFFC000  }
0x1d: {  	[spmem:s3] =	stream.indirect.scatter.add.bf16 [tilespmem:s19], [sflag:$0x5], $0x40, s26, s18, $0xb8;
	[tilespmem:$0x1EC80] =	vst v63  }
0x1e: {  	_ =	swait.ge [sflag:s0], $0x4000  }
0x1f: {  	[sflag:s0] =	ssyncset.done $0x0  }
0x20: {  	s20 =	simm.s32 $0xC380;
	[sflag:s0] =	ssyncadd.s32 $0xFFFFC000  }
0x21: {  	[tilespmem:s28], [sflag:$0x4] =	stream.indirect.gather [hbm4b:s5+s18], $0x40, s20, s18, $0xb8;
	[tilespmem:$0x1EC80] =	vst v63  }
0x22: {  	_ =	swait.ge [sflag:s29], $0x4000  }
0x23: {  	[sflag:s29] =	ssyncset.done $0x0  }
0x24: {  	s26 =	simm.s32 $0xE980;
	[sflag:s29] =	ssyncadd.s32 $0xFFFFC000  }
0x25: {  	[spmem:s3] =	stream.indirect.scatter.add.bf16 [tilespmem:s21], [sflag:$0x6], $0x40, s26, s18, $0xb8;
	[tilespmem:$0x1EC80] =	vst v63  }
0x26: {  	_ =	swait.ge [sflag:s2], $0x4000  }
0x27: {  	[sflag:s2] =	ssyncset.done $0x0  }
0x28: {  	s20 =	simm.s32 $0xEA80;
	[sflag:s2] =	ssyncadd.s32 $0xFFFFC000  }
0x29: {  	[spmem:s3] =	stream.indirect.scatter.add.bf16 [tilespmem:s23], [sflag:$0x7], $0x40, s20, s18, $0xb8;
	[tilespmem:$0x1EC80] =	vst v63  }
0x2a: {  	_ =	swait.ge [sflag:s22], $0x4000  }
0x2b: {  	[sflag:s22] =	ssyncset.done $0x0  }
0x2c: {  	s26 =	simm.s32 $0xEB80;
	s20 =	rddreg [dreg:$0x5];
	[sflag:s22] =	ssyncadd.s32 $0xFFFFC000  }
0x2d: {  	[spmem:s3] =	stream.indirect.scatter.add.bf16 [tilespmem:s28], [sflag:$0x8], $0x40, s26, s18, $0xb8;
	[tilespmem:$0x1EC80] =	vst v63  }
.LBB2_8:
0x2e: {  	_ =	swait.ge [sflag:s31], $0x4000  }
0x2f: {  	[sflag:s31] =	ssyncset.done $0x0  }
0x30: {  	[sflag:s31] =	ssyncadd.s32 $0xFFFFC000  }
0x31: {  	_ =	swait.ge [sflag:s7], $0x4000  }
0x32: {  	[sflag:s7] =	ssyncset.done $0x0  }
0x33: {  	[sflag:s7] =	ssyncadd.s32 $0xFFFFC000  }
0x34: {  	_ =	swait.ge [sflag:s30], $0x4000  }
0x35: {  	[sflag:s30] =	ssyncset.done $0x0  }
0x36: {  	[sflag:s30] =	ssyncadd.s32 $0xFFFFC000  }
0x37: {  	_ =	swait.ge [sflag:s0], $0x4000  }
0x38: {  	s6 =	sadd.s32 $0x1, s6;
	[sflag:s0] =	ssyncset.done $0x0  }
0x39: {  	p1 =	sne.s32 s6, s13;
	[sflag:s0] =	ssyncadd.s32 $0xFFFFC000  }
.Ltmp1:
0x3a: {  	s4 =	sadd.s32 s20, s12;
	[bflag:$0x0] =	sbarrier.arrive $0xFFFF;
	(pc) =	sbr.rel @!p1 .LBB2_9-.Ltmp1, $4  }
0x3b: {  	[hbm:s4], [sflag:s9] =	dma.local [spmem:s25], $0x1388  }
0x3c: {  	_ =	swait.ge [sflag:s15], $0x1388  }
0x3d: {  	[sflag:s15] =	ssyncset.done $0x0  }
0x3e: {  	[sflag:s15] =	ssyncadd.s32 $0xFFFFEC78  }
.LBB2_1:
0x3f: {  	[spmem:s14], [sflag:s9] =	dma.local [hbm:s8], $0x1390  }
0x40: {  	_ =	swait.ge [sflag:s15], $0x1390  }
0x41: {  	[sflag:s15] =	ssyncset.done $0x0  }
0x42: {  	s4 =	simm.s32 $0x0;
	[sflag:s15] =	ssyncadd.s32 $0xFFFFEC70  }
0x43: {  	[tilespmem:s16], [sflag:$0x9] =	stream.linear.gather [hbm4b:s10+s4], $0x2800, $0x38;
	[tilespmem:$0x1EC80] =	vst v63  }
0x44: {  	_ =	swait.ge [sflag:s15], $0x2800  }
0x45: {  	[sflag:s15] =	ssyncset.done $0x0  }
0x46: {  	[sflag:s15] =	ssyncadd.s32 $0xFFFFD800  }
0x47: {  	[tilespmem:s17], [sflag:$0x9] =	stream.linear.gather [hbm4b:s11+s4], $0x2800, $0x38;
	[tilespmem:$0x1EC80] =	vst v63  }
.Ltmp2:
0x48: {  	_ =	swait.ge [sflag:s15], $0x2800;
	(pc) =	sbr.rel @!p0 .LBB2_2-.Ltmp2, $3  }
0x49: {  	[sflag:s15] =	ssyncset.done $0x0  }
0x4a: {  	[sflag:s15] =	ssyncadd.s32 $0xFFFFD800  }
0x4b: {  	[bflag:$0x0] =	sbarrier.arrive $0xFFFF;
	_ =	sdelay $0x1  }
0x4c: {  	[tilespmem:s19], [sflag:$0x1] =	stream.indirect.gather [hbm4b:s5+s18], $0x40, s16, s18, $0xb8;
	[tilespmem:$0x1EC80] =	vst v63  }
0x4d: {  	s4 =	simm.s32 $0x9D80  }
0x4e: {  	[tilespmem:s21], [sflag:$0x2] =	stream.indirect.gather [hbm4b:s5+s18], $0x40, s4, s18, $0xb8;
	[tilespmem:$0x1EC80] =	vst v63  }
0x4f: {  	s20 =	simm.s32 $0x9E80  }
0x50: {  	[tilespmem:s23], [sflag:$0x3] =	stream.indirect.gather [hbm4b:s5+s18], $0x40, s20, s18, $0xb8;
	[tilespmem:$0x1EC80] =	vst v63  }
0x51: {  	_ =	swait.ge [sflag:s24], $0x4000  }
0x52: {  	[sflag:s24] =	ssyncset.done $0x0  }
0x53: {  	[sflag:s24] =	ssyncadd.s32 $0xFFFFC000  }
0x54: {  	[spmem:s3] =	stream.indirect.scatter.add.bf16 [tilespmem:s19], [sflag:$0x5], $0x40, s17, s18, $0xb8;
	[tilespmem:$0x1EC80] =	vst v63  }
0x55: {  	s26 =	simm.s32 $0x9F80  }
0x56: {  	[tilespmem:s28], [sflag:$0x4] =	stream.indirect.gather [hbm4b:s5+s18], $0x40, s26, s18, $0xb8;
	[tilespmem:$0x1EC80] =	vst v63  }
0x57: {  	_ =	swait.ge [sflag:s29], $0x4000  }
0x58: {  	[sflag:s29] =	ssyncset.done $0x0  }
0x59: {  	s20 =	simm.s32 $0xC580;
	[sflag:s29] =	ssyncadd.s32 $0xFFFFC000  }
0x5a: {  	[spmem:s3] =	stream.indirect.scatter.add.bf16 [tilespmem:s21], [sflag:$0x6], $0x40, s20, s18, $0xb8;
	[tilespmem:$0x1EC80] =	vst v63  }
0x5b: {  	_ =	swait.ge [sflag:s31], $0x4000  }
0x5c: {  	[sflag:s31] =	ssyncset.done $0x0  }
0x5d: {  	s26 =	simm.s32 $0xA080;
	[sflag:s31] =	ssyncadd.s32 $0xFFFFC000  }
0x5e: {  	[tilespmem:s19], [sflag:$0x1] =	stream.indirect.gather [hbm4b:s5+s18], $0x40, s26, s18, $0xb8;
	[tilespmem:$0x1EC80] =	vst v63  }
0x5f: {  	_ =	swait.ge [sflag:s2], $0x4000  }
0x60: {  	[sflag:s2] =	ssyncset.done $0x0  }
0x61: {  	s20 =	simm.s32 $0xC680;
	[sflag:s2] =	ssyncadd.s32 $0xFFFFC000  }
0x62: {  	[spmem:s3] =	stream.indirect.scatter.add.bf16 [tilespmem:s23], [sflag:$0x7], $0x40, s20, s18, $0xb8;
	[tilespmem:$0x1EC80] =	vst v63  }
0x63: {  	_ =	swait.ge [sflag:s7], $0x4000  }
0x64: {  	[sflag:s7] =	ssyncset.done $0x0  }
0x65: {  	s26 =	simm.s32 $0xA180;
	[sflag:s7] =	ssyncadd.s32 $0xFFFFC000  }
0x66: {  	[tilespmem:s21], [sflag:$0x2] =	stream.indirect.gather [hbm4b:s5+s18], $0x40, s26, s18, $0xb8;
	[tilespmem:$0x1EC80] =	vst v63  }
0x67: {  	_ =	swait.ge [sflag:s22], $0x4000  }
0x68: {  	[sflag:s22] =	ssyncset.done $0x0  }
0x69: {  	s20 =	simm.s32 $0xC780;
	[sflag:s22] =	ssyncadd.s32 $0xFFFFC000  }
0x6a: {  	[spmem:s3] =	stream.indirect.scatter.add.bf16 [tilespmem:s28], [sflag:$0x8], $0x40, s20, s18, $0xb8;
	[tilespmem:$0x1EC80] =	vst v63  }
0x6b: {  	_ =	swait.ge [sflag:s30], $0x4000  }
0x6c: {  	[sflag:s30] =	ssyncset.done $0x0  }
0x6d: {  	s26 =	simm.s32 $0xA280;
	[sflag:s30] =	ssyncadd.s32 $0xFFFFC000  }
0x6e: {  	[tilespmem:s23], [sflag:$0x3] =	stream.indirect.gather [hbm4b:s5+s18], $0x40, s26, s18, $0xb8;
	[tilespmem:$0x1EC80] =	vst v63  }
0x6f: {  	_ =	swait.ge [sflag:s24], $0x4000  }
0x70: {  	[sflag:s24] =	ssyncset.done $0x0  }
0x71: {  	s20 =	simm.s32 $0xC880;
	[sflag:s24] =	ssyncadd.s32 $0xFFFFC000  }
0x72: {  	[spmem:s3] =	stream.indirect.scatter.add.bf16 [tilespmem:s19], [sflag:$0x5], $0x40, s20, s18, $0xb8;
	[tilespmem:$0x1EC80] =	vst v63  }
0x73: {  	_ =	swait.ge [sflag:s0], $0x4000  }
0x74: {  	[sflag:s0] =	ssyncset.done $0x0  }
0x75: {  	s26 =	simm.s32 $0xA380;
	[sflag:s0] =	ssyncadd.s32 $0xFFFFC000  }
0x76: {  	[tilespmem:s28], [sflag:$0x4] =	stream.indirect.gather [hbm4b:s5+s18], $0x40, s26, s18, $0xb8;
	[tilespmem:$0x1EC80] =	vst v63  }
0x77: {  	_ =	swait.ge [sflag:s29], $0x4000  }
0x78: {  	[sflag:s29] =	ssyncset.done $0x0  }
0x79: {  	s20 =	simm.s32 $0xC980;
	[sflag:s29] =	ssyncadd.s32 $0xFFFFC000  }
0x7a: {  	[spmem:s3] =	stream.indirect.scatter.add.bf16 [tilespmem:s21], [sflag:$0x6], $0x40, s20, s18, $0xb8;
	[tilespmem:$0x1EC80] =	vst v63  }
0x7b: {  	_ =	swait.ge [sflag:s31], $0x4000  }
0x7c: {  	[sflag:s31] =	ssyncset.done $0x0  }
0x7d: {  	s26 =	simm.s32 $0xA480;
	[sflag:s31] =	ssyncadd.s32 $0xFFFFC000  }
0x7e: {  	[tilespmem:s19], [sflag:$0x1] =	stream.indirect.gather [hbm4b:s5+s18], $0x40, s26, s18, $0xb8;
	[tilespmem:$0x1EC80] =	vst v63  }
0x7f: {  	_ =	swait.ge [sflag:s2], $0x4000  }
0x80: {  	[sflag:s2] =	ssyncset.done $0x0  }
0x81: {  	s20 =	simm.s32 $0xCA80;
	[sflag:s2] =	ssyncadd.s32 $0xFFFFC000  }
0x82: {  	[spmem:s3] =	stream.indirect.scatter.add.bf16 [tilespmem:s23], [sflag:$0x7], $0x40, s20, s18, $0xb8;
	[tilespmem:$0x1EC80] =	vst v63  }
0x83: {  	_ =	swait.ge [sflag:s7], $0x4000  }
0x84: {  	[sflag:s7] =	ssyncset.done $0x0  }
0x85: {  	s26 =	simm.s32 $0xA580;
	[sflag:s7] =	ssyncadd.s32 $0xFFFFC000  }
0x86: {  	[tilespmem:s21], [sflag:$0x2] =	stream.indirect.gather [hbm4b:s5+s18], $0x40, s26, s18, $0xb8;
	[tilespmem:$0x1EC80] =	vst v63  }
0x87: {  	_ =	swait.ge [sflag:s22], $0x4000  }
0x88: {  	[sflag:s22] =	ssyncset.done $0x0  }
0x89: {  	s20 =	simm.s32 $0x1000;
	s26 =	simm.s32 $0xCB80;
	[sflag:s22] =	ssyncadd.s32 $0xFFFFC000  }
.LBB2_6:
0x8a: {  	[spmem:s3] =	stream.indirect.scatter.add.bf16 [tilespmem:s28], [sflag:$0x8], $0x40, s26, s18, $0xb8;
	[tilespmem:$0x1EC80] =	vst v63  }
0x8b: {  	s4 =	smov.u32 s20  }
0x8c: {  	p1 =	sne.s32 s20, $0x7000;
	s20 =	sadd.s32 $0x1000, s20;
	_ =	swait.ge [sflag:s30], $0x4000  }
0x8d: {  	s26 =	sshra.s32 s4, $0x2;
	[sflag:s30] =	ssyncset.done $0x0  }
0x8e: {  	s4 =	sadd.s32 $0xA280, s26;
	[sflag:s30] =	ssyncadd.s32 $0xFFFFC000  }
0x8f: {  	[tilespmem:s23], [sflag:$0x3] =	stream.indirect.gather [hbm4b:s5+s18], $0x40, s4, s18, $0xb8;
	[tilespmem:$0x1EC80] =	vst v63  }
0x90: {  	_ =	swait.ge [sflag:s24], $0x4000  }
0x91: {  	[sflag:s24] =	ssyncset.done $0x0  }
0x92: {  	s4 =	sadd.s32 $0xC880, s26;
	[sflag:s24] =	ssyncadd.s32 $0xFFFFC000  }
0x93: {  	[spmem:s3] =	stream.indirect.scatter.add.bf16 [tilespmem:s19], [sflag:$0x5], $0x40, s4, s18, $0xb8;
	[tilespmem:$0x1EC80] =	vst v63  }
0x94: {  	_ =	swait.ge [sflag:s0], $0x4000  }
0x95: {  	[sflag:s0] =	ssyncset.done $0x0  }
0x96: {  	s4 =	sadd.s32 $0xA380, s26;
	[sflag:s0] =	ssyncadd.s32 $0xFFFFC000  }
0x97: {  	[tilespmem:s28], [sflag:$0x4] =	stream.indirect.gather [hbm4b:s5+s18], $0x40, s4, s18, $0xb8;
	[tilespmem:$0x1EC80] =	vst v63  }
0x98: {  	_ =	swait.ge [sflag:s29], $0x4000  }
0x99: {  	[sflag:s29] =	ssyncset.done $0x0  }
0x9a: {  	s4 =	sadd.s32 $0xC980, s26;
	[sflag:s29] =	ssyncadd.s32 $0xFFFFC000  }
0x9b: {  	[spmem:s3] =	stream.indirect.scatter.add.bf16 [tilespmem:s21], [sflag:$0x6], $0x40, s4, s18, $0xb8;
	[tilespmem:$0x1EC80] =	vst v63  }
0x9c: {  	_ =	swait.ge [sflag:s31], $0x4000  }
0x9d: {  	[sflag:s31] =	ssyncset.done $0x0  }
0x9e: {  	s4 =	sadd.s32 $0xA480, s26;
	[sflag:s31] =	ssyncadd.s32 $0xFFFFC000  }
0x9f: {  	[tilespmem:s19], [sflag:$0x1] =	stream.indirect.gather [hbm4b:s5+s18], $0x40, s4, s18, $0xb8;
	[tilespmem:$0x1EC80] =	vst v63  }
0xa0: {  	_ =	swait.ge [sflag:s2], $0x4000  }
0xa1: {  	[sflag:s2] =	ssyncset.done $0x0  }
0xa2: {  	s4 =	sadd.s32 $0xCA80, s26;
	[sflag:s2] =	ssyncadd.s32 $0xFFFFC000  }
0xa3: {  	[spmem:s3] =	stream.indirect.scatter.add.bf16 [tilespmem:s23], [sflag:$0x7], $0x40, s4, s18, $0xb8;
	[tilespmem:$0x1EC80] =	vst v63  }
0xa4: {  	_ =	swait.ge [sflag:s7], $0x4000  }
0xa5: {  	[sflag:s7] =	ssyncset.done $0x0  }
.Ltmp3:
0xa6: {  	s4 =	sadd.s32 $0xA580, s26;
	[sflag:s7] =	ssyncadd.s32 $0xFFFFC000;
	(pc) =	sbr.rel @p1 .LBB2_6-.Ltmp3, $4  }
0xa7: {  	[tilespmem:s21], [sflag:$0x2] =	stream.indirect.gather [hbm4b:s5+s18], $0x40, s4, s18, $0xb8;
	[tilespmem:$0x1EC80] =	vst v63  }
0xa8: {  	_ =	swait.ge [sflag:s22], $0x4000  }
0xa9: {  	[sflag:s22] =	ssyncset.done $0x0  }
0xaa: {  	s26 =	sadd.s32 $0xCB80, s26;
	[sflag:s22] =	ssyncadd.s32 $0xFFFFC000  }
.Ltmp4:
0xab: {  	_ = 	snop;
	(pc) =	sbr.rel .LBB2_7-.Ltmp4, $1  }
0xac: {  	_ =	sdelay $0x3  }
.LBB2_2:
0xad: {  	[tilespmem:s19], [sflag:$0x1] =	stream.indirect.gather [hbm4b:s1+s18], $0x40, s16, s18, $0xb8;
	[tilespmem:$0x1EC80] =	vst v63  }
0xae: {  	s4 =	simm.s32 $0x9D80  }
0xaf: {  	[tilespmem:s21], [sflag:$0x2] =	stream.indirect.gather [hbm4b:s1+s18], $0x40, s4, s18, $0xb8;
	[tilespmem:$0x1EC80] =	vst v63  }
0xb0: {  	s26 =	simm.s32 $0x9E80  }
0xb1: {  	[tilespmem:s23], [sflag:$0x3] =	stream.indirect.gather [hbm4b:s1+s18], $0x40, s26, s18, $0xb8;
	[tilespmem:$0x1EC80] =	vst v63  }
0xb2: {  	_ =	swait.ge [sflag:s24], $0x4000  }
0xb3: {  	[sflag:s24] =	ssyncset.done $0x0  }
0xb4: {  	[sflag:s24] =	ssyncadd.s32 $0xFFFFC000  }
0xb5: {  	[spmem:s3] =	stream.indirect.scatter.add.bf16 [tilespmem:s19], [sflag:$0x5], $0x40, s17, s18, $0xb8;
	[tilespmem:$0x1EC80] =	vst v63  }
0xb6: {  	s20 =	simm.s32 $0x9F80  }
0xb7: {  	[tilespmem:s28], [sflag:$0x4] =	stream.indirect.gather [hbm4b:s1+s18], $0x40, s20, s18, $0xb8;
	[tilespmem:$0x1EC80] =	vst v63  }
0xb8: {  	_ =	swait.ge [sflag:s29], $0x4000  }
0xb9: {  	[sflag:s29] =	ssyncset.done $0x0  }
0xba: {  	s26 =	simm.s32 $0xC580;
	[sflag:s29] =	ssyncadd.s32 $0xFFFFC000  }
0xbb: {  	[spmem:s3] =	stream.indirect.scatter.add.bf16 [tilespmem:s21], [sflag:$0x6], $0x40, s26, s18, $0xb8;
	[tilespmem:$0x1EC80] =	vst v63  }
0xbc: {  	_ =	swait.ge [sflag:s31], $0x4000  }
0xbd: {  	[sflag:s31] =	ssyncset.done $0x0  }
0xbe: {  	s20 =	simm.s32 $0xA080;
	[sflag:s31] =	ssyncadd.s32 $0xFFFFC000  }
0xbf: {  	[tilespmem:s19], [sflag:$0x1] =	stream.indirect.gather [hbm4b:s1+s18], $0x40, s20, s18, $0xb8;
	[tilespmem:$0x1EC80] =	vst v63  }
0xc0: {  	_ =	swait.ge [sflag:s2], $0x4000  }
0xc1: {  	[sflag:s2] =	ssyncset.done $0x0  }
0xc2: {  	s26 =	simm.s32 $0xC680;
	[sflag:s2] =	ssyncadd.s32 $0xFFFFC000  }
0xc3: {  	[spmem:s3] =	stream.indirect.scatter.add.bf16 [tilespmem:s23], [sflag:$0x7], $0x40, s26, s18, $0xb8;
	[tilespmem:$0x1EC80] =	vst v63  }
0xc4: {  	_ =	swait.ge [sflag:s7], $0x4000  }
0xc5: {  	[sflag:s7] =	ssyncset.done $0x0  }
0xc6: {  	s20 =	simm.s32 $0xA180;
	[sflag:s7] =	ssyncadd.s32 $0xFFFFC000  }
0xc7: {  	[tilespmem:s21], [sflag:$0x2] =	stream.indirect.gather [hbm4b:s1+s18], $0x40, s20, s18, $0xb8;
	[tilespmem:$0x1EC80] =	vst v63  }
0xc8: {  	_ =	swait.ge [sflag:s22], $0x4000  }
0xc9: {  	[sflag:s22] =	ssyncset.done $0x0  }
0xca: {  	s26 =	simm.s32 $0xC780;
	[sflag:s22] =	ssyncadd.s32 $0xFFFFC000  }
0xcb: {  	[spmem:s3] =	stream.indirect.scatter.add.bf16 [tilespmem:s28], [sflag:$0x8], $0x40, s26, s18, $0xb8;
	[tilespmem:$0x1EC80] =	vst v63  }
0xcc: {  	_ =	swait.ge [sflag:s30], $0x4000  }
0xcd: {  	[sflag:s30] =	ssyncset.done $0x0  }
0xce: {  	s20 =	simm.s32 $0xA280;
	[sflag:s30] =	ssyncadd.s32 $0xFFFFC000  }
0xcf: {  	[tilespmem:s23], [sflag:$0x3] =	stream.indirect.gather [hbm4b:s1+s18], $0x40, s20, s18, $0xb8;
	[tilespmem:$0x1EC80] =	vst v63  }
0xd0: {  	_ =	swait.ge [sflag:s24], $0x4000  }
0xd1: {  	[sflag:s24] =	ssyncset.done $0x0  }
0xd2: {  	s4 =	simm.s32 $0xC880;
	[sflag:s24] =	ssyncadd.s32 $0xFFFFC000  }
0xd3: {  	[spmem:s3] =	stream.indirect.scatter.add.bf16 [tilespmem:s19], [sflag:$0x5], $0x40, s4, s18, $0xb8;
	[tilespmem:$0x1EC80] =	vst v63  }
0xd4: {  	_ =	swait.ge [sflag:s0], $0x4000  }
0xd5: {  	[sflag:s0] =	ssyncset.done $0x0  }
0xd6: {  	s26 =	simm.s32 $0xA380;
	[sflag:s0] =	ssyncadd.s32 $0xFFFFC000  }
0xd7: {  	[tilespmem:s28], [sflag:$0x4] =	stream.indirect.gather [hbm4b:s1+s18], $0x40, s26, s18, $0xb8;
	[tilespmem:$0x1EC80] =	vst v63  }
0xd8: {  	_ =	swait.ge [sflag:s29], $0x4000  }
0xd9: {  	[sflag:s29] =	ssyncset.done $0x0  }
0xda: {  	s4 =	simm.s32 $0xC980;
	[sflag:s29] =	ssyncadd.s32 $0xFFFFC000  }
0xdb: {  	[spmem:s3] =	stream.indirect.scatter.add.bf16 [tilespmem:s21], [sflag:$0x6], $0x40, s4, s18, $0xb8;
	[tilespmem:$0x1EC80] =	vst v63  }
0xdc: {  	_ =	swait.ge [sflag:s31], $0x4000  }
0xdd: {  	[sflag:s31] =	ssyncset.done $0x0  }
0xde: {  	s26 =	simm.s32 $0xA480;
	[sflag:s31] =	ssyncadd.s32 $0xFFFFC000  }
0xdf: {  	[tilespmem:s19], [sflag:$0x1] =	stream.indirect.gather [hbm4b:s1+s18], $0x40, s26, s18, $0xb8;
	[tilespmem:$0x1EC80] =	vst v63  }
0xe0: {  	_ =	swait.ge [sflag:s2], $0x4000  }
0xe1: {  	[sflag:s2] =	ssyncset.done $0x0  }
0xe2: {  	s4 =	simm.s32 $0xCA80;
	[sflag:s2] =	ssyncadd.s32 $0xFFFFC000  }
0xe3: {  	[spmem:s3] =	stream.indirect.scatter.add.bf16 [tilespmem:s23], [sflag:$0x7], $0x40, s4, s18, $0xb8;
	[tilespmem:$0x1EC80] =	vst v63  }
0xe4: {  	_ =	swait.ge [sflag:s7], $0x4000  }
0xe5: {  	[sflag:s7] =	ssyncset.done $0x0  }
0xe6: {  	s26 =	simm.s32 $0xA580;
	[sflag:s7] =	ssyncadd.s32 $0xFFFFC000  }
0xe7: {  	[tilespmem:s21], [sflag:$0x2] =	stream.indirect.gather [hbm4b:s1+s18], $0x40, s26, s18, $0xb8;
	[tilespmem:$0x1EC80] =	vst v63  }
0xe8: {  	_ =	swait.ge [sflag:s22], $0x4000  }
0xe9: {  	[sflag:s22] =	ssyncset.done $0x0  }
0xea: {  	s20 =	simm.s32 $0x1000;
	s26 =	simm.s32 $0xCB80;
	[sflag:s22] =	ssyncadd.s32 $0xFFFFC000  }
.LBB2_3:
0xeb: {  	[spmem:s3] =	stream.indirect.scatter.add.bf16 [tilespmem:s28], [sflag:$0x8], $0x40, s26, s18, $0xb8;
	[tilespmem:$0x1EC80] =	vst v63  }
0xec: {  	s26 =	smov.u32 s20  }
0xed: {  	p1 =	seq.s32 s20, $0x7000;
	s20 =	sadd.s32 $0x1000, s20;
	_ =	swait.ge [sflag:s30], $0x4000  }
0xee: {  	s26 =	sshra.s32 s26, $0x2;
	[sflag:s30] =	ssyncset.done $0x0  }
0xef: {  	s4 =	sadd.s32 $0xA280, s26;
	[sflag:s30] =	ssyncadd.s32 $0xFFFFC000  }
0xf0: {  	[tilespmem:s23], [sflag:$0x3] =	stream.indirect.gather [hbm4b:s1+s18], $0x40, s4, s18, $0xb8;
	[tilespmem:$0x1EC80] =	vst v63  }
0xf1: {  	_ =	swait.ge [sflag:s24], $0x4000  }
0xf2: {  	[sflag:s24] =	ssyncset.done $0x0  }
0xf3: {  	s4 =	sadd.s32 $0xC880, s26;
	[sflag:s24] =	ssyncadd.s32 $0xFFFFC000  }
0xf4: {  	[spmem:s3] =	stream.indirect.scatter.add.bf16 [tilespmem:s19], [sflag:$0x5], $0x40, s4, s18, $0xb8;
	[tilespmem:$0x1EC80] =	vst v63  }
0xf5: {  	_ =	swait.ge [sflag:s0], $0x4000  }
0xf6: {  	[sflag:s0] =	ssyncset.done $0x0  }
0xf7: {  	s4 =	sadd.s32 $0xA380, s26;
	[sflag:s0] =	ssyncadd.s32 $0xFFFFC000  }
0xf8: {  	[tilespmem:s28], [sflag:$0x4] =	stream.indirect.gather [hbm4b:s1+s18], $0x40, s4, s18, $0xb8;
	[tilespmem:$0x1EC80] =	vst v63  }
0xf9: {  	_ =	swait.ge [sflag:s29], $0x4000  }
0xfa: {  	[sflag:s29] =	ssyncset.done $0x0  }
0xfb: {  	s4 =	sadd.s32 $0xC980, s26;
	[sflag:s29] =	ssyncadd.s32 $0xFFFFC000  }
0xfc: {  	[spmem:s3] =	stream.indirect.scatter.add.bf16 [tilespmem:s21], [sflag:$0x6], $0x40, s4, s18, $0xb8;
	[tilespmem:$0x1EC80] =	vst v63  }
0xfd: {  	_ =	swait.ge [sflag:s31], $0x4000  }
0xfe: {  	[sflag:s31] =	ssyncset.done $0x0  }
0xff: {  	s4 =	sadd.s32 $0xA480, s26;
	[sflag:s31] =	ssyncadd.s32 $0xFFFFC000  }
0x100: {  	[tilespmem:s19], [sflag:$0x1] =	stream.indirect.gather [hbm4b:s1+s18], $0x40, s4, s18, $0xb8;
	[tilespmem:$0x1EC80] =	vst v63  }
0x101: {  	_ =	swait.ge [sflag:s2], $0x4000  }
0x102: {  	[sflag:s2] =	ssyncset.done $0x0  }
0x103: {  	s4 =	sadd.s32 $0xCA80, s26;
	[sflag:s2] =	ssyncadd.s32 $0xFFFFC000  }
0x104: {  	[spmem:s3] =	stream.indirect.scatter.add.bf16 [tilespmem:s23], [sflag:$0x7], $0x40, s4, s18, $0xb8;
	[tilespmem:$0x1EC80] =	vst v63  }
0x105: {  	_ =	swait.ge [sflag:s7], $0x4000  }
0x106: {  	[sflag:s7] =	ssyncset.done $0x0  }
.Ltmp5:
0x107: {  	s4 =	sadd.s32 $0xA580, s26;
	[sflag:s7] =	ssyncadd.s32 $0xFFFFC000;
	(pc) =	sbr.rel @!p1 .LBB2_3-.Ltmp5, $4  }
0x108: {  	[tilespmem:s21], [sflag:$0x2] =	stream.indirect.gather [hbm4b:s1+s18], $0x40, s4, s18, $0xb8;
	[tilespmem:$0x1EC80] =	vst v63  }
0x109: {  	_ =	swait.ge [sflag:s22], $0x4000  }
0x10a: {  	[sflag:s22] =	ssyncset.done $0x0  }
0x10b: {  	s26 =	sadd.s32 $0xCB80, s26;
	[sflag:s22] =	ssyncadd.s32 $0xFFFFC000  }
0x10c: {  	[spmem:s3] =	stream.indirect.scatter.add.bf16 [tilespmem:s28], [sflag:$0x8], $0x40, s26, s18, $0xb8;
	[tilespmem:$0x1EC80] =	vst v63  }
0x10d: {  	_ =	swait.ge [sflag:s30], $0x4000  }
0x10e: {  	[sflag:s30] =	ssyncset.done $0x0  }
0x10f: {  	s4 =	simm.s32 $0xC280;
	[sflag:s30] =	ssyncadd.s32 $0xFFFFC000  }
0x110: {  	[tilespmem:s23], [sflag:$0x3] =	stream.indirect.gather [hbm4b:s1+s18], $0x40, s4, s18, $0xb8;
	[tilespmem:$0x1EC80] =	vst v63  }
0x111: {  	_ =	swait.ge [sflag:s24], $0x4000  }
0x112: {  	[sflag:s24] =	ssyncset.done $0x0  }
0x113: {  	s26 =	simm.s32 $0xE880;
	[sflag:s24] =	ssyncadd.s32 $0xFFFFC000  }
0x114: {  	[spmem:s3] =	stream.indirect.scatter.add.bf16 [tilespmem:s19], [sflag:$0x5], $0x40, s26, s18, $0xb8;
	[tilespmem:$0x1EC80] =	vst v63  }
0x115: {  	_ =	swait.ge [sflag:s0], $0x4000  }
0x116: {  	[sflag:s0] =	ssyncset.done $0x0  }
0x117: {  	s20 =	simm.s32 $0xC380;
	[sflag:s0] =	ssyncadd.s32 $0xFFFFC000  }
0x118: {  	[tilespmem:s28], [sflag:$0x4] =	stream.indirect.gather [hbm4b:s1+s18], $0x40, s20, s18, $0xb8;
	[tilespmem:$0x1EC80] =	vst v63  }
0x119: {  	_ =	swait.ge [sflag:s29], $0x4000  }
0x11a: {  	[sflag:s29] =	ssyncset.done $0x0  }
0x11b: {  	s26 =	simm.s32 $0xE980;
	[sflag:s29] =	ssyncadd.s32 $0xFFFFC000  }
0x11c: {  	[spmem:s3] =	stream.indirect.scatter.add.bf16 [tilespmem:s21], [sflag:$0x6], $0x40, s26, s18, $0xb8;
	[tilespmem:$0x1EC80] =	vst v63  }
0x11d: {  	_ =	swait.ge [sflag:s2], $0x4000  }
0x11e: {  	[sflag:s2] =	ssyncset.done $0x0  }
0x11f: {  	s20 =	simm.s32 $0xEA80;
	[sflag:s2] =	ssyncadd.s32 $0xFFFFC000  }
0x120: {  	[spmem:s3] =	stream.indirect.scatter.add.bf16 [tilespmem:s23], [sflag:$0x7], $0x40, s20, s18, $0xb8;
	[tilespmem:$0x1EC80] =	vst v63  }
.Ltmp6:
0x121: {  	_ = 	snop;
	(pc) =	sbr.rel .LBB2_8-.Ltmp6, $4  }
0x122: {  	_ =	swait.ge [sflag:s22], $0x4000  }
0x123: {  	[sflag:s22] =	ssyncset.done $0x0  }
0x124: {  	s26 =	simm.s32 $0xEB80;
	s20 =	rddreg [dreg:$0x4];
	[sflag:s22] =	ssyncadd.s32 $0xFFFFC000  }
0x125: {  	[spmem:s3] =	stream.indirect.scatter.add.bf16 [tilespmem:s28], [sflag:$0x8], $0x40, s26, s18, $0xb8;
	[tilespmem:$0x1EC80] =	vst v63  }
.LBB2_9:
0x126: {  	_ =	sfence.sel $0x180000  }
0x127: {  	[bflag:$0x0] =	sbarrier.arrive $0xFFFF  }
0x128: {  	_ =	strace $0x90000050  }
0x129: {  	s0 =	stileid.u32;
	[bflag:$0x2] =	sbarrier.arrive $0xFFFF  }
0x12a: {  	p0 =	sne.s32 s0, $0x0;
	s0 =	rddreg [dreg:$0x3]  }
0x12b: {  	s0 =	sadd.s32 @!p0 $0x100000, s0  }
0x12c: {  	[sflag:s0] =	ssyncadd.tile.s32 @!p0 $0x1;
	_ =	shalt  }
.Lfunc_end2:
_tile_overlayer_lowered:
.L_overlay_start_2:
0x12d: {  	(tag) =	ssettag $0x2  }
0x12e: {  	s0 =	rddreg [dreg:$0x0];
	s2 =	stileid.u32  }
0x12f: {  	s1 =	rddreg [dreg:$0x1];
	p0 =	sne.s32 s2, $0x0  }
0x130: {  	s3 =	rddreg [dreg:$0x2];
	[bflag:$0x3] =	sbarrier.arrive $0xFFFF;
	s2 =	simm.s32 @!p0 $0x1C09  }
0x131: {  	[timem:s3], [sflag:s2] =	dma.local @!p0 [hbm:s0], s1  }
0x132: {  	s0 =	simm.s32 @!p0 $0x9  }
0x133: {  	_ =	swait.ge @!p0 [sflag:s0], s1  }
0x134: {  	s1 =	ssub.s32 @!p0 $0x0, s1;
	[sflag:s0] =	ssyncset.done @!p0 $0x0  }
0x135: {  	[sflag:s0] =	ssyncadd.s32 @!p0 s1  }
0x136: {  	[bflag:$0x3] =	sbarrier.arrive $0xFFFF  }
0x137: {  	_ =	shalt  }

</sc_bundles>
